<compile_context>
chip_gen: v7x
topology: tpu7x:2x2x1
jax: 0.10.2.dev20260603
libtpu: 0.0.44.dev20260713+nightly
codegen_flags: <defaults>
</compile_context>

<pallas_src>
import functools

import jax
import jax.numpy as jnp
from jax import lax
from jax.experimental import pallas as pl
from jax.experimental.pallas import tpu as pltpu
from jax.experimental.pallas import tpu_sc as plsc

N = 10000
E = 320000
T = 320000
HN = 128
HE = 16
EPS = 1e-5

NC = 2
NS = 16
NW = NC * NS

BK = 8000
NBLK = E // BK

_mesh = plsc.VectorSubcoreMesh(core_axis_name="c", subcore_axis_name="s")
_sc_params = pltpu.CompilerParams(use_tc_tiling_on_sc=False)



def _nodeproj_body(x_ref, w_ref, pi_ref, pj_ref, pk_ref):
    r = jnp.dot(x_ref[...], w_ref[...], preferred_element_type=jnp.float32)
    pi_ref[...] = r[:, 0:32]
    pj_ref[...] = r[:, 32:64]
    pk_ref[...] = r[:, 64:96]


def _edgeproj_body(e_ref, wji_ref, wkj_ref, b_ref, qji_ref, qkj_ref):
    e = e_ref[...]
    qji_ref[...] = jnp.dot(e, wji_ref[...], preferred_element_type=jnp.float32) + b_ref[...]
    qkj_ref[...] = jnp.dot(e, wkj_ref[...], preferred_element_type=jnp.float32)


def _x2_body(prod_ref, w_ref, b_ref, x2_ref, st_ref, acc_ref):
    k = pl.program_id(0)
    x2 = jnp.dot(prod_ref[...], w_ref[...], preferred_element_type=jnp.float32) + b_ref[...]
    x2_ref[...] = x2

    @pl.when(k == 0)
    def _():
        acc_ref[...] = jnp.zeros_like(acc_ref)

    s = jnp.sum(x2, axis=0, keepdims=True)
    sq = jnp.sum(x2 * x2, axis=0, keepdims=True)
    acc_ref[...] = acc_ref[...] + jnp.concatenate([s, sq], axis=0)

    @pl.when(k == NBLK - 1)
    def _():
        st_ref[...] = acc_ref[...]


def _stats_body(x_ref, st_ref, acc_ref):
    k = pl.program_id(0)
    x = x_ref[...]

    @pl.when(k == 0)
    def _():
        acc_ref[...] = jnp.zeros_like(acc_ref)

    s = jnp.sum(x, axis=0, keepdims=True)
    sq = jnp.sum(x * x, axis=0, keepdims=True)
    acc_ref[...] = acc_ref[...] + jnp.concatenate([s, sq], axis=0)

    @pl.when(k == NBLK - 1)
    def _():
        st_ref[...] = acc_ref[...]


def _bn_act(x, st, g, b, nrows):
    mean = st[0:1, :] / nrows
    var = st[1:2, :] / nrows - mean * mean
    xn = g * (x - mean) * lax.rsqrt(var + EPS) + b
    f = xn[:, 0:HE]
    c = xn[:, HE:2 * HE]
    return jax.nn.sigmoid(f) * jnp.tanh(c)


def _act2_body(x2_ref, st_ref, g_ref, b_ref, y2_ref, sty_ref, acc_ref):
    k = pl.program_id(0)
    y = _bn_act(x2_ref[...], st_ref[...], g_ref[...], b_ref[...], float(E))
    y2_ref[...] = y

    @pl.when(k == 0)
    def _():
        acc_ref[...] = jnp.zeros_like(acc_ref)

    s = jnp.sum(y, axis=0, keepdims=True)
    sq = jnp.sum(y * y, axis=0, keepdims=True)
    acc_ref[...] = acc_ref[...] + jnp.concatenate([s, sq], axis=0)

    @pl.when(k == NBLK - 1)
    def _():
        sty_ref[...] = acc_ref[...]


def _msg_body(x3_ref, st_ref, g_ref, b_ref, msg_ref):
    msg_ref[...] = _bn_act(x3_ref[...], st_ref[...], g_ref[...], b_ref[...], float(T))


def _final_body(e_ref, y2_ref, sty_ref, agg_ref, sta_ref, g22_ref, b22_ref,
                g32_ref, b32_ref, out_ref):
    sty = sty_ref[...]
    m2 = sty[0:1, :] / E
    v2 = sty[1:2, :] / E - m2 * m2
    c2e = g22_ref[...] * (y2_ref[...] - m2) * lax.rsqrt(v2 + EPS) + b22_ref[...]
    sta = sta_ref[...]
    m3 = sta[0:1, :] / E
    v3 = sta[1:2, :] / E - m3 * m3
    c3e = g32_ref[...] * (agg_ref[...] - m3) * lax.rsqrt(v3 + EPS) + b32_ref[...]
    out_ref[...] = jnp.tanh(e_ref[...] + c2e + c3e)



KC = 200
RPW = T // NW
NCH_C = RPW // KC

KD = 80
NCH_D = RPW // KD


def _sc_gather5_body(pi, pj, pk, qji, qkj, ii, ij, ik, iji, ikj, out,
                     vi0, vi1, rr0, rr1, vout, si0, si1, sg0, sg1):
    w = lax.axis_index("s") * NC + lax.axis_index("c")
    tbls = (pi, pj, pk, qji, qkj)
    idxs = (ii, ij, ik, iji, ikj)

    def idx_descs(ch, vi, sem):
        base = w * RPW + ch * KC
        return [pltpu.make_async_copy(idxs[a].at[pl.ds(base, KC)],
                                      vi.at[a], sem)
                for a in range(5)]

    def gather_descs(vi, rr, sem):
        return [pltpu.make_async_copy(tbls[a].at[vi.at[a]], rr.at[a], sem)
                for a in range(5)]

    def fire(descs):
        for d in descs:
            d.start()

    def drain(descs):
        for d in descs:
            d.wait()

    def compute_store(ch, rr):
        def row(r, cr):
            for o in (0, 16):
                sl = pl.ds(o, 16)
                vout[r, sl] = (rr[0, r, sl] + rr[1, r, sl] + rr[2, r, sl]
                               + rr[3, r, sl] + rr[4, r, sl])
            return cr
        lax.fori_loop(0, KC, row, 0)
        base = w * RPW + ch * KC
        pltpu.sync_copy(vout, out.at[pl.ds(base, KC)])

    fire(idx_descs(0, vi0, si0))
    drain(idx_descs(0, vi0, si0))
    fire(gather_descs(vi0, rr0, sg0))
    fire(idx_descs(1, vi1, si1))

    def pair(h, carry):
        ch_a = 2 * h
        drain(gather_descs(vi0, rr0, sg0))
        nxt_a = jnp.minimum(ch_a + 2, NCH_C - 2)
        fire(idx_descs(nxt_a, vi0, si0))
        drain(idx_descs(ch_a + 1, vi1, si1))
        fire(gather_descs(vi1, rr1, sg1))
        compute_store(ch_a, rr0)
        drain(idx_descs(nxt_a, vi0, si0))
        fire(gather_descs(vi0, rr0, sg0))
        drain(gather_descs(vi1, rr1, sg1))
        nxt_b = jnp.minimum(ch_a + 3, NCH_C - 1)
        fire(idx_descs(nxt_b, vi1, si1))
        compute_store(ch_a + 1, rr1)
        return carry

    lax.fori_loop(0, NCH_C // 2, pair, 0)
    drain(gather_descs(vi0, rr0, sg0))
    drain(idx_descs(NCH_C - 1, vi1, si1))


def _sc_pairprod_body(tbl, ii, ij, out, vi0, vi1, rr0, rr1, vout,
                      si0, si1, sg0, sg1):
    w = lax.axis_index("s") * NC + lax.axis_index("c")
    idxs = (ii, ij)

    def idx_descs(ch, vi, sem):
        base = w * RPW + ch * KD
        return [pltpu.make_async_copy(idxs[a].at[pl.ds(base, KD)],
                                      vi.at[a], sem)
                for a in range(2)]

    def gather_descs(vi, rr, sem):
        return [pltpu.make_async_copy(tbl.at[vi.at[a]], rr.at[a], sem)
                for a in range(2)]

    def fire(descs):
        for d in descs:
            d.start()

    def drain(descs):
        for d in descs:
            d.wait()

    def compute_store(ch, rr):
        def row(r, cr):
            for o in range(0, HN, 16):
                sl = pl.ds(o, 16)
                vout[r, sl] = rr[0, r, sl] * rr[1, r, sl]
            return cr
        lax.fori_loop(0, KD, row, 0)
        base = w * RPW + ch * KD
        pltpu.sync_copy(vout, out.at[pl.ds(base, KD)])

    fire(idx_descs(0, vi0, si0))
    drain(idx_descs(0, vi0, si0))
    fire(gather_descs(vi0, rr0, sg0))
    fire(idx_descs(1, vi1, si1))

    def pair(h, carry):
        ch_a = 2 * h
        drain(gather_descs(vi0, rr0, sg0))
        nxt_a = ch_a + 2
        fire(idx_descs(nxt_a, vi0, si0))
        drain(idx_descs(ch_a + 1, vi1, si1))
        fire(gather_descs(vi1, rr1, sg1))
        compute_store(ch_a, rr0)
        drain(idx_descs(nxt_a, vi0, si0))
        fire(gather_descs(vi0, rr0, sg0))
        drain(gather_descs(vi1, rr1, sg1))
        nxt_b = jnp.minimum(ch_a + 3, NCH_D - 2)
        fire(idx_descs(nxt_b, vi1, si1))
        compute_store(ch_a + 1, rr1)
        return carry

    lax.fori_loop(0, NCH_D // 2, pair, 0)
    drain(idx_descs(NCH_D - 2, vi1, si1))
    drain(gather_descs(vi0, rr0, sg0))
    compute_store(NCH_D - 1, rr0)


CH = 80000
DR = 128
SHR = CH + DR
ZR = SHR // NS
TPS = T // NS
BK3 = 2000
NSUB = BK3 // 80


def _sc_scatter_body(msg, iji, zeros, out, shr, vidx, vclamp, vmsg, sem):
    c = lax.axis_index("c")
    s = lax.axis_index("s")
    for r in range(2):
        chunk_id = r * NC + c
        lo = chunk_id * CH
        pltpu.sync_copy(zeros, shr.at[pl.ds(s * ZR, ZR)])
        plsc.subcore_barrier()

        def big(b, carry):
            bb = s * TPS + b * BK3
            d0 = pltpu.async_copy(iji.at[pl.ds(bb, BK3)], vidx, sem)
            d1 = pltpu.async_copy(msg.at[pl.ds(bb, BK3)], vmsg, sem)
            d0.wait(); d1.wait()

            def sub(j, cr):
                for o in range(5):
                    v = vidx[pl.ds(j * 80 + o * 16, 16)]
                    inr = (v >= lo) & (v < lo + CH)
                    dmp = CH + (v & (DR - 1))
                    vclamp[j, pl.ds(o * 16, 16)] = jnp.where(inr, v - lo, dmp)
                return cr

            lax.fori_loop(0, NSUB, sub, 0)

            def scat_descs(j):
                return pltpu.make_async_copy(vmsg.at[pl.ds(j * 80, 80)],
                                             shr.at[vclamp.at[j]], sem)

            def scat_fire(j, cr):
                scat_descs(j).start(add=True)
                return cr

            def scat_drain(j, cr):
                scat_descs(j).wait()
                return cr

            lax.fori_loop(0, NSUB, scat_fire, 0)
            lax.fori_loop(0, NSUB, scat_drain, 0)
            return carry

        lax.fori_loop(0, TPS // BK3, big, 0)
        plsc.subcore_barrier()
        cpr = CH // NS
        pltpu.sync_copy(shr.at[pl.ds(s * cpr, cpr)],
                        out.at[pl.ds(lo + s * cpr, cpr)])
        plsc.subcore_barrier()



_sc_gather5 = functools.partial(
    pl.kernel,
    out_type=jax.ShapeDtypeStruct((T, 32), jnp.float32),
    mesh=_mesh,
    compiler_params=_sc_params,
    scratch_types=(
        [pltpu.VMEM((5, KC), jnp.int32)] * 2
        + [pltpu.VMEM((5, KC, 32), jnp.float32)] * 2
        + [pltpu.VMEM((KC, 32), jnp.float32)]
        + [pltpu.SemaphoreType.DMA] * 4
    ),
)(_sc_gather5_body)

_sc_pairprod = functools.partial(
    pl.kernel,
    out_type=jax.ShapeDtypeStruct((E, HN), jnp.float32),
    mesh=_mesh,
    compiler_params=_sc_params,
    scratch_types=(
        [pltpu.VMEM((2, KD), jnp.int32)] * 2
        + [pltpu.VMEM((2, KD, HN), jnp.float32)] * 2
        + [pltpu.VMEM((KD, HN), jnp.float32)]
        + [pltpu.SemaphoreType.DMA] * 4
    ),
)(_sc_pairprod_body)

_sc_scatter = functools.partial(
    pl.kernel,
    out_type=jax.ShapeDtypeStruct((E, HE), jnp.float32),
    mesh=_mesh,
    compiler_params=_sc_params,
    scratch_types=(
        [pltpu.VMEM_SHARED((SHR, HE), jnp.float32),
         pltpu.VMEM((BK3,), jnp.int32),
         pltpu.VMEM((NSUB, 80), jnp.int32),
         pltpu.VMEM((BK3, HE), jnp.float32),
         pltpu.SemaphoreType.DMA]
    ),
)(_sc_scatter_body)


def kernel(node_emb, edge_emb, i, j, idx_i, idx_j, idx_k, idx_ji, idx_kj,
           W_c2, b_c2, W_c3, b_c3,
           g_c2, be_c2, g_c3, be_c3,
           g_c2_2, be_c2_2, g_c3_2, be_c3_2):
    f32 = jnp.float32
    wn = jnp.concatenate([W_c3[:, 0:HN].T, W_c3[:, HN:2 * HN].T,
                          W_c3[:, 2 * HN:3 * HN].T], axis=1)
    wji = W_c3[:, 3 * HN:3 * HN + HE].T
    wkj = W_c3[:, 3 * HN + HE:3 * HN + 2 * HE].T
    b3r = b_c3.reshape(1, 32)
    w2t = W_c2.T
    b2r = b_c2.reshape(1, 32)

    p_i, p_j, p_k = pl.pallas_call(
        _nodeproj_body,
        out_shape=[jax.ShapeDtypeStruct((N, 32), f32)] * 3,
    )(node_emb, wn)

    q_ji, q_kj = pl.pallas_call(
        _edgeproj_body,
        grid=(NBLK,),
        in_specs=[
            pl.BlockSpec((BK, HE), lambda k: (k, 0)),
            pl.BlockSpec((HE, 32), lambda k: (0, 0)),
            pl.BlockSpec((HE, 32), lambda k: (0, 0)),
            pl.BlockSpec((1, 32), lambda k: (0, 0)),
        ],
        out_specs=[pl.BlockSpec((BK, 32), lambda k: (k, 0))] * 2,
        out_shape=[jax.ShapeDtypeStruct((E, 32), f32)] * 2,
    )(edge_emb, wji, wkj, b3r)

    x3 = _sc_gather5(p_i, p_j, p_k, q_ji, q_kj, idx_i, idx_j, idx_k,
                     idx_ji, idx_kj)

    prod = _sc_pairprod(node_emb, i, j)

    st_x3 = pl.pallas_call(
        _stats_body,
        grid=(NBLK,),
        in_specs=[pl.BlockSpec((BK, 32), lambda k: (k, 0))],
        out_specs=pl.BlockSpec((2, 32), lambda k: (0, 0)),
        out_shape=jax.ShapeDtypeStruct((2, 32), f32),
        scratch_shapes=[pltpu.VMEM((2, 32), f32)],
    )(x3)

    msg = pl.pallas_call(
        _msg_body,
        grid=(NBLK,),
        in_specs=[
            pl.BlockSpec((BK, 32), lambda k: (k, 0)),
            pl.BlockSpec((2, 32), lambda k: (0, 0)),
            pl.BlockSpec((1, 32), lambda k: (0, 0)),
            pl.BlockSpec((1, 32), lambda k: (0, 0)),
        ],
        out_specs=pl.BlockSpec((BK, HE), lambda k: (k, 0)),
        out_shape=jax.ShapeDtypeStruct((T, HE), f32),
    )(x3, st_x3, g_c3.reshape(1, 32), be_c3.reshape(1, 32))

    zeros = jnp.zeros((ZR, HE), f32)
    agg = _sc_scatter(msg, idx_ji, zeros)

    x2, st_x2 = pl.pallas_call(
        _x2_body,
        grid=(NBLK,),
        in_specs=[
            pl.BlockSpec((BK, HN), lambda k: (k, 0)),
            pl.BlockSpec((HN, 32), lambda k: (0, 0)),
            pl.BlockSpec((1, 32), lambda k: (0, 0)),
        ],
        out_specs=[pl.BlockSpec((BK, 32), lambda k: (k, 0)),
                   pl.BlockSpec((2, 32), lambda k: (0, 0))],
        out_shape=[jax.ShapeDtypeStruct((E, 32), f32),
                   jax.ShapeDtypeStruct((2, 32), f32)],
        scratch_shapes=[pltpu.VMEM((2, 32), f32)],
    )(prod, w2t, b2r)

    y2, st_y2 = pl.pallas_call(
        _act2_body,
        grid=(NBLK,),
        in_specs=[
            pl.BlockSpec((BK, 32), lambda k: (k, 0)),
            pl.BlockSpec((2, 32), lambda k: (0, 0)),
            pl.BlockSpec((1, 32), lambda k: (0, 0)),
            pl.BlockSpec((1, 32), lambda k: (0, 0)),
        ],
        out_specs=[pl.BlockSpec((BK, HE), lambda k: (k, 0)),
                   pl.BlockSpec((2, HE), lambda k: (0, 0))],
        out_shape=[jax.ShapeDtypeStruct((E, HE), f32),
                   jax.ShapeDtypeStruct((2, HE), f32)],
        scratch_shapes=[pltpu.VMEM((2, HE), f32)],
    )(x2, st_x2, g_c2.reshape(1, 32), be_c2.reshape(1, 32))

    st_agg = pl.pallas_call(
        _stats_body,
        grid=(NBLK,),
        in_specs=[pl.BlockSpec((BK, HE), lambda k: (k, 0))],
        out_specs=pl.BlockSpec((2, HE), lambda k: (0, 0)),
        out_shape=jax.ShapeDtypeStruct((2, HE), f32),
        scratch_shapes=[pltpu.VMEM((2, HE), f32)],
    )(agg)

    out = pl.pallas_call(
        _final_body,
        grid=(NBLK,),
        in_specs=[
            pl.BlockSpec((BK, HE), lambda k: (k, 0)),
            pl.BlockSpec((BK, HE), lambda k: (k, 0)),
            pl.BlockSpec((2, HE), lambda k: (0, 0)),
            pl.BlockSpec((BK, HE), lambda k: (k, 0)),
            pl.BlockSpec((2, HE), lambda k: (0, 0)),
            pl.BlockSpec((1, HE), lambda k: (0, 0)),
            pl.BlockSpec((1, HE), lambda k: (0, 0)),
            pl.BlockSpec((1, HE), lambda k: (0, 0)),
            pl.BlockSpec((1, HE), lambda k: (0, 0)),
        ],
        out_specs=pl.BlockSpec((BK, HE), lambda k: (k, 0)),
        out_shape=jax.ShapeDtypeStruct((E, HE), f32),
    )(edge_emb, y2, st_y2, agg, st_agg,
      g_c2_2.reshape(1, HE), be_c2_2.reshape(1, HE),
      g_c3_2.reshape(1, HE), be_c3_2.reshape(1, HE))

    return out

# --- scband reference (transcript-rebuilt; emitter-appended) ---
"""Pipeline reference for scband-edge-update-9990093930531 (READ-ONLY COPY).

The authoritative reference and input builder live on the scoring server;
editing this copy changes nothing except your own understanding.
"""

import jax, jax.numpy as jnp
import numpy as np

N = 10000
E = 320000
T = 320000
HN = 128
HE = 16
EPS = 1e-5


def _bn(x, g, b):
    m = jnp.mean(x, axis=0)
    v = jnp.var(x, axis=0)
    return g * (x - m) / jnp.sqrt(v + EPS) + b


def setup_inputs(seed: int = 0) -> dict:
    key = jax.random.key(seed)
    ks = jax.random.split(key, 13)
    node_emb = jax.random.normal(ks[0], (N, HN), dtype=jnp.float32)
    edge_emb = jax.random.normal(ks[1], (E, HE), dtype=jnp.float32)
    i = jax.random.randint(ks[2], (E,), 0, N, dtype=jnp.int32)
    j = jax.random.randint(ks[3], (E,), 0, N, dtype=jnp.int32)
    idx_i = jax.random.randint(ks[4], (T,), 0, N, dtype=jnp.int32)
    idx_j = jax.random.randint(ks[5], (T,), 0, N, dtype=jnp.int32)
    idx_k = jax.random.randint(ks[6], (T,), 0, N, dtype=jnp.int32)
    idx_ji = jax.random.randint(ks[7], (T,), 0, E, dtype=jnp.int32)
    idx_kj = jax.random.randint(ks[8], (T,), 0, E, dtype=jnp.int32)
    s2 = 1.0 / np.sqrt(HN)
    W_c2 = jax.random.uniform(ks[9], (2 * HE, HN), minval=-s2, maxval=s2, dtype=jnp.float32)
    b_c2 = jax.random.uniform(ks[10], (2 * HE,), minval=-s2, maxval=s2, dtype=jnp.float32)
    s3 = 1.0 / np.sqrt(3 * HN + 2 * HE)
    W_c3 = jax.random.uniform(ks[11], (2 * HE, 3 * HN + 2 * HE), minval=-s3, maxval=s3, dtype=jnp.float32)
    b_c3 = jax.random.uniform(ks[12], (2 * HE,), minval=-s3, maxval=s3, dtype=jnp.float32)
    g_c2 = jnp.ones((2 * HE,), dtype=jnp.float32)
    be_c2 = jnp.zeros((2 * HE,), dtype=jnp.float32)
    g_c3 = jnp.ones((2 * HE,), dtype=jnp.float32)
    be_c3 = jnp.zeros((2 * HE,), dtype=jnp.float32)
    g_c2_2 = jnp.ones((HE,), dtype=jnp.float32)
    be_c2_2 = jnp.zeros((HE,), dtype=jnp.float32)
    g_c3_2 = jnp.ones((HE,), dtype=jnp.float32)
    be_c3_2 = jnp.zeros((HE,), dtype=jnp.float32)
    return {
        'node_emb': node_emb, 'edge_emb': edge_emb,
        'i': i, 'j': j,
        'idx_i': idx_i, 'idx_j': idx_j, 'idx_k': idx_k,
        'idx_ji': idx_ji, 'idx_kj': idx_kj,
        'W_c2': W_c2, 'b_c2': b_c2, 'W_c3': W_c3, 'b_c3': b_c3,
        'g_c2': g_c2, 'be_c2': be_c2, 'g_c3': g_c3, 'be_c3': be_c3,
        'g_c2_2': g_c2_2, 'be_c2_2': be_c2_2, 'g_c3_2': g_c3_2, 'be_c3_2': be_c3_2,
    }


def reference(node_emb, edge_emb, i, j, idx_i, idx_j, idx_k, idx_ji, idx_kj,
              W_c2, b_c2, W_c3, b_c3,
              g_c2, be_c2, g_c3, be_c3,
              g_c2_2, be_c2_2, g_c3_2, be_c3_2):
    # pairwise (2-body) term
    c2 = node_emb[i] * node_emb[j]
    c2 = _bn(c2 @ W_c2.T + b_c2, g_c2, be_c2)
    c2_filter, c2_core = jnp.split(c2, 2, axis=1)
    c2_emb = _bn(jax.nn.sigmoid(c2_filter) * jnp.tanh(c2_core), g_c2_2, be_c2_2)
    # triplet (3-body) term
    c3 = jnp.concatenate([node_emb[idx_i], node_emb[idx_j], node_emb[idx_k],
                          edge_emb[idx_ji], edge_emb[idx_kj]], axis=1)
    c3 = _bn(c3 @ W_c3.T + b_c3, g_c3, be_c3)
    c3_filter, c3_core = jnp.split(c3, 2, axis=1)
    msg = jax.nn.sigmoid(c3_filter) * jnp.tanh(c3_core)
    agg = jnp.zeros((edge_emb.shape[0], msg.shape[1]), dtype=msg.dtype).at[idx_ji].add(msg)
    c3_emb = _bn(agg, g_c3_2, be_c3_2)
    return jnp.tanh(edge_emb + c2_emb + c3_emb)

if __name__ == "__main__":
    import jax
    _d = setup_inputs()
    print(jax.jit(kernel)(*tuple(_d.values())))

</pallas_src>

<mosaic_0001>
#map = affine_map<(d0, d1) -> (0, 0)>
#map1 = affine_map<(d0, d1) -> (0)>
module attributes {stable_mosaic.version = 14 : i64} {
  func.func @_sc_gather5_body(%arg0: i32, %arg1: i32, %arg2: memref<10000x32xf32, #tpu.memory_space<hbm>>, %arg3: memref<10000x32xf32, #tpu.memory_space<hbm>>, %arg4: memref<10000x32xf32, #tpu.memory_space<hbm>>, %arg5: memref<320000x32xf32, #tpu.memory_space<hbm>>, %arg6: memref<320000x32xf32, #tpu.memory_space<hbm>>, %arg7: memref<320000xi32, #tpu.memory_space<hbm>>, %arg8: memref<320000xi32, #tpu.memory_space<hbm>>, %arg9: memref<320000xi32, #tpu.memory_space<hbm>>, %arg10: memref<320000xi32, #tpu.memory_space<hbm>>, %arg11: memref<320000xi32, #tpu.memory_space<hbm>>, %arg12: memref<320000x32xf32, #tpu.memory_space<hbm>>, %arg13: memref<5x200xi32, #tpu.memory_space<vmem>>, %arg14: memref<5x200xi32, #tpu.memory_space<vmem>>, %arg15: memref<5x200x32xf32, #tpu.memory_space<vmem>>, %arg16: memref<5x200x32xf32, #tpu.memory_space<vmem>>, %arg17: memref<200x32xf32, #tpu.memory_space<vmem>>, %arg18: memref<!tpu.dma_semaphore, #tpu.memory_space<semaphore_mem>>, %arg19: memref<!tpu.dma_semaphore, #tpu.memory_space<semaphore_mem>>, %arg20: memref<!tpu.dma_semaphore, #tpu.memory_space<semaphore_mem>>, %arg21: memref<!tpu.dma_semaphore, #tpu.memory_space<semaphore_mem>>) attributes {dimension_semantics = [#tpu.dimension_semantics<core_parallel>, #tpu.dimension_semantics<subcore_parallel>], iteration_bounds = array<i64: 2, 16>, scalar_prefetch = 0 : i64, scratch_operands = 9 : i64, tpu.core_type = #tpu.core_type<sc_vector_subcore>, window_params = [{transform_indices = #map}, {transform_indices = #map}, {transform_indices = #map}, {transform_indices = #map}, {transform_indices = #map}, {transform_indices = #map1}, {transform_indices = #map1}, {transform_indices = #map1}, {transform_indices = #map1}, {transform_indices = #map1}, {transform_indices = #map}]} {
    %mul3A = arith.constant 2 : i32
    %mul3A_0 = arith.muli %arg1, %mul3A : i32
    %add3A = arith.addi %mul3A_0, %arg0 : i32
    %mul3A_1 = arith.constant 10000 : i32
    %mul3A_2 = arith.muli %add3A, %mul3A_1 : i32
    %add3A_3 = arith.constant 0 : i32
    %add3A_4 = arith.addi %mul3A_2, %add3A_3 : i32
    %dma_start3A = arith.constant 0 : i32
    %dma_start3A_5 = arith.constant 0 : i32
    %dma_start3A_6 = tpu.memref_slice %arg13[%dma_start3A, %dma_start3A_5] : memref<5x200xi32, #tpu.memory_space<vmem>> -> memref<1x200xi32, #tpu.memory_space<vmem>>
    %dma_start3A_7 = tpu.memref_squeeze %dma_start3A_6 : memref<1x200xi32, #tpu.memory_space<vmem>> -> memref<200xi32, #tpu.memory_space<vmem>>
    %dma_start3A_8 = tpu.memref_slice %arg7[%add3A_4] : memref<320000xi32, #tpu.memory_space<hbm>> -> memref<200xi32, #tpu.memory_space<hbm>>
    %dma_start3A_9 = arith.constant 0 : i32
    %dma_start3A_10 = tpu.memref_slice %arg13[%dma_start3A, %dma_start3A_9] : memref<5x200xi32, #tpu.memory_space<vmem>> -> memref<1x200xi32, #tpu.memory_space<vmem>>
    %dma_start3A_11 = tpu.memref_squeeze %dma_start3A_10 : memref<1x200xi32, #tpu.memory_space<vmem>> -> memref<200xi32, #tpu.memory_space<vmem>>
    %dma_start3A_12 = tpu.memref_slice %arg7[%add3A_4] : memref<320000xi32, #tpu.memory_space<hbm>> -> memref<200xi32, #tpu.memory_space<hbm>>
    tpu.enqueue_dma source(%dma_start3A_12 : memref<200xi32, #tpu.memory_space<hbm>>) target(%dma_start3A_11 : memref<200xi32, #tpu.memory_space<vmem>>) target_semaphore(%arg18 : memref<!tpu.dma_semaphore, #tpu.memory_space<semaphore_mem>>)
    %dma_start3A_13 = arith.constant 1 : i32
    %dma_start3A_14 = arith.constant 0 : i32
    %dma_start3A_15 = tpu.memref_slice %arg13[%dma_start3A_13, %dma_start3A_14] : memref<5x200xi32, #tpu.memory_space<vmem>> -> memref<1x200xi32, #tpu.memory_space<vmem>>
    %dma_start3A_16 = tpu.memref_squeeze %dma_start3A_15 : memref<1x200xi32, #tpu.memory_space<vmem>> -> memref<200xi32, #tpu.memory_space<vmem>>
    %dma_start3A_17 = tpu.memref_slice %arg8[%add3A_4] : memref<320000xi32, #tpu.memory_space<hbm>> -> memref<200xi32, #tpu.memory_space<hbm>>
    %dma_start3A_18 = arith.constant 0 : i32
    %dma_start3A_19 = tpu.memref_slice %arg13[%dma_start3A_13, %dma_start3A_18] : memref<5x200xi32, #tpu.memory_space<vmem>> -> memref<1x200xi32, #tpu.memory_space<vmem>>
    %dma_start3A_20 = tpu.memref_squeeze %dma_start3A_19 : memref<1x200xi32, #tpu.memory_space<vmem>> -> memref<200xi32, #tpu.memory_space<vmem>>
    %dma_start3A_21 = tpu.memref_slice %arg8[%add3A_4] : memref<320000xi32, #tpu.memory_space<hbm>> -> memref<200xi32, #tpu.memory_space<hbm>>
    tpu.enqueue_dma source(%dma_start3A_21 : memref<200xi32, #tpu.memory_space<hbm>>) target(%dma_start3A_20 : memref<200xi32, #tpu.memory_space<vmem>>) target_semaphore(%arg18 : memref<!tpu.dma_semaphore, #tpu.memory_space<semaphore_mem>>)
    %dma_start3A_22 = arith.constant 2 : i32
    %dma_start3A_23 = arith.constant 0 : i32
    %dma_start3A_24 = tpu.memref_slice %arg13[%dma_start3A_22, %dma_start3A_23] : memref<5x200xi32, #tpu.memory_space<vmem>> -> memref<1x200xi32, #tpu.memory_space<vmem>>
    %dma_start3A_25 = tpu.memref_squeeze %dma_start3A_24 : memref<1x200xi32, #tpu.memory_space<vmem>> -> memref<200xi32, #tpu.memory_space<vmem>>
    %dma_start3A_26 = tpu.memref_slice %arg9[%add3A_4] : memref<320000xi32, #tpu.memory_space<hbm>> -> memref<200xi32, #tpu.memory_space<hbm>>
    %dma_start3A_27 = arith.constant 0 : i32
    %dma_start3A_28 = tpu.memref_slice %arg13[%dma_start3A_22, %dma_start3A_27] : memref<5x200xi32, #tpu.memory_space<vmem>> -> memref<1x200xi32, #tpu.memory_space<vmem>>
    %dma_start3A_29 = tpu.memref_squeeze %dma_start3A_28 : memref<1x200xi32, #tpu.memory_space<vmem>> -> memref<200xi32, #tpu.memory_space<vmem>>
    %dma_start3A_30 = tpu.memref_slice %arg9[%add3A_4] : memref<320000xi32, #tpu.memory_space<hbm>> -> memref<200xi32, #tpu.memory_space<hbm>>
    tpu.enqueue_dma source(%dma_start3A_30 : memref<200xi32, #tpu.memory_space<hbm>>) target(%dma_start3A_29 : memref<200xi32, #tpu.memory_space<vmem>>) target_semaphore(%arg18 : memref<!tpu.dma_semaphore, #tpu.memory_space<semaphore_mem>>)
    %dma_start3A_31 = arith.constant 3 : i32
    %dma_start3A_32 = arith.constant 0 : i32
    %dma_start3A_33 = tpu.memref_slice %arg13[%dma_start3A_31, %dma_start3A_32] : memref<5x200xi32, #tpu.memory_space<vmem>> -> memref<1x200xi32, #tpu.memory_space<vmem>>
    %dma_start3A_34 = tpu.memref_squeeze %dma_start3A_33 : memref<1x200xi32, #tpu.memory_space<vmem>> -> memref<200xi32, #tpu.memory_space<vmem>>
    %dma_start3A_35 = tpu.memref_slice %arg10[%add3A_4] : memref<320000xi32, #tpu.memory_space<hbm>> -> memref<200xi32, #tpu.memory_space<hbm>>
    %dma_start3A_36 = arith.constant 0 : i32
    %dma_start3A_37 = tpu.memref_slice %arg13[%dma_start3A_31, %dma_start3A_36] : memref<5x200xi32, #tpu.memory_space<vmem>> -> memref<1x200xi32, #tpu.memory_space<vmem>>
    %dma_start3A_38 = tpu.memref_squeeze %dma_start3A_37 : memref<1x200xi32, #tpu.memory_space<vmem>> -> memref<200xi32, #tpu.memory_space<vmem>>
    %dma_start3A_39 = tpu.memref_slice %arg10[%add3A_4] : memref<320000xi32, #tpu.memory_space<hbm>> -> memref<200xi32, #tpu.memory_space<hbm>>
    tpu.enqueue_dma source(%dma_start3A_39 : memref<200xi32, #tpu.memory_space<hbm>>) target(%dma_start3A_38 : memref<200xi32, #tpu.memory_space<vmem>>) target_semaphore(%arg18 : memref<!tpu.dma_semaphore, #tpu.memory_space<semaphore_mem>>)
    %dma_start3A_40 = arith.constant 4 : i32
    %dma_start3A_41 = arith.constant 0 : i32
    %dma_start3A_42 = tpu.memref_slice %arg13[%dma_start3A_40, %dma_start3A_41] : memref<5x200xi32, #tpu.memory_space<vmem>> -> memref<1x200xi32, #tpu.memory_space<vmem>>
    %dma_start3A_43 = tpu.memref_squeeze %dma_start3A_42 : memref<1x200xi32, #tpu.memory_space<vmem>> -> memref<200xi32, #tpu.memory_space<vmem>>
    %dma_start3A_44 = tpu.memref_slice %arg11[%add3A_4] : memref<320000xi32, #tpu.memory_space<hbm>> -> memref<200xi32, #tpu.memory_space<hbm>>
    %dma_start3A_45 = arith.constant 0 : i32
    %dma_start3A_46 = tpu.memref_slice %arg13[%dma_start3A_40, %dma_start3A_45] : memref<5x200xi32, #tpu.memory_space<vmem>> -> memref<1x200xi32, #tpu.memory_space<vmem>>
    %dma_start3A_47 = tpu.memref_squeeze %dma_start3A_46 : memref<1x200xi32, #tpu.memory_space<vmem>> -> memref<200xi32, #tpu.memory_space<vmem>>
    %dma_start3A_48 = tpu.memref_slice %arg11[%add3A_4] : memref<320000xi32, #tpu.memory_space<hbm>> -> memref<200xi32, #tpu.memory_space<hbm>>
    tpu.enqueue_dma source(%dma_start3A_48 : memref<200xi32, #tpu.memory_space<hbm>>) target(%dma_start3A_47 : memref<200xi32, #tpu.memory_space<vmem>>) target_semaphore(%arg18 : memref<!tpu.dma_semaphore, #tpu.memory_space<semaphore_mem>>)
    %mul3A_49 = arith.constant 10000 : i32
    %mul3A_50 = arith.muli %add3A, %mul3A_49 : i32
    %add3A_51 = arith.constant 0 : i32
    %add3A_52 = arith.addi %mul3A_50, %add3A_51 : i32
    %dma_wait3A = arith.constant 0 : i32
    %dma_wait3A_53 = arith.constant 0 : i32
    %dma_wait3A_54 = tpu.memref_slice %arg13[%dma_wait3A, %dma_wait3A_53] : memref<5x200xi32, #tpu.memory_space<vmem>> -> memref<1x200xi32, #tpu.memory_space<vmem>>
    %dma_wait3A_55 = tpu.memref_squeeze %dma_wait3A_54 : memref<1x200xi32, #tpu.memory_space<vmem>> -> memref<200xi32, #tpu.memory_space<vmem>>
    %dma_wait3A_56 = tpu.memref_slice %arg7[%add3A_52] : memref<320000xi32, #tpu.memory_space<hbm>> -> memref<200xi32, #tpu.memory_space<hbm>>
    %dma_wait3A_57 = arith.constant 0 : i32
    %dma_wait3A_58 = tpu.memref_slice %arg13[%dma_wait3A, %dma_wait3A_57] : memref<5x200xi32, #tpu.memory_space<vmem>> -> memref<1x200xi32, #tpu.memory_space<vmem>>
    %dma_wait3A_59 = tpu.memref_squeeze %dma_wait3A_58 : memref<1x200xi32, #tpu.memory_space<vmem>> -> memref<200xi32, #tpu.memory_space<vmem>>
    %dma_wait3A_60 = tpu.memref_slice %arg7[%add3A_52] : memref<320000xi32, #tpu.memory_space<hbm>> -> memref<200xi32, #tpu.memory_space<hbm>>
    tpu.wait_dma2 semaphore(%arg18 : memref<!tpu.dma_semaphore, #tpu.memory_space<semaphore_mem>>) src(%dma_wait3A_60 : memref<200xi32, #tpu.memory_space<hbm>>) dst(%dma_wait3A_59 : memref<200xi32, #tpu.memory_space<vmem>>)
    %dma_wait3A_61 = arith.constant 1 : i32
    %dma_wait3A_62 = arith.constant 0 : i32
    %dma_wait3A_63 = tpu.memref_slice %arg13[%dma_wait3A_61, %dma_wait3A_62] : memref<5x200xi32, #tpu.memory_space<vmem>> -> memref<1x200xi32, #tpu.memory_space<vmem>>
    %dma_wait3A_64 = tpu.memref_squeeze %dma_wait3A_63 : memref<1x200xi32, #tpu.memory_space<vmem>> -> memref<200xi32, #tpu.memory_space<vmem>>
    %dma_wait3A_65 = tpu.memref_slice %arg8[%add3A_52] : memref<320000xi32, #tpu.memory_space<hbm>> -> memref<200xi32, #tpu.memory_space<hbm>>
    %dma_wait3A_66 = arith.constant 0 : i32
    %dma_wait3A_67 = tpu.memref_slice %arg13[%dma_wait3A_61, %dma_wait3A_66] : memref<5x200xi32, #tpu.memory_space<vmem>> -> memref<1x200xi32, #tpu.memory_space<vmem>>
    %dma_wait3A_68 = tpu.memref_squeeze %dma_wait3A_67 : memref<1x200xi32, #tpu.memory_space<vmem>> -> memref<200xi32, #tpu.memory_space<vmem>>
    %dma_wait3A_69 = tpu.memref_slice %arg8[%add3A_52] : memref<320000xi32, #tpu.memory_space<hbm>> -> memref<200xi32, #tpu.memory_space<hbm>>
    tpu.wait_dma2 semaphore(%arg18 : memref<!tpu.dma_semaphore, #tpu.memory_space<semaphore_mem>>) src(%dma_wait3A_69 : memref<200xi32, #tpu.memory_space<hbm>>) dst(%dma_wait3A_68 : memref<200xi32, #tpu.memory_space<vmem>>)
    %dma_wait3A_70 = arith.constant 2 : i32
    %dma_wait3A_71 = arith.constant 0 : i32
    %dma_wait3A_72 = tpu.memref_slice %arg13[%dma_wait3A_70, %dma_wait3A_71] : memref<5x200xi32, #tpu.memory_space<vmem>> -> memref<1x200xi32, #tpu.memory_space<vmem>>
    %dma_wait3A_73 = tpu.memref_squeeze %dma_wait3A_72 : memref<1x200xi32, #tpu.memory_space<vmem>> -> memref<200xi32, #tpu.memory_space<vmem>>
    %dma_wait3A_74 = tpu.memref_slice %arg9[%add3A_52] : memref<320000xi32, #tpu.memory_space<hbm>> -> memref<200xi32, #tpu.memory_space<hbm>>
    %dma_wait3A_75 = arith.constant 0 : i32
    %dma_wait3A_76 = tpu.memref_slice %arg13[%dma_wait3A_70, %dma_wait3A_75] : memref<5x200xi32, #tpu.memory_space<vmem>> -> memref<1x200xi32, #tpu.memory_space<vmem>>
    %dma_wait3A_77 = tpu.memref_squeeze %dma_wait3A_76 : memref<1x200xi32, #tpu.memory_space<vmem>> -> memref<200xi32, #tpu.memory_space<vmem>>
    %dma_wait3A_78 = tpu.memref_slice %arg9[%add3A_52] : memref<320000xi32, #tpu.memory_space<hbm>> -> memref<200xi32, #tpu.memory_space<hbm>>
    tpu.wait_dma2 semaphore(%arg18 : memref<!tpu.dma_semaphore, #tpu.memory_space<semaphore_mem>>) src(%dma_wait3A_78 : memref<200xi32, #tpu.memory_space<hbm>>) dst(%dma_wait3A_77 : memref<200xi32, #tpu.memory_space<vmem>>)
    %dma_wait3A_79 = arith.constant 3 : i32
    %dma_wait3A_80 = arith.constant 0 : i32
    %dma_wait3A_81 = tpu.memref_slice %arg13[%dma_wait3A_79, %dma_wait3A_80] : memref<5x200xi32, #tpu.memory_space<vmem>> -> memref<1x200xi32, #tpu.memory_space<vmem>>
    %dma_wait3A_82 = tpu.memref_squeeze %dma_wait3A_81 : memref<1x200xi32, #tpu.memory_space<vmem>> -> memref<200xi32, #tpu.memory_space<vmem>>
    %dma_wait3A_83 = tpu.memref_slice %arg10[%add3A_52] : memref<320000xi32, #tpu.memory_space<hbm>> -> memref<200xi32, #tpu.memory_space<hbm>>
    %dma_wait3A_84 = arith.constant 0 : i32
    %dma_wait3A_85 = tpu.memref_slice %arg13[%dma_wait3A_79, %dma_wait3A_84] : memref<5x200xi32, #tpu.memory_space<vmem>> -> memref<1x200xi32, #tpu.memory_space<vmem>>
    %dma_wait3A_86 = tpu.memref_squeeze %dma_wait3A_85 : memref<1x200xi32, #tpu.memory_space<vmem>> -> memref<200xi32, #tpu.memory_space<vmem>>
    %dma_wait3A_87 = tpu.memref_slice %arg10[%add3A_52] : memref<320000xi32, #tpu.memory_space<hbm>> -> memref<200xi32, #tpu.memory_space<hbm>>
    tpu.wait_dma2 semaphore(%arg18 : memref<!tpu.dma_semaphore, #tpu.memory_space<semaphore_mem>>) src(%dma_wait3A_87 : memref<200xi32, #tpu.memory_space<hbm>>) dst(%dma_wait3A_86 : memref<200xi32, #tpu.memory_space<vmem>>)
    %dma_wait3A_88 = arith.constant 4 : i32
    %dma_wait3A_89 = arith.constant 0 : i32
    %dma_wait3A_90 = tpu.memref_slice %arg13[%dma_wait3A_88, %dma_wait3A_89] : memref<5x200xi32, #tpu.memory_space<vmem>> -> memref<1x200xi32, #tpu.memory_space<vmem>>
    %dma_wait3A_91 = tpu.memref_squeeze %dma_wait3A_90 : memref<1x200xi32, #tpu.memory_space<vmem>> -> memref<200xi32, #tpu.memory_space<vmem>>
    %dma_wait3A_92 = tpu.memref_slice %arg11[%add3A_52] : memref<320000xi32, #tpu.memory_space<hbm>> -> memref<200xi32, #tpu.memory_space<hbm>>
    %dma_wait3A_93 = arith.constant 0 : i32
    %dma_wait3A_94 = tpu.memref_slice %arg13[%dma_wait3A_88, %dma_wait3A_93] : memref<5x200xi32, #tpu.memory_space<vmem>> -> memref<1x200xi32, #tpu.memory_space<vmem>>
    %dma_wait3A_95 = tpu.memref_squeeze %dma_wait3A_94 : memref<1x200xi32, #tpu.memory_space<vmem>> -> memref<200xi32, #tpu.memory_space<vmem>>
    %dma_wait3A_96 = tpu.memref_slice %arg11[%add3A_52] : memref<320000xi32, #tpu.memory_space<hbm>> -> memref<200xi32, #tpu.memory_space<hbm>>
    tpu.wait_dma2 semaphore(%arg18 : memref<!tpu.dma_semaphore, #tpu.memory_space<semaphore_mem>>) src(%dma_wait3A_96 : memref<200xi32, #tpu.memory_space<hbm>>) dst(%dma_wait3A_95 : memref<200xi32, #tpu.memory_space<vmem>>)
    %dma_start3A_97 = arith.constant 0 : i32
    %dma_start3A_98 = arith.constant 0 : i32
    %dma_start3A_99 = arith.constant 0 : i32
    %dma_start3A_100 = arith.constant 0 : i32
    %dma_start3A_101 = tpu.memref_slice %arg15[%dma_start3A_98, %dma_start3A_99, %dma_start3A_100] : memref<5x200x32xf32, #tpu.memory_space<vmem>> -> memref<1x200x32xf32, #tpu.memory_space<vmem>>
    %dma_start3A_102 = tpu.memref_squeeze %dma_start3A_101 : memref<1x200x32xf32, #tpu.memory_space<vmem>> -> memref<200x32xf32, #tpu.memory_space<vmem>>
    %dma_start3A_103 = arith.constant 0 : i32
    %dma_start3A_104 = tpu.memref_slice %arg13[%dma_start3A_97, %dma_start3A_103] : memref<5x200xi32, #tpu.memory_space<vmem>> -> memref<1x200xi32, #tpu.memory_space<vmem>>
    %dma_start3A_105 = tpu.memref_squeeze %dma_start3A_104 : memref<1x200xi32, #tpu.memory_space<vmem>> -> memref<200xi32, #tpu.memory_space<vmem>>
    %dma_start3A_106 = arith.constant 0 : i32
    %dma_start3A_107 = arith.constant 0 : i32
    %dma_start3A_108 = tpu.memref_slice %arg2[%dma_start3A_106, %dma_start3A_107] : memref<10000x32xf32, #tpu.memory_space<hbm>> -> memref<10000x32xf32, #tpu.memory_space<hbm>>
    tpu.enqueue_indirect_dma source(%dma_start3A_108 : memref<10000x32xf32, #tpu.memory_space<hbm>>) target(%dma_start3A_102 : memref<200x32xf32, #tpu.memory_space<vmem>>) offsets(%dma_start3A_105 : memref<200xi32, #tpu.memory_space<vmem>>) semaphore(%arg20 : memref<!tpu.dma_semaphore, #tpu.memory_space<semaphore_mem>>)
    %dma_start3A_109 = arith.constant 1 : i32
    %dma_start3A_110 = arith.constant 1 : i32
    %dma_start3A_111 = arith.constant 0 : i32
    %dma_start3A_112 = arith.constant 0 : i32
    %dma_start3A_113 = tpu.memref_slice %arg15[%dma_start3A_110, %dma_start3A_111, %dma_start3A_112] : memref<5x200x32xf32, #tpu.memory_space<vmem>> -> memref<1x200x32xf32, #tpu.memory_space<vmem>>
    %dma_start3A_114 = tpu.memref_squeeze %dma_start3A_113 : memref<1x200x32xf32, #tpu.memory_space<vmem>> -> memref<200x32xf32, #tpu.memory_space<vmem>>
    %dma_start3A_115 = arith.constant 0 : i32
    %dma_start3A_116 = tpu.memref_slice %arg13[%dma_start3A_109, %dma_start3A_115] : memref<5x200xi32, #tpu.memory_space<vmem>> -> memref<1x200xi32, #tpu.memory_space<vmem>>
    %dma_start3A_117 = tpu.memref_squeeze %dma_start3A_116 : memref<1x200xi32, #tpu.memory_space<vmem>> -> memref<200xi32, #tpu.memory_space<vmem>>
    %dma_start3A_118 = arith.constant 0 : i32
    %dma_start3A_119 = arith.constant 0 : i32
    %dma_start3A_120 = tpu.memref_slice %arg3[%dma_start3A_118, %dma_start3A_119] : memref<10000x32xf32, #tpu.memory_space<hbm>> -> memref<10000x32xf32, #tpu.memory_space<hbm>>
    tpu.enqueue_indirect_dma source(%dma_start3A_120 : memref<10000x32xf32, #tpu.memory_space<hbm>>) target(%dma_start3A_114 : memref<200x32xf32, #tpu.memory_space<vmem>>) offsets(%dma_start3A_117 : memref<200xi32, #tpu.memory_space<vmem>>) semaphore(%arg20 : memref<!tpu.dma_semaphore, #tpu.memory_space<semaphore_mem>>)
    %dma_start3A_121 = arith.constant 2 : i32
    %dma_start3A_122 = arith.constant 2 : i32
    %dma_start3A_123 = arith.constant 0 : i32
    %dma_start3A_124 = arith.constant 0 : i32
    %dma_start3A_125 = tpu.memref_slice %arg15[%dma_start3A_122, %dma_start3A_123, %dma_start3A_124] : memref<5x200x32xf32, #tpu.memory_space<vmem>> -> memref<1x200x32xf32, #tpu.memory_space<vmem>>
    %dma_start3A_126 = tpu.memref_squeeze %dma_start3A_125 : memref<1x200x32xf32, #tpu.memory_space<vmem>> -> memref<200x32xf32, #tpu.memory_space<vmem>>
    %dma_start3A_127 = arith.constant 0 : i32
    %dma_start3A_128 = tpu.memref_slice %arg13[%dma_start3A_121, %dma_start3A_127] : memref<5x200xi32, #tpu.memory_space<vmem>> -> memref<1x200xi32, #tpu.memory_space<vmem>>
    %dma_start3A_129 = tpu.memref_squeeze %dma_start3A_128 : memref<1x200xi32, #tpu.memory_space<vmem>> -> memref<200xi32, #tpu.memory_space<vmem>>
    %dma_start3A_130 = arith.constant 0 : i32
    %dma_start3A_131 = arith.constant 0 : i32
    %dma_start3A_132 = tpu.memref_slice %arg4[%dma_start3A_130, %dma_start3A_131] : memref<10000x32xf32, #tpu.memory_space<hbm>> -> memref<10000x32xf32, #tpu.memory_space<hbm>>
    tpu.enqueue_indirect_dma source(%dma_start3A_132 : memref<10000x32xf32, #tpu.memory_space<hbm>>) target(%dma_start3A_126 : memref<200x32xf32, #tpu.memory_space<vmem>>) offsets(%dma_start3A_129 : memref<200xi32, #tpu.memory_space<vmem>>) semaphore(%arg20 : memref<!tpu.dma_semaphore, #tpu.memory_space<semaphore_mem>>)
    %dma_start3A_133 = arith.constant 3 : i32
    %dma_start3A_134 = arith.constant 3 : i32
    %dma_start3A_135 = arith.constant 0 : i32
    %dma_start3A_136 = arith.constant 0 : i32
    %dma_start3A_137 = tpu.memref_slice %arg15[%dma_start3A_134, %dma_start3A_135, %dma_start3A_136] : memref<5x200x32xf32, #tpu.memory_space<vmem>> -> memref<1x200x32xf32, #tpu.memory_space<vmem>>
    %dma_start3A_138 = tpu.memref_squeeze %dma_start3A_137 : memref<1x200x32xf32, #tpu.memory_space<vmem>> -> memref<200x32xf32, #tpu.memory_space<vmem>>
    %dma_start3A_139 = arith.constant 0 : i32
    %dma_start3A_140 = tpu.memref_slice %arg13[%dma_start3A_133, %dma_start3A_139] : memref<5x200xi32, #tpu.memory_space<vmem>> -> memref<1x200xi32, #tpu.memory_space<vmem>>
    %dma_start3A_141 = tpu.memref_squeeze %dma_start3A_140 : memref<1x200xi32, #tpu.memory_space<vmem>> -> memref<200xi32, #tpu.memory_space<vmem>>
    %dma_start3A_142 = arith.constant 0 : i32
    %dma_start3A_143 = arith.constant 0 : i32
    %dma_start3A_144 = tpu.memref_slice %arg5[%dma_start3A_142, %dma_start3A_143] : memref<320000x32xf32, #tpu.memory_space<hbm>> -> memref<320000x32xf32, #tpu.memory_space<hbm>>
    tpu.enqueue_indirect_dma source(%dma_start3A_144 : memref<320000x32xf32, #tpu.memory_space<hbm>>) target(%dma_start3A_138 : memref<200x32xf32, #tpu.memory_space<vmem>>) offsets(%dma_start3A_141 : memref<200xi32, #tpu.memory_space<vmem>>) semaphore(%arg20 : memref<!tpu.dma_semaphore, #tpu.memory_space<semaphore_mem>>)
    %dma_start3A_145 = arith.constant 4 : i32
    %dma_start3A_146 = arith.constant 4 : i32
    %dma_start3A_147 = arith.constant 0 : i32
    %dma_start3A_148 = arith.constant 0 : i32
    %dma_start3A_149 = tpu.memref_slice %arg15[%dma_start3A_146, %dma_start3A_147, %dma_start3A_148] : memref<5x200x32xf32, #tpu.memory_space<vmem>> -> memref<1x200x32xf32, #tpu.memory_space<vmem>>
    %dma_start3A_150 = tpu.memref_squeeze %dma_start3A_149 : memref<1x200x32xf32, #tpu.memory_space<vmem>> -> memref<200x32xf32, #tpu.memory_space<vmem>>
    %dma_start3A_151 = arith.constant 0 : i32
    %dma_start3A_152 = tpu.memref_slice %arg13[%dma_start3A_145, %dma_start3A_151] : memref<5x200xi32, #tpu.memory_space<vmem>> -> memref<1x200xi32, #tpu.memory_space<vmem>>
    %dma_start3A_153 = tpu.memref_squeeze %dma_start3A_152 : memref<1x200xi32, #tpu.memory_space<vmem>> -> memref<200xi32, #tpu.memory_space<vmem>>
    %dma_start3A_154 = arith.constant 0 : i32
    %dma_start3A_155 = arith.constant 0 : i32
    %dma_start3A_156 = tpu.memref_slice %arg6[%dma_start3A_154, %dma_start3A_155] : memref<320000x32xf32, #tpu.memory_space<hbm>> -> memref<320000x32xf32, #tpu.memory_space<hbm>>
    tpu.enqueue_indirect_dma source(%dma_start3A_156 : memref<320000x32xf32, #tpu.memory_space<hbm>>) target(%dma_start3A_150 : memref<200x32xf32, #tpu.memory_space<vmem>>) offsets(%dma_start3A_153 : memref<200xi32, #tpu.memory_space<vmem>>) semaphore(%arg20 : memref<!tpu.dma_semaphore, #tpu.memory_space<semaphore_mem>>)
    %mul3A_157 = arith.constant 10000 : i32
    %mul3A_158 = arith.muli %add3A, %mul3A_157 : i32
    %add3A_159 = arith.constant 200 : i32
    %add3A_160 = arith.addi %mul3A_158, %add3A_159 : i32
    %dma_start3A_161 = arith.constant 0 : i32
    %dma_start3A_162 = arith.constant 0 : i32
    %dma_start3A_163 = tpu.memref_slice %arg14[%dma_start3A_161, %dma_start3A_162] : memref<5x200xi32, #tpu.memory_space<vmem>> -> memref<1x200xi32, #tpu.memory_space<vmem>>
    %dma_start3A_164 = tpu.memref_squeeze %dma_start3A_163 : memref<1x200xi32, #tpu.memory_space<vmem>> -> memref<200xi32, #tpu.memory_space<vmem>>
    %dma_start3A_165 = tpu.memref_slice %arg7[%add3A_160] : memref<320000xi32, #tpu.memory_space<hbm>> -> memref<200xi32, #tpu.memory_space<hbm>>
    %dma_start3A_166 = arith.constant 0 : i32
    %dma_start3A_167 = tpu.memref_slice %arg14[%dma_start3A_161, %dma_start3A_166] : memref<5x200xi32, #tpu.memory_space<vmem>> -> memref<1x200xi32, #tpu.memory_space<vmem>>
    %dma_start3A_168 = tpu.memref_squeeze %dma_start3A_167 : memref<1x200xi32, #tpu.memory_space<vmem>> -> memref<200xi32, #tpu.memory_space<vmem>>
    %dma_start3A_169 = tpu.memref_slice %arg7[%add3A_160] : memref<320000xi32, #tpu.memory_space<hbm>> -> memref<200xi32, #tpu.memory_space<hbm>>
    tpu.enqueue_dma source(%dma_start3A_169 : memref<200xi32, #tpu.memory_space<hbm>>) target(%dma_start3A_168 : memref<200xi32, #tpu.memory_space<vmem>>) target_semaphore(%arg19 : memref<!tpu.dma_semaphore, #tpu.memory_space<semaphore_mem>>)
    %dma_start3A_170 = arith.constant 1 : i32
    %dma_start3A_171 = arith.constant 0 : i32
    %dma_start3A_172 = tpu.memref_slice %arg14[%dma_start3A_170, %dma_start3A_171] : memref<5x200xi32, #tpu.memory_space<vmem>> -> memref<1x200xi32, #tpu.memory_space<vmem>>
    %dma_start3A_173 = tpu.memref_squeeze %dma_start3A_172 : memref<1x200xi32, #tpu.memory_space<vmem>> -> memref<200xi32, #tpu.memory_space<vmem>>
    %dma_start3A_174 = tpu.memref_slice %arg8[%add3A_160] : memref<320000xi32, #tpu.memory_space<hbm>> -> memref<200xi32, #tpu.memory_space<hbm>>
    %dma_start3A_175 = arith.constant 0 : i32
    %dma_start3A_176 = tpu.memref_slice %arg14[%dma_start3A_170, %dma_start3A_175] : memref<5x200xi32, #tpu.memory_space<vmem>> -> memref<1x200xi32, #tpu.memory_space<vmem>>
    %dma_start3A_177 = tpu.memref_squeeze %dma_start3A_176 : memref<1x200xi32, #tpu.memory_space<vmem>> -> memref<200xi32, #tpu.memory_space<vmem>>
    %dma_start3A_178 = tpu.memref_slice %arg8[%add3A_160] : memref<320000xi32, #tpu.memory_space<hbm>> -> memref<200xi32, #tpu.memory_space<hbm>>
    tpu.enqueue_dma source(%dma_start3A_178 : memref<200xi32, #tpu.memory_space<hbm>>) target(%dma_start3A_177 : memref<200xi32, #tpu.memory_space<vmem>>) target_semaphore(%arg19 : memref<!tpu.dma_semaphore, #tpu.memory_space<semaphore_mem>>)
    %dma_start3A_179 = arith.constant 2 : i32
    %dma_start3A_180 = arith.constant 0 : i32
    %dma_start3A_181 = tpu.memref_slice %arg14[%dma_start3A_179, %dma_start3A_180] : memref<5x200xi32, #tpu.memory_space<vmem>> -> memref<1x200xi32, #tpu.memory_space<vmem>>
    %dma_start3A_182 = tpu.memref_squeeze %dma_start3A_181 : memref<1x200xi32, #tpu.memory_space<vmem>> -> memref<200xi32, #tpu.memory_space<vmem>>
    %dma_start3A_183 = tpu.memref_slice %arg9[%add3A_160] : memref<320000xi32, #tpu.memory_space<hbm>> -> memref<200xi32, #tpu.memory_space<hbm>>
    %dma_start3A_184 = arith.constant 0 : i32
    %dma_start3A_185 = tpu.memref_slice %arg14[%dma_start3A_179, %dma_start3A_184] : memref<5x200xi32, #tpu.memory_space<vmem>> -> memref<1x200xi32, #tpu.memory_space<vmem>>
    %dma_start3A_186 = tpu.memref_squeeze %dma_start3A_185 : memref<1x200xi32, #tpu.memory_space<vmem>> -> memref<200xi32, #tpu.memory_space<vmem>>
    %dma_start3A_187 = tpu.memref_slice %arg9[%add3A_160] : memref<320000xi32, #tpu.memory_space<hbm>> -> memref<200xi32, #tpu.memory_space<hbm>>
    tpu.enqueue_dma source(%dma_start3A_187 : memref<200xi32, #tpu.memory_space<hbm>>) target(%dma_start3A_186 : memref<200xi32, #tpu.memory_space<vmem>>) target_semaphore(%arg19 : memref<!tpu.dma_semaphore, #tpu.memory_space<semaphore_mem>>)
    %dma_start3A_188 = arith.constant 3 : i32
    %dma_start3A_189 = arith.constant 0 : i32
    %dma_start3A_190 = tpu.memref_slice %arg14[%dma_start3A_188, %dma_start3A_189] : memref<5x200xi32, #tpu.memory_space<vmem>> -> memref<1x200xi32, #tpu.memory_space<vmem>>
    %dma_start3A_191 = tpu.memref_squeeze %dma_start3A_190 : memref<1x200xi32, #tpu.memory_space<vmem>> -> memref<200xi32, #tpu.memory_space<vmem>>
    %dma_start3A_192 = tpu.memref_slice %arg10[%add3A_160] : memref<320000xi32, #tpu.memory_space<hbm>> -> memref<200xi32, #tpu.memory_space<hbm>>
    %dma_start3A_193 = arith.constant 0 : i32
    %dma_start3A_194 = tpu.memref_slice %arg14[%dma_start3A_188, %dma_start3A_193] : memref<5x200xi32, #tpu.memory_space<vmem>> -> memref<1x200xi32, #tpu.memory_space<vmem>>
    %dma_start3A_195 = tpu.memref_squeeze %dma_start3A_194 : memref<1x200xi32, #tpu.memory_space<vmem>> -> memref<200xi32, #tpu.memory_space<vmem>>
    %dma_start3A_196 = tpu.memref_slice %arg10[%add3A_160] : memref<320000xi32, #tpu.memory_space<hbm>> -> memref<200xi32, #tpu.memory_space<hbm>>
    tpu.enqueue_dma source(%dma_start3A_196 : memref<200xi32, #tpu.memory_space<hbm>>) target(%dma_start3A_195 : memref<200xi32, #tpu.memory_space<vmem>>) target_semaphore(%arg19 : memref<!tpu.dma_semaphore, #tpu.memory_space<semaphore_mem>>)
    %dma_start3A_197 = arith.constant 4 : i32
    %dma_start3A_198 = arith.constant 0 : i32
    %dma_start3A_199 = tpu.memref_slice %arg14[%dma_start3A_197, %dma_start3A_198] : memref<5x200xi32, #tpu.memory_space<vmem>> -> memref<1x200xi32, #tpu.memory_space<vmem>>
    %dma_start3A_200 = tpu.memref_squeeze %dma_start3A_199 : memref<1x200xi32, #tpu.memory_space<vmem>> -> memref<200xi32, #tpu.memory_space<vmem>>
    %dma_start3A_201 = tpu.memref_slice %arg11[%add3A_160] : memref<320000xi32, #tpu.memory_space<hbm>> -> memref<200xi32, #tpu.memory_space<hbm>>
    %dma_start3A_202 = arith.constant 0 : i32
    %dma_start3A_203 = tpu.memref_slice %arg14[%dma_start3A_197, %dma_start3A_202] : memref<5x200xi32, #tpu.memory_space<vmem>> -> memref<1x200xi32, #tpu.memory_space<vmem>>
    %dma_start3A_204 = tpu.memref_squeeze %dma_start3A_203 : memref<1x200xi32, #tpu.memory_space<vmem>> -> memref<200xi32, #tpu.memory_space<vmem>>
    %dma_start3A_205 = tpu.memref_slice %arg11[%add3A_160] : memref<320000xi32, #tpu.memory_space<hbm>> -> memref<200xi32, #tpu.memory_space<hbm>>
    tpu.enqueue_dma source(%dma_start3A_205 : memref<200xi32, #tpu.memory_space<hbm>>) target(%dma_start3A_204 : memref<200xi32, #tpu.memory_space<vmem>>) target_semaphore(%arg19 : memref<!tpu.dma_semaphore, #tpu.memory_space<semaphore_mem>>)
    %scan3A = arith.constant 0 : i32
    %scan3A_206 = arith.constant 0 : i32
    %scan3A_207 = arith.constant 25 : i32
    %scan3A_208 = arith.addi %scan3A_206, %scan3A_207 : i32
    %scan3A_209 = arith.constant 1 : i32
    scf.for %scan3A_320 = %scan3A_206 to %scan3A_208 step %scan3A_209  : i32 {
      %mul3A_321 = arith.constant 2 : i32
      %mul3A_322 = arith.muli %mul3A_321, %scan3A_320 : i32
      %dma_wait3A_323 = arith.constant 0 : i32
      %dma_wait3A_324 = arith.constant 0 : i32
      %dma_wait3A_325 = arith.constant 0 : i32
      %dma_wait3A_326 = arith.constant 0 : i32
      %dma_wait3A_327 = tpu.memref_slice %arg15[%dma_wait3A_324, %dma_wait3A_325, %dma_wait3A_326] : memref<5x200x32xf32, #tpu.memory_space<vmem>> -> memref<1x200x32xf32, #tpu.memory_space<vmem>>
      %dma_wait3A_328 = tpu.memref_squeeze %dma_wait3A_327 : memref<1x200x32xf32, #tpu.memory_space<vmem>> -> memref<200x32xf32, #tpu.memory_space<vmem>>
      %dma_wait3A_329 = arith.constant 0 : i32
      %dma_wait3A_330 = tpu.memref_slice %arg13[%dma_wait3A_323, %dma_wait3A_329] : memref<5x200xi32, #tpu.memory_space<vmem>> -> memref<1x200xi32, #tpu.memory_space<vmem>>
      %dma_wait3A_331 = tpu.memref_squeeze %dma_wait3A_330 : memref<1x200xi32, #tpu.memory_space<vmem>> -> memref<200xi32, #tpu.memory_space<vmem>>
      %dma_wait3A_332 = arith.constant 0 : i32
      %dma_wait3A_333 = arith.constant 0 : i32
      %dma_wait3A_334 = tpu.memref_slice %arg2[%dma_wait3A_332, %dma_wait3A_333] : memref<10000x32xf32, #tpu.memory_space<hbm>> -> memref<10000x32xf32, #tpu.memory_space<hbm>>
      tpu.wait_indirect_dma semaphore(%arg20 : memref<!tpu.dma_semaphore, #tpu.memory_space<semaphore_mem>>) src(%dma_wait3A_334 : memref<10000x32xf32, #tpu.memory_space<hbm>>) dst(%dma_wait3A_328 : memref<200x32xf32, #tpu.memory_space<vmem>>)
      %dma_wait3A_335 = arith.constant 1 : i32
      %dma_wait3A_336 = arith.constant 1 : i32
      %dma_wait3A_337 = arith.constant 0 : i32
      %dma_wait3A_338 = arith.constant 0 : i32
      %dma_wait3A_339 = tpu.memref_slice %arg15[%dma_wait3A_336, %dma_wait3A_337, %dma_wait3A_338] : memref<5x200x32xf32, #tpu.memory_space<vmem>> -> memref<1x200x32xf32, #tpu.memory_space<vmem>>
      %dma_wait3A_340 = tpu.memref_squeeze %dma_wait3A_339 : memref<1x200x32xf32, #tpu.memory_space<vmem>> -> memref<200x32xf32, #tpu.memory_space<vmem>>
      %dma_wait3A_341 = arith.constant 0 : i32
      %dma_wait3A_342 = tpu.memref_slice %arg13[%dma_wait3A_335, %dma_wait3A_341] : memref<5x200xi32, #tpu.memory_space<vmem>> -> memref<1x200xi32, #tpu.memory_space<vmem>>
      %dma_wait3A_343 = tpu.memref_squeeze %dma_wait3A_342 : memref<1x200xi32, #tpu.memory_space<vmem>> -> memref<200xi32, #tpu.memory_space<vmem>>
      %dma_wait3A_344 = arith.constant 0 : i32
      %dma_wait3A_345 = arith.constant 0 : i32
      %dma_wait3A_346 = tpu.memref_slice %arg3[%dma_wait3A_344, %dma_wait3A_345] : memref<10000x32xf32, #tpu.memory_space<hbm>> -> memref<10000x32xf32, #tpu.memory_space<hbm>>
      tpu.wait_indirect_dma semaphore(%arg20 : memref<!tpu.dma_semaphore, #tpu.memory_space<semaphore_mem>>) src(%dma_wait3A_346 : memref<10000x32xf32, #tpu.memory_space<hbm>>) dst(%dma_wait3A_340 : memref<200x32xf32, #tpu.memory_space<vmem>>)
      %dma_wait3A_347 = arith.constant 2 : i32
      %dma_wait3A_348 = arith.constant 2 : i32
      %dma_wait3A_349 = arith.constant 0 : i32
      %dma_wait3A_350 = arith.constant 0 : i32
      %dma_wait3A_351 = tpu.memref_slice %arg15[%dma_wait3A_348, %dma_wait3A_349, %dma_wait3A_350] : memref<5x200x32xf32, #tpu.memory_space<vmem>> -> memref<1x200x32xf32, #tpu.memory_space<vmem>>
      %dma_wait3A_352 = tpu.memref_squeeze %dma_wait3A_351 : memref<1x200x32xf32, #tpu.memory_space<vmem>> -> memref<200x32xf32, #tpu.memory_space<vmem>>
      %dma_wait3A_353 = arith.constant 0 : i32
      %dma_wait3A_354 = tpu.memref_slice %arg13[%dma_wait3A_347, %dma_wait3A_353] : memref<5x200xi32, #tpu.memory_space<vmem>> -> memref<1x200xi32, #tpu.memory_space<vmem>>
      %dma_wait3A_355 = tpu.memref_squeeze %dma_wait3A_354 : memref<1x200xi32, #tpu.memory_space<vmem>> -> memref<200xi32, #tpu.memory_space<vmem>>
      %dma_wait3A_356 = arith.constant 0 : i32
      %dma_wait3A_357 = arith.constant 0 : i32
      %dma_wait3A_358 = tpu.memref_slice %arg4[%dma_wait3A_356, %dma_wait3A_357] : memref<10000x32xf32, #tpu.memory_space<hbm>> -> memref<10000x32xf32, #tpu.memory_space<hbm>>
      tpu.wait_indirect_dma semaphore(%arg20 : memref<!tpu.dma_semaphore, #tpu.memory_space<semaphore_mem>>) src(%dma_wait3A_358 : memref<10000x32xf32, #tpu.memory_space<hbm>>) dst(%dma_wait3A_352 : memref<200x32xf32, #tpu.memory_space<vmem>>)
      %dma_wait3A_359 = arith.constant 3 : i32
      %dma_wait3A_360 = arith.constant 3 : i32
      %dma_wait3A_361 = arith.constant 0 : i32
      %dma_wait3A_362 = arith.constant 0 : i32
      %dma_wait3A_363 = tpu.memref_slice %arg15[%dma_wait3A_360, %dma_wait3A_361, %dma_wait3A_362] : memref<5x200x32xf32, #tpu.memory_space<vmem>> -> memref<1x200x32xf32, #tpu.memory_space<vmem>>
      %dma_wait3A_364 = tpu.memref_squeeze %dma_wait3A_363 : memref<1x200x32xf32, #tpu.memory_space<vmem>> -> memref<200x32xf32, #tpu.memory_space<vmem>>
      %dma_wait3A_365 = arith.constant 0 : i32
      %dma_wait3A_366 = tpu.memref_slice %arg13[%dma_wait3A_359, %dma_wait3A_365] : memref<5x200xi32, #tpu.memory_space<vmem>> -> memref<1x200xi32, #tpu.memory_space<vmem>>
      %dma_wait3A_367 = tpu.memref_squeeze %dma_wait3A_366 : memref<1x200xi32, #tpu.memory_space<vmem>> -> memref<200xi32, #tpu.memory_space<vmem>>
      %dma_wait3A_368 = arith.constant 0 : i32
      %dma_wait3A_369 = arith.constant 0 : i32
      %dma_wait3A_370 = tpu.memref_slice %arg5[%dma_wait3A_368, %dma_wait3A_369] : memref<320000x32xf32, #tpu.memory_space<hbm>> -> memref<320000x32xf32, #tpu.memory_space<hbm>>
      tpu.wait_indirect_dma semaphore(%arg20 : memref<!tpu.dma_semaphore, #tpu.memory_space<semaphore_mem>>) src(%dma_wait3A_370 : memref<320000x32xf32, #tpu.memory_space<hbm>>) dst(%dma_wait3A_364 : memref<200x32xf32, #tpu.memory_space<vmem>>)
      %dma_wait3A_371 = arith.constant 4 : i32
      %dma_wait3A_372 = arith.constant 4 : i32
      %dma_wait3A_373 = arith.constant 0 : i32
      %dma_wait3A_374 = arith.constant 0 : i32
      %dma_wait3A_375 = tpu.memref_slice %arg15[%dma_wait3A_372, %dma_wait3A_373, %dma_wait3A_374] : memref<5x200x32xf32, #tpu.memory_space<vmem>> -> memref<1x200x32xf32, #tpu.memory_space<vmem>>
      %dma_wait3A_376 = tpu.memref_squeeze %dma_wait3A_375 : memref<1x200x32xf32, #tpu.memory_space<vmem>> -> memref<200x32xf32, #tpu.memory_space<vmem>>
      %dma_wait3A_377 = arith.constant 0 : i32
      %dma_wait3A_378 = tpu.memref_slice %arg13[%dma_wait3A_371, %dma_wait3A_377] : memref<5x200xi32, #tpu.memory_space<vmem>> -> memref<1x200xi32, #tpu.memory_space<vmem>>
      %dma_wait3A_379 = tpu.memref_squeeze %dma_wait3A_378 : memref<1x200xi32, #tpu.memory_space<vmem>> -> memref<200xi32, #tpu.memory_space<vmem>>
      %dma_wait3A_380 = arith.constant 0 : i32
      %dma_wait3A_381 = arith.constant 0 : i32
      %dma_wait3A_382 = tpu.memref_slice %arg6[%dma_wait3A_380, %dma_wait3A_381] : memref<320000x32xf32, #tpu.memory_space<hbm>> -> memref<320000x32xf32, #tpu.memory_space<hbm>>
      tpu.wait_indirect_dma semaphore(%arg20 : memref<!tpu.dma_semaphore, #tpu.memory_space<semaphore_mem>>) src(%dma_wait3A_382 : memref<320000x32xf32, #tpu.memory_space<hbm>>) dst(%dma_wait3A_376 : memref<200x32xf32, #tpu.memory_space<vmem>>)
      %add3A_383 = arith.constant 2 : i32
      %add3A_384 = arith.addi %mul3A_322, %add3A_383 : i32
      %min3A = arith.constant 48 : i32
      %min3A_385 = arith.minsi %add3A_384, %min3A : i32
      %mul3A_386 = arith.constant 10000 : i32
      %mul3A_387 = arith.muli %add3A, %mul3A_386 : i32
      %mul3A_388 = arith.constant 200 : i32
      %mul3A_389 = arith.muli %min3A_385, %mul3A_388 : i32
      %add3A_390 = arith.addi %mul3A_387, %mul3A_389 : i32
      %dma_start3A_391 = arith.constant 0 : i32
      %dma_start3A_392 = arith.constant 0 : i32
      %dma_start3A_393 = tpu.memref_slice %arg13[%dma_start3A_391, %dma_start3A_392] : memref<5x200xi32, #tpu.memory_space<vmem>> -> memref<1x200xi32, #tpu.memory_space<vmem>>
      %dma_start3A_394 = tpu.memref_squeeze %dma_start3A_393 : memref<1x200xi32, #tpu.memory_space<vmem>> -> memref<200xi32, #tpu.memory_space<vmem>>
      %dma_start3A_395 = tpu.memref_slice %arg7[%add3A_390] : memref<320000xi32, #tpu.memory_space<hbm>> -> memref<200xi32, #tpu.memory_space<hbm>>
      %dma_start3A_396 = arith.constant 0 : i32
      %dma_start3A_397 = tpu.memref_slice %arg13[%dma_start3A_391, %dma_start3A_396] : memref<5x200xi32, #tpu.memory_space<vmem>> -> memref<1x200xi32, #tpu.memory_space<vmem>>
      %dma_start3A_398 = tpu.memref_squeeze %dma_start3A_397 : memref<1x200xi32, #tpu.memory_space<vmem>> -> memref<200xi32, #tpu.memory_space<vmem>>
      %dma_start3A_399 = tpu.memref_slice %arg7[%add3A_390] : memref<320000xi32, #tpu.memory_space<hbm>> -> memref<200xi32, #tpu.memory_space<hbm>>
      tpu.enqueue_dma source(%dma_start3A_399 : memref<200xi32, #tpu.memory_space<hbm>>) target(%dma_start3A_398 : memref<200xi32, #tpu.memory_space<vmem>>) target_semaphore(%arg18 : memref<!tpu.dma_semaphore, #tpu.memory_space<semaphore_mem>>)
      %dma_start3A_400 = arith.constant 1 : i32
      %dma_start3A_401 = arith.constant 0 : i32
      %dma_start3A_402 = tpu.memref_slice %arg13[%dma_start3A_400, %dma_start3A_401] : memref<5x200xi32, #tpu.memory_space<vmem>> -> memref<1x200xi32, #tpu.memory_space<vmem>>
      %dma_start3A_403 = tpu.memref_squeeze %dma_start3A_402 : memref<1x200xi32, #tpu.memory_space<vmem>> -> memref<200xi32, #tpu.memory_space<vmem>>
      %dma_start3A_404 = tpu.memref_slice %arg8[%add3A_390] : memref<320000xi32, #tpu.memory_space<hbm>> -> memref<200xi32, #tpu.memory_space<hbm>>
      %dma_start3A_405 = arith.constant 0 : i32
      %dma_start3A_406 = tpu.memref_slice %arg13[%dma_start3A_400, %dma_start3A_405] : memref<5x200xi32, #tpu.memory_space<vmem>> -> memref<1x200xi32, #tpu.memory_space<vmem>>
      %dma_start3A_407 = tpu.memref_squeeze %dma_start3A_406 : memref<1x200xi32, #tpu.memory_space<vmem>> -> memref<200xi32, #tpu.memory_space<vmem>>
      %dma_start3A_408 = tpu.memref_slice %arg8[%add3A_390] : memref<320000xi32, #tpu.memory_space<hbm>> -> memref<200xi32, #tpu.memory_space<hbm>>
      tpu.enqueue_dma source(%dma_start3A_408 : memref<200xi32, #tpu.memory_space<hbm>>) target(%dma_start3A_407 : memref<200xi32, #tpu.memory_space<vmem>>) target_semaphore(%arg18 : memref<!tpu.dma_semaphore, #tpu.memory_space<semaphore_mem>>)
      %dma_start3A_409 = arith.constant 2 : i32
      %dma_start3A_410 = arith.constant 0 : i32
      %dma_start3A_411 = tpu.memref_slice %arg13[%dma_start3A_409, %dma_start3A_410] : memref<5x200xi32, #tpu.memory_space<vmem>> -> memref<1x200xi32, #tpu.memory_space<vmem>>
      %dma_start3A_412 = tpu.memref_squeeze %dma_start3A_411 : memref<1x200xi32, #tpu.memory_space<vmem>> -> memref<200xi32, #tpu.memory_space<vmem>>
      %dma_start3A_413 = tpu.memref_slice %arg9[%add3A_390] : memref<320000xi32, #tpu.memory_space<hbm>> -> memref<200xi32, #tpu.memory_space<hbm>>
      %dma_start3A_414 = arith.constant 0 : i32
      %dma_start3A_415 = tpu.memref_slice %arg13[%dma_start3A_409, %dma_start3A_414] : memref<5x200xi32, #tpu.memory_space<vmem>> -> memref<1x200xi32, #tpu.memory_space<vmem>>
      %dma_start3A_416 = tpu.memref_squeeze %dma_start3A_415 : memref<1x200xi32, #tpu.memory_space<vmem>> -> memref<200xi32, #tpu.memory_space<vmem>>
      %dma_start3A_417 = tpu.memref_slice %arg9[%add3A_390] : memref<320000xi32, #tpu.memory_space<hbm>> -> memref<200xi32, #tpu.memory_space<hbm>>
      tpu.enqueue_dma source(%dma_start3A_417 : memref<200xi32, #tpu.memory_space<hbm>>) target(%dma_start3A_416 : memref<200xi32, #tpu.memory_space<vmem>>) target_semaphore(%arg18 : memref<!tpu.dma_semaphore, #tpu.memory_space<semaphore_mem>>)
      %dma_start3A_418 = arith.constant 3 : i32
      %dma_start3A_419 = arith.constant 0 : i32
      %dma_start3A_420 = tpu.memref_slice %arg13[%dma_start3A_418, %dma_start3A_419] : memref<5x200xi32, #tpu.memory_space<vmem>> -> memref<1x200xi32, #tpu.memory_space<vmem>>
      %dma_start3A_421 = tpu.memref_squeeze %dma_start3A_420 : memref<1x200xi32, #tpu.memory_space<vmem>> -> memref<200xi32, #tpu.memory_space<vmem>>
      %dma_start3A_422 = tpu.memref_slice %arg10[%add3A_390] : memref<320000xi32, #tpu.memory_space<hbm>> -> memref<200xi32, #tpu.memory_space<hbm>>
      %dma_start3A_423 = arith.constant 0 : i32
      %dma_start3A_424 = tpu.memref_slice %arg13[%dma_start3A_418, %dma_start3A_423] : memref<5x200xi32, #tpu.memory_space<vmem>> -> memref<1x200xi32, #tpu.memory_space<vmem>>
      %dma_start3A_425 = tpu.memref_squeeze %dma_start3A_424 : memref<1x200xi32, #tpu.memory_space<vmem>> -> memref<200xi32, #tpu.memory_space<vmem>>
      %dma_start3A_426 = tpu.memref_slice %arg10[%add3A_390] : memref<320000xi32, #tpu.memory_space<hbm>> -> memref<200xi32, #tpu.memory_space<hbm>>
      tpu.enqueue_dma source(%dma_start3A_426 : memref<200xi32, #tpu.memory_space<hbm>>) target(%dma_start3A_425 : memref<200xi32, #tpu.memory_space<vmem>>) target_semaphore(%arg18 : memref<!tpu.dma_semaphore, #tpu.memory_space<semaphore_mem>>)
      %dma_start3A_427 = arith.constant 4 : i32
      %dma_start3A_428 = arith.constant 0 : i32
      %dma_start3A_429 = tpu.memref_slice %arg13[%dma_start3A_427, %dma_start3A_428] : memref<5x200xi32, #tpu.memory_space<vmem>> -> memref<1x200xi32, #tpu.memory_space<vmem>>
      %dma_start3A_430 = tpu.memref_squeeze %dma_start3A_429 : memref<1x200xi32, #tpu.memory_space<vmem>> -> memref<200xi32, #tpu.memory_space<vmem>>
      %dma_start3A_431 = tpu.memref_slice %arg11[%add3A_390] : memref<320000xi32, #tpu.memory_space<hbm>> -> memref<200xi32, #tpu.memory_space<hbm>>
      %dma_start3A_432 = arith.constant 0 : i32
      %dma_start3A_433 = tpu.memref_slice %arg13[%dma_start3A_427, %dma_start3A_432] : memref<5x200xi32, #tpu.memory_space<vmem>> -> memref<1x200xi32, #tpu.memory_space<vmem>>
      %dma_start3A_434 = tpu.memref_squeeze %dma_start3A_433 : memref<1x200xi32, #tpu.memory_space<vmem>> -> memref<200xi32, #tpu.memory_space<vmem>>
      %dma_start3A_435 = tpu.memref_slice %arg11[%add3A_390] : memref<320000xi32, #tpu.memory_space<hbm>> -> memref<200xi32, #tpu.memory_space<hbm>>
      tpu.enqueue_dma source(%dma_start3A_435 : memref<200xi32, #tpu.memory_space<hbm>>) target(%dma_start3A_434 : memref<200xi32, #tpu.memory_space<vmem>>) target_semaphore(%arg18 : memref<!tpu.dma_semaphore, #tpu.memory_space<semaphore_mem>>)
      %add3A_436 = arith.constant 1 : i32
      %add3A_437 = arith.addi %mul3A_322, %add3A_436 : i32
      %mul3A_438 = arith.constant 10000 : i32
      %mul3A_439 = arith.muli %add3A, %mul3A_438 : i32
      %mul3A_440 = arith.constant 200 : i32
      %mul3A_441 = arith.muli %add3A_437, %mul3A_440 : i32
      %add3A_442 = arith.addi %mul3A_439, %mul3A_441 : i32
      %dma_wait3A_443 = arith.constant 0 : i32
      %dma_wait3A_444 = arith.constant 0 : i32
      %dma_wait3A_445 = tpu.memref_slice %arg14[%dma_wait3A_443, %dma_wait3A_444] : memref<5x200xi32, #tpu.memory_space<vmem>> -> memref<1x200xi32, #tpu.memory_space<vmem>>
      %dma_wait3A_446 = tpu.memref_squeeze %dma_wait3A_445 : memref<1x200xi32, #tpu.memory_space<vmem>> -> memref<200xi32, #tpu.memory_space<vmem>>
      %dma_wait3A_447 = tpu.memref_slice %arg7[%add3A_442] : memref<320000xi32, #tpu.memory_space<hbm>> -> memref<200xi32, #tpu.memory_space<hbm>>
      %dma_wait3A_448 = arith.constant 0 : i32
      %dma_wait3A_449 = tpu.memref_slice %arg14[%dma_wait3A_443, %dma_wait3A_448] : memref<5x200xi32, #tpu.memory_space<vmem>> -> memref<1x200xi32, #tpu.memory_space<vmem>>
      %dma_wait3A_450 = tpu.memref_squeeze %dma_wait3A_449 : memref<1x200xi32, #tpu.memory_space<vmem>> -> memref<200xi32, #tpu.memory_space<vmem>>
      %dma_wait3A_451 = tpu.memref_slice %arg7[%add3A_442] : memref<320000xi32, #tpu.memory_space<hbm>> -> memref<200xi32, #tpu.memory_space<hbm>>
      tpu.wait_dma2 semaphore(%arg19 : memref<!tpu.dma_semaphore, #tpu.memory_space<semaphore_mem>>) src(%dma_wait3A_451 : memref<200xi32, #tpu.memory_space<hbm>>) dst(%dma_wait3A_450 : memref<200xi32, #tpu.memory_space<vmem>>)
      %dma_wait3A_452 = arith.constant 1 : i32
      %dma_wait3A_453 = arith.constant 0 : i32
      %dma_wait3A_454 = tpu.memref_slice %arg14[%dma_wait3A_452, %dma_wait3A_453] : memref<5x200xi32, #tpu.memory_space<vmem>> -> memref<1x200xi32, #tpu.memory_space<vmem>>
      %dma_wait3A_455 = tpu.memref_squeeze %dma_wait3A_454 : memref<1x200xi32, #tpu.memory_space<vmem>> -> memref<200xi32, #tpu.memory_space<vmem>>
      %dma_wait3A_456 = tpu.memref_slice %arg8[%add3A_442] : memref<320000xi32, #tpu.memory_space<hbm>> -> memref<200xi32, #tpu.memory_space<hbm>>
      %dma_wait3A_457 = arith.constant 0 : i32
      %dma_wait3A_458 = tpu.memref_slice %arg14[%dma_wait3A_452, %dma_wait3A_457] : memref<5x200xi32, #tpu.memory_space<vmem>> -> memref<1x200xi32, #tpu.memory_space<vmem>>
      %dma_wait3A_459 = tpu.memref_squeeze %dma_wait3A_458 : memref<1x200xi32, #tpu.memory_space<vmem>> -> memref<200xi32, #tpu.memory_space<vmem>>
      %dma_wait3A_460 = tpu.memref_slice %arg8[%add3A_442] : memref<320000xi32, #tpu.memory_space<hbm>> -> memref<200xi32, #tpu.memory_space<hbm>>
      tpu.wait_dma2 semaphore(%arg19 : memref<!tpu.dma_semaphore, #tpu.memory_space<semaphore_mem>>) src(%dma_wait3A_460 : memref<200xi32, #tpu.memory_space<hbm>>) dst(%dma_wait3A_459 : memref<200xi32, #tpu.memory_space<vmem>>)
      %dma_wait3A_461 = arith.constant 2 : i32
      %dma_wait3A_462 = arith.constant 0 : i32
      %dma_wait3A_463 = tpu.memref_slice %arg14[%dma_wait3A_461, %dma_wait3A_462] : memref<5x200xi32, #tpu.memory_space<vmem>> -> memref<1x200xi32, #tpu.memory_space<vmem>>
      %dma_wait3A_464 = tpu.memref_squeeze %dma_wait3A_463 : memref<1x200xi32, #tpu.memory_space<vmem>> -> memref<200xi32, #tpu.memory_space<vmem>>
      %dma_wait3A_465 = tpu.memref_slice %arg9[%add3A_442] : memref<320000xi32, #tpu.memory_space<hbm>> -> memref<200xi32, #tpu.memory_space<hbm>>
      %dma_wait3A_466 = arith.constant 0 : i32
      %dma_wait3A_467 = tpu.memref_slice %arg14[%dma_wait3A_461, %dma_wait3A_466] : memref<5x200xi32, #tpu.memory_space<vmem>> -> memref<1x200xi32, #tpu.memory_space<vmem>>
      %dma_wait3A_468 = tpu.memref_squeeze %dma_wait3A_467 : memref<1x200xi32, #tpu.memory_space<vmem>> -> memref<200xi32, #tpu.memory_space<vmem>>
      %dma_wait3A_469 = tpu.memref_slice %arg9[%add3A_442] : memref<320000xi32, #tpu.memory_space<hbm>> -> memref<200xi32, #tpu.memory_space<hbm>>
      tpu.wait_dma2 semaphore(%arg19 : memref<!tpu.dma_semaphore, #tpu.memory_space<semaphore_mem>>) src(%dma_wait3A_469 : memref<200xi32, #tpu.memory_space<hbm>>) dst(%dma_wait3A_468 : memref<200xi32, #tpu.memory_space<vmem>>)
      %dma_wait3A_470 = arith.constant 3 : i32
      %dma_wait3A_471 = arith.constant 0 : i32
      %dma_wait3A_472 = tpu.memref_slice %arg14[%dma_wait3A_470, %dma_wait3A_471] : memref<5x200xi32, #tpu.memory_space<vmem>> -> memref<1x200xi32, #tpu.memory_space<vmem>>
      %dma_wait3A_473 = tpu.memref_squeeze %dma_wait3A_472 : memref<1x200xi32, #tpu.memory_space<vmem>> -> memref<200xi32, #tpu.memory_space<vmem>>
      %dma_wait3A_474 = tpu.memref_slice %arg10[%add3A_442] : memref<320000xi32, #tpu.memory_space<hbm>> -> memref<200xi32, #tpu.memory_space<hbm>>
      %dma_wait3A_475 = arith.constant 0 : i32
      %dma_wait3A_476 = tpu.memref_slice %arg14[%dma_wait3A_470, %dma_wait3A_475] : memref<5x200xi32, #tpu.memory_space<vmem>> -> memref<1x200xi32, #tpu.memory_space<vmem>>
      %dma_wait3A_477 = tpu.memref_squeeze %dma_wait3A_476 : memref<1x200xi32, #tpu.memory_space<vmem>> -> memref<200xi32, #tpu.memory_space<vmem>>
      %dma_wait3A_478 = tpu.memref_slice %arg10[%add3A_442] : memref<320000xi32, #tpu.memory_space<hbm>> -> memref<200xi32, #tpu.memory_space<hbm>>
      tpu.wait_dma2 semaphore(%arg19 : memref<!tpu.dma_semaphore, #tpu.memory_space<semaphore_mem>>) src(%dma_wait3A_478 : memref<200xi32, #tpu.memory_space<hbm>>) dst(%dma_wait3A_477 : memref<200xi32, #tpu.memory_space<vmem>>)
      %dma_wait3A_479 = arith.constant 4 : i32
      %dma_wait3A_480 = arith.constant 0 : i32
      %dma_wait3A_481 = tpu.memref_slice %arg14[%dma_wait3A_479, %dma_wait3A_480] : memref<5x200xi32, #tpu.memory_space<vmem>> -> memref<1x200xi32, #tpu.memory_space<vmem>>
      %dma_wait3A_482 = tpu.memref_squeeze %dma_wait3A_481 : memref<1x200xi32, #tpu.memory_space<vmem>> -> memref<200xi32, #tpu.memory_space<vmem>>
      %dma_wait3A_483 = tpu.memref_slice %arg11[%add3A_442] : memref<320000xi32, #tpu.memory_space<hbm>> -> memref<200xi32, #tpu.memory_space<hbm>>
      %dma_wait3A_484 = arith.constant 0 : i32
      %dma_wait3A_485 = tpu.memref_slice %arg14[%dma_wait3A_479, %dma_wait3A_484] : memref<5x200xi32, #tpu.memory_space<vmem>> -> memref<1x200xi32, #tpu.memory_space<vmem>>
      %dma_wait3A_486 = tpu.memref_squeeze %dma_wait3A_485 : memref<1x200xi32, #tpu.memory_space<vmem>> -> memref<200xi32, #tpu.memory_space<vmem>>
      %dma_wait3A_487 = tpu.memref_slice %arg11[%add3A_442] : memref<320000xi32, #tpu.memory_space<hbm>> -> memref<200xi32, #tpu.memory_space<hbm>>
      tpu.wait_dma2 semaphore(%arg19 : memref<!tpu.dma_semaphore, #tpu.memory_space<semaphore_mem>>) src(%dma_wait3A_487 : memref<200xi32, #tpu.memory_space<hbm>>) dst(%dma_wait3A_486 : memref<200xi32, #tpu.memory_space<vmem>>)
      %dma_start3A_488 = arith.constant 0 : i32
      %dma_start3A_489 = arith.constant 0 : i32
      %dma_start3A_490 = arith.constant 0 : i32
      %dma_start3A_491 = arith.constant 0 : i32
      %dma_start3A_492 = tpu.memref_slice %arg16[%dma_start3A_489, %dma_start3A_490, %dma_start3A_491] : memref<5x200x32xf32, #tpu.memory_space<vmem>> -> memref<1x200x32xf32, #tpu.memory_space<vmem>>
      %dma_start3A_493 = tpu.memref_squeeze %dma_start3A_492 : memref<1x200x32xf32, #tpu.memory_space<vmem>> -> memref<200x32xf32, #tpu.memory_space<vmem>>
      %dma_start3A_494 = arith.constant 0 : i32
      %dma_start3A_495 = tpu.memref_slice %arg14[%dma_start3A_488, %dma_start3A_494] : memref<5x200xi32, #tpu.memory_space<vmem>> -> memref<1x200xi32, #tpu.memory_space<vmem>>
      %dma_start3A_496 = tpu.memref_squeeze %dma_start3A_495 : memref<1x200xi32, #tpu.memory_space<vmem>> -> memref<200xi32, #tpu.memory_space<vmem>>
      %dma_start3A_497 = arith.constant 0 : i32
      %dma_start3A_498 = arith.constant 0 : i32
      %dma_start3A_499 = tpu.memref_slice %arg2[%dma_start3A_497, %dma_start3A_498] : memref<10000x32xf32, #tpu.memory_space<hbm>> -> memref<10000x32xf32, #tpu.memory_space<hbm>>
      tpu.enqueue_indirect_dma source(%dma_start3A_499 : memref<10000x32xf32, #tpu.memory_space<hbm>>) target(%dma_start3A_493 : memref<200x32xf32, #tpu.memory_space<vmem>>) offsets(%dma_start3A_496 : memref<200xi32, #tpu.memory_space<vmem>>) semaphore(%arg21 : memref<!tpu.dma_semaphore, #tpu.memory_space<semaphore_mem>>)
      %dma_start3A_500 = arith.constant 1 : i32
      %dma_start3A_501 = arith.constant 1 : i32
      %dma_start3A_502 = arith.constant 0 : i32
      %dma_start3A_503 = arith.constant 0 : i32
      %dma_start3A_504 = tpu.memref_slice %arg16[%dma_start3A_501, %dma_start3A_502, %dma_start3A_503] : memref<5x200x32xf32, #tpu.memory_space<vmem>> -> memref<1x200x32xf32, #tpu.memory_space<vmem>>
      %dma_start3A_505 = tpu.memref_squeeze %dma_start3A_504 : memref<1x200x32xf32, #tpu.memory_space<vmem>> -> memref<200x32xf32, #tpu.memory_space<vmem>>
      %dma_start3A_506 = arith.constant 0 : i32
      %dma_start3A_507 = tpu.memref_slice %arg14[%dma_start3A_500, %dma_start3A_506] : memref<5x200xi32, #tpu.memory_space<vmem>> -> memref<1x200xi32, #tpu.memory_space<vmem>>
      %dma_start3A_508 = tpu.memref_squeeze %dma_start3A_507 : memref<1x200xi32, #tpu.memory_space<vmem>> -> memref<200xi32, #tpu.memory_space<vmem>>
      %dma_start3A_509 = arith.constant 0 : i32
      %dma_start3A_510 = arith.constant 0 : i32
      %dma_start3A_511 = tpu.memref_slice %arg3[%dma_start3A_509, %dma_start3A_510] : memref<10000x32xf32, #tpu.memory_space<hbm>> -> memref<10000x32xf32, #tpu.memory_space<hbm>>
      tpu.enqueue_indirect_dma source(%dma_start3A_511 : memref<10000x32xf32, #tpu.memory_space<hbm>>) target(%dma_start3A_505 : memref<200x32xf32, #tpu.memory_space<vmem>>) offsets(%dma_start3A_508 : memref<200xi32, #tpu.memory_space<vmem>>) semaphore(%arg21 : memref<!tpu.dma_semaphore, #tpu.memory_space<semaphore_mem>>)
      %dma_start3A_512 = arith.constant 2 : i32
      %dma_start3A_513 = arith.constant 2 : i32
      %dma_start3A_514 = arith.constant 0 : i32
      %dma_start3A_515 = arith.constant 0 : i32
      %dma_start3A_516 = tpu.memref_slice %arg16[%dma_start3A_513, %dma_start3A_514, %dma_start3A_515] : memref<5x200x32xf32, #tpu.memory_space<vmem>> -> memref<1x200x32xf32, #tpu.memory_space<vmem>>
      %dma_start3A_517 = tpu.memref_squeeze %dma_start3A_516 : memref<1x200x32xf32, #tpu.memory_space<vmem>> -> memref<200x32xf32, #tpu.memory_space<vmem>>
      %dma_start3A_518 = arith.constant 0 : i32
      %dma_start3A_519 = tpu.memref_slice %arg14[%dma_start3A_512, %dma_start3A_518] : memref<5x200xi32, #tpu.memory_space<vmem>> -> memref<1x200xi32, #tpu.memory_space<vmem>>
      %dma_start3A_520 = tpu.memref_squeeze %dma_start3A_519 : memref<1x200xi32, #tpu.memory_space<vmem>> -> memref<200xi32, #tpu.memory_space<vmem>>
      %dma_start3A_521 = arith.constant 0 : i32
      %dma_start3A_522 = arith.constant 0 : i32
      %dma_start3A_523 = tpu.memref_slice %arg4[%dma_start3A_521, %dma_start3A_522] : memref<10000x32xf32, #tpu.memory_space<hbm>> -> memref<10000x32xf32, #tpu.memory_space<hbm>>
      tpu.enqueue_indirect_dma source(%dma_start3A_523 : memref<10000x32xf32, #tpu.memory_space<hbm>>) target(%dma_start3A_517 : memref<200x32xf32, #tpu.memory_space<vmem>>) offsets(%dma_start3A_520 : memref<200xi32, #tpu.memory_space<vmem>>) semaphore(%arg21 : memref<!tpu.dma_semaphore, #tpu.memory_space<semaphore_mem>>)
      %dma_start3A_524 = arith.constant 3 : i32
      %dma_start3A_525 = arith.constant 3 : i32
      %dma_start3A_526 = arith.constant 0 : i32
      %dma_start3A_527 = arith.constant 0 : i32
      %dma_start3A_528 = tpu.memref_slice %arg16[%dma_start3A_525, %dma_start3A_526, %dma_start3A_527] : memref<5x200x32xf32, #tpu.memory_space<vmem>> -> memref<1x200x32xf32, #tpu.memory_space<vmem>>
      %dma_start3A_529 = tpu.memref_squeeze %dma_start3A_528 : memref<1x200x32xf32, #tpu.memory_space<vmem>> -> memref<200x32xf32, #tpu.memory_space<vmem>>
      %dma_start3A_530 = arith.constant 0 : i32
      %dma_start3A_531 = tpu.memref_slice %arg14[%dma_start3A_524, %dma_start3A_530] : memref<5x200xi32, #tpu.memory_space<vmem>> -> memref<1x200xi32, #tpu.memory_space<vmem>>
      %dma_start3A_532 = tpu.memref_squeeze %dma_start3A_531 : memref<1x200xi32, #tpu.memory_space<vmem>> -> memref<200xi32, #tpu.memory_space<vmem>>
      %dma_start3A_533 = arith.constant 0 : i32
      %dma_start3A_534 = arith.constant 0 : i32
      %dma_start3A_535 = tpu.memref_slice %arg5[%dma_start3A_533, %dma_start3A_534] : memref<320000x32xf32, #tpu.memory_space<hbm>> -> memref<320000x32xf32, #tpu.memory_space<hbm>>
      tpu.enqueue_indirect_dma source(%dma_start3A_535 : memref<320000x32xf32, #tpu.memory_space<hbm>>) target(%dma_start3A_529 : memref<200x32xf32, #tpu.memory_space<vmem>>) offsets(%dma_start3A_532 : memref<200xi32, #tpu.memory_space<vmem>>) semaphore(%arg21 : memref<!tpu.dma_semaphore, #tpu.memory_space<semaphore_mem>>)
      %dma_start3A_536 = arith.constant 4 : i32
      %dma_start3A_537 = arith.constant 4 : i32
      %dma_start3A_538 = arith.constant 0 : i32
      %dma_start3A_539 = arith.constant 0 : i32
      %dma_start3A_540 = tpu.memref_slice %arg16[%dma_start3A_537, %dma_start3A_538, %dma_start3A_539] : memref<5x200x32xf32, #tpu.memory_space<vmem>> -> memref<1x200x32xf32, #tpu.memory_space<vmem>>
      %dma_start3A_541 = tpu.memref_squeeze %dma_start3A_540 : memref<1x200x32xf32, #tpu.memory_space<vmem>> -> memref<200x32xf32, #tpu.memory_space<vmem>>
      %dma_start3A_542 = arith.constant 0 : i32
      %dma_start3A_543 = tpu.memref_slice %arg14[%dma_start3A_536, %dma_start3A_542] : memref<5x200xi32, #tpu.memory_space<vmem>> -> memref<1x200xi32, #tpu.memory_space<vmem>>
      %dma_start3A_544 = tpu.memref_squeeze %dma_start3A_543 : memref<1x200xi32, #tpu.memory_space<vmem>> -> memref<200xi32, #tpu.memory_space<vmem>>
      %dma_start3A_545 = arith.constant 0 : i32
      %dma_start3A_546 = arith.constant 0 : i32
      %dma_start3A_547 = tpu.memref_slice %arg6[%dma_start3A_545, %dma_start3A_546] : memref<320000x32xf32, #tpu.memory_space<hbm>> -> memref<320000x32xf32, #tpu.memory_space<hbm>>
      tpu.enqueue_indirect_dma source(%dma_start3A_547 : memref<320000x32xf32, #tpu.memory_space<hbm>>) target(%dma_start3A_541 : memref<200x32xf32, #tpu.memory_space<vmem>>) offsets(%dma_start3A_544 : memref<200xi32, #tpu.memory_space<vmem>>) semaphore(%arg21 : memref<!tpu.dma_semaphore, #tpu.memory_space<semaphore_mem>>)
      %scan3A_548 = arith.constant 0 : i32
      %scan3A_549 = arith.constant 0 : i32
      %scan3A_550 = arith.constant 200 : i32
      %scan3A_551 = arith.addi %scan3A_549, %scan3A_550 : i32
      %scan3A_552 = arith.constant 1 : i32
      scf.for %scan3A_796 = %scan3A_549 to %scan3A_551 step %scan3A_552  : i32 {
        %get3A = arith.constant 0 : i32
        %get3A_797 = arith.index_cast %get3A : i32 to index
        %get3A_798 = arith.index_cast %scan3A_796 : i32 to index
        %get3A_799 = arith.constant 0 : index
        %get3A_800 = tpu.vector_load %arg15[%get3A_797, %get3A_798, %get3A_799] {strides = array<i32>} : memref<5x200x32xf32, #tpu.memory_space<vmem>>, vector<1x1x16xf32>,
        %get3A_801 = vector.shape_cast %get3A_800 : vector<1x1x16xf32> to vector<16xf32>
        %get3A_802 = arith.constant 1 : i32
        %get3A_803 = arith.index_cast %get3A_802 : i32 to index
        %get3A_804 = arith.index_cast %scan3A_796 : i32 to index
        %get3A_805 = arith.constant 0 : index
        %get3A_806 = tpu.vector_load %arg15[%get3A_803, %get3A_804, %get3A_805] {strides = array<i32>} : memref<5x200x32xf32, #tpu.memory_space<vmem>>, vector<1x1x16xf32>,
        %get3A_807 = vector.shape_cast %get3A_806 : vector<1x1x16xf32> to vector<16xf32>
        %add3A_808 = arith.addf %get3A_801, %get3A_807 : vector<16xf32>
        %get3A_809 = arith.constant 2 : i32
        %get3A_810 = arith.index_cast %get3A_809 : i32 to index
        %get3A_811 = arith.index_cast %scan3A_796 : i32 to index
        %get3A_812 = arith.constant 0 : index
        %get3A_813 = tpu.vector_load %arg15[%get3A_810, %get3A_811, %get3A_812] {strides = array<i32>} : memref<5x200x32xf32, #tpu.memory_space<vmem>>, vector<1x1x16xf32>,
        %get3A_814 = vector.shape_cast %get3A_813 : vector<1x1x16xf32> to vector<16xf32>
        %add3A_815 = arith.addf %add3A_808, %get3A_814 : vector<16xf32>
        %get3A_816 = arith.constant 3 : i32
        %get3A_817 = arith.index_cast %get3A_816 : i32 to index
        %get3A_818 = arith.index_cast %scan3A_796 : i32 to index
        %get3A_819 = arith.constant 0 : index
        %get3A_820 = tpu.vector_load %arg15[%get3A_817, %get3A_818, %get3A_819] {strides = array<i32>} : memref<5x200x32xf32, #tpu.memory_space<vmem>>, vector<1x1x16xf32>,
        %get3A_821 = vector.shape_cast %get3A_820 : vector<1x1x16xf32> to vector<16xf32>
        %add3A_822 = arith.addf %add3A_815, %get3A_821 : vector<16xf32>
        %get3A_823 = arith.constant 4 : i32
        %get3A_824 = arith.index_cast %get3A_823 : i32 to index
        %get3A_825 = arith.index_cast %scan3A_796 : i32 to index
        %get3A_826 = arith.constant 0 : index
        %get3A_827 = tpu.vector_load %arg15[%get3A_824, %get3A_825, %get3A_826] {strides = array<i32>} : memref<5x200x32xf32, #tpu.memory_space<vmem>>, vector<1x1x16xf32>,
        %get3A_828 = vector.shape_cast %get3A_827 : vector<1x1x16xf32> to vector<16xf32>
        %add3A_829 = arith.addf %add3A_822, %get3A_828 : vector<16xf32>
        %swap3A = arith.index_cast %scan3A_796 : i32 to index
        %swap3A_830 = arith.constant 0 : index
        %swap3A_831 = tpu.vector_load %arg17[%swap3A, %swap3A_830] {strides = array<i32>} : memref<200x32xf32, #tpu.memory_space<vmem>>, vector<1x16xf32>,
        %swap3A_832 = vector.shape_cast %swap3A_831 : vector<1x16xf32> to vector<16xf32>
        %swap3A_833 = vector.shape_cast %add3A_829 : vector<16xf32> to vector<1x16xf32>
        tpu.vector_store %arg17[%swap3A, %swap3A_830], %swap3A_833 {strides = array<i32>} : memref<200x32xf32, #tpu.memory_space<vmem>>, vector<1x16xf32>,
        %get3A_834 = arith.constant 0 : i32
        %get3A_835 = arith.index_cast %get3A_834 : i32 to index
        %get3A_836 = arith.index_cast %scan3A_796 : i32 to index
        %get3A_837 = arith.constant 16 : index
        %get3A_838 = tpu.vector_load %arg15[%get3A_835, %get3A_836, %get3A_837] {strides = array<i32>} : memref<5x200x32xf32, #tpu.memory_space<vmem>>, vector<1x1x16xf32>,
        %get3A_839 = vector.shape_cast %get3A_838 : vector<1x1x16xf32> to vector<16xf32>
        %get3A_840 = arith.constant 1 : i32
        %get3A_841 = arith.index_cast %get3A_840 : i32 to index
        %get3A_842 = arith.index_cast %scan3A_796 : i32 to index
        %get3A_843 = arith.constant 16 : index
        %get3A_844 = tpu.vector_load %arg15[%get3A_841, %get3A_842, %get3A_843] {strides = array<i32>} : memref<5x200x32xf32, #tpu.memory_space<vmem>>, vector<1x1x16xf32>,
        %get3A_845 = vector.shape_cast %get3A_844 : vector<1x1x16xf32> to vector<16xf32>
        %add3A_846 = arith.addf %get3A_839, %get3A_845 : vector<16xf32>
        %get3A_847 = arith.constant 2 : i32
        %get3A_848 = arith.index_cast %get3A_847 : i32 to index
        %get3A_849 = arith.index_cast %scan3A_796 : i32 to index
        %get3A_850 = arith.constant 16 : index
        %get3A_851 = tpu.vector_load %arg15[%get3A_848, %get3A_849, %get3A_850] {strides = array<i32>} : memref<5x200x32xf32, #tpu.memory_space<vmem>>, vector<1x1x16xf32>,
        %get3A_852 = vector.shape_cast %get3A_851 : vector<1x1x16xf32> to vector<16xf32>
        %add3A_853 = arith.addf %add3A_846, %get3A_852 : vector<16xf32>
        %get3A_854 = arith.constant 3 : i32
        %get3A_855 = arith.index_cast %get3A_854 : i32 to index
        %get3A_856 = arith.index_cast %scan3A_796 : i32 to index
        %get3A_857 = arith.constant 16 : index
        %get3A_858 = tpu.vector_load %arg15[%get3A_855, %get3A_856, %get3A_857] {strides = array<i32>} : memref<5x200x32xf32, #tpu.memory_space<vmem>>, vector<1x1x16xf32>,
        %get3A_859 = vector.shape_cast %get3A_858 : vector<1x1x16xf32> to vector<16xf32>
        %add3A_860 = arith.addf %add3A_853, %get3A_859 : vector<16xf32>
        %get3A_861 = arith.constant 4 : i32
        %get3A_862 = arith.index_cast %get3A_861 : i32 to index
        %get3A_863 = arith.index_cast %scan3A_796 : i32 to index
        %get3A_864 = arith.constant 16 : index
        %get3A_865 = tpu.vector_load %arg15[%get3A_862, %get3A_863, %get3A_864] {strides = array<i32>} : memref<5x200x32xf32, #tpu.memory_space<vmem>>, vector<1x1x16xf32>,
        %get3A_866 = vector.shape_cast %get3A_865 : vector<1x1x16xf32> to vector<16xf32>
        %add3A_867 = arith.addf %add3A_860, %get3A_866 : vector<16xf32>
        %swap3A_868 = arith.index_cast %scan3A_796 : i32 to index
        %swap3A_869 = arith.constant 16 : index
        %swap3A_870 = tpu.vector_load %arg17[%swap3A_868, %swap3A_869] {strides = array<i32>} : memref<200x32xf32, #tpu.memory_space<vmem>>, vector<1x16xf32>,
        %swap3A_871 = vector.shape_cast %swap3A_870 : vector<1x16xf32> to vector<16xf32>
        %swap3A_872 = vector.shape_cast %add3A_867 : vector<16xf32> to vector<1x16xf32>
        tpu.vector_store %arg17[%swap3A_868, %swap3A_869], %swap3A_872 {strides = array<i32>} : memref<200x32xf32, #tpu.memory_space<vmem>>, vector<1x16xf32>,
      }
      %scan3A_553 = arith.constant 200 : i32
      %mul3A_554 = arith.constant 10000 : i32
      %mul3A_555 = arith.muli %add3A, %mul3A_554 : i32
      %mul3A_556 = arith.constant 200 : i32
      %mul3A_557 = arith.muli %mul3A_322, %mul3A_556 : i32
      %add3A_558 = arith.addi %mul3A_555, %mul3A_557 : i32
      "tpu.region"() ({
        %run_scoped3A = tpu.sem_alloc : memref<!tpu.dma_semaphore, #tpu.memory_space<semaphore_mem>>
        %dma_start3A_796 = arith.constant 0 : i32
        %dma_start3A_797 = tpu.memref_slice %arg12[%add3A_558, %dma_start3A_796] : memref<320000x32xf32, #tpu.memory_space<hbm>> -> memref<200x32xf32, #tpu.memory_space<hbm>>
        %dma_start3A_798 = arith.constant 0 : i32
        %dma_start3A_799 = tpu.memref_slice %arg12[%add3A_558, %dma_start3A_798] : memref<320000x32xf32, #tpu.memory_space<hbm>> -> memref<200x32xf32, #tpu.memory_space<hbm>>
        tpu.enqueue_dma source(%arg17 : memref<200x32xf32, #tpu.memory_space<vmem>>) target(%dma_start3A_799 : memref<200x32xf32, #tpu.memory_space<hbm>>) target_semaphore(%run_scoped3A : memref<!tpu.dma_semaphore, #tpu.memory_space<semaphore_mem>>)
        %dma_wait3A_800 = arith.constant 0 : i32
        %dma_wait3A_801 = tpu.memref_slice %arg12[%add3A_558, %dma_wait3A_800] : memref<320000x32xf32, #tpu.memory_space<hbm>> -> memref<200x32xf32, #tpu.memory_space<hbm>>
        %dma_wait3A_802 = arith.constant 0 : i32
        %dma_wait3A_803 = tpu.memref_slice %arg12[%add3A_558, %dma_wait3A_802] : memref<320000x32xf32, #tpu.memory_space<hbm>> -> memref<200x32xf32, #tpu.memory_space<hbm>>
        tpu.wait_dma2 semaphore(%run_scoped3A : memref<!tpu.dma_semaphore, #tpu.memory_space<semaphore_mem>>) src(%arg17 : memref<200x32xf32, #tpu.memory_space<vmem>>) dst(%dma_wait3A_803 : memref<200x32xf32, #tpu.memory_space<hbm>>)
        tpu.yield
      }) : () -> ()
      %mul3A_559 = arith.constant 10000 : i32
      %mul3A_560 = arith.muli %add3A, %mul3A_559 : i32
      %mul3A_561 = arith.constant 200 : i32
      %mul3A_562 = arith.muli %min3A_385, %mul3A_561 : i32
      %add3A_563 = arith.addi %mul3A_560, %mul3A_562 : i32
      %dma_wait3A_564 = arith.constant 0 : i32
      %dma_wait3A_565 = arith.constant 0 : i32
      %dma_wait3A_566 = tpu.memref_slice %arg13[%dma_wait3A_564, %dma_wait3A_565] : memref<5x200xi32, #tpu.memory_space<vmem>> -> memref<1x200xi32, #tpu.memory_space<vmem>>
      %dma_wait3A_567 = tpu.memref_squeeze %dma_wait3A_566 : memref<1x200xi32, #tpu.memory_space<vmem>> -> memref<200xi32, #tpu.memory_space<vmem>>
      %dma_wait3A_568 = tpu.memref_slice %arg7[%add3A_563] : memref<320000xi32, #tpu.memory_space<hbm>> -> memref<200xi32, #tpu.memory_space<hbm>>
      %dma_wait3A_569 = arith.constant 0 : i32
      %dma_wait3A_570 = tpu.memref_slice %arg13[%dma_wait3A_564, %dma_wait3A_569] : memref<5x200xi32, #tpu.memory_space<vmem>> -> memref<1x200xi32, #tpu.memory_space<vmem>>
      %dma_wait3A_571 = tpu.memref_squeeze %dma_wait3A_570 : memref<1x200xi32, #tpu.memory_space<vmem>> -> memref<200xi32, #tpu.memory_space<vmem>>
      %dma_wait3A_572 = tpu.memref_slice %arg7[%add3A_563] : memref<320000xi32, #tpu.memory_space<hbm>> -> memref<200xi32, #tpu.memory_space<hbm>>
      tpu.wait_dma2 semaphore(%arg18 : memref<!tpu.dma_semaphore, #tpu.memory_space<semaphore_mem>>) src(%dma_wait3A_572 : memref<200xi32, #tpu.memory_space<hbm>>) dst(%dma_wait3A_571 : memref<200xi32, #tpu.memory_space<vmem>>)
      %dma_wait3A_573 = arith.constant 1 : i32
      %dma_wait3A_574 = arith.constant 0 : i32
      %dma_wait3A_575 = tpu.memref_slice %arg13[%dma_wait3A_573, %dma_wait3A_574] : memref<5x200xi32, #tpu.memory_space<vmem>> -> memref<1x200xi32, #tpu.memory_space<vmem>>
      %dma_wait3A_576 = tpu.memref_squeeze %dma_wait3A_575 : memref<1x200xi32, #tpu.memory_space<vmem>> -> memref<200xi32, #tpu.memory_space<vmem>>
      %dma_wait3A_577 = tpu.memref_slice %arg8[%add3A_563] : memref<320000xi32, #tpu.memory_space<hbm>> -> memref<200xi32, #tpu.memory_space<hbm>>
      %dma_wait3A_578 = arith.constant 0 : i32
      %dma_wait3A_579 = tpu.memref_slice %arg13[%dma_wait3A_573, %dma_wait3A_578] : memref<5x200xi32, #tpu.memory_space<vmem>> -> memref<1x200xi32, #tpu.memory_space<vmem>>
      %dma_wait3A_580 = tpu.memref_squeeze %dma_wait3A_579 : memref<1x200xi32, #tpu.memory_space<vmem>> -> memref<200xi32, #tpu.memory_space<vmem>>
      %dma_wait3A_581 = tpu.memref_slice %arg8[%add3A_563] : memref<320000xi32, #tpu.memory_space<hbm>> -> memref<200xi32, #tpu.memory_space<hbm>>
      tpu.wait_dma2 semaphore(%arg18 : memref<!tpu.dma_semaphore, #tpu.memory_space<semaphore_mem>>) src(%dma_wait3A_581 : memref<200xi32, #tpu.memory_space<hbm>>) dst(%dma_wait3A_580 : memref<200xi32, #tpu.memory_space<vmem>>)
      %dma_wait3A_582 = arith.constant 2 : i32
      %dma_wait3A_583 = arith.constant 0 : i32
      %dma_wait3A_584 = tpu.memref_slice %arg13[%dma_wait3A_582, %dma_wait3A_583] : memref<5x200xi32, #tpu.memory_space<vmem>> -> memref<1x200xi32, #tpu.memory_space<vmem>>
      %dma_wait3A_585 = tpu.memref_squeeze %dma_wait3A_584 : memref<1x200xi32, #tpu.memory_space<vmem>> -> memref<200xi32, #tpu.memory_space<vmem>>
      %dma_wait3A_586 = tpu.memref_slice %arg9[%add3A_563] : memref<320000xi32, #tpu.memory_space<hbm>> -> memref<200xi32, #tpu.memory_space<hbm>>
      %dma_wait3A_587 = arith.constant 0 : i32
      %dma_wait3A_588 = tpu.memref_slice %arg13[%dma_wait3A_582, %dma_wait3A_587] : memref<5x200xi32, #tpu.memory_space<vmem>> -> memref<1x200xi32, #tpu.memory_space<vmem>>
      %dma_wait3A_589 = tpu.memref_squeeze %dma_wait3A_588 : memref<1x200xi32, #tpu.memory_space<vmem>> -> memref<200xi32, #tpu.memory_space<vmem>>
      %dma_wait3A_590 = tpu.memref_slice %arg9[%add3A_563] : memref<320000xi32, #tpu.memory_space<hbm>> -> memref<200xi32, #tpu.memory_space<hbm>>
      tpu.wait_dma2 semaphore(%arg18 : memref<!tpu.dma_semaphore, #tpu.memory_space<semaphore_mem>>) src(%dma_wait3A_590 : memref<200xi32, #tpu.memory_space<hbm>>) dst(%dma_wait3A_589 : memref<200xi32, #tpu.memory_space<vmem>>)
      %dma_wait3A_591 = arith.constant 3 : i32
      %dma_wait3A_592 = arith.constant 0 : i32
      %dma_wait3A_593 = tpu.memref_slice %arg13[%dma_wait3A_591, %dma_wait3A_592] : memref<5x200xi32, #tpu.memory_space<vmem>> -> memref<1x200xi32, #tpu.memory_space<vmem>>
      %dma_wait3A_594 = tpu.memref_squeeze %dma_wait3A_593 : memref<1x200xi32, #tpu.memory_space<vmem>> -> memref<200xi32, #tpu.memory_space<vmem>>
      %dma_wait3A_595 = tpu.memref_slice %arg10[%add3A_563] : memref<320000xi32, #tpu.memory_space<hbm>> -> memref<200xi32, #tpu.memory_space<hbm>>
      %dma_wait3A_596 = arith.constant 0 : i32
      %dma_wait3A_597 = tpu.memref_slice %arg13[%dma_wait3A_591, %dma_wait3A_596] : memref<5x200xi32, #tpu.memory_space<vmem>> -> memref<1x200xi32, #tpu.memory_space<vmem>>
      %dma_wait3A_598 = tpu.memref_squeeze %dma_wait3A_597 : memref<1x200xi32, #tpu.memory_space<vmem>> -> memref<200xi32, #tpu.memory_space<vmem>>
      %dma_wait3A_599 = tpu.memref_slice %arg10[%add3A_563] : memref<320000xi32, #tpu.memory_space<hbm>> -> memref<200xi32, #tpu.memory_space<hbm>>
      tpu.wait_dma2 semaphore(%arg18 : memref<!tpu.dma_semaphore, #tpu.memory_space<semaphore_mem>>) src(%dma_wait3A_599 : memref<200xi32, #tpu.memory_space<hbm>>) dst(%dma_wait3A_598 : memref<200xi32, #tpu.memory_space<vmem>>)
      %dma_wait3A_600 = arith.constant 4 : i32
      %dma_wait3A_601 = arith.constant 0 : i32
      %dma_wait3A_602 = tpu.memref_slice %arg13[%dma_wait3A_600, %dma_wait3A_601] : memref<5x200xi32, #tpu.memory_space<vmem>> -> memref<1x200xi32, #tpu.memory_space<vmem>>
      %dma_wait3A_603 = tpu.memref_squeeze %dma_wait3A_602 : memref<1x200xi32, #tpu.memory_space<vmem>> -> memref<200xi32, #tpu.memory_space<vmem>>
      %dma_wait3A_604 = tpu.memref_slice %arg11[%add3A_563] : memref<320000xi32, #tpu.memory_space<hbm>> -> memref<200xi32, #tpu.memory_space<hbm>>
      %dma_wait3A_605 = arith.constant 0 : i32
      %dma_wait3A_606 = tpu.memref_slice %arg13[%dma_wait3A_600, %dma_wait3A_605] : memref<5x200xi32, #tpu.memory_space<vmem>> -> memref<1x200xi32, #tpu.memory_space<vmem>>
      %dma_wait3A_607 = tpu.memref_squeeze %dma_wait3A_606 : memref<1x200xi32, #tpu.memory_space<vmem>> -> memref<200xi32, #tpu.memory_space<vmem>>
      %dma_wait3A_608 = tpu.memref_slice %arg11[%add3A_563] : memref<320000xi32, #tpu.memory_space<hbm>> -> memref<200xi32, #tpu.memory_space<hbm>>
      tpu.wait_dma2 semaphore(%arg18 : memref<!tpu.dma_semaphore, #tpu.memory_space<semaphore_mem>>) src(%dma_wait3A_608 : memref<200xi32, #tpu.memory_space<hbm>>) dst(%dma_wait3A_607 : memref<200xi32, #tpu.memory_space<vmem>>)
      %dma_start3A_609 = arith.constant 0 : i32
      %dma_start3A_610 = arith.constant 0 : i32
      %dma_start3A_611 = arith.constant 0 : i32
      %dma_start3A_612 = arith.constant 0 : i32
      %dma_start3A_613 = tpu.memref_slice %arg15[%dma_start3A_610, %dma_start3A_611, %dma_start3A_612] : memref<5x200x32xf32, #tpu.memory_space<vmem>> -> memref<1x200x32xf32, #tpu.memory_space<vmem>>
      %dma_start3A_614 = tpu.memref_squeeze %dma_start3A_613 : memref<1x200x32xf32, #tpu.memory_space<vmem>> -> memref<200x32xf32, #tpu.memory_space<vmem>>
      %dma_start3A_615 = arith.constant 0 : i32
      %dma_start3A_616 = tpu.memref_slice %arg13[%dma_start3A_609, %dma_start3A_615] : memref<5x200xi32, #tpu.memory_space<vmem>> -> memref<1x200xi32, #tpu.memory_space<vmem>>
      %dma_start3A_617 = tpu.memref_squeeze %dma_start3A_616 : memref<1x200xi32, #tpu.memory_space<vmem>> -> memref<200xi32, #tpu.memory_space<vmem>>
      %dma_start3A_618 = arith.constant 0 : i32
      %dma_start3A_619 = arith.constant 0 : i32
      %dma_start3A_620 = tpu.memref_slice %arg2[%dma_start3A_618, %dma_start3A_619] : memref<10000x32xf32, #tpu.memory_space<hbm>> -> memref<10000x32xf32, #tpu.memory_space<hbm>>
      tpu.enqueue_indirect_dma source(%dma_start3A_620 : memref<10000x32xf32, #tpu.memory_space<hbm>>) target(%dma_start3A_614 : memref<200x32xf32, #tpu.memory_space<vmem>>) offsets(%dma_start3A_617 : memref<200xi32, #tpu.memory_space<vmem>>) semaphore(%arg20 : memref<!tpu.dma_semaphore, #tpu.memory_space<semaphore_mem>>)
      %dma_start3A_621 = arith.constant 1 : i32
      %dma_start3A_622 = arith.constant 1 : i32
      %dma_start3A_623 = arith.constant 0 : i32
      %dma_start3A_624 = arith.constant 0 : i32
      %dma_start3A_625 = tpu.memref_slice %arg15[%dma_start3A_622, %dma_start3A_623, %dma_start3A_624] : memref<5x200x32xf32, #tpu.memory_space<vmem>> -> memref<1x200x32xf32, #tpu.memory_space<vmem>>
      %dma_start3A_626 = tpu.memref_squeeze %dma_start3A_625 : memref<1x200x32xf32, #tpu.memory_space<vmem>> -> memref<200x32xf32, #tpu.memory_space<vmem>>
      %dma_start3A_627 = arith.constant 0 : i32
      %dma_start3A_628 = tpu.memref_slice %arg13[%dma_start3A_621, %dma_start3A_627] : memref<5x200xi32, #tpu.memory_space<vmem>> -> memref<1x200xi32, #tpu.memory_space<vmem>>
      %dma_start3A_629 = tpu.memref_squeeze %dma_start3A_628 : memref<1x200xi32, #tpu.memory_space<vmem>> -> memref<200xi32, #tpu.memory_space<vmem>>
      %dma_start3A_630 = arith.constant 0 : i32
      %dma_start3A_631 = arith.constant 0 : i32
      %dma_start3A_632 = tpu.memref_slice %arg3[%dma_start3A_630, %dma_start3A_631] : memref<10000x32xf32, #tpu.memory_space<hbm>> -> memref<10000x32xf32, #tpu.memory_space<hbm>>
      tpu.enqueue_indirect_dma source(%dma_start3A_632 : memref<10000x32xf32, #tpu.memory_space<hbm>>) target(%dma_start3A_626 : memref<200x32xf32, #tpu.memory_space<vmem>>) offsets(%dma_start3A_629 : memref<200xi32, #tpu.memory_space<vmem>>) semaphore(%arg20 : memref<!tpu.dma_semaphore, #tpu.memory_space<semaphore_mem>>)
      %dma_start3A_633 = arith.constant 2 : i32
      %dma_start3A_634 = arith.constant 2 : i32
      %dma_start3A_635 = arith.constant 0 : i32
      %dma_start3A_636 = arith.constant 0 : i32
      %dma_start3A_637 = tpu.memref_slice %arg15[%dma_start3A_634, %dma_start3A_635, %dma_start3A_636] : memref<5x200x32xf32, #tpu.memory_space<vmem>> -> memref<1x200x32xf32, #tpu.memory_space<vmem>>
      %dma_start3A_638 = tpu.memref_squeeze %dma_start3A_637 : memref<1x200x32xf32, #tpu.memory_space<vmem>> -> memref<200x32xf32, #tpu.memory_space<vmem>>
      %dma_start3A_639 = arith.constant 0 : i32
      %dma_start3A_640 = tpu.memref_slice %arg13[%dma_start3A_633, %dma_start3A_639] : memref<5x200xi32, #tpu.memory_space<vmem>> -> memref<1x200xi32, #tpu.memory_space<vmem>>
      %dma_start3A_641 = tpu.memref_squeeze %dma_start3A_640 : memref<1x200xi32, #tpu.memory_space<vmem>> -> memref<200xi32, #tpu.memory_space<vmem>>
      %dma_start3A_642 = arith.constant 0 : i32
      %dma_start3A_643 = arith.constant 0 : i32
      %dma_start3A_644 = tpu.memref_slice %arg4[%dma_start3A_642, %dma_start3A_643] : memref<10000x32xf32, #tpu.memory_space<hbm>> -> memref<10000x32xf32, #tpu.memory_space<hbm>>
      tpu.enqueue_indirect_dma source(%dma_start3A_644 : memref<10000x32xf32, #tpu.memory_space<hbm>>) target(%dma_start3A_638 : memref<200x32xf32, #tpu.memory_space<vmem>>) offsets(%dma_start3A_641 : memref<200xi32, #tpu.memory_space<vmem>>) semaphore(%arg20 : memref<!tpu.dma_semaphore, #tpu.memory_space<semaphore_mem>>)
      %dma_start3A_645 = arith.constant 3 : i32
      %dma_start3A_646 = arith.constant 3 : i32
      %dma_start3A_647 = arith.constant 0 : i32
      %dma_start3A_648 = arith.constant 0 : i32
      %dma_start3A_649 = tpu.memref_slice %arg15[%dma_start3A_646, %dma_start3A_647, %dma_start3A_648] : memref<5x200x32xf32, #tpu.memory_space<vmem>> -> memref<1x200x32xf32, #tpu.memory_space<vmem>>
      %dma_start3A_650 = tpu.memref_squeeze %dma_start3A_649 : memref<1x200x32xf32, #tpu.memory_space<vmem>> -> memref<200x32xf32, #tpu.memory_space<vmem>>
      %dma_start3A_651 = arith.constant 0 : i32
      %dma_start3A_652 = tpu.memref_slice %arg13[%dma_start3A_645, %dma_start3A_651] : memref<5x200xi32, #tpu.memory_space<vmem>> -> memref<1x200xi32, #tpu.memory_space<vmem>>
      %dma_start3A_653 = tpu.memref_squeeze %dma_start3A_652 : memref<1x200xi32, #tpu.memory_space<vmem>> -> memref<200xi32, #tpu.memory_space<vmem>>
      %dma_start3A_654 = arith.constant 0 : i32
      %dma_start3A_655 = arith.constant 0 : i32
      %dma_start3A_656 = tpu.memref_slice %arg5[%dma_start3A_654, %dma_start3A_655] : memref<320000x32xf32, #tpu.memory_space<hbm>> -> memref<320000x32xf32, #tpu.memory_space<hbm>>
      tpu.enqueue_indirect_dma source(%dma_start3A_656 : memref<320000x32xf32, #tpu.memory_space<hbm>>) target(%dma_start3A_650 : memref<200x32xf32, #tpu.memory_space<vmem>>) offsets(%dma_start3A_653 : memref<200xi32, #tpu.memory_space<vmem>>) semaphore(%arg20 : memref<!tpu.dma_semaphore, #tpu.memory_space<semaphore_mem>>)
      %dma_start3A_657 = arith.constant 4 : i32
      %dma_start3A_658 = arith.constant 4 : i32
      %dma_start3A_659 = arith.constant 0 : i32
      %dma_start3A_660 = arith.constant 0 : i32
      %dma_start3A_661 = tpu.memref_slice %arg15[%dma_start3A_658, %dma_start3A_659, %dma_start3A_660] : memref<5x200x32xf32, #tpu.memory_space<vmem>> -> memref<1x200x32xf32, #tpu.memory_space<vmem>>
      %dma_start3A_662 = tpu.memref_squeeze %dma_start3A_661 : memref<1x200x32xf32, #tpu.memory_space<vmem>> -> memref<200x32xf32, #tpu.memory_space<vmem>>
      %dma_start3A_663 = arith.constant 0 : i32
      %dma_start3A_664 = tpu.memref_slice %arg13[%dma_start3A_657, %dma_start3A_663] : memref<5x200xi32, #tpu.memory_space<vmem>> -> memref<1x200xi32, #tpu.memory_space<vmem>>
      %dma_start3A_665 = tpu.memref_squeeze %dma_start3A_664 : memref<1x200xi32, #tpu.memory_space<vmem>> -> memref<200xi32, #tpu.memory_space<vmem>>
      %dma_start3A_666 = arith.constant 0 : i32
      %dma_start3A_667 = arith.constant 0 : i32
      %dma_start3A_668 = tpu.memref_slice %arg6[%dma_start3A_666, %dma_start3A_667] : memref<320000x32xf32, #tpu.memory_space<hbm>> -> memref<320000x32xf32, #tpu.memory_space<hbm>>
      tpu.enqueue_indirect_dma source(%dma_start3A_668 : memref<320000x32xf32, #tpu.memory_space<hbm>>) target(%dma_start3A_662 : memref<200x32xf32, #tpu.memory_space<vmem>>) offsets(%dma_start3A_665 : memref<200xi32, #tpu.memory_space<vmem>>) semaphore(%arg20 : memref<!tpu.dma_semaphore, #tpu.memory_space<semaphore_mem>>)
      %dma_wait3A_669 = arith.constant 0 : i32
      %dma_wait3A_670 = arith.constant 0 : i32
      %dma_wait3A_671 = arith.constant 0 : i32
      %dma_wait3A_672 = arith.constant 0 : i32
      %dma_wait3A_673 = tpu.memref_slice %arg16[%dma_wait3A_670, %dma_wait3A_671, %dma_wait3A_672] : memref<5x200x32xf32, #tpu.memory_space<vmem>> -> memref<1x200x32xf32, #tpu.memory_space<vmem>>
      %dma_wait3A_674 = tpu.memref_squeeze %dma_wait3A_673 : memref<1x200x32xf32, #tpu.memory_space<vmem>> -> memref<200x32xf32, #tpu.memory_space<vmem>>
      %dma_wait3A_675 = arith.constant 0 : i32
      %dma_wait3A_676 = tpu.memref_slice %arg14[%dma_wait3A_669, %dma_wait3A_675] : memref<5x200xi32, #tpu.memory_space<vmem>> -> memref<1x200xi32, #tpu.memory_space<vmem>>
      %dma_wait3A_677 = tpu.memref_squeeze %dma_wait3A_676 : memref<1x200xi32, #tpu.memory_space<vmem>> -> memref<200xi32, #tpu.memory_space<vmem>>
      %dma_wait3A_678 = arith.constant 0 : i32
      %dma_wait3A_679 = arith.constant 0 : i32
      %dma_wait3A_680 = tpu.memref_slice %arg2[%dma_wait3A_678, %dma_wait3A_679] : memref<10000x32xf32, #tpu.memory_space<hbm>> -> memref<10000x32xf32, #tpu.memory_space<hbm>>
      tpu.wait_indirect_dma semaphore(%arg21 : memref<!tpu.dma_semaphore, #tpu.memory_space<semaphore_mem>>) src(%dma_wait3A_680 : memref<10000x32xf32, #tpu.memory_space<hbm>>) dst(%dma_wait3A_674 : memref<200x32xf32, #tpu.memory_space<vmem>>)
      %dma_wait3A_681 = arith.constant 1 : i32
      %dma_wait3A_682 = arith.constant 1 : i32
      %dma_wait3A_683 = arith.constant 0 : i32
      %dma_wait3A_684 = arith.constant 0 : i32
      %dma_wait3A_685 = tpu.memref_slice %arg16[%dma_wait3A_682, %dma_wait3A_683, %dma_wait3A_684] : memref<5x200x32xf32, #tpu.memory_space<vmem>> -> memref<1x200x32xf32, #tpu.memory_space<vmem>>
      %dma_wait3A_686 = tpu.memref_squeeze %dma_wait3A_685 : memref<1x200x32xf32, #tpu.memory_space<vmem>> -> memref<200x32xf32, #tpu.memory_space<vmem>>
      %dma_wait3A_687 = arith.constant 0 : i32
      %dma_wait3A_688 = tpu.memref_slice %arg14[%dma_wait3A_681, %dma_wait3A_687] : memref<5x200xi32, #tpu.memory_space<vmem>> -> memref<1x200xi32, #tpu.memory_space<vmem>>
      %dma_wait3A_689 = tpu.memref_squeeze %dma_wait3A_688 : memref<1x200xi32, #tpu.memory_space<vmem>> -> memref<200xi32, #tpu.memory_space<vmem>>
      %dma_wait3A_690 = arith.constant 0 : i32
      %dma_wait3A_691 = arith.constant 0 : i32
      %dma_wait3A_692 = tpu.memref_slice %arg3[%dma_wait3A_690, %dma_wait3A_691] : memref<10000x32xf32, #tpu.memory_space<hbm>> -> memref<10000x32xf32, #tpu.memory_space<hbm>>
      tpu.wait_indirect_dma semaphore(%arg21 : memref<!tpu.dma_semaphore, #tpu.memory_space<semaphore_mem>>) src(%dma_wait3A_692 : memref<10000x32xf32, #tpu.memory_space<hbm>>) dst(%dma_wait3A_686 : memref<200x32xf32, #tpu.memory_space<vmem>>)
      %dma_wait3A_693 = arith.constant 2 : i32
      %dma_wait3A_694 = arith.constant 2 : i32
      %dma_wait3A_695 = arith.constant 0 : i32
      %dma_wait3A_696 = arith.constant 0 : i32
      %dma_wait3A_697 = tpu.memref_slice %arg16[%dma_wait3A_694, %dma_wait3A_695, %dma_wait3A_696] : memref<5x200x32xf32, #tpu.memory_space<vmem>> -> memref<1x200x32xf32, #tpu.memory_space<vmem>>
      %dma_wait3A_698 = tpu.memref_squeeze %dma_wait3A_697 : memref<1x200x32xf32, #tpu.memory_space<vmem>> -> memref<200x32xf32, #tpu.memory_space<vmem>>
      %dma_wait3A_699 = arith.constant 0 : i32
      %dma_wait3A_700 = tpu.memref_slice %arg14[%dma_wait3A_693, %dma_wait3A_699] : memref<5x200xi32, #tpu.memory_space<vmem>> -> memref<1x200xi32, #tpu.memory_space<vmem>>
      %dma_wait3A_701 = tpu.memref_squeeze %dma_wait3A_700 : memref<1x200xi32, #tpu.memory_space<vmem>> -> memref<200xi32, #tpu.memory_space<vmem>>
      %dma_wait3A_702 = arith.constant 0 : i32
      %dma_wait3A_703 = arith.constant 0 : i32
      %dma_wait3A_704 = tpu.memref_slice %arg4[%dma_wait3A_702, %dma_wait3A_703] : memref<10000x32xf32, #tpu.memory_space<hbm>> -> memref<10000x32xf32, #tpu.memory_space<hbm>>
      tpu.wait_indirect_dma semaphore(%arg21 : memref<!tpu.dma_semaphore, #tpu.memory_space<semaphore_mem>>) src(%dma_wait3A_704 : memref<10000x32xf32, #tpu.memory_space<hbm>>) dst(%dma_wait3A_698 : memref<200x32xf32, #tpu.memory_space<vmem>>)
      %dma_wait3A_705 = arith.constant 3 : i32
      %dma_wait3A_706 = arith.constant 3 : i32
      %dma_wait3A_707 = arith.constant 0 : i32
      %dma_wait3A_708 = arith.constant 0 : i32
      %dma_wait3A_709 = tpu.memref_slice %arg16[%dma_wait3A_706, %dma_wait3A_707, %dma_wait3A_708] : memref<5x200x32xf32, #tpu.memory_space<vmem>> -> memref<1x200x32xf32, #tpu.memory_space<vmem>>
      %dma_wait3A_710 = tpu.memref_squeeze %dma_wait3A_709 : memref<1x200x32xf32, #tpu.memory_space<vmem>> -> memref<200x32xf32, #tpu.memory_space<vmem>>
      %dma_wait3A_711 = arith.constant 0 : i32
      %dma_wait3A_712 = tpu.memref_slice %arg14[%dma_wait3A_705, %dma_wait3A_711] : memref<5x200xi32, #tpu.memory_space<vmem>> -> memref<1x200xi32, #tpu.memory_space<vmem>>
      %dma_wait3A_713 = tpu.memref_squeeze %dma_wait3A_712 : memref<1x200xi32, #tpu.memory_space<vmem>> -> memref<200xi32, #tpu.memory_space<vmem>>
      %dma_wait3A_714 = arith.constant 0 : i32
      %dma_wait3A_715 = arith.constant 0 : i32
      %dma_wait3A_716 = tpu.memref_slice %arg5[%dma_wait3A_714, %dma_wait3A_715] : memref<320000x32xf32, #tpu.memory_space<hbm>> -> memref<320000x32xf32, #tpu.memory_space<hbm>>
      tpu.wait_indirect_dma semaphore(%arg21 : memref<!tpu.dma_semaphore, #tpu.memory_space<semaphore_mem>>) src(%dma_wait3A_716 : memref<320000x32xf32, #tpu.memory_space<hbm>>) dst(%dma_wait3A_710 : memref<200x32xf32, #tpu.memory_space<vmem>>)
      %dma_wait3A_717 = arith.constant 4 : i32
      %dma_wait3A_718 = arith.constant 4 : i32
      %dma_wait3A_719 = arith.constant 0 : i32
      %dma_wait3A_720 = arith.constant 0 : i32
      %dma_wait3A_721 = tpu.memref_slice %arg16[%dma_wait3A_718, %dma_wait3A_719, %dma_wait3A_720] : memref<5x200x32xf32, #tpu.memory_space<vmem>> -> memref<1x200x32xf32, #tpu.memory_space<vmem>>
      %dma_wait3A_722 = tpu.memref_squeeze %dma_wait3A_721 : memref<1x200x32xf32, #tpu.memory_space<vmem>> -> memref<200x32xf32, #tpu.memory_space<vmem>>
      %dma_wait3A_723 = arith.constant 0 : i32
      %dma_wait3A_724 = tpu.memref_slice %arg14[%dma_wait3A_717, %dma_wait3A_723] : memref<5x200xi32, #tpu.memory_space<vmem>> -> memref<1x200xi32, #tpu.memory_space<vmem>>
      %dma_wait3A_725 = tpu.memref_squeeze %dma_wait3A_724 : memref<1x200xi32, #tpu.memory_space<vmem>> -> memref<200xi32, #tpu.memory_space<vmem>>
      %dma_wait3A_726 = arith.constant 0 : i32
      %dma_wait3A_727 = arith.constant 0 : i32
      %dma_wait3A_728 = tpu.memref_slice %arg6[%dma_wait3A_726, %dma_wait3A_727] : memref<320000x32xf32, #tpu.memory_space<hbm>> -> memref<320000x32xf32, #tpu.memory_space<hbm>>
      tpu.wait_indirect_dma semaphore(%arg21 : memref<!tpu.dma_semaphore, #tpu.memory_space<semaphore_mem>>) src(%dma_wait3A_728 : memref<320000x32xf32, #tpu.memory_space<hbm>>) dst(%dma_wait3A_722 : memref<200x32xf32, #tpu.memory_space<vmem>>)
      %add3A_729 = arith.constant 3 : i32
      %add3A_730 = arith.addi %mul3A_322, %add3A_729 : i32
      %min3A_731 = arith.constant 49 : i32
      %min3A_732 = arith.minsi %add3A_730, %min3A_731 : i32
      %mul3A_733 = arith.constant 10000 : i32
      %mul3A_734 = arith.muli %add3A, %mul3A_733 : i32
      %mul3A_735 = arith.constant 200 : i32
      %mul3A_736 = arith.muli %min3A_732, %mul3A_735 : i32
      %add3A_737 = arith.addi %mul3A_734, %mul3A_736 : i32
      %dma_start3A_738 = arith.constant 0 : i32
      %dma_start3A_739 = arith.constant 0 : i32
      %dma_start3A_740 = tpu.memref_slice %arg14[%dma_start3A_738, %dma_start3A_739] : memref<5x200xi32, #tpu.memory_space<vmem>> -> memref<1x200xi32, #tpu.memory_space<vmem>>
      %dma_start3A_741 = tpu.memref_squeeze %dma_start3A_740 : memref<1x200xi32, #tpu.memory_space<vmem>> -> memref<200xi32, #tpu.memory_space<vmem>>
      %dma_start3A_742 = tpu.memref_slice %arg7[%add3A_737] : memref<320000xi32, #tpu.memory_space<hbm>> -> memref<200xi32, #tpu.memory_space<hbm>>
      %dma_start3A_743 = arith.constant 0 : i32
      %dma_start3A_744 = tpu.memref_slice %arg14[%dma_start3A_738, %dma_start3A_743] : memref<5x200xi32, #tpu.memory_space<vmem>> -> memref<1x200xi32, #tpu.memory_space<vmem>>
      %dma_start3A_745 = tpu.memref_squeeze %dma_start3A_744 : memref<1x200xi32, #tpu.memory_space<vmem>> -> memref<200xi32, #tpu.memory_space<vmem>>
      %dma_start3A_746 = tpu.memref_slice %arg7[%add3A_737] : memref<320000xi32, #tpu.memory_space<hbm>> -> memref<200xi32, #tpu.memory_space<hbm>>
      tpu.enqueue_dma source(%dma_start3A_746 : memref<200xi32, #tpu.memory_space<hbm>>) target(%dma_start3A_745 : memref<200xi32, #tpu.memory_space<vmem>>) target_semaphore(%arg19 : memref<!tpu.dma_semaphore, #tpu.memory_space<semaphore_mem>>)
      %dma_start3A_747 = arith.constant 1 : i32
      %dma_start3A_748 = arith.constant 0 : i32
      %dma_start3A_749 = tpu.memref_slice %arg14[%dma_start3A_747, %dma_start3A_748] : memref<5x200xi32, #tpu.memory_space<vmem>> -> memref<1x200xi32, #tpu.memory_space<vmem>>
      %dma_start3A_750 = tpu.memref_squeeze %dma_start3A_749 : memref<1x200xi32, #tpu.memory_space<vmem>> -> memref<200xi32, #tpu.memory_space<vmem>>
      %dma_start3A_751 = tpu.memref_slice %arg8[%add3A_737] : memref<320000xi32, #tpu.memory_space<hbm>> -> memref<200xi32, #tpu.memory_space<hbm>>
      %dma_start3A_752 = arith.constant 0 : i32
      %dma_start3A_753 = tpu.memref_slice %arg14[%dma_start3A_747, %dma_start3A_752] : memref<5x200xi32, #tpu.memory_space<vmem>> -> memref<1x200xi32, #tpu.memory_space<vmem>>
      %dma_start3A_754 = tpu.memref_squeeze %dma_start3A_753 : memref<1x200xi32, #tpu.memory_space<vmem>> -> memref<200xi32, #tpu.memory_space<vmem>>
      %dma_start3A_755 = tpu.memref_slice %arg8[%add3A_737] : memref<320000xi32, #tpu.memory_space<hbm>> -> memref<200xi32, #tpu.memory_space<hbm>>
      tpu.enqueue_dma source(%dma_start3A_755 : memref<200xi32, #tpu.memory_space<hbm>>) target(%dma_start3A_754 : memref<200xi32, #tpu.memory_space<vmem>>) target_semaphore(%arg19 : memref<!tpu.dma_semaphore, #tpu.memory_space<semaphore_mem>>)
      %dma_start3A_756 = arith.constant 2 : i32
      %dma_start3A_757 = arith.constant 0 : i32
      %dma_start3A_758 = tpu.memref_slice %arg14[%dma_start3A_756, %dma_start3A_757] : memref<5x200xi32, #tpu.memory_space<vmem>> -> memref<1x200xi32, #tpu.memory_space<vmem>>
      %dma_start3A_759 = tpu.memref_squeeze %dma_start3A_758 : memref<1x200xi32, #tpu.memory_space<vmem>> -> memref<200xi32, #tpu.memory_space<vmem>>
      %dma_start3A_760 = tpu.memref_slice %arg9[%add3A_737] : memref<320000xi32, #tpu.memory_space<hbm>> -> memref<200xi32, #tpu.memory_space<hbm>>
      %dma_start3A_761 = arith.constant 0 : i32
      %dma_start3A_762 = tpu.memref_slice %arg14[%dma_start3A_756, %dma_start3A_761] : memref<5x200xi32, #tpu.memory_space<vmem>> -> memref<1x200xi32, #tpu.memory_space<vmem>>
      %dma_start3A_763 = tpu.memref_squeeze %dma_start3A_762 : memref<1x200xi32, #tpu.memory_space<vmem>> -> memref<200xi32, #tpu.memory_space<vmem>>
      %dma_start3A_764 = tpu.memref_slice %arg9[%add3A_737] : memref<320000xi32, #tpu.memory_space<hbm>> -> memref<200xi32, #tpu.memory_space<hbm>>
      tpu.enqueue_dma source(%dma_start3A_764 : memref<200xi32, #tpu.memory_space<hbm>>) target(%dma_start3A_763 : memref<200xi32, #tpu.memory_space<vmem>>) target_semaphore(%arg19 : memref<!tpu.dma_semaphore, #tpu.memory_space<semaphore_mem>>)
      %dma_start3A_765 = arith.constant 3 : i32
      %dma_start3A_766 = arith.constant 0 : i32
      %dma_start3A_767 = tpu.memref_slice %arg14[%dma_start3A_765, %dma_start3A_766] : memref<5x200xi32, #tpu.memory_space<vmem>> -> memref<1x200xi32, #tpu.memory_space<vmem>>
      %dma_start3A_768 = tpu.memref_squeeze %dma_start3A_767 : memref<1x200xi32, #tpu.memory_space<vmem>> -> memref<200xi32, #tpu.memory_space<vmem>>
      %dma_start3A_769 = tpu.memref_slice %arg10[%add3A_737] : memref<320000xi32, #tpu.memory_space<hbm>> -> memref<200xi32, #tpu.memory_space<hbm>>
      %dma_start3A_770 = arith.constant 0 : i32
      %dma_start3A_771 = tpu.memref_slice %arg14[%dma_start3A_765, %dma_start3A_770] : memref<5x200xi32, #tpu.memory_space<vmem>> -> memref<1x200xi32, #tpu.memory_space<vmem>>
      %dma_start3A_772 = tpu.memref_squeeze %dma_start3A_771 : memref<1x200xi32, #tpu.memory_space<vmem>> -> memref<200xi32, #tpu.memory_space<vmem>>
      %dma_start3A_773 = tpu.memref_slice %arg10[%add3A_737] : memref<320000xi32, #tpu.memory_space<hbm>> -> memref<200xi32, #tpu.memory_space<hbm>>
      tpu.enqueue_dma source(%dma_start3A_773 : memref<200xi32, #tpu.memory_space<hbm>>) target(%dma_start3A_772 : memref<200xi32, #tpu.memory_space<vmem>>) target_semaphore(%arg19 : memref<!tpu.dma_semaphore, #tpu.memory_space<semaphore_mem>>)
      %dma_start3A_774 = arith.constant 4 : i32
      %dma_start3A_775 = arith.constant 0 : i32
      %dma_start3A_776 = tpu.memref_slice %arg14[%dma_start3A_774, %dma_start3A_775] : memref<5x200xi32, #tpu.memory_space<vmem>> -> memref<1x200xi32, #tpu.memory_space<vmem>>
      %dma_start3A_777 = tpu.memref_squeeze %dma_start3A_776 : memref<1x200xi32, #tpu.memory_space<vmem>> -> memref<200xi32, #tpu.memory_space<vmem>>
      %dma_start3A_778 = tpu.memref_slice %arg11[%add3A_737] : memref<320000xi32, #tpu.memory_space<hbm>> -> memref<200xi32, #tpu.memory_space<hbm>>
      %dma_start3A_779 = arith.constant 0 : i32
      %dma_start3A_780 = tpu.memref_slice %arg14[%dma_start3A_774, %dma_start3A_779] : memref<5x200xi32, #tpu.memory_space<vmem>> -> memref<1x200xi32, #tpu.memory_space<vmem>>
      %dma_start3A_781 = tpu.memref_squeeze %dma_start3A_780 : memref<1x200xi32, #tpu.memory_space<vmem>> -> memref<200xi32, #tpu.memory_space<vmem>>
      %dma_start3A_782 = tpu.memref_slice %arg11[%add3A_737] : memref<320000xi32, #tpu.memory_space<hbm>> -> memref<200xi32, #tpu.memory_space<hbm>>
      tpu.enqueue_dma source(%dma_start3A_782 : memref<200xi32, #tpu.memory_space<hbm>>) target(%dma_start3A_781 : memref<200xi32, #tpu.memory_space<vmem>>) target_semaphore(%arg19 : memref<!tpu.dma_semaphore, #tpu.memory_space<semaphore_mem>>)
      %add3A_783 = arith.constant 1 : i32
      %add3A_784 = arith.addi %mul3A_322, %add3A_783 : i32
      %scan3A_785 = arith.constant 0 : i32
      %scan3A_786 = arith.constant 0 : i32
      %scan3A_787 = arith.constant 200 : i32
      %scan3A_788 = arith.addi %scan3A_786, %scan3A_787 : i32
      %scan3A_789 = arith.constant 1 : i32
      scf.for %scan3A_796 = %scan3A_786 to %scan3A_788 step %scan3A_789  : i32 {
        %get3A = arith.constant 0 : i32
        %get3A_797 = arith.index_cast %get3A : i32 to index
        %get3A_798 = arith.index_cast %scan3A_796 : i32 to index
        %get3A_799 = arith.constant 0 : index
        %get3A_800 = tpu.vector_load %arg16[%get3A_797, %get3A_798, %get3A_799] {strides = array<i32>} : memref<5x200x32xf32, #tpu.memory_space<vmem>>, vector<1x1x16xf32>,
        %get3A_801 = vector.shape_cast %get3A_800 : vector<1x1x16xf32> to vector<16xf32>
        %get3A_802 = arith.constant 1 : i32
        %get3A_803 = arith.index_cast %get3A_802 : i32 to index
        %get3A_804 = arith.index_cast %scan3A_796 : i32 to index
        %get3A_805 = arith.constant 0 : index
        %get3A_806 = tpu.vector_load %arg16[%get3A_803, %get3A_804, %get3A_805] {strides = array<i32>} : memref<5x200x32xf32, #tpu.memory_space<vmem>>, vector<1x1x16xf32>,
        %get3A_807 = vector.shape_cast %get3A_806 : vector<1x1x16xf32> to vector<16xf32>
        %add3A_808 = arith.addf %get3A_801, %get3A_807 : vector<16xf32>
        %get3A_809 = arith.constant 2 : i32
        %get3A_810 = arith.index_cast %get3A_809 : i32 to index
        %get3A_811 = arith.index_cast %scan3A_796 : i32 to index
        %get3A_812 = arith.constant 0 : index
        %get3A_813 = tpu.vector_load %arg16[%get3A_810, %get3A_811, %get3A_812] {strides = array<i32>} : memref<5x200x32xf32, #tpu.memory_space<vmem>>, vector<1x1x16xf32>,
        %get3A_814 = vector.shape_cast %get3A_813 : vector<1x1x16xf32> to vector<16xf32>
        %add3A_815 = arith.addf %add3A_808, %get3A_814 : vector<16xf32>
        %get3A_816 = arith.constant 3 : i32
        %get3A_817 = arith.index_cast %get3A_816 : i32 to index
        %get3A_818 = arith.index_cast %scan3A_796 : i32 to index
        %get3A_819 = arith.constant 0 : index
        %get3A_820 = tpu.vector_load %arg16[%get3A_817, %get3A_818, %get3A_819] {strides = array<i32>} : memref<5x200x32xf32, #tpu.memory_space<vmem>>, vector<1x1x16xf32>,
        %get3A_821 = vector.shape_cast %get3A_820 : vector<1x1x16xf32> to vector<16xf32>
        %add3A_822 = arith.addf %add3A_815, %get3A_821 : vector<16xf32>
        %get3A_823 = arith.constant 4 : i32
        %get3A_824 = arith.index_cast %get3A_823 : i32 to index
        %get3A_825 = arith.index_cast %scan3A_796 : i32 to index
        %get3A_826 = arith.constant 0 : index
        %get3A_827 = tpu.vector_load %arg16[%get3A_824, %get3A_825, %get3A_826] {strides = array<i32>} : memref<5x200x32xf32, #tpu.memory_space<vmem>>, vector<1x1x16xf32>,
        %get3A_828 = vector.shape_cast %get3A_827 : vector<1x1x16xf32> to vector<16xf32>
        %add3A_829 = arith.addf %add3A_822, %get3A_828 : vector<16xf32>
        %swap3A = arith.index_cast %scan3A_796 : i32 to index
        %swap3A_830 = arith.constant 0 : index
        %swap3A_831 = tpu.vector_load %arg17[%swap3A, %swap3A_830] {strides = array<i32>} : memref<200x32xf32, #tpu.memory_space<vmem>>, vector<1x16xf32>,
        %swap3A_832 = vector.shape_cast %swap3A_831 : vector<1x16xf32> to vector<16xf32>
        %swap3A_833 = vector.shape_cast %add3A_829 : vector<16xf32> to vector<1x16xf32>
        tpu.vector_store %arg17[%swap3A, %swap3A_830], %swap3A_833 {strides = array<i32>} : memref<200x32xf32, #tpu.memory_space<vmem>>, vector<1x16xf32>,
        %get3A_834 = arith.constant 0 : i32
        %get3A_835 = arith.index_cast %get3A_834 : i32 to index
        %get3A_836 = arith.index_cast %scan3A_796 : i32 to index
        %get3A_837 = arith.constant 16 : index
        %get3A_838 = tpu.vector_load %arg16[%get3A_835, %get3A_836, %get3A_837] {strides = array<i32>} : memref<5x200x32xf32, #tpu.memory_space<vmem>>, vector<1x1x16xf32>,
        %get3A_839 = vector.shape_cast %get3A_838 : vector<1x1x16xf32> to vector<16xf32>
        %get3A_840 = arith.constant 1 : i32
        %get3A_841 = arith.index_cast %get3A_840 : i32 to index
        %get3A_842 = arith.index_cast %scan3A_796 : i32 to index
        %get3A_843 = arith.constant 16 : index
        %get3A_844 = tpu.vector_load %arg16[%get3A_841, %get3A_842, %get3A_843] {strides = array<i32>} : memref<5x200x32xf32, #tpu.memory_space<vmem>>, vector<1x1x16xf32>,
        %get3A_845 = vector.shape_cast %get3A_844 : vector<1x1x16xf32> to vector<16xf32>
        %add3A_846 = arith.addf %get3A_839, %get3A_845 : vector<16xf32>
        %get3A_847 = arith.constant 2 : i32
        %get3A_848 = arith.index_cast %get3A_847 : i32 to index
        %get3A_849 = arith.index_cast %scan3A_796 : i32 to index
        %get3A_850 = arith.constant 16 : index
        %get3A_851 = tpu.vector_load %arg16[%get3A_848, %get3A_849, %get3A_850] {strides = array<i32>} : memref<5x200x32xf32, #tpu.memory_space<vmem>>, vector<1x1x16xf32>,
        %get3A_852 = vector.shape_cast %get3A_851 : vector<1x1x16xf32> to vector<16xf32>
        %add3A_853 = arith.addf %add3A_846, %get3A_852 : vector<16xf32>
        %get3A_854 = arith.constant 3 : i32
        %get3A_855 = arith.index_cast %get3A_854 : i32 to index
        %get3A_856 = arith.index_cast %scan3A_796 : i32 to index
        %get3A_857 = arith.constant 16 : index
        %get3A_858 = tpu.vector_load %arg16[%get3A_855, %get3A_856, %get3A_857] {strides = array<i32>} : memref<5x200x32xf32, #tpu.memory_space<vmem>>, vector<1x1x16xf32>,
        %get3A_859 = vector.shape_cast %get3A_858 : vector<1x1x16xf32> to vector<16xf32>
        %add3A_860 = arith.addf %add3A_853, %get3A_859 : vector<16xf32>
        %get3A_861 = arith.constant 4 : i32
        %get3A_862 = arith.index_cast %get3A_861 : i32 to index
        %get3A_863 = arith.index_cast %scan3A_796 : i32 to index
        %get3A_864 = arith.constant 16 : index
        %get3A_865 = tpu.vector_load %arg16[%get3A_862, %get3A_863, %get3A_864] {strides = array<i32>} : memref<5x200x32xf32, #tpu.memory_space<vmem>>, vector<1x1x16xf32>,
        %get3A_866 = vector.shape_cast %get3A_865 : vector<1x1x16xf32> to vector<16xf32>
        %add3A_867 = arith.addf %add3A_860, %get3A_866 : vector<16xf32>
        %swap3A_868 = arith.index_cast %scan3A_796 : i32 to index
        %swap3A_869 = arith.constant 16 : index
        %swap3A_870 = tpu.vector_load %arg17[%swap3A_868, %swap3A_869] {strides = array<i32>} : memref<200x32xf32, #tpu.memory_space<vmem>>, vector<1x16xf32>,
        %swap3A_871 = vector.shape_cast %swap3A_870 : vector<1x16xf32> to vector<16xf32>
        %swap3A_872 = vector.shape_cast %add3A_867 : vector<16xf32> to vector<1x16xf32>
        tpu.vector_store %arg17[%swap3A_868, %swap3A_869], %swap3A_872 {strides = array<i32>} : memref<200x32xf32, #tpu.memory_space<vmem>>, vector<1x16xf32>,
      }
      %scan3A_790 = arith.constant 200 : i32
      %mul3A_791 = arith.constant 10000 : i32
      %mul3A_792 = arith.muli %add3A, %mul3A_791 : i32
      %mul3A_793 = arith.constant 200 : i32
      %mul3A_794 = arith.muli %add3A_784, %mul3A_793 : i32
      %add3A_795 = arith.addi %mul3A_792, %mul3A_794 : i32
      "tpu.region"() ({
        %run_scoped3A = tpu.sem_alloc : memref<!tpu.dma_semaphore, #tpu.memory_space<semaphore_mem>>
        %dma_start3A_796 = arith.constant 0 : i32
        %dma_start3A_797 = tpu.memref_slice %arg12[%add3A_795, %dma_start3A_796] : memref<320000x32xf32, #tpu.memory_space<hbm>> -> memref<200x32xf32, #tpu.memory_space<hbm>>
        %dma_start3A_798 = arith.constant 0 : i32
        %dma_start3A_799 = tpu.memref_slice %arg12[%add3A_795, %dma_start3A_798] : memref<320000x32xf32, #tpu.memory_space<hbm>> -> memref<200x32xf32, #tpu.memory_space<hbm>>
        tpu.enqueue_dma source(%arg17 : memref<200x32xf32, #tpu.memory_space<vmem>>) target(%dma_start3A_799 : memref<200x32xf32, #tpu.memory_space<hbm>>) target_semaphore(%run_scoped3A : memref<!tpu.dma_semaphore, #tpu.memory_space<semaphore_mem>>)
        %dma_wait3A_800 = arith.constant 0 : i32
        %dma_wait3A_801 = tpu.memref_slice %arg12[%add3A_795, %dma_wait3A_800] : memref<320000x32xf32, #tpu.memory_space<hbm>> -> memref<200x32xf32, #tpu.memory_space<hbm>>
        %dma_wait3A_802 = arith.constant 0 : i32
        %dma_wait3A_803 = tpu.memref_slice %arg12[%add3A_795, %dma_wait3A_802] : memref<320000x32xf32, #tpu.memory_space<hbm>> -> memref<200x32xf32, #tpu.memory_space<hbm>>
        tpu.wait_dma2 semaphore(%run_scoped3A : memref<!tpu.dma_semaphore, #tpu.memory_space<semaphore_mem>>) src(%arg17 : memref<200x32xf32, #tpu.memory_space<vmem>>) dst(%dma_wait3A_803 : memref<200x32xf32, #tpu.memory_space<hbm>>)
        tpu.yield
      }) : () -> ()
    }
    %scan3A_210 = arith.constant 25 : i32
    %dma_wait3A_211 = arith.constant 0 : i32
    %dma_wait3A_212 = arith.constant 0 : i32
    %dma_wait3A_213 = arith.constant 0 : i32
    %dma_wait3A_214 = arith.constant 0 : i32
    %dma_wait3A_215 = tpu.memref_slice %arg15[%dma_wait3A_212, %dma_wait3A_213, %dma_wait3A_214] : memref<5x200x32xf32, #tpu.memory_space<vmem>> -> memref<1x200x32xf32, #tpu.memory_space<vmem>>
    %dma_wait3A_216 = tpu.memref_squeeze %dma_wait3A_215 : memref<1x200x32xf32, #tpu.memory_space<vmem>> -> memref<200x32xf32, #tpu.memory_space<vmem>>
    %dma_wait3A_217 = arith.constant 0 : i32
    %dma_wait3A_218 = tpu.memref_slice %arg13[%dma_wait3A_211, %dma_wait3A_217] : memref<5x200xi32, #tpu.memory_space<vmem>> -> memref<1x200xi32, #tpu.memory_space<vmem>>
    %dma_wait3A_219 = tpu.memref_squeeze %dma_wait3A_218 : memref<1x200xi32, #tpu.memory_space<vmem>> -> memref<200xi32, #tpu.memory_space<vmem>>
    %dma_wait3A_220 = arith.constant 0 : i32
    %dma_wait3A_221 = arith.constant 0 : i32
    %dma_wait3A_222 = tpu.memref_slice %arg2[%dma_wait3A_220, %dma_wait3A_221] : memref<10000x32xf32, #tpu.memory_space<hbm>> -> memref<10000x32xf32, #tpu.memory_space<hbm>>
    tpu.wait_indirect_dma semaphore(%arg20 : memref<!tpu.dma_semaphore, #tpu.memory_space<semaphore_mem>>) src(%dma_wait3A_222 : memref<10000x32xf32, #tpu.memory_space<hbm>>) dst(%dma_wait3A_216 : memref<200x32xf32, #tpu.memory_space<vmem>>)
    %dma_wait3A_223 = arith.constant 1 : i32
    %dma_wait3A_224 = arith.constant 1 : i32
    %dma_wait3A_225 = arith.constant 0 : i32
    %dma_wait3A_226 = arith.constant 0 : i32
    %dma_wait3A_227 = tpu.memref_slice %arg15[%dma_wait3A_224, %dma_wait3A_225, %dma_wait3A_226] : memref<5x200x32xf32, #tpu.memory_space<vmem>> -> memref<1x200x32xf32, #tpu.memory_space<vmem>>
    %dma_wait3A_228 = tpu.memref_squeeze %dma_wait3A_227 : memref<1x200x32xf32, #tpu.memory_space<vmem>> -> memref<200x32xf32, #tpu.memory_space<vmem>>
    %dma_wait3A_229 = arith.constant 0 : i32
    %dma_wait3A_230 = tpu.memref_slice %arg13[%dma_wait3A_223, %dma_wait3A_229] : memref<5x200xi32, #tpu.memory_space<vmem>> -> memref<1x200xi32, #tpu.memory_space<vmem>>
    %dma_wait3A_231 = tpu.memref_squeeze %dma_wait3A_230 : memref<1x200xi32, #tpu.memory_space<vmem>> -> memref<200xi32, #tpu.memory_space<vmem>>
    %dma_wait3A_232 = arith.constant 0 : i32
    %dma_wait3A_233 = arith.constant 0 : i32
    %dma_wait3A_234 = tpu.memref_slice %arg3[%dma_wait3A_232, %dma_wait3A_233] : memref<10000x32xf32, #tpu.memory_space<hbm>> -> memref<10000x32xf32, #tpu.memory_space<hbm>>
    tpu.wait_indirect_dma semaphore(%arg20 : memref<!tpu.dma_semaphore, #tpu.memory_space<semaphore_mem>>) src(%dma_wait3A_234 : memref<10000x32xf32, #tpu.memory_space<hbm>>) dst(%dma_wait3A_228 : memref<200x32xf32, #tpu.memory_space<vmem>>)
    %dma_wait3A_235 = arith.constant 2 : i32
    %dma_wait3A_236 = arith.constant 2 : i32
    %dma_wait3A_237 = arith.constant 0 : i32
    %dma_wait3A_238 = arith.constant 0 : i32
    %dma_wait3A_239 = tpu.memref_slice %arg15[%dma_wait3A_236, %dma_wait3A_237, %dma_wait3A_238] : memref<5x200x32xf32, #tpu.memory_space<vmem>> -> memref<1x200x32xf32, #tpu.memory_space<vmem>>
    %dma_wait3A_240 = tpu.memref_squeeze %dma_wait3A_239 : memref<1x200x32xf32, #tpu.memory_space<vmem>> -> memref<200x32xf32, #tpu.memory_space<vmem>>
    %dma_wait3A_241 = arith.constant 0 : i32
    %dma_wait3A_242 = tpu.memref_slice %arg13[%dma_wait3A_235, %dma_wait3A_241] : memref<5x200xi32, #tpu.memory_space<vmem>> -> memref<1x200xi32, #tpu.memory_space<vmem>>
    %dma_wait3A_243 = tpu.memref_squeeze %dma_wait3A_242 : memref<1x200xi32, #tpu.memory_space<vmem>> -> memref<200xi32, #tpu.memory_space<vmem>>
    %dma_wait3A_244 = arith.constant 0 : i32
    %dma_wait3A_245 = arith.constant 0 : i32
    %dma_wait3A_246 = tpu.memref_slice %arg4[%dma_wait3A_244, %dma_wait3A_245] : memref<10000x32xf32, #tpu.memory_space<hbm>> -> memref<10000x32xf32, #tpu.memory_space<hbm>>
    tpu.wait_indirect_dma semaphore(%arg20 : memref<!tpu.dma_semaphore, #tpu.memory_space<semaphore_mem>>) src(%dma_wait3A_246 : memref<10000x32xf32, #tpu.memory_space<hbm>>) dst(%dma_wait3A_240 : memref<200x32xf32, #tpu.memory_space<vmem>>)
    %dma_wait3A_247 = arith.constant 3 : i32
    %dma_wait3A_248 = arith.constant 3 : i32
    %dma_wait3A_249 = arith.constant 0 : i32
    %dma_wait3A_250 = arith.constant 0 : i32
    %dma_wait3A_251 = tpu.memref_slice %arg15[%dma_wait3A_248, %dma_wait3A_249, %dma_wait3A_250] : memref<5x200x32xf32, #tpu.memory_space<vmem>> -> memref<1x200x32xf32, #tpu.memory_space<vmem>>
    %dma_wait3A_252 = tpu.memref_squeeze %dma_wait3A_251 : memref<1x200x32xf32, #tpu.memory_space<vmem>> -> memref<200x32xf32, #tpu.memory_space<vmem>>
    %dma_wait3A_253 = arith.constant 0 : i32
    %dma_wait3A_254 = tpu.memref_slice %arg13[%dma_wait3A_247, %dma_wait3A_253] : memref<5x200xi32, #tpu.memory_space<vmem>> -> memref<1x200xi32, #tpu.memory_space<vmem>>
    %dma_wait3A_255 = tpu.memref_squeeze %dma_wait3A_254 : memref<1x200xi32, #tpu.memory_space<vmem>> -> memref<200xi32, #tpu.memory_space<vmem>>
    %dma_wait3A_256 = arith.constant 0 : i32
    %dma_wait3A_257 = arith.constant 0 : i32
    %dma_wait3A_258 = tpu.memref_slice %arg5[%dma_wait3A_256, %dma_wait3A_257] : memref<320000x32xf32, #tpu.memory_space<hbm>> -> memref<320000x32xf32, #tpu.memory_space<hbm>>
    tpu.wait_indirect_dma semaphore(%arg20 : memref<!tpu.dma_semaphore, #tpu.memory_space<semaphore_mem>>) src(%dma_wait3A_258 : memref<320000x32xf32, #tpu.memory_space<hbm>>) dst(%dma_wait3A_252 : memref<200x32xf32, #tpu.memory_space<vmem>>)
    %dma_wait3A_259 = arith.constant 4 : i32
    %dma_wait3A_260 = arith.constant 4 : i32
    %dma_wait3A_261 = arith.constant 0 : i32
    %dma_wait3A_262 = arith.constant 0 : i32
    %dma_wait3A_263 = tpu.memref_slice %arg15[%dma_wait3A_260, %dma_wait3A_261, %dma_wait3A_262] : memref<5x200x32xf32, #tpu.memory_space<vmem>> -> memref<1x200x32xf32, #tpu.memory_space<vmem>>
    %dma_wait3A_264 = tpu.memref_squeeze %dma_wait3A_263 : memref<1x200x32xf32, #tpu.memory_space<vmem>> -> memref<200x32xf32, #tpu.memory_space<vmem>>
    %dma_wait3A_265 = arith.constant 0 : i32
    %dma_wait3A_266 = tpu.memref_slice %arg13[%dma_wait3A_259, %dma_wait3A_265] : memref<5x200xi32, #tpu.memory_space<vmem>> -> memref<1x200xi32, #tpu.memory_space<vmem>>
    %dma_wait3A_267 = tpu.memref_squeeze %dma_wait3A_266 : memref<1x200xi32, #tpu.memory_space<vmem>> -> memref<200xi32, #tpu.memory_space<vmem>>
    %dma_wait3A_268 = arith.constant 0 : i32
    %dma_wait3A_269 = arith.constant 0 : i32
    %dma_wait3A_270 = tpu.memref_slice %arg6[%dma_wait3A_268, %dma_wait3A_269] : memref<320000x32xf32, #tpu.memory_space<hbm>> -> memref<320000x32xf32, #tpu.memory_space<hbm>>
    tpu.wait_indirect_dma semaphore(%arg20 : memref<!tpu.dma_semaphore, #tpu.memory_space<semaphore_mem>>) src(%dma_wait3A_270 : memref<320000x32xf32, #tpu.memory_space<hbm>>) dst(%dma_wait3A_264 : memref<200x32xf32, #tpu.memory_space<vmem>>)
    %mul3A_271 = arith.constant 10000 : i32
    %mul3A_272 = arith.muli %add3A, %mul3A_271 : i32
    %add3A_273 = arith.constant 9800 : i32
    %add3A_274 = arith.addi %mul3A_272, %add3A_273 : i32
    %dma_wait3A_275 = arith.constant 0 : i32
    %dma_wait3A_276 = arith.constant 0 : i32
    %dma_wait3A_277 = tpu.memref_slice %arg14[%dma_wait3A_275, %dma_wait3A_276] : memref<5x200xi32, #tpu.memory_space<vmem>> -> memref<1x200xi32, #tpu.memory_space<vmem>>
    %dma_wait3A_278 = tpu.memref_squeeze %dma_wait3A_277 : memref<1x200xi32, #tpu.memory_space<vmem>> -> memref<200xi32, #tpu.memory_space<vmem>>
    %dma_wait3A_279 = tpu.memref_slice %arg7[%add3A_274] : memref<320000xi32, #tpu.memory_space<hbm>> -> memref<200xi32, #tpu.memory_space<hbm>>
    %dma_wait3A_280 = arith.constant 0 : i32
    %dma_wait3A_281 = tpu.memref_slice %arg14[%dma_wait3A_275, %dma_wait3A_280] : memref<5x200xi32, #tpu.memory_space<vmem>> -> memref<1x200xi32, #tpu.memory_space<vmem>>
    %dma_wait3A_282 = tpu.memref_squeeze %dma_wait3A_281 : memref<1x200xi32, #tpu.memory_space<vmem>> -> memref<200xi32, #tpu.memory_space<vmem>>
    %dma_wait3A_283 = tpu.memref_slice %arg7[%add3A_274] : memref<320000xi32, #tpu.memory_space<hbm>> -> memref<200xi32, #tpu.memory_space<hbm>>
    tpu.wait_dma2 semaphore(%arg19 : memref<!tpu.dma_semaphore, #tpu.memory_space<semaphore_mem>>) src(%dma_wait3A_283 : memref<200xi32, #tpu.memory_space<hbm>>) dst(%dma_wait3A_282 : memref<200xi32, #tpu.memory_space<vmem>>)
    %dma_wait3A_284 = arith.constant 1 : i32
    %dma_wait3A_285 = arith.constant 0 : i32
    %dma_wait3A_286 = tpu.memref_slice %arg14[%dma_wait3A_284, %dma_wait3A_285] : memref<5x200xi32, #tpu.memory_space<vmem>> -> memref<1x200xi32, #tpu.memory_space<vmem>>
    %dma_wait3A_287 = tpu.memref_squeeze %dma_wait3A_286 : memref<1x200xi32, #tpu.memory_space<vmem>> -> memref<200xi32, #tpu.memory_space<vmem>>
    %dma_wait3A_288 = tpu.memref_slice %arg8[%add3A_274] : memref<320000xi32, #tpu.memory_space<hbm>> -> memref<200xi32, #tpu.memory_space<hbm>>
    %dma_wait3A_289 = arith.constant 0 : i32
    %dma_wait3A_290 = tpu.memref_slice %arg14[%dma_wait3A_284, %dma_wait3A_289] : memref<5x200xi32, #tpu.memory_space<vmem>> -> memref<1x200xi32, #tpu.memory_space<vmem>>
    %dma_wait3A_291 = tpu.memref_squeeze %dma_wait3A_290 : memref<1x200xi32, #tpu.memory_space<vmem>> -> memref<200xi32, #tpu.memory_space<vmem>>
    %dma_wait3A_292 = tpu.memref_slice %arg8[%add3A_274] : memref<320000xi32, #tpu.memory_space<hbm>> -> memref<200xi32, #tpu.memory_space<hbm>>
    tpu.wait_dma2 semaphore(%arg19 : memref<!tpu.dma_semaphore, #tpu.memory_space<semaphore_mem>>) src(%dma_wait3A_292 : memref<200xi32, #tpu.memory_space<hbm>>) dst(%dma_wait3A_291 : memref<200xi32, #tpu.memory_space<vmem>>)
    %dma_wait3A_293 = arith.constant 2 : i32
    %dma_wait3A_294 = arith.constant 0 : i32
    %dma_wait3A_295 = tpu.memref_slice %arg14[%dma_wait3A_293, %dma_wait3A_294] : memref<5x200xi32, #tpu.memory_space<vmem>> -> memref<1x200xi32, #tpu.memory_space<vmem>>
    %dma_wait3A_296 = tpu.memref_squeeze %dma_wait3A_295 : memref<1x200xi32, #tpu.memory_space<vmem>> -> memref<200xi32, #tpu.memory_space<vmem>>
    %dma_wait3A_297 = tpu.memref_slice %arg9[%add3A_274] : memref<320000xi32, #tpu.memory_space<hbm>> -> memref<200xi32, #tpu.memory_space<hbm>>
    %dma_wait3A_298 = arith.constant 0 : i32
    %dma_wait3A_299 = tpu.memref_slice %arg14[%dma_wait3A_293, %dma_wait3A_298] : memref<5x200xi32, #tpu.memory_space<vmem>> -> memref<1x200xi32, #tpu.memory_space<vmem>>
    %dma_wait3A_300 = tpu.memref_squeeze %dma_wait3A_299 : memref<1x200xi32, #tpu.memory_space<vmem>> -> memref<200xi32, #tpu.memory_space<vmem>>
    %dma_wait3A_301 = tpu.memref_slice %arg9[%add3A_274] : memref<320000xi32, #tpu.memory_space<hbm>> -> memref<200xi32, #tpu.memory_space<hbm>>
    tpu.wait_dma2 semaphore(%arg19 : memref<!tpu.dma_semaphore, #tpu.memory_space<semaphore_mem>>) src(%dma_wait3A_301 : memref<200xi32, #tpu.memory_space<hbm>>) dst(%dma_wait3A_300 : memref<200xi32, #tpu.memory_space<vmem>>)
    %dma_wait3A_302 = arith.constant 3 : i32
    %dma_wait3A_303 = arith.constant 0 : i32
    %dma_wait3A_304 = tpu.memref_slice %arg14[%dma_wait3A_302, %dma_wait3A_303] : memref<5x200xi32, #tpu.memory_space<vmem>> -> memref<1x200xi32, #tpu.memory_space<vmem>>
    %dma_wait3A_305 = tpu.memref_squeeze %dma_wait3A_304 : memref<1x200xi32, #tpu.memory_space<vmem>> -> memref<200xi32, #tpu.memory_space<vmem>>
    %dma_wait3A_306 = tpu.memref_slice %arg10[%add3A_274] : memref<320000xi32, #tpu.memory_space<hbm>> -> memref<200xi32, #tpu.memory_space<hbm>>
    %dma_wait3A_307 = arith.constant 0 : i32
    %dma_wait3A_308 = tpu.memref_slice %arg14[%dma_wait3A_302, %dma_wait3A_307] : memref<5x200xi32, #tpu.memory_space<vmem>> -> memref<1x200xi32, #tpu.memory_space<vmem>>
    %dma_wait3A_309 = tpu.memref_squeeze %dma_wait3A_308 : memref<1x200xi32, #tpu.memory_space<vmem>> -> memref<200xi32, #tpu.memory_space<vmem>>
    %dma_wait3A_310 = tpu.memref_slice %arg10[%add3A_274] : memref<320000xi32, #tpu.memory_space<hbm>> -> memref<200xi32, #tpu.memory_space<hbm>>
    tpu.wait_dma2 semaphore(%arg19 : memref<!tpu.dma_semaphore, #tpu.memory_space<semaphore_mem>>) src(%dma_wait3A_310 : memref<200xi32, #tpu.memory_space<hbm>>) dst(%dma_wait3A_309 : memref<200xi32, #tpu.memory_space<vmem>>)
    %dma_wait3A_311 = arith.constant 4 : i32
    %dma_wait3A_312 = arith.constant 0 : i32
    %dma_wait3A_313 = tpu.memref_slice %arg14[%dma_wait3A_311, %dma_wait3A_312] : memref<5x200xi32, #tpu.memory_space<vmem>> -> memref<1x200xi32, #tpu.memory_space<vmem>>
    %dma_wait3A_314 = tpu.memref_squeeze %dma_wait3A_313 : memref<1x200xi32, #tpu.memory_space<vmem>> -> memref<200xi32, #tpu.memory_space<vmem>>
    %dma_wait3A_315 = tpu.memref_slice %arg11[%add3A_274] : memref<320000xi32, #tpu.memory_space<hbm>> -> memref<200xi32, #tpu.memory_space<hbm>>
    %dma_wait3A_316 = arith.constant 0 : i32
    %dma_wait3A_317 = tpu.memref_slice %arg14[%dma_wait3A_311, %dma_wait3A_316] : memref<5x200xi32, #tpu.memory_space<vmem>> -> memref<1x200xi32, #tpu.memory_space<vmem>>
    %dma_wait3A_318 = tpu.memref_squeeze %dma_wait3A_317 : memref<1x200xi32, #tpu.memory_space<vmem>> -> memref<200xi32, #tpu.memory_space<vmem>>
    %dma_wait3A_319 = tpu.memref_slice %arg11[%add3A_274] : memref<320000xi32, #tpu.memory_space<hbm>> -> memref<200xi32, #tpu.memory_space<hbm>>
    tpu.wait_dma2 semaphore(%arg19 : memref<!tpu.dma_semaphore, #tpu.memory_space<semaphore_mem>>) src(%dma_wait3A_319 : memref<200xi32, #tpu.memory_space<hbm>>) dst(%dma_wait3A_318 : memref<200xi32, #tpu.memory_space<vmem>>)
    return
  }
}

#map = affine_map<(d0, d1) -> (0, 0)>
#map1 = affine_map<(d0, d1) -> (0)>
module attributes {stable_mosaic.version = 14 : i64} {
  func.func @_sc_pairprod_body(%arg0: i32, %arg1: i32, %arg2: memref<10000x128xf32, #tpu.memory_space<hbm>>, %arg3: memref<320000xi32, #tpu.memory_space<hbm>>, %arg4: memref<320000xi32, #tpu.memory_space<hbm>>, %arg5: memref<320000x128xf32, #tpu.memory_space<hbm>>, %arg6: memref<2x80xi32, #tpu.memory_space<vmem>>, %arg7: memref<2x80xi32, #tpu.memory_space<vmem>>, %arg8: memref<2x80x128xf32, #tpu.memory_space<vmem>>, %arg9: memref<2x80x128xf32, #tpu.memory_space<vmem>>, %arg10: memref<80x128xf32, #tpu.memory_space<vmem>>, %arg11: memref<!tpu.dma_semaphore, #tpu.memory_space<semaphore_mem>>, %arg12: memref<!tpu.dma_semaphore, #tpu.memory_space<semaphore_mem>>, %arg13: memref<!tpu.dma_semaphore, #tpu.memory_space<semaphore_mem>>, %arg14: memref<!tpu.dma_semaphore, #tpu.memory_space<semaphore_mem>>) attributes {dimension_semantics = [#tpu.dimension_semantics<core_parallel>, #tpu.dimension_semantics<subcore_parallel>], iteration_bounds = array<i64: 2, 16>, scalar_prefetch = 0 : i64, scratch_operands = 9 : i64, tpu.core_type = #tpu.core_type<sc_vector_subcore>, window_params = [{transform_indices = #map}, {transform_indices = #map1}, {transform_indices = #map1}, {transform_indices = #map}]} {
    %mul3A = arith.constant 2 : i32
    %mul3A_0 = arith.muli %arg1, %mul3A : i32
    %add3A = arith.addi %mul3A_0, %arg0 : i32
    %mul3A_1 = arith.constant 10000 : i32
    %mul3A_2 = arith.muli %add3A, %mul3A_1 : i32
    %add3A_3 = arith.constant 0 : i32
    %add3A_4 = arith.addi %mul3A_2, %add3A_3 : i32
    %dma_start3A = arith.constant 0 : i32
    %dma_start3A_5 = arith.constant 0 : i32
    %dma_start3A_6 = tpu.memref_slice %arg6[%dma_start3A, %dma_start3A_5] : memref<2x80xi32, #tpu.memory_space<vmem>> -> memref<1x80xi32, #tpu.memory_space<vmem>>
    %dma_start3A_7 = tpu.memref_squeeze %dma_start3A_6 : memref<1x80xi32, #tpu.memory_space<vmem>> -> memref<80xi32, #tpu.memory_space<vmem>>
    %dma_start3A_8 = tpu.memref_slice %arg3[%add3A_4] : memref<320000xi32, #tpu.memory_space<hbm>> -> memref<80xi32, #tpu.memory_space<hbm>>
    %dma_start3A_9 = arith.constant 0 : i32
    %dma_start3A_10 = tpu.memref_slice %arg6[%dma_start3A, %dma_start3A_9] : memref<2x80xi32, #tpu.memory_space<vmem>> -> memref<1x80xi32, #tpu.memory_space<vmem>>
    %dma_start3A_11 = tpu.memref_squeeze %dma_start3A_10 : memref<1x80xi32, #tpu.memory_space<vmem>> -> memref<80xi32, #tpu.memory_space<vmem>>
    %dma_start3A_12 = tpu.memref_slice %arg3[%add3A_4] : memref<320000xi32, #tpu.memory_space<hbm>> -> memref<80xi32, #tpu.memory_space<hbm>>
    tpu.enqueue_dma source(%dma_start3A_12 : memref<80xi32, #tpu.memory_space<hbm>>) target(%dma_start3A_11 : memref<80xi32, #tpu.memory_space<vmem>>) target_semaphore(%arg11 : memref<!tpu.dma_semaphore, #tpu.memory_space<semaphore_mem>>)
    %dma_start3A_13 = arith.constant 1 : i32
    %dma_start3A_14 = arith.constant 0 : i32
    %dma_start3A_15 = tpu.memref_slice %arg6[%dma_start3A_13, %dma_start3A_14] : memref<2x80xi32, #tpu.memory_space<vmem>> -> memref<1x80xi32, #tpu.memory_space<vmem>>
    %dma_start3A_16 = tpu.memref_squeeze %dma_start3A_15 : memref<1x80xi32, #tpu.memory_space<vmem>> -> memref<80xi32, #tpu.memory_space<vmem>>
    %dma_start3A_17 = tpu.memref_slice %arg4[%add3A_4] : memref<320000xi32, #tpu.memory_space<hbm>> -> memref<80xi32, #tpu.memory_space<hbm>>
    %dma_start3A_18 = arith.constant 0 : i32
    %dma_start3A_19 = tpu.memref_slice %arg6[%dma_start3A_13, %dma_start3A_18] : memref<2x80xi32, #tpu.memory_space<vmem>> -> memref<1x80xi32, #tpu.memory_space<vmem>>
    %dma_start3A_20 = tpu.memref_squeeze %dma_start3A_19 : memref<1x80xi32, #tpu.memory_space<vmem>> -> memref<80xi32, #tpu.memory_space<vmem>>
    %dma_start3A_21 = tpu.memref_slice %arg4[%add3A_4] : memref<320000xi32, #tpu.memory_space<hbm>> -> memref<80xi32, #tpu.memory_space<hbm>>
    tpu.enqueue_dma source(%dma_start3A_21 : memref<80xi32, #tpu.memory_space<hbm>>) target(%dma_start3A_20 : memref<80xi32, #tpu.memory_space<vmem>>) target_semaphore(%arg11 : memref<!tpu.dma_semaphore, #tpu.memory_space<semaphore_mem>>)
    %mul3A_22 = arith.constant 10000 : i32
    %mul3A_23 = arith.muli %add3A, %mul3A_22 : i32
    %add3A_24 = arith.constant 0 : i32
    %add3A_25 = arith.addi %mul3A_23, %add3A_24 : i32
    %dma_wait3A = arith.constant 0 : i32
    %dma_wait3A_26 = arith.constant 0 : i32
    %dma_wait3A_27 = tpu.memref_slice %arg6[%dma_wait3A, %dma_wait3A_26] : memref<2x80xi32, #tpu.memory_space<vmem>> -> memref<1x80xi32, #tpu.memory_space<vmem>>
    %dma_wait3A_28 = tpu.memref_squeeze %dma_wait3A_27 : memref<1x80xi32, #tpu.memory_space<vmem>> -> memref<80xi32, #tpu.memory_space<vmem>>
    %dma_wait3A_29 = tpu.memref_slice %arg3[%add3A_25] : memref<320000xi32, #tpu.memory_space<hbm>> -> memref<80xi32, #tpu.memory_space<hbm>>
    %dma_wait3A_30 = arith.constant 0 : i32
    %dma_wait3A_31 = tpu.memref_slice %arg6[%dma_wait3A, %dma_wait3A_30] : memref<2x80xi32, #tpu.memory_space<vmem>> -> memref<1x80xi32, #tpu.memory_space<vmem>>
    %dma_wait3A_32 = tpu.memref_squeeze %dma_wait3A_31 : memref<1x80xi32, #tpu.memory_space<vmem>> -> memref<80xi32, #tpu.memory_space<vmem>>
    %dma_wait3A_33 = tpu.memref_slice %arg3[%add3A_25] : memref<320000xi32, #tpu.memory_space<hbm>> -> memref<80xi32, #tpu.memory_space<hbm>>
    tpu.wait_dma2 semaphore(%arg11 : memref<!tpu.dma_semaphore, #tpu.memory_space<semaphore_mem>>) src(%dma_wait3A_33 : memref<80xi32, #tpu.memory_space<hbm>>) dst(%dma_wait3A_32 : memref<80xi32, #tpu.memory_space<vmem>>)
    %dma_wait3A_34 = arith.constant 1 : i32
    %dma_wait3A_35 = arith.constant 0 : i32
    %dma_wait3A_36 = tpu.memref_slice %arg6[%dma_wait3A_34, %dma_wait3A_35] : memref<2x80xi32, #tpu.memory_space<vmem>> -> memref<1x80xi32, #tpu.memory_space<vmem>>
    %dma_wait3A_37 = tpu.memref_squeeze %dma_wait3A_36 : memref<1x80xi32, #tpu.memory_space<vmem>> -> memref<80xi32, #tpu.memory_space<vmem>>
    %dma_wait3A_38 = tpu.memref_slice %arg4[%add3A_25] : memref<320000xi32, #tpu.memory_space<hbm>> -> memref<80xi32, #tpu.memory_space<hbm>>
    %dma_wait3A_39 = arith.constant 0 : i32
    %dma_wait3A_40 = tpu.memref_slice %arg6[%dma_wait3A_34, %dma_wait3A_39] : memref<2x80xi32, #tpu.memory_space<vmem>> -> memref<1x80xi32, #tpu.memory_space<vmem>>
    %dma_wait3A_41 = tpu.memref_squeeze %dma_wait3A_40 : memref<1x80xi32, #tpu.memory_space<vmem>> -> memref<80xi32, #tpu.memory_space<vmem>>
    %dma_wait3A_42 = tpu.memref_slice %arg4[%add3A_25] : memref<320000xi32, #tpu.memory_space<hbm>> -> memref<80xi32, #tpu.memory_space<hbm>>
    tpu.wait_dma2 semaphore(%arg11 : memref<!tpu.dma_semaphore, #tpu.memory_space<semaphore_mem>>) src(%dma_wait3A_42 : memref<80xi32, #tpu.memory_space<hbm>>) dst(%dma_wait3A_41 : memref<80xi32, #tpu.memory_space<vmem>>)
    %dma_start3A_43 = arith.constant 0 : i32
    %dma_start3A_44 = arith.constant 0 : i32
    %dma_start3A_45 = arith.constant 0 : i32
    %dma_start3A_46 = arith.constant 0 : i32
    %dma_start3A_47 = tpu.memref_slice %arg8[%dma_start3A_44, %dma_start3A_45, %dma_start3A_46] : memref<2x80x128xf32, #tpu.memory_space<vmem>> -> memref<1x80x128xf32, #tpu.memory_space<vmem>>
    %dma_start3A_48 = tpu.memref_squeeze %dma_start3A_47 : memref<1x80x128xf32, #tpu.memory_space<vmem>> -> memref<80x128xf32, #tpu.memory_space<vmem>>
    %dma_start3A_49 = arith.constant 0 : i32
    %dma_start3A_50 = tpu.memref_slice %arg6[%dma_start3A_43, %dma_start3A_49] : memref<2x80xi32, #tpu.memory_space<vmem>> -> memref<1x80xi32, #tpu.memory_space<vmem>>
    %dma_start3A_51 = tpu.memref_squeeze %dma_start3A_50 : memref<1x80xi32, #tpu.memory_space<vmem>> -> memref<80xi32, #tpu.memory_space<vmem>>
    %dma_start3A_52 = arith.constant 0 : i32
    %dma_start3A_53 = arith.constant 0 : i32
    %dma_start3A_54 = tpu.memref_slice %arg2[%dma_start3A_52, %dma_start3A_53] : memref<10000x128xf32, #tpu.memory_space<hbm>> -> memref<10000x128xf32, #tpu.memory_space<hbm>>
    tpu.enqueue_indirect_dma source(%dma_start3A_54 : memref<10000x128xf32, #tpu.memory_space<hbm>>) target(%dma_start3A_48 : memref<80x128xf32, #tpu.memory_space<vmem>>) offsets(%dma_start3A_51 : memref<80xi32, #tpu.memory_space<vmem>>) semaphore(%arg13 : memref<!tpu.dma_semaphore, #tpu.memory_space<semaphore_mem>>)
    %dma_start3A_55 = arith.constant 1 : i32
    %dma_start3A_56 = arith.constant 1 : i32
    %dma_start3A_57 = arith.constant 0 : i32
    %dma_start3A_58 = arith.constant 0 : i32
    %dma_start3A_59 = tpu.memref_slice %arg8[%dma_start3A_56, %dma_start3A_57, %dma_start3A_58] : memref<2x80x128xf32, #tpu.memory_space<vmem>> -> memref<1x80x128xf32, #tpu.memory_space<vmem>>
    %dma_start3A_60 = tpu.memref_squeeze %dma_start3A_59 : memref<1x80x128xf32, #tpu.memory_space<vmem>> -> memref<80x128xf32, #tpu.memory_space<vmem>>
    %dma_start3A_61 = arith.constant 0 : i32
    %dma_start3A_62 = tpu.memref_slice %arg6[%dma_start3A_55, %dma_start3A_61] : memref<2x80xi32, #tpu.memory_space<vmem>> -> memref<1x80xi32, #tpu.memory_space<vmem>>
    %dma_start3A_63 = tpu.memref_squeeze %dma_start3A_62 : memref<1x80xi32, #tpu.memory_space<vmem>> -> memref<80xi32, #tpu.memory_space<vmem>>
    %dma_start3A_64 = arith.constant 0 : i32
    %dma_start3A_65 = arith.constant 0 : i32
    %dma_start3A_66 = tpu.memref_slice %arg2[%dma_start3A_64, %dma_start3A_65] : memref<10000x128xf32, #tpu.memory_space<hbm>> -> memref<10000x128xf32, #tpu.memory_space<hbm>>
    tpu.enqueue_indirect_dma source(%dma_start3A_66 : memref<10000x128xf32, #tpu.memory_space<hbm>>) target(%dma_start3A_60 : memref<80x128xf32, #tpu.memory_space<vmem>>) offsets(%dma_start3A_63 : memref<80xi32, #tpu.memory_space<vmem>>) semaphore(%arg13 : memref<!tpu.dma_semaphore, #tpu.memory_space<semaphore_mem>>)
    %mul3A_67 = arith.constant 10000 : i32
    %mul3A_68 = arith.muli %add3A, %mul3A_67 : i32
    %add3A_69 = arith.constant 80 : i32
    %add3A_70 = arith.addi %mul3A_68, %add3A_69 : i32
    %dma_start3A_71 = arith.constant 0 : i32
    %dma_start3A_72 = arith.constant 0 : i32
    %dma_start3A_73 = tpu.memref_slice %arg7[%dma_start3A_71, %dma_start3A_72] : memref<2x80xi32, #tpu.memory_space<vmem>> -> memref<1x80xi32, #tpu.memory_space<vmem>>
    %dma_start3A_74 = tpu.memref_squeeze %dma_start3A_73 : memref<1x80xi32, #tpu.memory_space<vmem>> -> memref<80xi32, #tpu.memory_space<vmem>>
    %dma_start3A_75 = tpu.memref_slice %arg3[%add3A_70] : memref<320000xi32, #tpu.memory_space<hbm>> -> memref<80xi32, #tpu.memory_space<hbm>>
    %dma_start3A_76 = arith.constant 0 : i32
    %dma_start3A_77 = tpu.memref_slice %arg7[%dma_start3A_71, %dma_start3A_76] : memref<2x80xi32, #tpu.memory_space<vmem>> -> memref<1x80xi32, #tpu.memory_space<vmem>>
    %dma_start3A_78 = tpu.memref_squeeze %dma_start3A_77 : memref<1x80xi32, #tpu.memory_space<vmem>> -> memref<80xi32, #tpu.memory_space<vmem>>
    %dma_start3A_79 = tpu.memref_slice %arg3[%add3A_70] : memref<320000xi32, #tpu.memory_space<hbm>> -> memref<80xi32, #tpu.memory_space<hbm>>
    tpu.enqueue_dma source(%dma_start3A_79 : memref<80xi32, #tpu.memory_space<hbm>>) target(%dma_start3A_78 : memref<80xi32, #tpu.memory_space<vmem>>) target_semaphore(%arg12 : memref<!tpu.dma_semaphore, #tpu.memory_space<semaphore_mem>>)
    %dma_start3A_80 = arith.constant 1 : i32
    %dma_start3A_81 = arith.constant 0 : i32
    %dma_start3A_82 = tpu.memref_slice %arg7[%dma_start3A_80, %dma_start3A_81] : memref<2x80xi32, #tpu.memory_space<vmem>> -> memref<1x80xi32, #tpu.memory_space<vmem>>
    %dma_start3A_83 = tpu.memref_squeeze %dma_start3A_82 : memref<1x80xi32, #tpu.memory_space<vmem>> -> memref<80xi32, #tpu.memory_space<vmem>>
    %dma_start3A_84 = tpu.memref_slice %arg4[%add3A_70] : memref<320000xi32, #tpu.memory_space<hbm>> -> memref<80xi32, #tpu.memory_space<hbm>>
    %dma_start3A_85 = arith.constant 0 : i32
    %dma_start3A_86 = tpu.memref_slice %arg7[%dma_start3A_80, %dma_start3A_85] : memref<2x80xi32, #tpu.memory_space<vmem>> -> memref<1x80xi32, #tpu.memory_space<vmem>>
    %dma_start3A_87 = tpu.memref_squeeze %dma_start3A_86 : memref<1x80xi32, #tpu.memory_space<vmem>> -> memref<80xi32, #tpu.memory_space<vmem>>
    %dma_start3A_88 = tpu.memref_slice %arg4[%add3A_70] : memref<320000xi32, #tpu.memory_space<hbm>> -> memref<80xi32, #tpu.memory_space<hbm>>
    tpu.enqueue_dma source(%dma_start3A_88 : memref<80xi32, #tpu.memory_space<hbm>>) target(%dma_start3A_87 : memref<80xi32, #tpu.memory_space<vmem>>) target_semaphore(%arg12 : memref<!tpu.dma_semaphore, #tpu.memory_space<semaphore_mem>>)
    %scan3A = arith.constant 0 : i32
    %scan3A_89 = arith.constant 0 : i32
    %scan3A_90 = arith.constant 62 : i32
    %scan3A_91 = arith.addi %scan3A_89, %scan3A_90 : i32
    %scan3A_92 = arith.constant 1 : i32
    scf.for %scan3A_150 = %scan3A_89 to %scan3A_91 step %scan3A_92  : i32 {
      %mul3A_151 = arith.constant 2 : i32
      %mul3A_152 = arith.muli %mul3A_151, %scan3A_150 : i32
      %dma_wait3A_153 = arith.constant 0 : i32
      %dma_wait3A_154 = arith.constant 0 : i32
      %dma_wait3A_155 = arith.constant 0 : i32
      %dma_wait3A_156 = arith.constant 0 : i32
      %dma_wait3A_157 = tpu.memref_slice %arg8[%dma_wait3A_154, %dma_wait3A_155, %dma_wait3A_156] : memref<2x80x128xf32, #tpu.memory_space<vmem>> -> memref<1x80x128xf32, #tpu.memory_space<vmem>>
      %dma_wait3A_158 = tpu.memref_squeeze %dma_wait3A_157 : memref<1x80x128xf32, #tpu.memory_space<vmem>> -> memref<80x128xf32, #tpu.memory_space<vmem>>
      %dma_wait3A_159 = arith.constant 0 : i32
      %dma_wait3A_160 = tpu.memref_slice %arg6[%dma_wait3A_153, %dma_wait3A_159] : memref<2x80xi32, #tpu.memory_space<vmem>> -> memref<1x80xi32, #tpu.memory_space<vmem>>
      %dma_wait3A_161 = tpu.memref_squeeze %dma_wait3A_160 : memref<1x80xi32, #tpu.memory_space<vmem>> -> memref<80xi32, #tpu.memory_space<vmem>>
      %dma_wait3A_162 = arith.constant 0 : i32
      %dma_wait3A_163 = arith.constant 0 : i32
      %dma_wait3A_164 = tpu.memref_slice %arg2[%dma_wait3A_162, %dma_wait3A_163] : memref<10000x128xf32, #tpu.memory_space<hbm>> -> memref<10000x128xf32, #tpu.memory_space<hbm>>
      tpu.wait_indirect_dma semaphore(%arg13 : memref<!tpu.dma_semaphore, #tpu.memory_space<semaphore_mem>>) src(%dma_wait3A_164 : memref<10000x128xf32, #tpu.memory_space<hbm>>) dst(%dma_wait3A_158 : memref<80x128xf32, #tpu.memory_space<vmem>>)
      %dma_wait3A_165 = arith.constant 1 : i32
      %dma_wait3A_166 = arith.constant 1 : i32
      %dma_wait3A_167 = arith.constant 0 : i32
      %dma_wait3A_168 = arith.constant 0 : i32
      %dma_wait3A_169 = tpu.memref_slice %arg8[%dma_wait3A_166, %dma_wait3A_167, %dma_wait3A_168] : memref<2x80x128xf32, #tpu.memory_space<vmem>> -> memref<1x80x128xf32, #tpu.memory_space<vmem>>
      %dma_wait3A_170 = tpu.memref_squeeze %dma_wait3A_169 : memref<1x80x128xf32, #tpu.memory_space<vmem>> -> memref<80x128xf32, #tpu.memory_space<vmem>>
      %dma_wait3A_171 = arith.constant 0 : i32
      %dma_wait3A_172 = tpu.memref_slice %arg6[%dma_wait3A_165, %dma_wait3A_171] : memref<2x80xi32, #tpu.memory_space<vmem>> -> memref<1x80xi32, #tpu.memory_space<vmem>>
      %dma_wait3A_173 = tpu.memref_squeeze %dma_wait3A_172 : memref<1x80xi32, #tpu.memory_space<vmem>> -> memref<80xi32, #tpu.memory_space<vmem>>
      %dma_wait3A_174 = arith.constant 0 : i32
      %dma_wait3A_175 = arith.constant 0 : i32
      %dma_wait3A_176 = tpu.memref_slice %arg2[%dma_wait3A_174, %dma_wait3A_175] : memref<10000x128xf32, #tpu.memory_space<hbm>> -> memref<10000x128xf32, #tpu.memory_space<hbm>>
      tpu.wait_indirect_dma semaphore(%arg13 : memref<!tpu.dma_semaphore, #tpu.memory_space<semaphore_mem>>) src(%dma_wait3A_176 : memref<10000x128xf32, #tpu.memory_space<hbm>>) dst(%dma_wait3A_170 : memref<80x128xf32, #tpu.memory_space<vmem>>)
      %add3A_177 = arith.constant 2 : i32
      %add3A_178 = arith.addi %mul3A_152, %add3A_177 : i32
      %mul3A_179 = arith.constant 10000 : i32
      %mul3A_180 = arith.muli %add3A, %mul3A_179 : i32
      %mul3A_181 = arith.constant 80 : i32
      %mul3A_182 = arith.muli %add3A_178, %mul3A_181 : i32
      %add3A_183 = arith.addi %mul3A_180, %mul3A_182 : i32
      %dma_start3A_184 = arith.constant 0 : i32
      %dma_start3A_185 = arith.constant 0 : i32
      %dma_start3A_186 = tpu.memref_slice %arg6[%dma_start3A_184, %dma_start3A_185] : memref<2x80xi32, #tpu.memory_space<vmem>> -> memref<1x80xi32, #tpu.memory_space<vmem>>
      %dma_start3A_187 = tpu.memref_squeeze %dma_start3A_186 : memref<1x80xi32, #tpu.memory_space<vmem>> -> memref<80xi32, #tpu.memory_space<vmem>>
      %dma_start3A_188 = tpu.memref_slice %arg3[%add3A_183] : memref<320000xi32, #tpu.memory_space<hbm>> -> memref<80xi32, #tpu.memory_space<hbm>>
      %dma_start3A_189 = arith.constant 0 : i32
      %dma_start3A_190 = tpu.memref_slice %arg6[%dma_start3A_184, %dma_start3A_189] : memref<2x80xi32, #tpu.memory_space<vmem>> -> memref<1x80xi32, #tpu.memory_space<vmem>>
      %dma_start3A_191 = tpu.memref_squeeze %dma_start3A_190 : memref<1x80xi32, #tpu.memory_space<vmem>> -> memref<80xi32, #tpu.memory_space<vmem>>
      %dma_start3A_192 = tpu.memref_slice %arg3[%add3A_183] : memref<320000xi32, #tpu.memory_space<hbm>> -> memref<80xi32, #tpu.memory_space<hbm>>
      tpu.enqueue_dma source(%dma_start3A_192 : memref<80xi32, #tpu.memory_space<hbm>>) target(%dma_start3A_191 : memref<80xi32, #tpu.memory_space<vmem>>) target_semaphore(%arg11 : memref<!tpu.dma_semaphore, #tpu.memory_space<semaphore_mem>>)
      %dma_start3A_193 = arith.constant 1 : i32
      %dma_start3A_194 = arith.constant 0 : i32
      %dma_start3A_195 = tpu.memref_slice %arg6[%dma_start3A_193, %dma_start3A_194] : memref<2x80xi32, #tpu.memory_space<vmem>> -> memref<1x80xi32, #tpu.memory_space<vmem>>
      %dma_start3A_196 = tpu.memref_squeeze %dma_start3A_195 : memref<1x80xi32, #tpu.memory_space<vmem>> -> memref<80xi32, #tpu.memory_space<vmem>>
      %dma_start3A_197 = tpu.memref_slice %arg4[%add3A_183] : memref<320000xi32, #tpu.memory_space<hbm>> -> memref<80xi32, #tpu.memory_space<hbm>>
      %dma_start3A_198 = arith.constant 0 : i32
      %dma_start3A_199 = tpu.memref_slice %arg6[%dma_start3A_193, %dma_start3A_198] : memref<2x80xi32, #tpu.memory_space<vmem>> -> memref<1x80xi32, #tpu.memory_space<vmem>>
      %dma_start3A_200 = tpu.memref_squeeze %dma_start3A_199 : memref<1x80xi32, #tpu.memory_space<vmem>> -> memref<80xi32, #tpu.memory_space<vmem>>
      %dma_start3A_201 = tpu.memref_slice %arg4[%add3A_183] : memref<320000xi32, #tpu.memory_space<hbm>> -> memref<80xi32, #tpu.memory_space<hbm>>
      tpu.enqueue_dma source(%dma_start3A_201 : memref<80xi32, #tpu.memory_space<hbm>>) target(%dma_start3A_200 : memref<80xi32, #tpu.memory_space<vmem>>) target_semaphore(%arg11 : memref<!tpu.dma_semaphore, #tpu.memory_space<semaphore_mem>>)
      %add3A_202 = arith.constant 1 : i32
      %add3A_203 = arith.addi %mul3A_152, %add3A_202 : i32
      %mul3A_204 = arith.constant 10000 : i32
      %mul3A_205 = arith.muli %add3A, %mul3A_204 : i32
      %mul3A_206 = arith.constant 80 : i32
      %mul3A_207 = arith.muli %add3A_203, %mul3A_206 : i32
      %add3A_208 = arith.addi %mul3A_205, %mul3A_207 : i32
      %dma_wait3A_209 = arith.constant 0 : i32
      %dma_wait3A_210 = arith.constant 0 : i32
      %dma_wait3A_211 = tpu.memref_slice %arg7[%dma_wait3A_209, %dma_wait3A_210] : memref<2x80xi32, #tpu.memory_space<vmem>> -> memref<1x80xi32, #tpu.memory_space<vmem>>
      %dma_wait3A_212 = tpu.memref_squeeze %dma_wait3A_211 : memref<1x80xi32, #tpu.memory_space<vmem>> -> memref<80xi32, #tpu.memory_space<vmem>>
      %dma_wait3A_213 = tpu.memref_slice %arg3[%add3A_208] : memref<320000xi32, #tpu.memory_space<hbm>> -> memref<80xi32, #tpu.memory_space<hbm>>
      %dma_wait3A_214 = arith.constant 0 : i32
      %dma_wait3A_215 = tpu.memref_slice %arg7[%dma_wait3A_209, %dma_wait3A_214] : memref<2x80xi32, #tpu.memory_space<vmem>> -> memref<1x80xi32, #tpu.memory_space<vmem>>
      %dma_wait3A_216 = tpu.memref_squeeze %dma_wait3A_215 : memref<1x80xi32, #tpu.memory_space<vmem>> -> memref<80xi32, #tpu.memory_space<vmem>>
      %dma_wait3A_217 = tpu.memref_slice %arg3[%add3A_208] : memref<320000xi32, #tpu.memory_space<hbm>> -> memref<80xi32, #tpu.memory_space<hbm>>
      tpu.wait_dma2 semaphore(%arg12 : memref<!tpu.dma_semaphore, #tpu.memory_space<semaphore_mem>>) src(%dma_wait3A_217 : memref<80xi32, #tpu.memory_space<hbm>>) dst(%dma_wait3A_216 : memref<80xi32, #tpu.memory_space<vmem>>)
      %dma_wait3A_218 = arith.constant 1 : i32
      %dma_wait3A_219 = arith.constant 0 : i32
      %dma_wait3A_220 = tpu.memref_slice %arg7[%dma_wait3A_218, %dma_wait3A_219] : memref<2x80xi32, #tpu.memory_space<vmem>> -> memref<1x80xi32, #tpu.memory_space<vmem>>
      %dma_wait3A_221 = tpu.memref_squeeze %dma_wait3A_220 : memref<1x80xi32, #tpu.memory_space<vmem>> -> memref<80xi32, #tpu.memory_space<vmem>>
      %dma_wait3A_222 = tpu.memref_slice %arg4[%add3A_208] : memref<320000xi32, #tpu.memory_space<hbm>> -> memref<80xi32, #tpu.memory_space<hbm>>
      %dma_wait3A_223 = arith.constant 0 : i32
      %dma_wait3A_224 = tpu.memref_slice %arg7[%dma_wait3A_218, %dma_wait3A_223] : memref<2x80xi32, #tpu.memory_space<vmem>> -> memref<1x80xi32, #tpu.memory_space<vmem>>
      %dma_wait3A_225 = tpu.memref_squeeze %dma_wait3A_224 : memref<1x80xi32, #tpu.memory_space<vmem>> -> memref<80xi32, #tpu.memory_space<vmem>>
      %dma_wait3A_226 = tpu.memref_slice %arg4[%add3A_208] : memref<320000xi32, #tpu.memory_space<hbm>> -> memref<80xi32, #tpu.memory_space<hbm>>
      tpu.wait_dma2 semaphore(%arg12 : memref<!tpu.dma_semaphore, #tpu.memory_space<semaphore_mem>>) src(%dma_wait3A_226 : memref<80xi32, #tpu.memory_space<hbm>>) dst(%dma_wait3A_225 : memref<80xi32, #tpu.memory_space<vmem>>)
      %dma_start3A_227 = arith.constant 0 : i32
      %dma_start3A_228 = arith.constant 0 : i32
      %dma_start3A_229 = arith.constant 0 : i32
      %dma_start3A_230 = arith.constant 0 : i32
      %dma_start3A_231 = tpu.memref_slice %arg9[%dma_start3A_228, %dma_start3A_229, %dma_start3A_230] : memref<2x80x128xf32, #tpu.memory_space<vmem>> -> memref<1x80x128xf32, #tpu.memory_space<vmem>>
      %dma_start3A_232 = tpu.memref_squeeze %dma_start3A_231 : memref<1x80x128xf32, #tpu.memory_space<vmem>> -> memref<80x128xf32, #tpu.memory_space<vmem>>
      %dma_start3A_233 = arith.constant 0 : i32
      %dma_start3A_234 = tpu.memref_slice %arg7[%dma_start3A_227, %dma_start3A_233] : memref<2x80xi32, #tpu.memory_space<vmem>> -> memref<1x80xi32, #tpu.memory_space<vmem>>
      %dma_start3A_235 = tpu.memref_squeeze %dma_start3A_234 : memref<1x80xi32, #tpu.memory_space<vmem>> -> memref<80xi32, #tpu.memory_space<vmem>>
      %dma_start3A_236 = arith.constant 0 : i32
      %dma_start3A_237 = arith.constant 0 : i32
      %dma_start3A_238 = tpu.memref_slice %arg2[%dma_start3A_236, %dma_start3A_237] : memref<10000x128xf32, #tpu.memory_space<hbm>> -> memref<10000x128xf32, #tpu.memory_space<hbm>>
      tpu.enqueue_indirect_dma source(%dma_start3A_238 : memref<10000x128xf32, #tpu.memory_space<hbm>>) target(%dma_start3A_232 : memref<80x128xf32, #tpu.memory_space<vmem>>) offsets(%dma_start3A_235 : memref<80xi32, #tpu.memory_space<vmem>>) semaphore(%arg14 : memref<!tpu.dma_semaphore, #tpu.memory_space<semaphore_mem>>)
      %dma_start3A_239 = arith.constant 1 : i32
      %dma_start3A_240 = arith.constant 1 : i32
      %dma_start3A_241 = arith.constant 0 : i32
      %dma_start3A_242 = arith.constant 0 : i32
      %dma_start3A_243 = tpu.memref_slice %arg9[%dma_start3A_240, %dma_start3A_241, %dma_start3A_242] : memref<2x80x128xf32, #tpu.memory_space<vmem>> -> memref<1x80x128xf32, #tpu.memory_space<vmem>>
      %dma_start3A_244 = tpu.memref_squeeze %dma_start3A_243 : memref<1x80x128xf32, #tpu.memory_space<vmem>> -> memref<80x128xf32, #tpu.memory_space<vmem>>
      %dma_start3A_245 = arith.constant 0 : i32
      %dma_start3A_246 = tpu.memref_slice %arg7[%dma_start3A_239, %dma_start3A_245] : memref<2x80xi32, #tpu.memory_space<vmem>> -> memref<1x80xi32, #tpu.memory_space<vmem>>
      %dma_start3A_247 = tpu.memref_squeeze %dma_start3A_246 : memref<1x80xi32, #tpu.memory_space<vmem>> -> memref<80xi32, #tpu.memory_space<vmem>>
      %dma_start3A_248 = arith.constant 0 : i32
      %dma_start3A_249 = arith.constant 0 : i32
      %dma_start3A_250 = tpu.memref_slice %arg2[%dma_start3A_248, %dma_start3A_249] : memref<10000x128xf32, #tpu.memory_space<hbm>> -> memref<10000x128xf32, #tpu.memory_space<hbm>>
      tpu.enqueue_indirect_dma source(%dma_start3A_250 : memref<10000x128xf32, #tpu.memory_space<hbm>>) target(%dma_start3A_244 : memref<80x128xf32, #tpu.memory_space<vmem>>) offsets(%dma_start3A_247 : memref<80xi32, #tpu.memory_space<vmem>>) semaphore(%arg14 : memref<!tpu.dma_semaphore, #tpu.memory_space<semaphore_mem>>)
      %scan3A_251 = arith.constant 0 : i32
      %scan3A_252 = arith.constant 0 : i32
      %scan3A_253 = arith.constant 80 : i32
      %scan3A_254 = arith.addi %scan3A_252, %scan3A_253 : i32
      %scan3A_255 = arith.constant 1 : i32
      scf.for %scan3A_372 = %scan3A_252 to %scan3A_254 step %scan3A_255  : i32 {
        %get3A = arith.constant 0 : i32
        %get3A_373 = arith.index_cast %get3A : i32 to index
        %get3A_374 = arith.index_cast %scan3A_372 : i32 to index
        %get3A_375 = arith.constant 0 : index
        %get3A_376 = tpu.vector_load %arg8[%get3A_373, %get3A_374, %get3A_375] {strides = array<i32>} : memref<2x80x128xf32, #tpu.memory_space<vmem>>, vector<1x1x16xf32>,
        %get3A_377 = vector.shape_cast %get3A_376 : vector<1x1x16xf32> to vector<16xf32>
        %get3A_378 = arith.constant 1 : i32
        %get3A_379 = arith.index_cast %get3A_378 : i32 to index
        %get3A_380 = arith.index_cast %scan3A_372 : i32 to index
        %get3A_381 = arith.constant 0 : index
        %get3A_382 = tpu.vector_load %arg8[%get3A_379, %get3A_380, %get3A_381] {strides = array<i32>} : memref<2x80x128xf32, #tpu.memory_space<vmem>>, vector<1x1x16xf32>,
        %get3A_383 = vector.shape_cast %get3A_382 : vector<1x1x16xf32> to vector<16xf32>
        %mul3A_384 = arith.mulf %get3A_377, %get3A_383 : vector<16xf32>
        %swap3A = arith.index_cast %scan3A_372 : i32 to index
        %swap3A_385 = arith.constant 0 : index
        %swap3A_386 = tpu.vector_load %arg10[%swap3A, %swap3A_385] {strides = array<i32>} : memref<80x128xf32, #tpu.memory_space<vmem>>, vector<1x16xf32>,
        %swap3A_387 = vector.shape_cast %swap3A_386 : vector<1x16xf32> to vector<16xf32>
        %swap3A_388 = vector.shape_cast %mul3A_384 : vector<16xf32> to vector<1x16xf32>
        tpu.vector_store %arg10[%swap3A, %swap3A_385], %swap3A_388 {strides = array<i32>} : memref<80x128xf32, #tpu.memory_space<vmem>>, vector<1x16xf32>,
        %get3A_389 = arith.constant 0 : i32
        %get3A_390 = arith.index_cast %get3A_389 : i32 to index
        %get3A_391 = arith.index_cast %scan3A_372 : i32 to index
        %get3A_392 = arith.constant 16 : index
        %get3A_393 = tpu.vector_load %arg8[%get3A_390, %get3A_391, %get3A_392] {strides = array<i32>} : memref<2x80x128xf32, #tpu.memory_space<vmem>>, vector<1x1x16xf32>,
        %get3A_394 = vector.shape_cast %get3A_393 : vector<1x1x16xf32> to vector<16xf32>
        %get3A_395 = arith.constant 1 : i32
        %get3A_396 = arith.index_cast %get3A_395 : i32 to index
        %get3A_397 = arith.index_cast %scan3A_372 : i32 to index
        %get3A_398 = arith.constant 16 : index
        %get3A_399 = tpu.vector_load %arg8[%get3A_396, %get3A_397, %get3A_398] {strides = array<i32>} : memref<2x80x128xf32, #tpu.memory_space<vmem>>, vector<1x1x16xf32>,
        %get3A_400 = vector.shape_cast %get3A_399 : vector<1x1x16xf32> to vector<16xf32>
        %mul3A_401 = arith.mulf %get3A_394, %get3A_400 : vector<16xf32>
        %swap3A_402 = arith.index_cast %scan3A_372 : i32 to index
        %swap3A_403 = arith.constant 16 : index
        %swap3A_404 = tpu.vector_load %arg10[%swap3A_402, %swap3A_403] {strides = array<i32>} : memref<80x128xf32, #tpu.memory_space<vmem>>, vector<1x16xf32>,
        %swap3A_405 = vector.shape_cast %swap3A_404 : vector<1x16xf32> to vector<16xf32>
        %swap3A_406 = vector.shape_cast %mul3A_401 : vector<16xf32> to vector<1x16xf32>
        tpu.vector_store %arg10[%swap3A_402, %swap3A_403], %swap3A_406 {strides = array<i32>} : memref<80x128xf32, #tpu.memory_space<vmem>>, vector<1x16xf32>,
        %get3A_407 = arith.constant 0 : i32
        %get3A_408 = arith.index_cast %get3A_407 : i32 to index
        %get3A_409 = arith.index_cast %scan3A_372 : i32 to index
        %get3A_410 = arith.constant 32 : index
        %get3A_411 = tpu.vector_load %arg8[%get3A_408, %get3A_409, %get3A_410] {strides = array<i32>} : memref<2x80x128xf32, #tpu.memory_space<vmem>>, vector<1x1x16xf32>,
        %get3A_412 = vector.shape_cast %get3A_411 : vector<1x1x16xf32> to vector<16xf32>
        %get3A_413 = arith.constant 1 : i32
        %get3A_414 = arith.index_cast %get3A_413 : i32 to index
        %get3A_415 = arith.index_cast %scan3A_372 : i32 to index
        %get3A_416 = arith.constant 32 : index
        %get3A_417 = tpu.vector_load %arg8[%get3A_414, %get3A_415, %get3A_416] {strides = array<i32>} : memref<2x80x128xf32, #tpu.memory_space<vmem>>, vector<1x1x16xf32>,
        %get3A_418 = vector.shape_cast %get3A_417 : vector<1x1x16xf32> to vector<16xf32>
        %mul3A_419 = arith.mulf %get3A_412, %get3A_418 : vector<16xf32>
        %swap3A_420 = arith.index_cast %scan3A_372 : i32 to index
        %swap3A_421 = arith.constant 32 : index
        %swap3A_422 = tpu.vector_load %arg10[%swap3A_420, %swap3A_421] {strides = array<i32>} : memref<80x128xf32, #tpu.memory_space<vmem>>, vector<1x16xf32>,
        %swap3A_423 = vector.shape_cast %swap3A_422 : vector<1x16xf32> to vector<16xf32>
        %swap3A_424 = vector.shape_cast %mul3A_419 : vector<16xf32> to vector<1x16xf32>
        tpu.vector_store %arg10[%swap3A_420, %swap3A_421], %swap3A_424 {strides = array<i32>} : memref<80x128xf32, #tpu.memory_space<vmem>>, vector<1x16xf32>,
        %get3A_425 = arith.constant 0 : i32
        %get3A_426 = arith.index_cast %get3A_425 : i32 to index
        %get3A_427 = arith.index_cast %scan3A_372 : i32 to index
        %get3A_428 = arith.constant 48 : index
        %get3A_429 = tpu.vector_load %arg8[%get3A_426, %get3A_427, %get3A_428] {strides = array<i32>} : memref<2x80x128xf32, #tpu.memory_space<vmem>>, vector<1x1x16xf32>,
        %get3A_430 = vector.shape_cast %get3A_429 : vector<1x1x16xf32> to vector<16xf32>
        %get3A_431 = arith.constant 1 : i32
        %get3A_432 = arith.index_cast %get3A_431 : i32 to index
        %get3A_433 = arith.index_cast %scan3A_372 : i32 to index
        %get3A_434 = arith.constant 48 : index
        %get3A_435 = tpu.vector_load %arg8[%get3A_432, %get3A_433, %get3A_434] {strides = array<i32>} : memref<2x80x128xf32, #tpu.memory_space<vmem>>, vector<1x1x16xf32>,
        %get3A_436 = vector.shape_cast %get3A_435 : vector<1x1x16xf32> to vector<16xf32>
        %mul3A_437 = arith.mulf %get3A_430, %get3A_436 : vector<16xf32>
        %swap3A_438 = arith.index_cast %scan3A_372 : i32 to index
        %swap3A_439 = arith.constant 48 : index
        %swap3A_440 = tpu.vector_load %arg10[%swap3A_438, %swap3A_439] {strides = array<i32>} : memref<80x128xf32, #tpu.memory_space<vmem>>, vector<1x16xf32>,
        %swap3A_441 = vector.shape_cast %swap3A_440 : vector<1x16xf32> to vector<16xf32>
        %swap3A_442 = vector.shape_cast %mul3A_437 : vector<16xf32> to vector<1x16xf32>
        tpu.vector_store %arg10[%swap3A_438, %swap3A_439], %swap3A_442 {strides = array<i32>} : memref<80x128xf32, #tpu.memory_space<vmem>>, vector<1x16xf32>,
        %get3A_443 = arith.constant 0 : i32
        %get3A_444 = arith.index_cast %get3A_443 : i32 to index
        %get3A_445 = arith.index_cast %scan3A_372 : i32 to index
        %get3A_446 = arith.constant 64 : index
        %get3A_447 = tpu.vector_load %arg8[%get3A_444, %get3A_445, %get3A_446] {strides = array<i32>} : memref<2x80x128xf32, #tpu.memory_space<vmem>>, vector<1x1x16xf32>,
        %get3A_448 = vector.shape_cast %get3A_447 : vector<1x1x16xf32> to vector<16xf32>
        %get3A_449 = arith.constant 1 : i32
        %get3A_450 = arith.index_cast %get3A_449 : i32 to index
        %get3A_451 = arith.index_cast %scan3A_372 : i32 to index
        %get3A_452 = arith.constant 64 : index
        %get3A_453 = tpu.vector_load %arg8[%get3A_450, %get3A_451, %get3A_452] {strides = array<i32>} : memref<2x80x128xf32, #tpu.memory_space<vmem>>, vector<1x1x16xf32>,
        %get3A_454 = vector.shape_cast %get3A_453 : vector<1x1x16xf32> to vector<16xf32>
        %mul3A_455 = arith.mulf %get3A_448, %get3A_454 : vector<16xf32>
        %swap3A_456 = arith.index_cast %scan3A_372 : i32 to index
        %swap3A_457 = arith.constant 64 : index
        %swap3A_458 = tpu.vector_load %arg10[%swap3A_456, %swap3A_457] {strides = array<i32>} : memref<80x128xf32, #tpu.memory_space<vmem>>, vector<1x16xf32>,
        %swap3A_459 = vector.shape_cast %swap3A_458 : vector<1x16xf32> to vector<16xf32>
        %swap3A_460 = vector.shape_cast %mul3A_455 : vector<16xf32> to vector<1x16xf32>
        tpu.vector_store %arg10[%swap3A_456, %swap3A_457], %swap3A_460 {strides = array<i32>} : memref<80x128xf32, #tpu.memory_space<vmem>>, vector<1x16xf32>,
        %get3A_461 = arith.constant 0 : i32
        %get3A_462 = arith.index_cast %get3A_461 : i32 to index
        %get3A_463 = arith.index_cast %scan3A_372 : i32 to index
        %get3A_464 = arith.constant 80 : index
        %get3A_465 = tpu.vector_load %arg8[%get3A_462, %get3A_463, %get3A_464] {strides = array<i32>} : memref<2x80x128xf32, #tpu.memory_space<vmem>>, vector<1x1x16xf32>,
        %get3A_466 = vector.shape_cast %get3A_465 : vector<1x1x16xf32> to vector<16xf32>
        %get3A_467 = arith.constant 1 : i32
        %get3A_468 = arith.index_cast %get3A_467 : i32 to index
        %get3A_469 = arith.index_cast %scan3A_372 : i32 to index
        %get3A_470 = arith.constant 80 : index
        %get3A_471 = tpu.vector_load %arg8[%get3A_468, %get3A_469, %get3A_470] {strides = array<i32>} : memref<2x80x128xf32, #tpu.memory_space<vmem>>, vector<1x1x16xf32>,
        %get3A_472 = vector.shape_cast %get3A_471 : vector<1x1x16xf32> to vector<16xf32>
        %mul3A_473 = arith.mulf %get3A_466, %get3A_472 : vector<16xf32>
        %swap3A_474 = arith.index_cast %scan3A_372 : i32 to index
        %swap3A_475 = arith.constant 80 : index
        %swap3A_476 = tpu.vector_load %arg10[%swap3A_474, %swap3A_475] {strides = array<i32>} : memref<80x128xf32, #tpu.memory_space<vmem>>, vector<1x16xf32>,
        %swap3A_477 = vector.shape_cast %swap3A_476 : vector<1x16xf32> to vector<16xf32>
        %swap3A_478 = vector.shape_cast %mul3A_473 : vector<16xf32> to vector<1x16xf32>
        tpu.vector_store %arg10[%swap3A_474, %swap3A_475], %swap3A_478 {strides = array<i32>} : memref<80x128xf32, #tpu.memory_space<vmem>>, vector<1x16xf32>,
        %get3A_479 = arith.constant 0 : i32
        %get3A_480 = arith.index_cast %get3A_479 : i32 to index
        %get3A_481 = arith.index_cast %scan3A_372 : i32 to index
        %get3A_482 = arith.constant 96 : index
        %get3A_483 = tpu.vector_load %arg8[%get3A_480, %get3A_481, %get3A_482] {strides = array<i32>} : memref<2x80x128xf32, #tpu.memory_space<vmem>>, vector<1x1x16xf32>,
        %get3A_484 = vector.shape_cast %get3A_483 : vector<1x1x16xf32> to vector<16xf32>
        %get3A_485 = arith.constant 1 : i32
        %get3A_486 = arith.index_cast %get3A_485 : i32 to index
        %get3A_487 = arith.index_cast %scan3A_372 : i32 to index
        %get3A_488 = arith.constant 96 : index
        %get3A_489 = tpu.vector_load %arg8[%get3A_486, %get3A_487, %get3A_488] {strides = array<i32>} : memref<2x80x128xf32, #tpu.memory_space<vmem>>, vector<1x1x16xf32>,
        %get3A_490 = vector.shape_cast %get3A_489 : vector<1x1x16xf32> to vector<16xf32>
        %mul3A_491 = arith.mulf %get3A_484, %get3A_490 : vector<16xf32>
        %swap3A_492 = arith.index_cast %scan3A_372 : i32 to index
        %swap3A_493 = arith.constant 96 : index
        %swap3A_494 = tpu.vector_load %arg10[%swap3A_492, %swap3A_493] {strides = array<i32>} : memref<80x128xf32, #tpu.memory_space<vmem>>, vector<1x16xf32>,
        %swap3A_495 = vector.shape_cast %swap3A_494 : vector<1x16xf32> to vector<16xf32>
        %swap3A_496 = vector.shape_cast %mul3A_491 : vector<16xf32> to vector<1x16xf32>
        tpu.vector_store %arg10[%swap3A_492, %swap3A_493], %swap3A_496 {strides = array<i32>} : memref<80x128xf32, #tpu.memory_space<vmem>>, vector<1x16xf32>,
        %get3A_497 = arith.constant 0 : i32
        %get3A_498 = arith.index_cast %get3A_497 : i32 to index
        %get3A_499 = arith.index_cast %scan3A_372 : i32 to index
        %get3A_500 = arith.constant 112 : index
        %get3A_501 = tpu.vector_load %arg8[%get3A_498, %get3A_499, %get3A_500] {strides = array<i32>} : memref<2x80x128xf32, #tpu.memory_space<vmem>>, vector<1x1x16xf32>,
        %get3A_502 = vector.shape_cast %get3A_501 : vector<1x1x16xf32> to vector<16xf32>
        %get3A_503 = arith.constant 1 : i32
        %get3A_504 = arith.index_cast %get3A_503 : i32 to index
        %get3A_505 = arith.index_cast %scan3A_372 : i32 to index
        %get3A_506 = arith.constant 112 : index
        %get3A_507 = tpu.vector_load %arg8[%get3A_504, %get3A_505, %get3A_506] {strides = array<i32>} : memref<2x80x128xf32, #tpu.memory_space<vmem>>, vector<1x1x16xf32>,
        %get3A_508 = vector.shape_cast %get3A_507 : vector<1x1x16xf32> to vector<16xf32>
        %mul3A_509 = arith.mulf %get3A_502, %get3A_508 : vector<16xf32>
        %swap3A_510 = arith.index_cast %scan3A_372 : i32 to index
        %swap3A_511 = arith.constant 112 : index
        %swap3A_512 = tpu.vector_load %arg10[%swap3A_510, %swap3A_511] {strides = array<i32>} : memref<80x128xf32, #tpu.memory_space<vmem>>, vector<1x16xf32>,
        %swap3A_513 = vector.shape_cast %swap3A_512 : vector<1x16xf32> to vector<16xf32>
        %swap3A_514 = vector.shape_cast %mul3A_509 : vector<16xf32> to vector<1x16xf32>
        tpu.vector_store %arg10[%swap3A_510, %swap3A_511], %swap3A_514 {strides = array<i32>} : memref<80x128xf32, #tpu.memory_space<vmem>>, vector<1x16xf32>,
      }
      %scan3A_256 = arith.constant 80 : i32
      %mul3A_257 = arith.constant 10000 : i32
      %mul3A_258 = arith.muli %add3A, %mul3A_257 : i32
      %mul3A_259 = arith.constant 80 : i32
      %mul3A_260 = arith.muli %mul3A_152, %mul3A_259 : i32
      %add3A_261 = arith.addi %mul3A_258, %mul3A_260 : i32
      "tpu.region"() ({
        %run_scoped3A = tpu.sem_alloc : memref<!tpu.dma_semaphore, #tpu.memory_space<semaphore_mem>>
        %dma_start3A_372 = arith.constant 0 : i32
        %dma_start3A_373 = tpu.memref_slice %arg5[%add3A_261, %dma_start3A_372] : memref<320000x128xf32, #tpu.memory_space<hbm>> -> memref<80x128xf32, #tpu.memory_space<hbm>>
        %dma_start3A_374 = arith.constant 0 : i32
        %dma_start3A_375 = tpu.memref_slice %arg5[%add3A_261, %dma_start3A_374] : memref<320000x128xf32, #tpu.memory_space<hbm>> -> memref<80x128xf32, #tpu.memory_space<hbm>>
        tpu.enqueue_dma source(%arg10 : memref<80x128xf32, #tpu.memory_space<vmem>>) target(%dma_start3A_375 : memref<80x128xf32, #tpu.memory_space<hbm>>) target_semaphore(%run_scoped3A : memref<!tpu.dma_semaphore, #tpu.memory_space<semaphore_mem>>)
        %dma_wait3A_376 = arith.constant 0 : i32
        %dma_wait3A_377 = tpu.memref_slice %arg5[%add3A_261, %dma_wait3A_376] : memref<320000x128xf32, #tpu.memory_space<hbm>> -> memref<80x128xf32, #tpu.memory_space<hbm>>
        %dma_wait3A_378 = arith.constant 0 : i32
        %dma_wait3A_379 = tpu.memref_slice %arg5[%add3A_261, %dma_wait3A_378] : memref<320000x128xf32, #tpu.memory_space<hbm>> -> memref<80x128xf32, #tpu.memory_space<hbm>>
        tpu.wait_dma2 semaphore(%run_scoped3A : memref<!tpu.dma_semaphore, #tpu.memory_space<semaphore_mem>>) src(%arg10 : memref<80x128xf32, #tpu.memory_space<vmem>>) dst(%dma_wait3A_379 : memref<80x128xf32, #tpu.memory_space<hbm>>)
        tpu.yield
      }) : () -> ()
      %mul3A_262 = arith.constant 10000 : i32
      %mul3A_263 = arith.muli %add3A, %mul3A_262 : i32
      %mul3A_264 = arith.constant 80 : i32
      %mul3A_265 = arith.muli %add3A_178, %mul3A_264 : i32
      %add3A_266 = arith.addi %mul3A_263, %mul3A_265 : i32
      %dma_wait3A_267 = arith.constant 0 : i32
      %dma_wait3A_268 = arith.constant 0 : i32
      %dma_wait3A_269 = tpu.memref_slice %arg6[%dma_wait3A_267, %dma_wait3A_268] : memref<2x80xi32, #tpu.memory_space<vmem>> -> memref<1x80xi32, #tpu.memory_space<vmem>>
      %dma_wait3A_270 = tpu.memref_squeeze %dma_wait3A_269 : memref<1x80xi32, #tpu.memory_space<vmem>> -> memref<80xi32, #tpu.memory_space<vmem>>
      %dma_wait3A_271 = tpu.memref_slice %arg3[%add3A_266] : memref<320000xi32, #tpu.memory_space<hbm>> -> memref<80xi32, #tpu.memory_space<hbm>>
      %dma_wait3A_272 = arith.constant 0 : i32
      %dma_wait3A_273 = tpu.memref_slice %arg6[%dma_wait3A_267, %dma_wait3A_272] : memref<2x80xi32, #tpu.memory_space<vmem>> -> memref<1x80xi32, #tpu.memory_space<vmem>>
      %dma_wait3A_274 = tpu.memref_squeeze %dma_wait3A_273 : memref<1x80xi32, #tpu.memory_space<vmem>> -> memref<80xi32, #tpu.memory_space<vmem>>
      %dma_wait3A_275 = tpu.memref_slice %arg3[%add3A_266] : memref<320000xi32, #tpu.memory_space<hbm>> -> memref<80xi32, #tpu.memory_space<hbm>>
      tpu.wait_dma2 semaphore(%arg11 : memref<!tpu.dma_semaphore, #tpu.memory_space<semaphore_mem>>) src(%dma_wait3A_275 : memref<80xi32, #tpu.memory_space<hbm>>) dst(%dma_wait3A_274 : memref<80xi32, #tpu.memory_space<vmem>>)
      %dma_wait3A_276 = arith.constant 1 : i32
      %dma_wait3A_277 = arith.constant 0 : i32
      %dma_wait3A_278 = tpu.memref_slice %arg6[%dma_wait3A_276, %dma_wait3A_277] : memref<2x80xi32, #tpu.memory_space<vmem>> -> memref<1x80xi32, #tpu.memory_space<vmem>>
      %dma_wait3A_279 = tpu.memref_squeeze %dma_wait3A_278 : memref<1x80xi32, #tpu.memory_space<vmem>> -> memref<80xi32, #tpu.memory_space<vmem>>
      %dma_wait3A_280 = tpu.memref_slice %arg4[%add3A_266] : memref<320000xi32, #tpu.memory_space<hbm>> -> memref<80xi32, #tpu.memory_space<hbm>>
      %dma_wait3A_281 = arith.constant 0 : i32
      %dma_wait3A_282 = tpu.memref_slice %arg6[%dma_wait3A_276, %dma_wait3A_281] : memref<2x80xi32, #tpu.memory_space<vmem>> -> memref<1x80xi32, #tpu.memory_space<vmem>>
      %dma_wait3A_283 = tpu.memref_squeeze %dma_wait3A_282 : memref<1x80xi32, #tpu.memory_space<vmem>> -> memref<80xi32, #tpu.memory_space<vmem>>
      %dma_wait3A_284 = tpu.memref_slice %arg4[%add3A_266] : memref<320000xi32, #tpu.memory_space<hbm>> -> memref<80xi32, #tpu.memory_space<hbm>>
      tpu.wait_dma2 semaphore(%arg11 : memref<!tpu.dma_semaphore, #tpu.memory_space<semaphore_mem>>) src(%dma_wait3A_284 : memref<80xi32, #tpu.memory_space<hbm>>) dst(%dma_wait3A_283 : memref<80xi32, #tpu.memory_space<vmem>>)
      %dma_start3A_285 = arith.constant 0 : i32
      %dma_start3A_286 = arith.constant 0 : i32
      %dma_start3A_287 = arith.constant 0 : i32
      %dma_start3A_288 = arith.constant 0 : i32
      %dma_start3A_289 = tpu.memref_slice %arg8[%dma_start3A_286, %dma_start3A_287, %dma_start3A_288] : memref<2x80x128xf32, #tpu.memory_space<vmem>> -> memref<1x80x128xf32, #tpu.memory_space<vmem>>
      %dma_start3A_290 = tpu.memref_squeeze %dma_start3A_289 : memref<1x80x128xf32, #tpu.memory_space<vmem>> -> memref<80x128xf32, #tpu.memory_space<vmem>>
      %dma_start3A_291 = arith.constant 0 : i32
      %dma_start3A_292 = tpu.memref_slice %arg6[%dma_start3A_285, %dma_start3A_291] : memref<2x80xi32, #tpu.memory_space<vmem>> -> memref<1x80xi32, #tpu.memory_space<vmem>>
      %dma_start3A_293 = tpu.memref_squeeze %dma_start3A_292 : memref<1x80xi32, #tpu.memory_space<vmem>> -> memref<80xi32, #tpu.memory_space<vmem>>
      %dma_start3A_294 = arith.constant 0 : i32
      %dma_start3A_295 = arith.constant 0 : i32
      %dma_start3A_296 = tpu.memref_slice %arg2[%dma_start3A_294, %dma_start3A_295] : memref<10000x128xf32, #tpu.memory_space<hbm>> -> memref<10000x128xf32, #tpu.memory_space<hbm>>
      tpu.enqueue_indirect_dma source(%dma_start3A_296 : memref<10000x128xf32, #tpu.memory_space<hbm>>) target(%dma_start3A_290 : memref<80x128xf32, #tpu.memory_space<vmem>>) offsets(%dma_start3A_293 : memref<80xi32, #tpu.memory_space<vmem>>) semaphore(%arg13 : memref<!tpu.dma_semaphore, #tpu.memory_space<semaphore_mem>>)
      %dma_start3A_297 = arith.constant 1 : i32
      %dma_start3A_298 = arith.constant 1 : i32
      %dma_start3A_299 = arith.constant 0 : i32
      %dma_start3A_300 = arith.constant 0 : i32
      %dma_start3A_301 = tpu.memref_slice %arg8[%dma_start3A_298, %dma_start3A_299, %dma_start3A_300] : memref<2x80x128xf32, #tpu.memory_space<vmem>> -> memref<1x80x128xf32, #tpu.memory_space<vmem>>
      %dma_start3A_302 = tpu.memref_squeeze %dma_start3A_301 : memref<1x80x128xf32, #tpu.memory_space<vmem>> -> memref<80x128xf32, #tpu.memory_space<vmem>>
      %dma_start3A_303 = arith.constant 0 : i32
      %dma_start3A_304 = tpu.memref_slice %arg6[%dma_start3A_297, %dma_start3A_303] : memref<2x80xi32, #tpu.memory_space<vmem>> -> memref<1x80xi32, #tpu.memory_space<vmem>>
      %dma_start3A_305 = tpu.memref_squeeze %dma_start3A_304 : memref<1x80xi32, #tpu.memory_space<vmem>> -> memref<80xi32, #tpu.memory_space<vmem>>
      %dma_start3A_306 = arith.constant 0 : i32
      %dma_start3A_307 = arith.constant 0 : i32
      %dma_start3A_308 = tpu.memref_slice %arg2[%dma_start3A_306, %dma_start3A_307] : memref<10000x128xf32, #tpu.memory_space<hbm>> -> memref<10000x128xf32, #tpu.memory_space<hbm>>
      tpu.enqueue_indirect_dma source(%dma_start3A_308 : memref<10000x128xf32, #tpu.memory_space<hbm>>) target(%dma_start3A_302 : memref<80x128xf32, #tpu.memory_space<vmem>>) offsets(%dma_start3A_305 : memref<80xi32, #tpu.memory_space<vmem>>) semaphore(%arg13 : memref<!tpu.dma_semaphore, #tpu.memory_space<semaphore_mem>>)
      %dma_wait3A_309 = arith.constant 0 : i32
      %dma_wait3A_310 = arith.constant 0 : i32
      %dma_wait3A_311 = arith.constant 0 : i32
      %dma_wait3A_312 = arith.constant 0 : i32
      %dma_wait3A_313 = tpu.memref_slice %arg9[%dma_wait3A_310, %dma_wait3A_311, %dma_wait3A_312] : memref<2x80x128xf32, #tpu.memory_space<vmem>> -> memref<1x80x128xf32, #tpu.memory_space<vmem>>
      %dma_wait3A_314 = tpu.memref_squeeze %dma_wait3A_313 : memref<1x80x128xf32, #tpu.memory_space<vmem>> -> memref<80x128xf32, #tpu.memory_space<vmem>>
      %dma_wait3A_315 = arith.constant 0 : i32
      %dma_wait3A_316 = tpu.memref_slice %arg7[%dma_wait3A_309, %dma_wait3A_315] : memref<2x80xi32, #tpu.memory_space<vmem>> -> memref<1x80xi32, #tpu.memory_space<vmem>>
      %dma_wait3A_317 = tpu.memref_squeeze %dma_wait3A_316 : memref<1x80xi32, #tpu.memory_space<vmem>> -> memref<80xi32, #tpu.memory_space<vmem>>
      %dma_wait3A_318 = arith.constant 0 : i32
      %dma_wait3A_319 = arith.constant 0 : i32
      %dma_wait3A_320 = tpu.memref_slice %arg2[%dma_wait3A_318, %dma_wait3A_319] : memref<10000x128xf32, #tpu.memory_space<hbm>> -> memref<10000x128xf32, #tpu.memory_space<hbm>>
      tpu.wait_indirect_dma semaphore(%arg14 : memref<!tpu.dma_semaphore, #tpu.memory_space<semaphore_mem>>) src(%dma_wait3A_320 : memref<10000x128xf32, #tpu.memory_space<hbm>>) dst(%dma_wait3A_314 : memref<80x128xf32, #tpu.memory_space<vmem>>)
      %dma_wait3A_321 = arith.constant 1 : i32
      %dma_wait3A_322 = arith.constant 1 : i32
      %dma_wait3A_323 = arith.constant 0 : i32
      %dma_wait3A_324 = arith.constant 0 : i32
      %dma_wait3A_325 = tpu.memref_slice %arg9[%dma_wait3A_322, %dma_wait3A_323, %dma_wait3A_324] : memref<2x80x128xf32, #tpu.memory_space<vmem>> -> memref<1x80x128xf32, #tpu.memory_space<vmem>>
      %dma_wait3A_326 = tpu.memref_squeeze %dma_wait3A_325 : memref<1x80x128xf32, #tpu.memory_space<vmem>> -> memref<80x128xf32, #tpu.memory_space<vmem>>
      %dma_wait3A_327 = arith.constant 0 : i32
      %dma_wait3A_328 = tpu.memref_slice %arg7[%dma_wait3A_321, %dma_wait3A_327] : memref<2x80xi32, #tpu.memory_space<vmem>> -> memref<1x80xi32, #tpu.memory_space<vmem>>
      %dma_wait3A_329 = tpu.memref_squeeze %dma_wait3A_328 : memref<1x80xi32, #tpu.memory_space<vmem>> -> memref<80xi32, #tpu.memory_space<vmem>>
      %dma_wait3A_330 = arith.constant 0 : i32
      %dma_wait3A_331 = arith.constant 0 : i32
      %dma_wait3A_332 = tpu.memref_slice %arg2[%dma_wait3A_330, %dma_wait3A_331] : memref<10000x128xf32, #tpu.memory_space<hbm>> -> memref<10000x128xf32, #tpu.memory_space<hbm>>
      tpu.wait_indirect_dma semaphore(%arg14 : memref<!tpu.dma_semaphore, #tpu.memory_space<semaphore_mem>>) src(%dma_wait3A_332 : memref<10000x128xf32, #tpu.memory_space<hbm>>) dst(%dma_wait3A_326 : memref<80x128xf32, #tpu.memory_space<vmem>>)
      %add3A_333 = arith.constant 3 : i32
      %add3A_334 = arith.addi %mul3A_152, %add3A_333 : i32
      %min3A = arith.constant 123 : i32
      %min3A_335 = arith.minsi %add3A_334, %min3A : i32
      %mul3A_336 = arith.constant 10000 : i32
      %mul3A_337 = arith.muli %add3A, %mul3A_336 : i32
      %mul3A_338 = arith.constant 80 : i32
      %mul3A_339 = arith.muli %min3A_335, %mul3A_338 : i32
      %add3A_340 = arith.addi %mul3A_337, %mul3A_339 : i32
      %dma_start3A_341 = arith.constant 0 : i32
      %dma_start3A_342 = arith.constant 0 : i32
      %dma_start3A_343 = tpu.memref_slice %arg7[%dma_start3A_341, %dma_start3A_342] : memref<2x80xi32, #tpu.memory_space<vmem>> -> memref<1x80xi32, #tpu.memory_space<vmem>>
      %dma_start3A_344 = tpu.memref_squeeze %dma_start3A_343 : memref<1x80xi32, #tpu.memory_space<vmem>> -> memref<80xi32, #tpu.memory_space<vmem>>
      %dma_start3A_345 = tpu.memref_slice %arg3[%add3A_340] : memref<320000xi32, #tpu.memory_space<hbm>> -> memref<80xi32, #tpu.memory_space<hbm>>
      %dma_start3A_346 = arith.constant 0 : i32
      %dma_start3A_347 = tpu.memref_slice %arg7[%dma_start3A_341, %dma_start3A_346] : memref<2x80xi32, #tpu.memory_space<vmem>> -> memref<1x80xi32, #tpu.memory_space<vmem>>
      %dma_start3A_348 = tpu.memref_squeeze %dma_start3A_347 : memref<1x80xi32, #tpu.memory_space<vmem>> -> memref<80xi32, #tpu.memory_space<vmem>>
      %dma_start3A_349 = tpu.memref_slice %arg3[%add3A_340] : memref<320000xi32, #tpu.memory_space<hbm>> -> memref<80xi32, #tpu.memory_space<hbm>>
      tpu.enqueue_dma source(%dma_start3A_349 : memref<80xi32, #tpu.memory_space<hbm>>) target(%dma_start3A_348 : memref<80xi32, #tpu.memory_space<vmem>>) target_semaphore(%arg12 : memref<!tpu.dma_semaphore, #tpu.memory_space<semaphore_mem>>)
      %dma_start3A_350 = arith.constant 1 : i32
      %dma_start3A_351 = arith.constant 0 : i32
      %dma_start3A_352 = tpu.memref_slice %arg7[%dma_start3A_350, %dma_start3A_351] : memref<2x80xi32, #tpu.memory_space<vmem>> -> memref<1x80xi32, #tpu.memory_space<vmem>>
      %dma_start3A_353 = tpu.memref_squeeze %dma_start3A_352 : memref<1x80xi32, #tpu.memory_space<vmem>> -> memref<80xi32, #tpu.memory_space<vmem>>
      %dma_start3A_354 = tpu.memref_slice %arg4[%add3A_340] : memref<320000xi32, #tpu.memory_space<hbm>> -> memref<80xi32, #tpu.memory_space<hbm>>
      %dma_start3A_355 = arith.constant 0 : i32
      %dma_start3A_356 = tpu.memref_slice %arg7[%dma_start3A_350, %dma_start3A_355] : memref<2x80xi32, #tpu.memory_space<vmem>> -> memref<1x80xi32, #tpu.memory_space<vmem>>
      %dma_start3A_357 = tpu.memref_squeeze %dma_start3A_356 : memref<1x80xi32, #tpu.memory_space<vmem>> -> memref<80xi32, #tpu.memory_space<vmem>>
      %dma_start3A_358 = tpu.memref_slice %arg4[%add3A_340] : memref<320000xi32, #tpu.memory_space<hbm>> -> memref<80xi32, #tpu.memory_space<hbm>>
      tpu.enqueue_dma source(%dma_start3A_358 : memref<80xi32, #tpu.memory_space<hbm>>) target(%dma_start3A_357 : memref<80xi32, #tpu.memory_space<vmem>>) target_semaphore(%arg12 : memref<!tpu.dma_semaphore, #tpu.memory_space<semaphore_mem>>)
      %add3A_359 = arith.constant 1 : i32
      %add3A_360 = arith.addi %mul3A_152, %add3A_359 : i32
      %scan3A_361 = arith.constant 0 : i32
      %scan3A_362 = arith.constant 0 : i32
      %scan3A_363 = arith.constant 80 : i32
      %scan3A_364 = arith.addi %scan3A_362, %scan3A_363 : i32
      %scan3A_365 = arith.constant 1 : i32
      scf.for %scan3A_372 = %scan3A_362 to %scan3A_364 step %scan3A_365  : i32 {
        %get3A = arith.constant 0 : i32
        %get3A_373 = arith.index_cast %get3A : i32 to index
        %get3A_374 = arith.index_cast %scan3A_372 : i32 to index
        %get3A_375 = arith.constant 0 : index
        %get3A_376 = tpu.vector_load %arg9[%get3A_373, %get3A_374, %get3A_375] {strides = array<i32>} : memref<2x80x128xf32, #tpu.memory_space<vmem>>, vector<1x1x16xf32>,
        %get3A_377 = vector.shape_cast %get3A_376 : vector<1x1x16xf32> to vector<16xf32>
        %get3A_378 = arith.constant 1 : i32
        %get3A_379 = arith.index_cast %get3A_378 : i32 to index
        %get3A_380 = arith.index_cast %scan3A_372 : i32 to index
        %get3A_381 = arith.constant 0 : index
        %get3A_382 = tpu.vector_load %arg9[%get3A_379, %get3A_380, %get3A_381] {strides = array<i32>} : memref<2x80x128xf32, #tpu.memory_space<vmem>>, vector<1x1x16xf32>,
        %get3A_383 = vector.shape_cast %get3A_382 : vector<1x1x16xf32> to vector<16xf32>
        %mul3A_384 = arith.mulf %get3A_377, %get3A_383 : vector<16xf32>
        %swap3A = arith.index_cast %scan3A_372 : i32 to index
        %swap3A_385 = arith.constant 0 : index
        %swap3A_386 = tpu.vector_load %arg10[%swap3A, %swap3A_385] {strides = array<i32>} : memref<80x128xf32, #tpu.memory_space<vmem>>, vector<1x16xf32>,
        %swap3A_387 = vector.shape_cast %swap3A_386 : vector<1x16xf32> to vector<16xf32>
        %swap3A_388 = vector.shape_cast %mul3A_384 : vector<16xf32> to vector<1x16xf32>
        tpu.vector_store %arg10[%swap3A, %swap3A_385], %swap3A_388 {strides = array<i32>} : memref<80x128xf32, #tpu.memory_space<vmem>>, vector<1x16xf32>,
        %get3A_389 = arith.constant 0 : i32
        %get3A_390 = arith.index_cast %get3A_389 : i32 to index
        %get3A_391 = arith.index_cast %scan3A_372 : i32 to index
        %get3A_392 = arith.constant 16 : index
        %get3A_393 = tpu.vector_load %arg9[%get3A_390, %get3A_391, %get3A_392] {strides = array<i32>} : memref<2x80x128xf32, #tpu.memory_space<vmem>>, vector<1x1x16xf32>,
        %get3A_394 = vector.shape_cast %get3A_393 : vector<1x1x16xf32> to vector<16xf32>
        %get3A_395 = arith.constant 1 : i32
        %get3A_396 = arith.index_cast %get3A_395 : i32 to index
        %get3A_397 = arith.index_cast %scan3A_372 : i32 to index
        %get3A_398 = arith.constant 16 : index
        %get3A_399 = tpu.vector_load %arg9[%get3A_396, %get3A_397, %get3A_398] {strides = array<i32>} : memref<2x80x128xf32, #tpu.memory_space<vmem>>, vector<1x1x16xf32>,
        %get3A_400 = vector.shape_cast %get3A_399 : vector<1x1x16xf32> to vector<16xf32>
        %mul3A_401 = arith.mulf %get3A_394, %get3A_400 : vector<16xf32>
        %swap3A_402 = arith.index_cast %scan3A_372 : i32 to index
        %swap3A_403 = arith.constant 16 : index
        %swap3A_404 = tpu.vector_load %arg10[%swap3A_402, %swap3A_403] {strides = array<i32>} : memref<80x128xf32, #tpu.memory_space<vmem>>, vector<1x16xf32>,
        %swap3A_405 = vector.shape_cast %swap3A_404 : vector<1x16xf32> to vector<16xf32>
        %swap3A_406 = vector.shape_cast %mul3A_401 : vector<16xf32> to vector<1x16xf32>
        tpu.vector_store %arg10[%swap3A_402, %swap3A_403], %swap3A_406 {strides = array<i32>} : memref<80x128xf32, #tpu.memory_space<vmem>>, vector<1x16xf32>,
        %get3A_407 = arith.constant 0 : i32
        %get3A_408 = arith.index_cast %get3A_407 : i32 to index
        %get3A_409 = arith.index_cast %scan3A_372 : i32 to index
        %get3A_410 = arith.constant 32 : index
        %get3A_411 = tpu.vector_load %arg9[%get3A_408, %get3A_409, %get3A_410] {strides = array<i32>} : memref<2x80x128xf32, #tpu.memory_space<vmem>>, vector<1x1x16xf32>,
        %get3A_412 = vector.shape_cast %get3A_411 : vector<1x1x16xf32> to vector<16xf32>
        %get3A_413 = arith.constant 1 : i32
        %get3A_414 = arith.index_cast %get3A_413 : i32 to index
        %get3A_415 = arith.index_cast %scan3A_372 : i32 to index
        %get3A_416 = arith.constant 32 : index
        %get3A_417 = tpu.vector_load %arg9[%get3A_414, %get3A_415, %get3A_416] {strides = array<i32>} : memref<2x80x128xf32, #tpu.memory_space<vmem>>, vector<1x1x16xf32>,
        %get3A_418 = vector.shape_cast %get3A_417 : vector<1x1x16xf32> to vector<16xf32>
        %mul3A_419 = arith.mulf %get3A_412, %get3A_418 : vector<16xf32>
        %swap3A_420 = arith.index_cast %scan3A_372 : i32 to index
        %swap3A_421 = arith.constant 32 : index
        %swap3A_422 = tpu.vector_load %arg10[%swap3A_420, %swap3A_421] {strides = array<i32>} : memref<80x128xf32, #tpu.memory_space<vmem>>, vector<1x16xf32>,
        %swap3A_423 = vector.shape_cast %swap3A_422 : vector<1x16xf32> to vector<16xf32>
        %swap3A_424 = vector.shape_cast %mul3A_419 : vector<16xf32> to vector<1x16xf32>
        tpu.vector_store %arg10[%swap3A_420, %swap3A_421], %swap3A_424 {strides = array<i32>} : memref<80x128xf32, #tpu.memory_space<vmem>>, vector<1x16xf32>,
        %get3A_425 = arith.constant 0 : i32
        %get3A_426 = arith.index_cast %get3A_425 : i32 to index
        %get3A_427 = arith.index_cast %scan3A_372 : i32 to index
        %get3A_428 = arith.constant 48 : index
        %get3A_429 = tpu.vector_load %arg9[%get3A_426, %get3A_427, %get3A_428] {strides = array<i32>} : memref<2x80x128xf32, #tpu.memory_space<vmem>>, vector<1x1x16xf32>,
        %get3A_430 = vector.shape_cast %get3A_429 : vector<1x1x16xf32> to vector<16xf32>
        %get3A_431 = arith.constant 1 : i32
        %get3A_432 = arith.index_cast %get3A_431 : i32 to index
        %get3A_433 = arith.index_cast %scan3A_372 : i32 to index
        %get3A_434 = arith.constant 48 : index
        %get3A_435 = tpu.vector_load %arg9[%get3A_432, %get3A_433, %get3A_434] {strides = array<i32>} : memref<2x80x128xf32, #tpu.memory_space<vmem>>, vector<1x1x16xf32>,
        %get3A_436 = vector.shape_cast %get3A_435 : vector<1x1x16xf32> to vector<16xf32>
        %mul3A_437 = arith.mulf %get3A_430, %get3A_436 : vector<16xf32>
        %swap3A_438 = arith.index_cast %scan3A_372 : i32 to index
        %swap3A_439 = arith.constant 48 : index
        %swap3A_440 = tpu.vector_load %arg10[%swap3A_438, %swap3A_439] {strides = array<i32>} : memref<80x128xf32, #tpu.memory_space<vmem>>, vector<1x16xf32>,
        %swap3A_441 = vector.shape_cast %swap3A_440 : vector<1x16xf32> to vector<16xf32>
        %swap3A_442 = vector.shape_cast %mul3A_437 : vector<16xf32> to vector<1x16xf32>
        tpu.vector_store %arg10[%swap3A_438, %swap3A_439], %swap3A_442 {strides = array<i32>} : memref<80x128xf32, #tpu.memory_space<vmem>>, vector<1x16xf32>,
        %get3A_443 = arith.constant 0 : i32
        %get3A_444 = arith.index_cast %get3A_443 : i32 to index
        %get3A_445 = arith.index_cast %scan3A_372 : i32 to index
        %get3A_446 = arith.constant 64 : index
        %get3A_447 = tpu.vector_load %arg9[%get3A_444, %get3A_445, %get3A_446] {strides = array<i32>} : memref<2x80x128xf32, #tpu.memory_space<vmem>>, vector<1x1x16xf32>,
        %get3A_448 = vector.shape_cast %get3A_447 : vector<1x1x16xf32> to vector<16xf32>
        %get3A_449 = arith.constant 1 : i32
        %get3A_450 = arith.index_cast %get3A_449 : i32 to index
        %get3A_451 = arith.index_cast %scan3A_372 : i32 to index
        %get3A_452 = arith.constant 64 : index
        %get3A_453 = tpu.vector_load %arg9[%get3A_450, %get3A_451, %get3A_452] {strides = array<i32>} : memref<2x80x128xf32, #tpu.memory_space<vmem>>, vector<1x1x16xf32>,
        %get3A_454 = vector.shape_cast %get3A_453 : vector<1x1x16xf32> to vector<16xf32>
        %mul3A_455 = arith.mulf %get3A_448, %get3A_454 : vector<16xf32>
        %swap3A_456 = arith.index_cast %scan3A_372 : i32 to index
        %swap3A_457 = arith.constant 64 : index
        %swap3A_458 = tpu.vector_load %arg10[%swap3A_456, %swap3A_457] {strides = array<i32>} : memref<80x128xf32, #tpu.memory_space<vmem>>, vector<1x16xf32>,
        %swap3A_459 = vector.shape_cast %swap3A_458 : vector<1x16xf32> to vector<16xf32>
        %swap3A_460 = vector.shape_cast %mul3A_455 : vector<16xf32> to vector<1x16xf32>
        tpu.vector_store %arg10[%swap3A_456, %swap3A_457], %swap3A_460 {strides = array<i32>} : memref<80x128xf32, #tpu.memory_space<vmem>>, vector<1x16xf32>,
        %get3A_461 = arith.constant 0 : i32
        %get3A_462 = arith.index_cast %get3A_461 : i32 to index
        %get3A_463 = arith.index_cast %scan3A_372 : i32 to index
        %get3A_464 = arith.constant 80 : index
        %get3A_465 = tpu.vector_load %arg9[%get3A_462, %get3A_463, %get3A_464] {strides = array<i32>} : memref<2x80x128xf32, #tpu.memory_space<vmem>>, vector<1x1x16xf32>,
        %get3A_466 = vector.shape_cast %get3A_465 : vector<1x1x16xf32> to vector<16xf32>
        %get3A_467 = arith.constant 1 : i32
        %get3A_468 = arith.index_cast %get3A_467 : i32 to index
        %get3A_469 = arith.index_cast %scan3A_372 : i32 to index
        %get3A_470 = arith.constant 80 : index
        %get3A_471 = tpu.vector_load %arg9[%get3A_468, %get3A_469, %get3A_470] {strides = array<i32>} : memref<2x80x128xf32, #tpu.memory_space<vmem>>, vector<1x1x16xf32>,
        %get3A_472 = vector.shape_cast %get3A_471 : vector<1x1x16xf32> to vector<16xf32>
        %mul3A_473 = arith.mulf %get3A_466, %get3A_472 : vector<16xf32>
        %swap3A_474 = arith.index_cast %scan3A_372 : i32 to index
        %swap3A_475 = arith.constant 80 : index
        %swap3A_476 = tpu.vector_load %arg10[%swap3A_474, %swap3A_475] {strides = array<i32>} : memref<80x128xf32, #tpu.memory_space<vmem>>, vector<1x16xf32>,
        %swap3A_477 = vector.shape_cast %swap3A_476 : vector<1x16xf32> to vector<16xf32>
        %swap3A_478 = vector.shape_cast %mul3A_473 : vector<16xf32> to vector<1x16xf32>
        tpu.vector_store %arg10[%swap3A_474, %swap3A_475], %swap3A_478 {strides = array<i32>} : memref<80x128xf32, #tpu.memory_space<vmem>>, vector<1x16xf32>,
        %get3A_479 = arith.constant 0 : i32
        %get3A_480 = arith.index_cast %get3A_479 : i32 to index
        %get3A_481 = arith.index_cast %scan3A_372 : i32 to index
        %get3A_482 = arith.constant 96 : index
        %get3A_483 = tpu.vector_load %arg9[%get3A_480, %get3A_481, %get3A_482] {strides = array<i32>} : memref<2x80x128xf32, #tpu.memory_space<vmem>>, vector<1x1x16xf32>,
        %get3A_484 = vector.shape_cast %get3A_483 : vector<1x1x16xf32> to vector<16xf32>
        %get3A_485 = arith.constant 1 : i32
        %get3A_486 = arith.index_cast %get3A_485 : i32 to index
        %get3A_487 = arith.index_cast %scan3A_372 : i32 to index
        %get3A_488 = arith.constant 96 : index
        %get3A_489 = tpu.vector_load %arg9[%get3A_486, %get3A_487, %get3A_488] {strides = array<i32>} : memref<2x80x128xf32, #tpu.memory_space<vmem>>, vector<1x1x16xf32>,
        %get3A_490 = vector.shape_cast %get3A_489 : vector<1x1x16xf32> to vector<16xf32>
        %mul3A_491 = arith.mulf %get3A_484, %get3A_490 : vector<16xf32>
        %swap3A_492 = arith.index_cast %scan3A_372 : i32 to index
        %swap3A_493 = arith.constant 96 : index
        %swap3A_494 = tpu.vector_load %arg10[%swap3A_492, %swap3A_493] {strides = array<i32>} : memref<80x128xf32, #tpu.memory_space<vmem>>, vector<1x16xf32>,
        %swap3A_495 = vector.shape_cast %swap3A_494 : vector<1x16xf32> to vector<16xf32>
        %swap3A_496 = vector.shape_cast %mul3A_491 : vector<16xf32> to vector<1x16xf32>
        tpu.vector_store %arg10[%swap3A_492, %swap3A_493], %swap3A_496 {strides = array<i32>} : memref<80x128xf32, #tpu.memory_space<vmem>>, vector<1x16xf32>,
        %get3A_497 = arith.constant 0 : i32
        %get3A_498 = arith.index_cast %get3A_497 : i32 to index
        %get3A_499 = arith.index_cast %scan3A_372 : i32 to index
        %get3A_500 = arith.constant 112 : index
        %get3A_501 = tpu.vector_load %arg9[%get3A_498, %get3A_499, %get3A_500] {strides = array<i32>} : memref<2x80x128xf32, #tpu.memory_space<vmem>>, vector<1x1x16xf32>,
        %get3A_502 = vector.shape_cast %get3A_501 : vector<1x1x16xf32> to vector<16xf32>
        %get3A_503 = arith.constant 1 : i32
        %get3A_504 = arith.index_cast %get3A_503 : i32 to index
        %get3A_505 = arith.index_cast %scan3A_372 : i32 to index
        %get3A_506 = arith.constant 112 : index
        %get3A_507 = tpu.vector_load %arg9[%get3A_504, %get3A_505, %get3A_506] {strides = array<i32>} : memref<2x80x128xf32, #tpu.memory_space<vmem>>, vector<1x1x16xf32>,
        %get3A_508 = vector.shape_cast %get3A_507 : vector<1x1x16xf32> to vector<16xf32>
        %mul3A_509 = arith.mulf %get3A_502, %get3A_508 : vector<16xf32>
        %swap3A_510 = arith.index_cast %scan3A_372 : i32 to index
        %swap3A_511 = arith.constant 112 : index
        %swap3A_512 = tpu.vector_load %arg10[%swap3A_510, %swap3A_511] {strides = array<i32>} : memref<80x128xf32, #tpu.memory_space<vmem>>, vector<1x16xf32>,
        %swap3A_513 = vector.shape_cast %swap3A_512 : vector<1x16xf32> to vector<16xf32>
        %swap3A_514 = vector.shape_cast %mul3A_509 : vector<16xf32> to vector<1x16xf32>
        tpu.vector_store %arg10[%swap3A_510, %swap3A_511], %swap3A_514 {strides = array<i32>} : memref<80x128xf32, #tpu.memory_space<vmem>>, vector<1x16xf32>,
      }
      %scan3A_366 = arith.constant 80 : i32
      %mul3A_367 = arith.constant 10000 : i32
      %mul3A_368 = arith.muli %add3A, %mul3A_367 : i32
      %mul3A_369 = arith.constant 80 : i32
      %mul3A_370 = arith.muli %add3A_360, %mul3A_369 : i32
      %add3A_371 = arith.addi %mul3A_368, %mul3A_370 : i32
      "tpu.region"() ({
        %run_scoped3A = tpu.sem_alloc : memref<!tpu.dma_semaphore, #tpu.memory_space<semaphore_mem>>
        %dma_start3A_372 = arith.constant 0 : i32
        %dma_start3A_373 = tpu.memref_slice %arg5[%add3A_371, %dma_start3A_372] : memref<320000x128xf32, #tpu.memory_space<hbm>> -> memref<80x128xf32, #tpu.memory_space<hbm>>
        %dma_start3A_374 = arith.constant 0 : i32
        %dma_start3A_375 = tpu.memref_slice %arg5[%add3A_371, %dma_start3A_374] : memref<320000x128xf32, #tpu.memory_space<hbm>> -> memref<80x128xf32, #tpu.memory_space<hbm>>
        tpu.enqueue_dma source(%arg10 : memref<80x128xf32, #tpu.memory_space<vmem>>) target(%dma_start3A_375 : memref<80x128xf32, #tpu.memory_space<hbm>>) target_semaphore(%run_scoped3A : memref<!tpu.dma_semaphore, #tpu.memory_space<semaphore_mem>>)
        %dma_wait3A_376 = arith.constant 0 : i32
        %dma_wait3A_377 = tpu.memref_slice %arg5[%add3A_371, %dma_wait3A_376] : memref<320000x128xf32, #tpu.memory_space<hbm>> -> memref<80x128xf32, #tpu.memory_space<hbm>>
        %dma_wait3A_378 = arith.constant 0 : i32
        %dma_wait3A_379 = tpu.memref_slice %arg5[%add3A_371, %dma_wait3A_378] : memref<320000x128xf32, #tpu.memory_space<hbm>> -> memref<80x128xf32, #tpu.memory_space<hbm>>
        tpu.wait_dma2 semaphore(%run_scoped3A : memref<!tpu.dma_semaphore, #tpu.memory_space<semaphore_mem>>) src(%arg10 : memref<80x128xf32, #tpu.memory_space<vmem>>) dst(%dma_wait3A_379 : memref<80x128xf32, #tpu.memory_space<hbm>>)
        tpu.yield
      }) : () -> ()
    }
    %scan3A_93 = arith.constant 62 : i32
    %mul3A_94 = arith.constant 10000 : i32
    %mul3A_95 = arith.muli %add3A, %mul3A_94 : i32
    %add3A_96 = arith.constant 9840 : i32
    %add3A_97 = arith.addi %mul3A_95, %add3A_96 : i32
    %dma_wait3A_98 = arith.constant 0 : i32
    %dma_wait3A_99 = arith.constant 0 : i32
    %dma_wait3A_100 = tpu.memref_slice %arg7[%dma_wait3A_98, %dma_wait3A_99] : memref<2x80xi32, #tpu.memory_space<vmem>> -> memref<1x80xi32, #tpu.memory_space<vmem>>
    %dma_wait3A_101 = tpu.memref_squeeze %dma_wait3A_100 : memref<1x80xi32, #tpu.memory_space<vmem>> -> memref<80xi32, #tpu.memory_space<vmem>>
    %dma_wait3A_102 = tpu.memref_slice %arg3[%add3A_97] : memref<320000xi32, #tpu.memory_space<hbm>> -> memref<80xi32, #tpu.memory_space<hbm>>
    %dma_wait3A_103 = arith.constant 0 : i32
    %dma_wait3A_104 = tpu.memref_slice %arg7[%dma_wait3A_98, %dma_wait3A_103] : memref<2x80xi32, #tpu.memory_space<vmem>> -> memref<1x80xi32, #tpu.memory_space<vmem>>
    %dma_wait3A_105 = tpu.memref_squeeze %dma_wait3A_104 : memref<1x80xi32, #tpu.memory_space<vmem>> -> memref<80xi32, #tpu.memory_space<vmem>>
    %dma_wait3A_106 = tpu.memref_slice %arg3[%add3A_97] : memref<320000xi32, #tpu.memory_space<hbm>> -> memref<80xi32, #tpu.memory_space<hbm>>
    tpu.wait_dma2 semaphore(%arg12 : memref<!tpu.dma_semaphore, #tpu.memory_space<semaphore_mem>>) src(%dma_wait3A_106 : memref<80xi32, #tpu.memory_space<hbm>>) dst(%dma_wait3A_105 : memref<80xi32, #tpu.memory_space<vmem>>)
    %dma_wait3A_107 = arith.constant 1 : i32
    %dma_wait3A_108 = arith.constant 0 : i32
    %dma_wait3A_109 = tpu.memref_slice %arg7[%dma_wait3A_107, %dma_wait3A_108] : memref<2x80xi32, #tpu.memory_space<vmem>> -> memref<1x80xi32, #tpu.memory_space<vmem>>
    %dma_wait3A_110 = tpu.memref_squeeze %dma_wait3A_109 : memref<1x80xi32, #tpu.memory_space<vmem>> -> memref<80xi32, #tpu.memory_space<vmem>>
    %dma_wait3A_111 = tpu.memref_slice %arg4[%add3A_97] : memref<320000xi32, #tpu.memory_space<hbm>> -> memref<80xi32, #tpu.memory_space<hbm>>
    %dma_wait3A_112 = arith.constant 0 : i32
    %dma_wait3A_113 = tpu.memref_slice %arg7[%dma_wait3A_107, %dma_wait3A_112] : memref<2x80xi32, #tpu.memory_space<vmem>> -> memref<1x80xi32, #tpu.memory_space<vmem>>
    %dma_wait3A_114 = tpu.memref_squeeze %dma_wait3A_113 : memref<1x80xi32, #tpu.memory_space<vmem>> -> memref<80xi32, #tpu.memory_space<vmem>>
    %dma_wait3A_115 = tpu.memref_slice %arg4[%add3A_97] : memref<320000xi32, #tpu.memory_space<hbm>> -> memref<80xi32, #tpu.memory_space<hbm>>
    tpu.wait_dma2 semaphore(%arg12 : memref<!tpu.dma_semaphore, #tpu.memory_space<semaphore_mem>>) src(%dma_wait3A_115 : memref<80xi32, #tpu.memory_space<hbm>>) dst(%dma_wait3A_114 : memref<80xi32, #tpu.memory_space<vmem>>)
    %dma_wait3A_116 = arith.constant 0 : i32
    %dma_wait3A_117 = arith.constant 0 : i32
    %dma_wait3A_118 = arith.constant 0 : i32
    %dma_wait3A_119 = arith.constant 0 : i32
    %dma_wait3A_120 = tpu.memref_slice %arg8[%dma_wait3A_117, %dma_wait3A_118, %dma_wait3A_119] : memref<2x80x128xf32, #tpu.memory_space<vmem>> -> memref<1x80x128xf32, #tpu.memory_space<vmem>>
    %dma_wait3A_121 = tpu.memref_squeeze %dma_wait3A_120 : memref<1x80x128xf32, #tpu.memory_space<vmem>> -> memref<80x128xf32, #tpu.memory_space<vmem>>
    %dma_wait3A_122 = arith.constant 0 : i32
    %dma_wait3A_123 = tpu.memref_slice %arg6[%dma_wait3A_116, %dma_wait3A_122] : memref<2x80xi32, #tpu.memory_space<vmem>> -> memref<1x80xi32, #tpu.memory_space<vmem>>
    %dma_wait3A_124 = tpu.memref_squeeze %dma_wait3A_123 : memref<1x80xi32, #tpu.memory_space<vmem>> -> memref<80xi32, #tpu.memory_space<vmem>>
    %dma_wait3A_125 = arith.constant 0 : i32
    %dma_wait3A_126 = arith.constant 0 : i32
    %dma_wait3A_127 = tpu.memref_slice %arg2[%dma_wait3A_125, %dma_wait3A_126] : memref<10000x128xf32, #tpu.memory_space<hbm>> -> memref<10000x128xf32, #tpu.memory_space<hbm>>
    tpu.wait_indirect_dma semaphore(%arg13 : memref<!tpu.dma_semaphore, #tpu.memory_space<semaphore_mem>>) src(%dma_wait3A_127 : memref<10000x128xf32, #tpu.memory_space<hbm>>) dst(%dma_wait3A_121 : memref<80x128xf32, #tpu.memory_space<vmem>>)
    %dma_wait3A_128 = arith.constant 1 : i32
    %dma_wait3A_129 = arith.constant 1 : i32
    %dma_wait3A_130 = arith.constant 0 : i32
    %dma_wait3A_131 = arith.constant 0 : i32
    %dma_wait3A_132 = tpu.memref_slice %arg8[%dma_wait3A_129, %dma_wait3A_130, %dma_wait3A_131] : memref<2x80x128xf32, #tpu.memory_space<vmem>> -> memref<1x80x128xf32, #tpu.memory_space<vmem>>
    %dma_wait3A_133 = tpu.memref_squeeze %dma_wait3A_132 : memref<1x80x128xf32, #tpu.memory_space<vmem>> -> memref<80x128xf32, #tpu.memory_space<vmem>>
    %dma_wait3A_134 = arith.constant 0 : i32
    %dma_wait3A_135 = tpu.memref_slice %arg6[%dma_wait3A_128, %dma_wait3A_134] : memref<2x80xi32, #tpu.memory_space<vmem>> -> memref<1x80xi32, #tpu.memory_space<vmem>>
    %dma_wait3A_136 = tpu.memref_squeeze %dma_wait3A_135 : memref<1x80xi32, #tpu.memory_space<vmem>> -> memref<80xi32, #tpu.memory_space<vmem>>
    %dma_wait3A_137 = arith.constant 0 : i32
    %dma_wait3A_138 = arith.constant 0 : i32
    %dma_wait3A_139 = tpu.memref_slice %arg2[%dma_wait3A_137, %dma_wait3A_138] : memref<10000x128xf32, #tpu.memory_space<hbm>> -> memref<10000x128xf32, #tpu.memory_space<hbm>>
    tpu.wait_indirect_dma semaphore(%arg13 : memref<!tpu.dma_semaphore, #tpu.memory_space<semaphore_mem>>) src(%dma_wait3A_139 : memref<10000x128xf32, #tpu.memory_space<hbm>>) dst(%dma_wait3A_133 : memref<80x128xf32, #tpu.memory_space<vmem>>)
    %scan3A_140 = arith.constant 0 : i32
    %scan3A_141 = arith.constant 0 : i32
    %scan3A_142 = arith.constant 80 : i32
    %scan3A_143 = arith.addi %scan3A_141, %scan3A_142 : i32
    %scan3A_144 = arith.constant 1 : i32
    scf.for %scan3A_150 = %scan3A_141 to %scan3A_143 step %scan3A_144  : i32 {
      %get3A = arith.constant 0 : i32
      %get3A_151 = arith.index_cast %get3A : i32 to index
      %get3A_152 = arith.index_cast %scan3A_150 : i32 to index
      %get3A_153 = arith.constant 0 : index
      %get3A_154 = tpu.vector_load %arg8[%get3A_151, %get3A_152, %get3A_153] {strides = array<i32>} : memref<2x80x128xf32, #tpu.memory_space<vmem>>, vector<1x1x16xf32>,
      %get3A_155 = vector.shape_cast %get3A_154 : vector<1x1x16xf32> to vector<16xf32>
      %get3A_156 = arith.constant 1 : i32
      %get3A_157 = arith.index_cast %get3A_156 : i32 to index
      %get3A_158 = arith.index_cast %scan3A_150 : i32 to index
      %get3A_159 = arith.constant 0 : index
      %get3A_160 = tpu.vector_load %arg8[%get3A_157, %get3A_158, %get3A_159] {strides = array<i32>} : memref<2x80x128xf32, #tpu.memory_space<vmem>>, vector<1x1x16xf32>,
      %get3A_161 = vector.shape_cast %get3A_160 : vector<1x1x16xf32> to vector<16xf32>
      %mul3A_162 = arith.mulf %get3A_155, %get3A_161 : vector<16xf32>
      %swap3A = arith.index_cast %scan3A_150 : i32 to index
      %swap3A_163 = arith.constant 0 : index
      %swap3A_164 = tpu.vector_load %arg10[%swap3A, %swap3A_163] {strides = array<i32>} : memref<80x128xf32, #tpu.memory_space<vmem>>, vector<1x16xf32>,
      %swap3A_165 = vector.shape_cast %swap3A_164 : vector<1x16xf32> to vector<16xf32>
      %swap3A_166 = vector.shape_cast %mul3A_162 : vector<16xf32> to vector<1x16xf32>
      tpu.vector_store %arg10[%swap3A, %swap3A_163], %swap3A_166 {strides = array<i32>} : memref<80x128xf32, #tpu.memory_space<vmem>>, vector<1x16xf32>,
      %get3A_167 = arith.constant 0 : i32
      %get3A_168 = arith.index_cast %get3A_167 : i32 to index
      %get3A_169 = arith.index_cast %scan3A_150 : i32 to index
      %get3A_170 = arith.constant 16 : index
      %get3A_171 = tpu.vector_load %arg8[%get3A_168, %get3A_169, %get3A_170] {strides = array<i32>} : memref<2x80x128xf32, #tpu.memory_space<vmem>>, vector<1x1x16xf32>,
      %get3A_172 = vector.shape_cast %get3A_171 : vector<1x1x16xf32> to vector<16xf32>
      %get3A_173 = arith.constant 1 : i32
      %get3A_174 = arith.index_cast %get3A_173 : i32 to index
      %get3A_175 = arith.index_cast %scan3A_150 : i32 to index
      %get3A_176 = arith.constant 16 : index
      %get3A_177 = tpu.vector_load %arg8[%get3A_174, %get3A_175, %get3A_176] {strides = array<i32>} : memref<2x80x128xf32, #tpu.memory_space<vmem>>, vector<1x1x16xf32>,
      %get3A_178 = vector.shape_cast %get3A_177 : vector<1x1x16xf32> to vector<16xf32>
      %mul3A_179 = arith.mulf %get3A_172, %get3A_178 : vector<16xf32>
      %swap3A_180 = arith.index_cast %scan3A_150 : i32 to index
      %swap3A_181 = arith.constant 16 : index
      %swap3A_182 = tpu.vector_load %arg10[%swap3A_180, %swap3A_181] {strides = array<i32>} : memref<80x128xf32, #tpu.memory_space<vmem>>, vector<1x16xf32>,
      %swap3A_183 = vector.shape_cast %swap3A_182 : vector<1x16xf32> to vector<16xf32>
      %swap3A_184 = vector.shape_cast %mul3A_179 : vector<16xf32> to vector<1x16xf32>
      tpu.vector_store %arg10[%swap3A_180, %swap3A_181], %swap3A_184 {strides = array<i32>} : memref<80x128xf32, #tpu.memory_space<vmem>>, vector<1x16xf32>,
      %get3A_185 = arith.constant 0 : i32
      %get3A_186 = arith.index_cast %get3A_185 : i32 to index
      %get3A_187 = arith.index_cast %scan3A_150 : i32 to index
      %get3A_188 = arith.constant 32 : index
      %get3A_189 = tpu.vector_load %arg8[%get3A_186, %get3A_187, %get3A_188] {strides = array<i32>} : memref<2x80x128xf32, #tpu.memory_space<vmem>>, vector<1x1x16xf32>,
      %get3A_190 = vector.shape_cast %get3A_189 : vector<1x1x16xf32> to vector<16xf32>
      %get3A_191 = arith.constant 1 : i32
      %get3A_192 = arith.index_cast %get3A_191 : i32 to index
      %get3A_193 = arith.index_cast %scan3A_150 : i32 to index
      %get3A_194 = arith.constant 32 : index
      %get3A_195 = tpu.vector_load %arg8[%get3A_192, %get3A_193, %get3A_194] {strides = array<i32>} : memref<2x80x128xf32, #tpu.memory_space<vmem>>, vector<1x1x16xf32>,
      %get3A_196 = vector.shape_cast %get3A_195 : vector<1x1x16xf32> to vector<16xf32>
      %mul3A_197 = arith.mulf %get3A_190, %get3A_196 : vector<16xf32>
      %swap3A_198 = arith.index_cast %scan3A_150 : i32 to index
      %swap3A_199 = arith.constant 32 : index
      %swap3A_200 = tpu.vector_load %arg10[%swap3A_198, %swap3A_199] {strides = array<i32>} : memref<80x128xf32, #tpu.memory_space<vmem>>, vector<1x16xf32>,
      %swap3A_201 = vector.shape_cast %swap3A_200 : vector<1x16xf32> to vector<16xf32>
      %swap3A_202 = vector.shape_cast %mul3A_197 : vector<16xf32> to vector<1x16xf32>
      tpu.vector_store %arg10[%swap3A_198, %swap3A_199], %swap3A_202 {strides = array<i32>} : memref<80x128xf32, #tpu.memory_space<vmem>>, vector<1x16xf32>,
      %get3A_203 = arith.constant 0 : i32
      %get3A_204 = arith.index_cast %get3A_203 : i32 to index
      %get3A_205 = arith.index_cast %scan3A_150 : i32 to index
      %get3A_206 = arith.constant 48 : index
      %get3A_207 = tpu.vector_load %arg8[%get3A_204, %get3A_205, %get3A_206] {strides = array<i32>} : memref<2x80x128xf32, #tpu.memory_space<vmem>>, vector<1x1x16xf32>,
      %get3A_208 = vector.shape_cast %get3A_207 : vector<1x1x16xf32> to vector<16xf32>
      %get3A_209 = arith.constant 1 : i32
      %get3A_210 = arith.index_cast %get3A_209 : i32 to index
      %get3A_211 = arith.index_cast %scan3A_150 : i32 to index
      %get3A_212 = arith.constant 48 : index
      %get3A_213 = tpu.vector_load %arg8[%get3A_210, %get3A_211, %get3A_212] {strides = array<i32>} : memref<2x80x128xf32, #tpu.memory_space<vmem>>, vector<1x1x16xf32>,
      %get3A_214 = vector.shape_cast %get3A_213 : vector<1x1x16xf32> to vector<16xf32>
      %mul3A_215 = arith.mulf %get3A_208, %get3A_214 : vector<16xf32>
      %swap3A_216 = arith.index_cast %scan3A_150 : i32 to index
      %swap3A_217 = arith.constant 48 : index
      %swap3A_218 = tpu.vector_load %arg10[%swap3A_216, %swap3A_217] {strides = array<i32>} : memref<80x128xf32, #tpu.memory_space<vmem>>, vector<1x16xf32>,
      %swap3A_219 = vector.shape_cast %swap3A_218 : vector<1x16xf32> to vector<16xf32>
      %swap3A_220 = vector.shape_cast %mul3A_215 : vector<16xf32> to vector<1x16xf32>
      tpu.vector_store %arg10[%swap3A_216, %swap3A_217], %swap3A_220 {strides = array<i32>} : memref<80x128xf32, #tpu.memory_space<vmem>>, vector<1x16xf32>,
      %get3A_221 = arith.constant 0 : i32
      %get3A_222 = arith.index_cast %get3A_221 : i32 to index
      %get3A_223 = arith.index_cast %scan3A_150 : i32 to index
      %get3A_224 = arith.constant 64 : index
      %get3A_225 = tpu.vector_load %arg8[%get3A_222, %get3A_223, %get3A_224] {strides = array<i32>} : memref<2x80x128xf32, #tpu.memory_space<vmem>>, vector<1x1x16xf32>,
      %get3A_226 = vector.shape_cast %get3A_225 : vector<1x1x16xf32> to vector<16xf32>
      %get3A_227 = arith.constant 1 : i32
      %get3A_228 = arith.index_cast %get3A_227 : i32 to index
      %get3A_229 = arith.index_cast %scan3A_150 : i32 to index
      %get3A_230 = arith.constant 64 : index
      %get3A_231 = tpu.vector_load %arg8[%get3A_228, %get3A_229, %get3A_230] {strides = array<i32>} : memref<2x80x128xf32, #tpu.memory_space<vmem>>, vector<1x1x16xf32>,
      %get3A_232 = vector.shape_cast %get3A_231 : vector<1x1x16xf32> to vector<16xf32>
      %mul3A_233 = arith.mulf %get3A_226, %get3A_232 : vector<16xf32>
      %swap3A_234 = arith.index_cast %scan3A_150 : i32 to index
      %swap3A_235 = arith.constant 64 : index
      %swap3A_236 = tpu.vector_load %arg10[%swap3A_234, %swap3A_235] {strides = array<i32>} : memref<80x128xf32, #tpu.memory_space<vmem>>, vector<1x16xf32>,
      %swap3A_237 = vector.shape_cast %swap3A_236 : vector<1x16xf32> to vector<16xf32>
      %swap3A_238 = vector.shape_cast %mul3A_233 : vector<16xf32> to vector<1x16xf32>
      tpu.vector_store %arg10[%swap3A_234, %swap3A_235], %swap3A_238 {strides = array<i32>} : memref<80x128xf32, #tpu.memory_space<vmem>>, vector<1x16xf32>,
      %get3A_239 = arith.constant 0 : i32
      %get3A_240 = arith.index_cast %get3A_239 : i32 to index
      %get3A_241 = arith.index_cast %scan3A_150 : i32 to index
      %get3A_242 = arith.constant 80 : index
      %get3A_243 = tpu.vector_load %arg8[%get3A_240, %get3A_241, %get3A_242] {strides = array<i32>} : memref<2x80x128xf32, #tpu.memory_space<vmem>>, vector<1x1x16xf32>,
      %get3A_244 = vector.shape_cast %get3A_243 : vector<1x1x16xf32> to vector<16xf32>
      %get3A_245 = arith.constant 1 : i32
      %get3A_246 = arith.index_cast %get3A_245 : i32 to index
      %get3A_247 = arith.index_cast %scan3A_150 : i32 to index
      %get3A_248 = arith.constant 80 : index
      %get3A_249 = tpu.vector_load %arg8[%get3A_246, %get3A_247, %get3A_248] {strides = array<i32>} : memref<2x80x128xf32, #tpu.memory_space<vmem>>, vector<1x1x16xf32>,
      %get3A_250 = vector.shape_cast %get3A_249 : vector<1x1x16xf32> to vector<16xf32>
      %mul3A_251 = arith.mulf %get3A_244, %get3A_250 : vector<16xf32>
      %swap3A_252 = arith.index_cast %scan3A_150 : i32 to index
      %swap3A_253 = arith.constant 80 : index
      %swap3A_254 = tpu.vector_load %arg10[%swap3A_252, %swap3A_253] {strides = array<i32>} : memref<80x128xf32, #tpu.memory_space<vmem>>, vector<1x16xf32>,
      %swap3A_255 = vector.shape_cast %swap3A_254 : vector<1x16xf32> to vector<16xf32>
      %swap3A_256 = vector.shape_cast %mul3A_251 : vector<16xf32> to vector<1x16xf32>
      tpu.vector_store %arg10[%swap3A_252, %swap3A_253], %swap3A_256 {strides = array<i32>} : memref<80x128xf32, #tpu.memory_space<vmem>>, vector<1x16xf32>,
      %get3A_257 = arith.constant 0 : i32
      %get3A_258 = arith.index_cast %get3A_257 : i32 to index
      %get3A_259 = arith.index_cast %scan3A_150 : i32 to index
      %get3A_260 = arith.constant 96 : index
      %get3A_261 = tpu.vector_load %arg8[%get3A_258, %get3A_259, %get3A_260] {strides = array<i32>} : memref<2x80x128xf32, #tpu.memory_space<vmem>>, vector<1x1x16xf32>,
      %get3A_262 = vector.shape_cast %get3A_261 : vector<1x1x16xf32> to vector<16xf32>
      %get3A_263 = arith.constant 1 : i32
      %get3A_264 = arith.index_cast %get3A_263 : i32 to index
      %get3A_265 = arith.index_cast %scan3A_150 : i32 to index
      %get3A_266 = arith.constant 96 : index
      %get3A_267 = tpu.vector_load %arg8[%get3A_264, %get3A_265, %get3A_266] {strides = array<i32>} : memref<2x80x128xf32, #tpu.memory_space<vmem>>, vector<1x1x16xf32>,
      %get3A_268 = vector.shape_cast %get3A_267 : vector<1x1x16xf32> to vector<16xf32>
      %mul3A_269 = arith.mulf %get3A_262, %get3A_268 : vector<16xf32>
      %swap3A_270 = arith.index_cast %scan3A_150 : i32 to index
      %swap3A_271 = arith.constant 96 : index
      %swap3A_272 = tpu.vector_load %arg10[%swap3A_270, %swap3A_271] {strides = array<i32>} : memref<80x128xf32, #tpu.memory_space<vmem>>, vector<1x16xf32>,
      %swap3A_273 = vector.shape_cast %swap3A_272 : vector<1x16xf32> to vector<16xf32>
      %swap3A_274 = vector.shape_cast %mul3A_269 : vector<16xf32> to vector<1x16xf32>
      tpu.vector_store %arg10[%swap3A_270, %swap3A_271], %swap3A_274 {strides = array<i32>} : memref<80x128xf32, #tpu.memory_space<vmem>>, vector<1x16xf32>,
      %get3A_275 = arith.constant 0 : i32
      %get3A_276 = arith.index_cast %get3A_275 : i32 to index
      %get3A_277 = arith.index_cast %scan3A_150 : i32 to index
      %get3A_278 = arith.constant 112 : index
      %get3A_279 = tpu.vector_load %arg8[%get3A_276, %get3A_277, %get3A_278] {strides = array<i32>} : memref<2x80x128xf32, #tpu.memory_space<vmem>>, vector<1x1x16xf32>,
      %get3A_280 = vector.shape_cast %get3A_279 : vector<1x1x16xf32> to vector<16xf32>
      %get3A_281 = arith.constant 1 : i32
      %get3A_282 = arith.index_cast %get3A_281 : i32 to index
      %get3A_283 = arith.index_cast %scan3A_150 : i32 to index
      %get3A_284 = arith.constant 112 : index
      %get3A_285 = tpu.vector_load %arg8[%get3A_282, %get3A_283, %get3A_284] {strides = array<i32>} : memref<2x80x128xf32, #tpu.memory_space<vmem>>, vector<1x1x16xf32>,
      %get3A_286 = vector.shape_cast %get3A_285 : vector<1x1x16xf32> to vector<16xf32>
      %mul3A_287 = arith.mulf %get3A_280, %get3A_286 : vector<16xf32>
      %swap3A_288 = arith.index_cast %scan3A_150 : i32 to index
      %swap3A_289 = arith.constant 112 : index
      %swap3A_290 = tpu.vector_load %arg10[%swap3A_288, %swap3A_289] {strides = array<i32>} : memref<80x128xf32, #tpu.memory_space<vmem>>, vector<1x16xf32>,
      %swap3A_291 = vector.shape_cast %swap3A_290 : vector<1x16xf32> to vector<16xf32>
      %swap3A_292 = vector.shape_cast %mul3A_287 : vector<16xf32> to vector<1x16xf32>
      tpu.vector_store %arg10[%swap3A_288, %swap3A_289], %swap3A_292 {strides = array<i32>} : memref<80x128xf32, #tpu.memory_space<vmem>>, vector<1x16xf32>,
    }
    %scan3A_145 = arith.constant 80 : i32
    %mul3A_146 = arith.constant 10000 : i32
    %mul3A_147 = arith.muli %add3A, %mul3A_146 : i32
    %add3A_148 = arith.constant 9920 : i32
    %add3A_149 = arith.addi %mul3A_147, %add3A_148 : i32
    "tpu.region"() ({
      %run_scoped3A = tpu.sem_alloc : memref<!tpu.dma_semaphore, #tpu.memory_space<semaphore_mem>>
      %dma_start3A_150 = arith.constant 0 : i32
      %dma_start3A_151 = tpu.memref_slice %arg5[%add3A_149, %dma_start3A_150] : memref<320000x128xf32, #tpu.memory_space<hbm>> -> memref<80x128xf32, #tpu.memory_space<hbm>>
      %dma_start3A_152 = arith.constant 0 : i32
      %dma_start3A_153 = tpu.memref_slice %arg5[%add3A_149, %dma_start3A_152] : memref<320000x128xf32, #tpu.memory_space<hbm>> -> memref<80x128xf32, #tpu.memory_space<hbm>>
      tpu.enqueue_dma source(%arg10 : memref<80x128xf32, #tpu.memory_space<vmem>>) target(%dma_start3A_153 : memref<80x128xf32, #tpu.memory_space<hbm>>) target_semaphore(%run_scoped3A : memref<!tpu.dma_semaphore, #tpu.memory_space<semaphore_mem>>)
      %dma_wait3A_154 = arith.constant 0 : i32
      %dma_wait3A_155 = tpu.memref_slice %arg5[%add3A_149, %dma_wait3A_154] : memref<320000x128xf32, #tpu.memory_space<hbm>> -> memref<80x128xf32, #tpu.memory_space<hbm>>
      %dma_wait3A_156 = arith.constant 0 : i32
      %dma_wait3A_157 = tpu.memref_slice %arg5[%add3A_149, %dma_wait3A_156] : memref<320000x128xf32, #tpu.memory_space<hbm>> -> memref<80x128xf32, #tpu.memory_space<hbm>>
      tpu.wait_dma2 semaphore(%run_scoped3A : memref<!tpu.dma_semaphore, #tpu.memory_space<semaphore_mem>>) src(%arg10 : memref<80x128xf32, #tpu.memory_space<vmem>>) dst(%dma_wait3A_157 : memref<80x128xf32, #tpu.memory_space<hbm>>)
      tpu.yield
    }) : () -> ()
    return
  }
}

#map = affine_map<(d0, d1) -> (0, 0)>
#map1 = affine_map<(d0, d1) -> (0)>
module attributes {stable_mosaic.version = 14 : i64} {
  func.func @_sc_scatter_body(%arg0: i32, %arg1: i32, %arg2: memref<320000x16xf32, #tpu.memory_space<hbm>>, %arg3: memref<320000xi32, #tpu.memory_space<hbm>>, %arg4: memref<5008x16xf32, #tpu.memory_space<hbm>>, %arg5: memref<320000x16xf32, #tpu.memory_space<hbm>>, %arg6: memref<80128x16xf32, #tpu.memory_space<vmem_shared>>, %arg7: memref<2000xi32, #tpu.memory_space<vmem>>, %arg8: memref<25x80xi32, #tpu.memory_space<vmem>>, %arg9: memref<2000x16xf32, #tpu.memory_space<vmem>>, %arg10: memref<!tpu.dma_semaphore, #tpu.memory_space<semaphore_mem>>) attributes {dimension_semantics = [#tpu.dimension_semantics<core_parallel>, #tpu.dimension_semantics<subcore_parallel>], iteration_bounds = array<i64: 2, 16>, scalar_prefetch = 0 : i64, scratch_operands = 5 : i64, tpu.core_type = #tpu.core_type<sc_vector_subcore>, window_params = [{transform_indices = #map}, {transform_indices = #map1}, {transform_indices = #map}, {transform_indices = #map}]} {
    %add3A = arith.constant 0 : i32
    %add3A_0 = arith.addi %add3A, %arg0 : i32
    %mul3A = arith.constant 80000 : i32
    %mul3A_1 = arith.muli %add3A_0, %mul3A : i32
    %mul3A_2 = arith.constant 5008 : i32
    %mul3A_3 = arith.muli %arg1, %mul3A_2 : i32
    "tpu.region"() ({
      %run_scoped3A = tpu.sem_alloc : memref<!tpu.dma_semaphore, #tpu.memory_space<semaphore_mem>>
      %dma_start3A = arith.constant 0 : i32
      %dma_start3A_36 = tpu.memref_slice %arg6[%mul3A_3, %dma_start3A] : memref<80128x16xf32, #tpu.memory_space<vmem_shared>> -> memref<5008x16xf32, #tpu.memory_space<vmem_shared>>
      tpu.enqueue_dma source(%arg4 : memref<5008x16xf32, #tpu.memory_space<hbm>>) target(%dma_start3A_36 : memref<5008x16xf32, #tpu.memory_space<vmem_shared>>) target_semaphore(%run_scoped3A : memref<!tpu.dma_semaphore, #tpu.memory_space<semaphore_mem>>)
      %dma_wait3A = arith.constant 0 : i32
      %dma_wait3A_37 = tpu.memref_slice %arg6[%mul3A_3, %dma_wait3A] : memref<80128x16xf32, #tpu.memory_space<vmem_shared>> -> memref<5008x16xf32, #tpu.memory_space<vmem_shared>>
      tpu.wait_dma2 semaphore(%run_scoped3A : memref<!tpu.dma_semaphore, #tpu.memory_space<semaphore_mem>>) src(%arg4 : memref<5008x16xf32, #tpu.memory_space<hbm>>) dst(%dma_wait3A_37 : memref<5008x16xf32, #tpu.memory_space<vmem_shared>>)
      tpu.yield
    }) : () -> ()
    %barrier3A = arith.constant 0 : index
    tpu.barrier barrier_id(%barrier3A)
    %scan3A = arith.constant 0 : i32
    %scan3A_4 = arith.constant 0 : i32
    %scan3A_5 = arith.constant 10 : i32
    %scan3A_6 = arith.addi %scan3A_4, %scan3A_5 : i32
    %scan3A_7 = arith.constant 1 : i32
    scf.for %scan3A_36 = %scan3A_4 to %scan3A_6 step %scan3A_7  : i32 {
      %mul3A_37 = arith.constant 20000 : i32
      %mul3A_38 = arith.muli %arg1, %mul3A_37 : i32
      %mul3A_39 = arith.constant 2000 : i32
      %mul3A_40 = arith.muli %scan3A_36, %mul3A_39 : i32
      %add3A_41 = arith.addi %mul3A_38, %mul3A_40 : i32
      %dma_start3A = tpu.memref_slice %arg3[%add3A_41] : memref<320000xi32, #tpu.memory_space<hbm>> -> memref<2000xi32, #tpu.memory_space<hbm>>
      %dma_start3A_42 = tpu.memref_slice %arg3[%add3A_41] : memref<320000xi32, #tpu.memory_space<hbm>> -> memref<2000xi32, #tpu.memory_space<hbm>>
      tpu.enqueue_dma source(%dma_start3A_42 : memref<2000xi32, #tpu.memory_space<hbm>>) target(%arg7 : memref<2000xi32, #tpu.memory_space<vmem>>) target_semaphore(%arg10 : memref<!tpu.dma_semaphore, #tpu.memory_space<semaphore_mem>>)
      %dma_start3A_43 = arith.constant 0 : i32
      %dma_start3A_44 = tpu.memref_slice %arg2[%add3A_41, %dma_start3A_43] : memref<320000x16xf32, #tpu.memory_space<hbm>> -> memref<2000x16xf32, #tpu.memory_space<hbm>>
      %dma_start3A_45 = arith.constant 0 : i32
      %dma_start3A_46 = tpu.memref_slice %arg2[%add3A_41, %dma_start3A_45] : memref<320000x16xf32, #tpu.memory_space<hbm>> -> memref<2000x16xf32, #tpu.memory_space<hbm>>
      tpu.enqueue_dma source(%dma_start3A_46 : memref<2000x16xf32, #tpu.memory_space<hbm>>) target(%arg9 : memref<2000x16xf32, #tpu.memory_space<vmem>>) target_semaphore(%arg10 : memref<!tpu.dma_semaphore, #tpu.memory_space<semaphore_mem>>)
      %dma_wait3A = tpu.memref_slice %arg3[%add3A_41] : memref<320000xi32, #tpu.memory_space<hbm>> -> memref<2000xi32, #tpu.memory_space<hbm>>
      %dma_wait3A_47 = tpu.memref_slice %arg3[%add3A_41] : memref<320000xi32, #tpu.memory_space<hbm>> -> memref<2000xi32, #tpu.memory_space<hbm>>
      tpu.wait_dma2 semaphore(%arg10 : memref<!tpu.dma_semaphore, #tpu.memory_space<semaphore_mem>>) src(%dma_wait3A_47 : memref<2000xi32, #tpu.memory_space<hbm>>) dst(%arg7 : memref<2000xi32, #tpu.memory_space<vmem>>)
      %dma_wait3A_48 = arith.constant 0 : i32
      %dma_wait3A_49 = tpu.memref_slice %arg2[%add3A_41, %dma_wait3A_48] : memref<320000x16xf32, #tpu.memory_space<hbm>> -> memref<2000x16xf32, #tpu.memory_space<hbm>>
      %dma_wait3A_50 = arith.constant 0 : i32
      %dma_wait3A_51 = tpu.memref_slice %arg2[%add3A_41, %dma_wait3A_50] : memref<320000x16xf32, #tpu.memory_space<hbm>> -> memref<2000x16xf32, #tpu.memory_space<hbm>>
      tpu.wait_dma2 semaphore(%arg10 : memref<!tpu.dma_semaphore, #tpu.memory_space<semaphore_mem>>) src(%dma_wait3A_51 : memref<2000x16xf32, #tpu.memory_space<hbm>>) dst(%arg9 : memref<2000x16xf32, #tpu.memory_space<vmem>>)
      %scan3A_52 = arith.constant 0 : i32
      %scan3A_53 = arith.constant 0 : i32
      %scan3A_54 = arith.constant 25 : i32
      %scan3A_55 = arith.addi %scan3A_53, %scan3A_54 : i32
      %scan3A_56 = arith.constant 1 : i32
      scf.for %scan3A_70 = %scan3A_53 to %scan3A_55 step %scan3A_56  : i32 {
        %mul3A_71 = arith.constant 80 : i32
        %mul3A_72 = arith.muli %scan3A_70, %mul3A_71 : i32
        %add3A_73 = arith.constant 0 : i32
        %add3A_74 = arith.addi %mul3A_72, %add3A_73 : i32
        %get3A = arith.index_cast %add3A_74 : i32 to index
        %get3A_75 = tpu.vector_load %arg7[%get3A] {strides = array<i32>} : memref<2000xi32, #tpu.memory_space<vmem>>, vector<16xi32>,
        %get3A_76 = vector.shape_cast %get3A_75 : vector<16xi32> to vector<16xi32>
        %ge3A = vector.broadcast %mul3A_1 : i32 to vector<16xi32>
        %ge3A_77 = arith.cmpi sge, %get3A_76, %ge3A : vector<16xi32>
        %add3A_78 = arith.constant 80000 : i32
        %add3A_79 = arith.addi %mul3A_1, %add3A_78 : i32
        %lt3A = vector.broadcast %add3A_79 : i32 to vector<16xi32>
        %lt3A_80 = arith.cmpi slt, %get3A_76, %lt3A : vector<16xi32>
        %and3A = arith.andi %ge3A_77, %lt3A_80 : vector<16xi1>
        %and3A_81 = arith.constant 127 : i32
        %and3A_82 = vector.broadcast %and3A_81 : i32 to vector<16xi32>
        %and3A_83 = arith.andi %get3A_76, %and3A_82 : vector<16xi32>
        %add3A_84 = arith.constant 80000 : i32
        %add3A_85 = vector.broadcast %add3A_84 : i32 to vector<16xi32>
        %add3A_86 = arith.addi %add3A_85, %and3A_83 : vector<16xi32>
        %sub3A = vector.broadcast %mul3A_1 : i32 to vector<16xi32>
        %sub3A_87 = arith.subi %get3A_76, %sub3A : vector<16xi32>
        %select_n3A = arith.select %and3A, %sub3A_87, %add3A_86 : vector<16xi1>, vector<16xi32>
        %swap3A = arith.index_cast %scan3A_70 : i32 to index
        %swap3A_88 = arith.constant 0 : index
        %swap3A_89 = tpu.vector_load %arg8[%swap3A, %swap3A_88] {strides = array<i32>} : memref<25x80xi32, #tpu.memory_space<vmem>>, vector<1x16xi32>,
        %swap3A_90 = vector.shape_cast %swap3A_89 : vector<1x16xi32> to vector<16xi32>
        %swap3A_91 = vector.shape_cast %select_n3A : vector<16xi32> to vector<1x16xi32>
        tpu.vector_store %arg8[%swap3A, %swap3A_88], %swap3A_91 {strides = array<i32>} : memref<25x80xi32, #tpu.memory_space<vmem>>, vector<1x16xi32>,
        %mul3A_92 = arith.constant 80 : i32
        %mul3A_93 = arith.muli %scan3A_70, %mul3A_92 : i32
        %add3A_94 = arith.constant 16 : i32
        %add3A_95 = arith.addi %mul3A_93, %add3A_94 : i32
        %get3A_96 = arith.index_cast %add3A_95 : i32 to index
        %get3A_97 = tpu.vector_load %arg7[%get3A_96] {strides = array<i32>} : memref<2000xi32, #tpu.memory_space<vmem>>, vector<16xi32>,
        %get3A_98 = vector.shape_cast %get3A_97 : vector<16xi32> to vector<16xi32>
        %ge3A_99 = vector.broadcast %mul3A_1 : i32 to vector<16xi32>
        %ge3A_100 = arith.cmpi sge, %get3A_98, %ge3A_99 : vector<16xi32>
        %add3A_101 = arith.constant 80000 : i32
        %add3A_102 = arith.addi %mul3A_1, %add3A_101 : i32
        %lt3A_103 = vector.broadcast %add3A_102 : i32 to vector<16xi32>
        %lt3A_104 = arith.cmpi slt, %get3A_98, %lt3A_103 : vector<16xi32>
        %and3A_105 = arith.andi %ge3A_100, %lt3A_104 : vector<16xi1>
        %and3A_106 = arith.constant 127 : i32
        %and3A_107 = vector.broadcast %and3A_106 : i32 to vector<16xi32>
        %and3A_108 = arith.andi %get3A_98, %and3A_107 : vector<16xi32>
        %add3A_109 = arith.constant 80000 : i32
        %add3A_110 = vector.broadcast %add3A_109 : i32 to vector<16xi32>
        %add3A_111 = arith.addi %add3A_110, %and3A_108 : vector<16xi32>
        %sub3A_112 = vector.broadcast %mul3A_1 : i32 to vector<16xi32>
        %sub3A_113 = arith.subi %get3A_98, %sub3A_112 : vector<16xi32>
        %select_n3A_114 = arith.select %and3A_105, %sub3A_113, %add3A_111 : vector<16xi1>, vector<16xi32>
        %swap3A_115 = arith.index_cast %scan3A_70 : i32 to index
        %swap3A_116 = arith.constant 16 : index
        %swap3A_117 = tpu.vector_load %arg8[%swap3A_115, %swap3A_116] {strides = array<i32>} : memref<25x80xi32, #tpu.memory_space<vmem>>, vector<1x16xi32>,
        %swap3A_118 = vector.shape_cast %swap3A_117 : vector<1x16xi32> to vector<16xi32>
        %swap3A_119 = vector.shape_cast %select_n3A_114 : vector<16xi32> to vector<1x16xi32>
        tpu.vector_store %arg8[%swap3A_115, %swap3A_116], %swap3A_119 {strides = array<i32>} : memref<25x80xi32, #tpu.memory_space<vmem>>, vector<1x16xi32>,
        %mul3A_120 = arith.constant 80 : i32
        %mul3A_121 = arith.muli %scan3A_70, %mul3A_120 : i32
        %add3A_122 = arith.constant 32 : i32
        %add3A_123 = arith.addi %mul3A_121, %add3A_122 : i32
        %get3A_124 = arith.index_cast %add3A_123 : i32 to index
        %get3A_125 = tpu.vector_load %arg7[%get3A_124] {strides = array<i32>} : memref<2000xi32, #tpu.memory_space<vmem>>, vector<16xi32>,
        %get3A_126 = vector.shape_cast %get3A_125 : vector<16xi32> to vector<16xi32>
        %ge3A_127 = vector.broadcast %mul3A_1 : i32 to vector<16xi32>
        %ge3A_128 = arith.cmpi sge, %get3A_126, %ge3A_127 : vector<16xi32>
        %add3A_129 = arith.constant 80000 : i32
        %add3A_130 = arith.addi %mul3A_1, %add3A_129 : i32
        %lt3A_131 = vector.broadcast %add3A_130 : i32 to vector<16xi32>
        %lt3A_132 = arith.cmpi slt, %get3A_126, %lt3A_131 : vector<16xi32>
        %and3A_133 = arith.andi %ge3A_128, %lt3A_132 : vector<16xi1>
        %and3A_134 = arith.constant 127 : i32
        %and3A_135 = vector.broadcast %and3A_134 : i32 to vector<16xi32>
        %and3A_136 = arith.andi %get3A_126, %and3A_135 : vector<16xi32>
        %add3A_137 = arith.constant 80000 : i32
        %add3A_138 = vector.broadcast %add3A_137 : i32 to vector<16xi32>
        %add3A_139 = arith.addi %add3A_138, %and3A_136 : vector<16xi32>
        %sub3A_140 = vector.broadcast %mul3A_1 : i32 to vector<16xi32>
        %sub3A_141 = arith.subi %get3A_126, %sub3A_140 : vector<16xi32>
        %select_n3A_142 = arith.select %and3A_133, %sub3A_141, %add3A_139 : vector<16xi1>, vector<16xi32>
        %swap3A_143 = arith.index_cast %scan3A_70 : i32 to index
        %swap3A_144 = arith.constant 32 : index
        %swap3A_145 = tpu.vector_load %arg8[%swap3A_143, %swap3A_144] {strides = array<i32>} : memref<25x80xi32, #tpu.memory_space<vmem>>, vector<1x16xi32>,
        %swap3A_146 = vector.shape_cast %swap3A_145 : vector<1x16xi32> to vector<16xi32>
        %swap3A_147 = vector.shape_cast %select_n3A_142 : vector<16xi32> to vector<1x16xi32>
        tpu.vector_store %arg8[%swap3A_143, %swap3A_144], %swap3A_147 {strides = array<i32>} : memref<25x80xi32, #tpu.memory_space<vmem>>, vector<1x16xi32>,
        %mul3A_148 = arith.constant 80 : i32
        %mul3A_149 = arith.muli %scan3A_70, %mul3A_148 : i32
        %add3A_150 = arith.constant 48 : i32
        %add3A_151 = arith.addi %mul3A_149, %add3A_150 : i32
        %get3A_152 = arith.index_cast %add3A_151 : i32 to index
        %get3A_153 = tpu.vector_load %arg7[%get3A_152] {strides = array<i32>} : memref<2000xi32, #tpu.memory_space<vmem>>, vector<16xi32>,
        %get3A_154 = vector.shape_cast %get3A_153 : vector<16xi32> to vector<16xi32>
        %ge3A_155 = vector.broadcast %mul3A_1 : i32 to vector<16xi32>
        %ge3A_156 = arith.cmpi sge, %get3A_154, %ge3A_155 : vector<16xi32>
        %add3A_157 = arith.constant 80000 : i32
        %add3A_158 = arith.addi %mul3A_1, %add3A_157 : i32
        %lt3A_159 = vector.broadcast %add3A_158 : i32 to vector<16xi32>
        %lt3A_160 = arith.cmpi slt, %get3A_154, %lt3A_159 : vector<16xi32>
        %and3A_161 = arith.andi %ge3A_156, %lt3A_160 : vector<16xi1>
        %and3A_162 = arith.constant 127 : i32
        %and3A_163 = vector.broadcast %and3A_162 : i32 to vector<16xi32>
        %and3A_164 = arith.andi %get3A_154, %and3A_163 : vector<16xi32>
        %add3A_165 = arith.constant 80000 : i32
        %add3A_166 = vector.broadcast %add3A_165 : i32 to vector<16xi32>
        %add3A_167 = arith.addi %add3A_166, %and3A_164 : vector<16xi32>
        %sub3A_168 = vector.broadcast %mul3A_1 : i32 to vector<16xi32>
        %sub3A_169 = arith.subi %get3A_154, %sub3A_168 : vector<16xi32>
        %select_n3A_170 = arith.select %and3A_161, %sub3A_169, %add3A_167 : vector<16xi1>, vector<16xi32>
        %swap3A_171 = arith.index_cast %scan3A_70 : i32 to index
        %swap3A_172 = arith.constant 48 : index
        %swap3A_173 = tpu.vector_load %arg8[%swap3A_171, %swap3A_172] {strides = array<i32>} : memref<25x80xi32, #tpu.memory_space<vmem>>, vector<1x16xi32>,
        %swap3A_174 = vector.shape_cast %swap3A_173 : vector<1x16xi32> to vector<16xi32>
        %swap3A_175 = vector.shape_cast %select_n3A_170 : vector<16xi32> to vector<1x16xi32>
        tpu.vector_store %arg8[%swap3A_171, %swap3A_172], %swap3A_175 {strides = array<i32>} : memref<25x80xi32, #tpu.memory_space<vmem>>, vector<1x16xi32>,
        %mul3A_176 = arith.constant 80 : i32
        %mul3A_177 = arith.muli %scan3A_70, %mul3A_176 : i32
        %add3A_178 = arith.constant 64 : i32
        %add3A_179 = arith.addi %mul3A_177, %add3A_178 : i32
        %get3A_180 = arith.index_cast %add3A_179 : i32 to index
        %get3A_181 = tpu.vector_load %arg7[%get3A_180] {strides = array<i32>} : memref<2000xi32, #tpu.memory_space<vmem>>, vector<16xi32>,
        %get3A_182 = vector.shape_cast %get3A_181 : vector<16xi32> to vector<16xi32>
        %ge3A_183 = vector.broadcast %mul3A_1 : i32 to vector<16xi32>
        %ge3A_184 = arith.cmpi sge, %get3A_182, %ge3A_183 : vector<16xi32>
        %add3A_185 = arith.constant 80000 : i32
        %add3A_186 = arith.addi %mul3A_1, %add3A_185 : i32
        %lt3A_187 = vector.broadcast %add3A_186 : i32 to vector<16xi32>
        %lt3A_188 = arith.cmpi slt, %get3A_182, %lt3A_187 : vector<16xi32>
        %and3A_189 = arith.andi %ge3A_184, %lt3A_188 : vector<16xi1>
        %and3A_190 = arith.constant 127 : i32
        %and3A_191 = vector.broadcast %and3A_190 : i32 to vector<16xi32>
        %and3A_192 = arith.andi %get3A_182, %and3A_191 : vector<16xi32>
        %add3A_193 = arith.constant 80000 : i32
        %add3A_194 = vector.broadcast %add3A_193 : i32 to vector<16xi32>
        %add3A_195 = arith.addi %add3A_194, %and3A_192 : vector<16xi32>
        %sub3A_196 = vector.broadcast %mul3A_1 : i32 to vector<16xi32>
        %sub3A_197 = arith.subi %get3A_182, %sub3A_196 : vector<16xi32>
        %select_n3A_198 = arith.select %and3A_189, %sub3A_197, %add3A_195 : vector<16xi1>, vector<16xi32>
        %swap3A_199 = arith.index_cast %scan3A_70 : i32 to index
        %swap3A_200 = arith.constant 64 : index
        %swap3A_201 = tpu.vector_load %arg8[%swap3A_199, %swap3A_200] {strides = array<i32>} : memref<25x80xi32, #tpu.memory_space<vmem>>, vector<1x16xi32>,
        %swap3A_202 = vector.shape_cast %swap3A_201 : vector<1x16xi32> to vector<16xi32>
        %swap3A_203 = vector.shape_cast %select_n3A_198 : vector<16xi32> to vector<1x16xi32>
        tpu.vector_store %arg8[%swap3A_199, %swap3A_200], %swap3A_203 {strides = array<i32>} : memref<25x80xi32, #tpu.memory_space<vmem>>, vector<1x16xi32>,
      }
      %scan3A_57 = arith.constant 25 : i32
      %scan3A_58 = arith.constant 0 : i32
      %scan3A_59 = arith.constant 0 : i32
      %scan3A_60 = arith.constant 25 : i32
      %scan3A_61 = arith.addi %scan3A_59, %scan3A_60 : i32
      %scan3A_62 = arith.constant 1 : i32
      scf.for %scan3A_70 = %scan3A_59 to %scan3A_61 step %scan3A_62  : i32 {
        %mul3A_71 = arith.constant 80 : i32
        %mul3A_72 = arith.muli %scan3A_70, %mul3A_71 : i32
        %dma_start3A_73 = arith.constant 0 : i32
        %dma_start3A_74 = tpu.memref_slice %arg9[%mul3A_72, %dma_start3A_73] : memref<2000x16xf32, #tpu.memory_space<vmem>> -> memref<80x16xf32, #tpu.memory_space<vmem>>
        %dma_start3A_75 = arith.constant 0 : i32
        %dma_start3A_76 = tpu.memref_slice %arg8[%scan3A_70, %dma_start3A_75] : memref<25x80xi32, #tpu.memory_space<vmem>> -> memref<1x80xi32, #tpu.memory_space<vmem>>
        %dma_start3A_77 = tpu.memref_squeeze %dma_start3A_76 : memref<1x80xi32, #tpu.memory_space<vmem>> -> memref<80xi32, #tpu.memory_space<vmem>>
        %dma_start3A_78 = arith.constant 0 : i32
        %dma_start3A_79 = arith.constant 0 : i32
        %dma_start3A_80 = tpu.memref_slice %arg6[%dma_start3A_78, %dma_start3A_79] : memref<80128x16xf32, #tpu.memory_space<vmem_shared>> -> memref<80128x16xf32, #tpu.memory_space<vmem_shared>>
        tpu.enqueue_indirect_dma source(%dma_start3A_74 : memref<80x16xf32, #tpu.memory_space<vmem>>) target(%dma_start3A_80 : memref<80128x16xf32, #tpu.memory_space<vmem_shared>>) offsets(%dma_start3A_77 : memref<80xi32, #tpu.memory_space<vmem>>) semaphore(%arg10 : memref<!tpu.dma_semaphore, #tpu.memory_space<semaphore_mem>>) {add = true}
      }
      %scan3A_63 = arith.constant 25 : i32
      %scan3A_64 = arith.constant 0 : i32
      %scan3A_65 = arith.constant 0 : i32
      %scan3A_66 = arith.constant 25 : i32
      %scan3A_67 = arith.addi %scan3A_65, %scan3A_66 : i32
      %scan3A_68 = arith.constant 1 : i32
      scf.for %scan3A_70 = %scan3A_65 to %scan3A_67 step %scan3A_68  : i32 {
        %mul3A_71 = arith.constant 80 : i32
        %mul3A_72 = arith.muli %scan3A_70, %mul3A_71 : i32
        %dma_wait3A_73 = arith.constant 0 : i32
        %dma_wait3A_74 = tpu.memref_slice %arg9[%mul3A_72, %dma_wait3A_73] : memref<2000x16xf32, #tpu.memory_space<vmem>> -> memref<80x16xf32, #tpu.memory_space<vmem>>
        %dma_wait3A_75 = arith.constant 0 : i32
        %dma_wait3A_76 = tpu.memref_slice %arg8[%scan3A_70, %dma_wait3A_75] : memref<25x80xi32, #tpu.memory_space<vmem>> -> memref<1x80xi32, #tpu.memory_space<vmem>>
        %dma_wait3A_77 = tpu.memref_squeeze %dma_wait3A_76 : memref<1x80xi32, #tpu.memory_space<vmem>> -> memref<80xi32, #tpu.memory_space<vmem>>
        %dma_wait3A_78 = arith.constant 0 : i32
        %dma_wait3A_79 = arith.constant 0 : i32
        %dma_wait3A_80 = tpu.memref_slice %arg6[%dma_wait3A_78, %dma_wait3A_79] : memref<80128x16xf32, #tpu.memory_space<vmem_shared>> -> memref<80128x16xf32, #tpu.memory_space<vmem_shared>>
        tpu.wait_indirect_dma semaphore(%arg10 : memref<!tpu.dma_semaphore, #tpu.memory_space<semaphore_mem>>) src(%dma_wait3A_74 : memref<80x16xf32, #tpu.memory_space<vmem>>) dst(%dma_wait3A_80 : memref<80128x16xf32, #tpu.memory_space<vmem_shared>>)
      }
      %scan3A_69 = arith.constant 25 : i32
    }
    %scan3A_8 = arith.constant 10 : i32
    %barrier3A_9 = arith.constant 0 : index
    tpu.barrier barrier_id(%barrier3A_9)
    %mul3A_10 = arith.constant 5000 : i32
    %mul3A_11 = arith.muli %arg1, %mul3A_10 : i32
    %mul3A_12 = arith.constant 5000 : i32
    %mul3A_13 = arith.muli %arg1, %mul3A_12 : i32
    %add3A_14 = arith.addi %mul3A_1, %mul3A_13 : i32
    "tpu.region"() ({
      %run_scoped3A = tpu.sem_alloc : memref<!tpu.dma_semaphore, #tpu.memory_space<semaphore_mem>>
      %dma_start3A = arith.constant 0 : i32
      %dma_start3A_36 = tpu.memref_slice %arg5[%add3A_14, %dma_start3A] : memref<320000x16xf32, #tpu.memory_space<hbm>> -> memref<5000x16xf32, #tpu.memory_space<hbm>>
      %dma_start3A_37 = arith.constant 0 : i32
      %dma_start3A_38 = tpu.memref_slice %arg6[%mul3A_11, %dma_start3A_37] : memref<80128x16xf32, #tpu.memory_space<vmem_shared>> -> memref<5000x16xf32, #tpu.memory_space<vmem_shared>>
      tpu.enqueue_dma source(%dma_start3A_38 : memref<5000x16xf32, #tpu.memory_space<vmem_shared>>) target(%dma_start3A_36 : memref<5000x16xf32, #tpu.memory_space<hbm>>) target_semaphore(%run_scoped3A : memref<!tpu.dma_semaphore, #tpu.memory_space<semaphore_mem>>)
      %dma_wait3A = arith.constant 0 : i32
      %dma_wait3A_39 = tpu.memref_slice %arg5[%add3A_14, %dma_wait3A] : memref<320000x16xf32, #tpu.memory_space<hbm>> -> memref<5000x16xf32, #tpu.memory_space<hbm>>
      %dma_wait3A_40 = arith.constant 0 : i32
      %dma_wait3A_41 = tpu.memref_slice %arg6[%mul3A_11, %dma_wait3A_40] : memref<80128x16xf32, #tpu.memory_space<vmem_shared>> -> memref<5000x16xf32, #tpu.memory_space<vmem_shared>>
      tpu.wait_dma2 semaphore(%run_scoped3A : memref<!tpu.dma_semaphore, #tpu.memory_space<semaphore_mem>>) src(%dma_wait3A_41 : memref<5000x16xf32, #tpu.memory_space<vmem_shared>>) dst(%dma_wait3A_39 : memref<5000x16xf32, #tpu.memory_space<hbm>>)
      tpu.yield
    }) : () -> ()
    %barrier3A_15 = arith.constant 0 : index
    tpu.barrier barrier_id(%barrier3A_15)
    %add3A_16 = arith.constant 2 : i32
    %add3A_17 = arith.addi %add3A_16, %arg0 : i32
    %mul3A_18 = arith.constant 80000 : i32
    %mul3A_19 = arith.muli %add3A_17, %mul3A_18 : i32
    %mul3A_20 = arith.constant 5008 : i32
    %mul3A_21 = arith.muli %arg1, %mul3A_20 : i32
    "tpu.region"() ({
      %run_scoped3A = tpu.sem_alloc : memref<!tpu.dma_semaphore, #tpu.memory_space<semaphore_mem>>
      %dma_start3A = arith.constant 0 : i32
      %dma_start3A_36 = tpu.memref_slice %arg6[%mul3A_21, %dma_start3A] : memref<80128x16xf32, #tpu.memory_space<vmem_shared>> -> memref<5008x16xf32, #tpu.memory_space<vmem_shared>>
      tpu.enqueue_dma source(%arg4 : memref<5008x16xf32, #tpu.memory_space<hbm>>) target(%dma_start3A_36 : memref<5008x16xf32, #tpu.memory_space<vmem_shared>>) target_semaphore(%run_scoped3A : memref<!tpu.dma_semaphore, #tpu.memory_space<semaphore_mem>>)
      %dma_wait3A = arith.constant 0 : i32
      %dma_wait3A_37 = tpu.memref_slice %arg6[%mul3A_21, %dma_wait3A] : memref<80128x16xf32, #tpu.memory_space<vmem_shared>> -> memref<5008x16xf32, #tpu.memory_space<vmem_shared>>
      tpu.wait_dma2 semaphore(%run_scoped3A : memref<!tpu.dma_semaphore, #tpu.memory_space<semaphore_mem>>) src(%arg4 : memref<5008x16xf32, #tpu.memory_space<hbm>>) dst(%dma_wait3A_37 : memref<5008x16xf32, #tpu.memory_space<vmem_shared>>)
      tpu.yield
    }) : () -> ()
    %barrier3A_22 = arith.constant 0 : index
    tpu.barrier barrier_id(%barrier3A_22)
    %scan3A_23 = arith.constant 0 : i32
    %scan3A_24 = arith.constant 0 : i32
    %scan3A_25 = arith.constant 10 : i32
    %scan3A_26 = arith.addi %scan3A_24, %scan3A_25 : i32
    %scan3A_27 = arith.constant 1 : i32
    scf.for %scan3A_36 = %scan3A_24 to %scan3A_26 step %scan3A_27  : i32 {
      %mul3A_37 = arith.constant 20000 : i32
      %mul3A_38 = arith.muli %arg1, %mul3A_37 : i32
      %mul3A_39 = arith.constant 2000 : i32
      %mul3A_40 = arith.muli %scan3A_36, %mul3A_39 : i32
      %add3A_41 = arith.addi %mul3A_38, %mul3A_40 : i32
      %dma_start3A = tpu.memref_slice %arg3[%add3A_41] : memref<320000xi32, #tpu.memory_space<hbm>> -> memref<2000xi32, #tpu.memory_space<hbm>>
      %dma_start3A_42 = tpu.memref_slice %arg3[%add3A_41] : memref<320000xi32, #tpu.memory_space<hbm>> -> memref<2000xi32, #tpu.memory_space<hbm>>
      tpu.enqueue_dma source(%dma_start3A_42 : memref<2000xi32, #tpu.memory_space<hbm>>) target(%arg7 : memref<2000xi32, #tpu.memory_space<vmem>>) target_semaphore(%arg10 : memref<!tpu.dma_semaphore, #tpu.memory_space<semaphore_mem>>)
      %dma_start3A_43 = arith.constant 0 : i32
      %dma_start3A_44 = tpu.memref_slice %arg2[%add3A_41, %dma_start3A_43] : memref<320000x16xf32, #tpu.memory_space<hbm>> -> memref<2000x16xf32, #tpu.memory_space<hbm>>
      %dma_start3A_45 = arith.constant 0 : i32
      %dma_start3A_46 = tpu.memref_slice %arg2[%add3A_41, %dma_start3A_45] : memref<320000x16xf32, #tpu.memory_space<hbm>> -> memref<2000x16xf32, #tpu.memory_space<hbm>>
      tpu.enqueue_dma source(%dma_start3A_46 : memref<2000x16xf32, #tpu.memory_space<hbm>>) target(%arg9 : memref<2000x16xf32, #tpu.memory_space<vmem>>) target_semaphore(%arg10 : memref<!tpu.dma_semaphore, #tpu.memory_space<semaphore_mem>>)
      %dma_wait3A = tpu.memref_slice %arg3[%add3A_41] : memref<320000xi32, #tpu.memory_space<hbm>> -> memref<2000xi32, #tpu.memory_space<hbm>>
      %dma_wait3A_47 = tpu.memref_slice %arg3[%add3A_41] : memref<320000xi32, #tpu.memory_space<hbm>> -> memref<2000xi32, #tpu.memory_space<hbm>>
      tpu.wait_dma2 semaphore(%arg10 : memref<!tpu.dma_semaphore, #tpu.memory_space<semaphore_mem>>) src(%dma_wait3A_47 : memref<2000xi32, #tpu.memory_space<hbm>>) dst(%arg7 : memref<2000xi32, #tpu.memory_space<vmem>>)
      %dma_wait3A_48 = arith.constant 0 : i32
      %dma_wait3A_49 = tpu.memref_slice %arg2[%add3A_41, %dma_wait3A_48] : memref<320000x16xf32, #tpu.memory_space<hbm>> -> memref<2000x16xf32, #tpu.memory_space<hbm>>
      %dma_wait3A_50 = arith.constant 0 : i32
      %dma_wait3A_51 = tpu.memref_slice %arg2[%add3A_41, %dma_wait3A_50] : memref<320000x16xf32, #tpu.memory_space<hbm>> -> memref<2000x16xf32, #tpu.memory_space<hbm>>
      tpu.wait_dma2 semaphore(%arg10 : memref<!tpu.dma_semaphore, #tpu.memory_space<semaphore_mem>>) src(%dma_wait3A_51 : memref<2000x16xf32, #tpu.memory_space<hbm>>) dst(%arg9 : memref<2000x16xf32, #tpu.memory_space<vmem>>)
      %scan3A_52 = arith.constant 0 : i32
      %scan3A_53 = arith.constant 0 : i32
      %scan3A_54 = arith.constant 25 : i32
      %scan3A_55 = arith.addi %scan3A_53, %scan3A_54 : i32
      %scan3A_56 = arith.constant 1 : i32
      scf.for %scan3A_70 = %scan3A_53 to %scan3A_55 step %scan3A_56  : i32 {
        %mul3A_71 = arith.constant 80 : i32
        %mul3A_72 = arith.muli %scan3A_70, %mul3A_71 : i32
        %add3A_73 = arith.constant 0 : i32
        %add3A_74 = arith.addi %mul3A_72, %add3A_73 : i32
        %get3A = arith.index_cast %add3A_74 : i32 to index
        %get3A_75 = tpu.vector_load %arg7[%get3A] {strides = array<i32>} : memref<2000xi32, #tpu.memory_space<vmem>>, vector<16xi32>,
        %get3A_76 = vector.shape_cast %get3A_75 : vector<16xi32> to vector<16xi32>
        %ge3A = vector.broadcast %mul3A_19 : i32 to vector<16xi32>
        %ge3A_77 = arith.cmpi sge, %get3A_76, %ge3A : vector<16xi32>
        %add3A_78 = arith.constant 80000 : i32
        %add3A_79 = arith.addi %mul3A_19, %add3A_78 : i32
        %lt3A = vector.broadcast %add3A_79 : i32 to vector<16xi32>
        %lt3A_80 = arith.cmpi slt, %get3A_76, %lt3A : vector<16xi32>
        %and3A = arith.andi %ge3A_77, %lt3A_80 : vector<16xi1>
        %and3A_81 = arith.constant 127 : i32
        %and3A_82 = vector.broadcast %and3A_81 : i32 to vector<16xi32>
        %and3A_83 = arith.andi %get3A_76, %and3A_82 : vector<16xi32>
        %add3A_84 = arith.constant 80000 : i32
        %add3A_85 = vector.broadcast %add3A_84 : i32 to vector<16xi32>
        %add3A_86 = arith.addi %add3A_85, %and3A_83 : vector<16xi32>
        %sub3A = vector.broadcast %mul3A_19 : i32 to vector<16xi32>
        %sub3A_87 = arith.subi %get3A_76, %sub3A : vector<16xi32>
        %select_n3A = arith.select %and3A, %sub3A_87, %add3A_86 : vector<16xi1>, vector<16xi32>
        %swap3A = arith.index_cast %scan3A_70 : i32 to index
        %swap3A_88 = arith.constant 0 : index
        %swap3A_89 = tpu.vector_load %arg8[%swap3A, %swap3A_88] {strides = array<i32>} : memref<25x80xi32, #tpu.memory_space<vmem>>, vector<1x16xi32>,
        %swap3A_90 = vector.shape_cast %swap3A_89 : vector<1x16xi32> to vector<16xi32>
        %swap3A_91 = vector.shape_cast %select_n3A : vector<16xi32> to vector<1x16xi32>
        tpu.vector_store %arg8[%swap3A, %swap3A_88], %swap3A_91 {strides = array<i32>} : memref<25x80xi32, #tpu.memory_space<vmem>>, vector<1x16xi32>,
        %mul3A_92 = arith.constant 80 : i32
        %mul3A_93 = arith.muli %scan3A_70, %mul3A_92 : i32
        %add3A_94 = arith.constant 16 : i32
        %add3A_95 = arith.addi %mul3A_93, %add3A_94 : i32
        %get3A_96 = arith.index_cast %add3A_95 : i32 to index
        %get3A_97 = tpu.vector_load %arg7[%get3A_96] {strides = array<i32>} : memref<2000xi32, #tpu.memory_space<vmem>>, vector<16xi32>,
        %get3A_98 = vector.shape_cast %get3A_97 : vector<16xi32> to vector<16xi32>
        %ge3A_99 = vector.broadcast %mul3A_19 : i32 to vector<16xi32>
        %ge3A_100 = arith.cmpi sge, %get3A_98, %ge3A_99 : vector<16xi32>
        %add3A_101 = arith.constant 80000 : i32
        %add3A_102 = arith.addi %mul3A_19, %add3A_101 : i32
        %lt3A_103 = vector.broadcast %add3A_102 : i32 to vector<16xi32>
        %lt3A_104 = arith.cmpi slt, %get3A_98, %lt3A_103 : vector<16xi32>
        %and3A_105 = arith.andi %ge3A_100, %lt3A_104 : vector<16xi1>
        %and3A_106 = arith.constant 127 : i32
        %and3A_107 = vector.broadcast %and3A_106 : i32 to vector<16xi32>
        %and3A_108 = arith.andi %get3A_98, %and3A_107 : vector<16xi32>
        %add3A_109 = arith.constant 80000 : i32
        %add3A_110 = vector.broadcast %add3A_109 : i32 to vector<16xi32>
        %add3A_111 = arith.addi %add3A_110, %and3A_108 : vector<16xi32>
        %sub3A_112 = vector.broadcast %mul3A_19 : i32 to vector<16xi32>
        %sub3A_113 = arith.subi %get3A_98, %sub3A_112 : vector<16xi32>
        %select_n3A_114 = arith.select %and3A_105, %sub3A_113, %add3A_111 : vector<16xi1>, vector<16xi32>
        %swap3A_115 = arith.index_cast %scan3A_70 : i32 to index
        %swap3A_116 = arith.constant 16 : index
        %swap3A_117 = tpu.vector_load %arg8[%swap3A_115, %swap3A_116] {strides = array<i32>} : memref<25x80xi32, #tpu.memory_space<vmem>>, vector<1x16xi32>,
        %swap3A_118 = vector.shape_cast %swap3A_117 : vector<1x16xi32> to vector<16xi32>
        %swap3A_119 = vector.shape_cast %select_n3A_114 : vector<16xi32> to vector<1x16xi32>
        tpu.vector_store %arg8[%swap3A_115, %swap3A_116], %swap3A_119 {strides = array<i32>} : memref<25x80xi32, #tpu.memory_space<vmem>>, vector<1x16xi32>,
        %mul3A_120 = arith.constant 80 : i32
        %mul3A_121 = arith.muli %scan3A_70, %mul3A_120 : i32
        %add3A_122 = arith.constant 32 : i32
        %add3A_123 = arith.addi %mul3A_121, %add3A_122 : i32
        %get3A_124 = arith.index_cast %add3A_123 : i32 to index
        %get3A_125 = tpu.vector_load %arg7[%get3A_124] {strides = array<i32>} : memref<2000xi32, #tpu.memory_space<vmem>>, vector<16xi32>,
        %get3A_126 = vector.shape_cast %get3A_125 : vector<16xi32> to vector<16xi32>
        %ge3A_127 = vector.broadcast %mul3A_19 : i32 to vector<16xi32>
        %ge3A_128 = arith.cmpi sge, %get3A_126, %ge3A_127 : vector<16xi32>
        %add3A_129 = arith.constant 80000 : i32
        %add3A_130 = arith.addi %mul3A_19, %add3A_129 : i32
        %lt3A_131 = vector.broadcast %add3A_130 : i32 to vector<16xi32>
        %lt3A_132 = arith.cmpi slt, %get3A_126, %lt3A_131 : vector<16xi32>
        %and3A_133 = arith.andi %ge3A_128, %lt3A_132 : vector<16xi1>
        %and3A_134 = arith.constant 127 : i32
        %and3A_135 = vector.broadcast %and3A_134 : i32 to vector<16xi32>
        %and3A_136 = arith.andi %get3A_126, %and3A_135 : vector<16xi32>
        %add3A_137 = arith.constant 80000 : i32
        %add3A_138 = vector.broadcast %add3A_137 : i32 to vector<16xi32>
        %add3A_139 = arith.addi %add3A_138, %and3A_136 : vector<16xi32>
        %sub3A_140 = vector.broadcast %mul3A_19 : i32 to vector<16xi32>
        %sub3A_141 = arith.subi %get3A_126, %sub3A_140 : vector<16xi32>
        %select_n3A_142 = arith.select %and3A_133, %sub3A_141, %add3A_139 : vector<16xi1>, vector<16xi32>
        %swap3A_143 = arith.index_cast %scan3A_70 : i32 to index
        %swap3A_144 = arith.constant 32 : index
        %swap3A_145 = tpu.vector_load %arg8[%swap3A_143, %swap3A_144] {strides = array<i32>} : memref<25x80xi32, #tpu.memory_space<vmem>>, vector<1x16xi32>,
        %swap3A_146 = vector.shape_cast %swap3A_145 : vector<1x16xi32> to vector<16xi32>
        %swap3A_147 = vector.shape_cast %select_n3A_142 : vector<16xi32> to vector<1x16xi32>
        tpu.vector_store %arg8[%swap3A_143, %swap3A_144], %swap3A_147 {strides = array<i32>} : memref<25x80xi32, #tpu.memory_space<vmem>>, vector<1x16xi32>,
        %mul3A_148 = arith.constant 80 : i32
        %mul3A_149 = arith.muli %scan3A_70, %mul3A_148 : i32
        %add3A_150 = arith.constant 48 : i32
        %add3A_151 = arith.addi %mul3A_149, %add3A_150 : i32
        %get3A_152 = arith.index_cast %add3A_151 : i32 to index
        %get3A_153 = tpu.vector_load %arg7[%get3A_152] {strides = array<i32>} : memref<2000xi32, #tpu.memory_space<vmem>>, vector<16xi32>,
        %get3A_154 = vector.shape_cast %get3A_153 : vector<16xi32> to vector<16xi32>
        %ge3A_155 = vector.broadcast %mul3A_19 : i32 to vector<16xi32>
        %ge3A_156 = arith.cmpi sge, %get3A_154, %ge3A_155 : vector<16xi32>
        %add3A_157 = arith.constant 80000 : i32
        %add3A_158 = arith.addi %mul3A_19, %add3A_157 : i32
        %lt3A_159 = vector.broadcast %add3A_158 : i32 to vector<16xi32>
        %lt3A_160 = arith.cmpi slt, %get3A_154, %lt3A_159 : vector<16xi32>
        %and3A_161 = arith.andi %ge3A_156, %lt3A_160 : vector<16xi1>
        %and3A_162 = arith.constant 127 : i32
        %and3A_163 = vector.broadcast %and3A_162 : i32 to vector<16xi32>
        %and3A_164 = arith.andi %get3A_154, %and3A_163 : vector<16xi32>
        %add3A_165 = arith.constant 80000 : i32
        %add3A_166 = vector.broadcast %add3A_165 : i32 to vector<16xi32>
        %add3A_167 = arith.addi %add3A_166, %and3A_164 : vector<16xi32>
        %sub3A_168 = vector.broadcast %mul3A_19 : i32 to vector<16xi32>
        %sub3A_169 = arith.subi %get3A_154, %sub3A_168 : vector<16xi32>
        %select_n3A_170 = arith.select %and3A_161, %sub3A_169, %add3A_167 : vector<16xi1>, vector<16xi32>
        %swap3A_171 = arith.index_cast %scan3A_70 : i32 to index
        %swap3A_172 = arith.constant 48 : index
        %swap3A_173 = tpu.vector_load %arg8[%swap3A_171, %swap3A_172] {strides = array<i32>} : memref<25x80xi32, #tpu.memory_space<vmem>>, vector<1x16xi32>,
        %swap3A_174 = vector.shape_cast %swap3A_173 : vector<1x16xi32> to vector<16xi32>
        %swap3A_175 = vector.shape_cast %select_n3A_170 : vector<16xi32> to vector<1x16xi32>
        tpu.vector_store %arg8[%swap3A_171, %swap3A_172], %swap3A_175 {strides = array<i32>} : memref<25x80xi32, #tpu.memory_space<vmem>>, vector<1x16xi32>,
        %mul3A_176 = arith.constant 80 : i32
        %mul3A_177 = arith.muli %scan3A_70, %mul3A_176 : i32
        %add3A_178 = arith.constant 64 : i32
        %add3A_179 = arith.addi %mul3A_177, %add3A_178 : i32
        %get3A_180 = arith.index_cast %add3A_179 : i32 to index
        %get3A_181 = tpu.vector_load %arg7[%get3A_180] {strides = array<i32>} : memref<2000xi32, #tpu.memory_space<vmem>>, vector<16xi32>,
        %get3A_182 = vector.shape_cast %get3A_181 : vector<16xi32> to vector<16xi32>
        %ge3A_183 = vector.broadcast %mul3A_19 : i32 to vector<16xi32>
        %ge3A_184 = arith.cmpi sge, %get3A_182, %ge3A_183 : vector<16xi32>
        %add3A_185 = arith.constant 80000 : i32
        %add3A_186 = arith.addi %mul3A_19, %add3A_185 : i32
        %lt3A_187 = vector.broadcast %add3A_186 : i32 to vector<16xi32>
        %lt3A_188 = arith.cmpi slt, %get3A_182, %lt3A_187 : vector<16xi32>
        %and3A_189 = arith.andi %ge3A_184, %lt3A_188 : vector<16xi1>
        %and3A_190 = arith.constant 127 : i32
        %and3A_191 = vector.broadcast %and3A_190 : i32 to vector<16xi32>
        %and3A_192 = arith.andi %get3A_182, %and3A_191 : vector<16xi32>
        %add3A_193 = arith.constant 80000 : i32
        %add3A_194 = vector.broadcast %add3A_193 : i32 to vector<16xi32>
        %add3A_195 = arith.addi %add3A_194, %and3A_192 : vector<16xi32>
        %sub3A_196 = vector.broadcast %mul3A_19 : i32 to vector<16xi32>
        %sub3A_197 = arith.subi %get3A_182, %sub3A_196 : vector<16xi32>
        %select_n3A_198 = arith.select %and3A_189, %sub3A_197, %add3A_195 : vector<16xi1>, vector<16xi32>
        %swap3A_199 = arith.index_cast %scan3A_70 : i32 to index
        %swap3A_200 = arith.constant 64 : index
        %swap3A_201 = tpu.vector_load %arg8[%swap3A_199, %swap3A_200] {strides = array<i32>} : memref<25x80xi32, #tpu.memory_space<vmem>>, vector<1x16xi32>,
        %swap3A_202 = vector.shape_cast %swap3A_201 : vector<1x16xi32> to vector<16xi32>
        %swap3A_203 = vector.shape_cast %select_n3A_198 : vector<16xi32> to vector<1x16xi32>
        tpu.vector_store %arg8[%swap3A_199, %swap3A_200], %swap3A_203 {strides = array<i32>} : memref<25x80xi32, #tpu.memory_space<vmem>>, vector<1x16xi32>,
      }
      %scan3A_57 = arith.constant 25 : i32
      %scan3A_58 = arith.constant 0 : i32
      %scan3A_59 = arith.constant 0 : i32
      %scan3A_60 = arith.constant 25 : i32
      %scan3A_61 = arith.addi %scan3A_59, %scan3A_60 : i32
      %scan3A_62 = arith.constant 1 : i32
      scf.for %scan3A_70 = %scan3A_59 to %scan3A_61 step %scan3A_62  : i32 {
        %mul3A_71 = arith.constant 80 : i32
        %mul3A_72 = arith.muli %scan3A_70, %mul3A_71 : i32
        %dma_start3A_73 = arith.constant 0 : i32
        %dma_start3A_74 = tpu.memref_slice %arg9[%mul3A_72, %dma_start3A_73] : memref<2000x16xf32, #tpu.memory_space<vmem>> -> memref<80x16xf32, #tpu.memory_space<vmem>>
        %dma_start3A_75 = arith.constant 0 : i32
        %dma_start3A_76 = tpu.memref_slice %arg8[%scan3A_70, %dma_start3A_75] : memref<25x80xi32, #tpu.memory_space<vmem>> -> memref<1x80xi32, #tpu.memory_space<vmem>>
        %dma_start3A_77 = tpu.memref_squeeze %dma_start3A_76 : memref<1x80xi32, #tpu.memory_space<vmem>> -> memref<80xi32, #tpu.memory_space<vmem>>
        %dma_start3A_78 = arith.constant 0 : i32
        %dma_start3A_79 = arith.constant 0 : i32
        %dma_start3A_80 = tpu.memref_slice %arg6[%dma_start3A_78, %dma_start3A_79] : memref<80128x16xf32, #tpu.memory_space<vmem_shared>> -> memref<80128x16xf32, #tpu.memory_space<vmem_shared>>
        tpu.enqueue_indirect_dma source(%dma_start3A_74 : memref<80x16xf32, #tpu.memory_space<vmem>>) target(%dma_start3A_80 : memref<80128x16xf32, #tpu.memory_space<vmem_shared>>) offsets(%dma_start3A_77 : memref<80xi32, #tpu.memory_space<vmem>>) semaphore(%arg10 : memref<!tpu.dma_semaphore, #tpu.memory_space<semaphore_mem>>) {add = true}
      }
      %scan3A_63 = arith.constant 25 : i32
      %scan3A_64 = arith.constant 0 : i32
      %scan3A_65 = arith.constant 0 : i32
      %scan3A_66 = arith.constant 25 : i32
      %scan3A_67 = arith.addi %scan3A_65, %scan3A_66 : i32
      %scan3A_68 = arith.constant 1 : i32
      scf.for %scan3A_70 = %scan3A_65 to %scan3A_67 step %scan3A_68  : i32 {
        %mul3A_71 = arith.constant 80 : i32
        %mul3A_72 = arith.muli %scan3A_70, %mul3A_71 : i32
        %dma_wait3A_73 = arith.constant 0 : i32
        %dma_wait3A_74 = tpu.memref_slice %arg9[%mul3A_72, %dma_wait3A_73] : memref<2000x16xf32, #tpu.memory_space<vmem>> -> memref<80x16xf32, #tpu.memory_space<vmem>>
        %dma_wait3A_75 = arith.constant 0 : i32
        %dma_wait3A_76 = tpu.memref_slice %arg8[%scan3A_70, %dma_wait3A_75] : memref<25x80xi32, #tpu.memory_space<vmem>> -> memref<1x80xi32, #tpu.memory_space<vmem>>
        %dma_wait3A_77 = tpu.memref_squeeze %dma_wait3A_76 : memref<1x80xi32, #tpu.memory_space<vmem>> -> memref<80xi32, #tpu.memory_space<vmem>>
        %dma_wait3A_78 = arith.constant 0 : i32
        %dma_wait3A_79 = arith.constant 0 : i32
        %dma_wait3A_80 = tpu.memref_slice %arg6[%dma_wait3A_78, %dma_wait3A_79] : memref<80128x16xf32, #tpu.memory_space<vmem_shared>> -> memref<80128x16xf32, #tpu.memory_space<vmem_shared>>
        tpu.wait_indirect_dma semaphore(%arg10 : memref<!tpu.dma_semaphore, #tpu.memory_space<semaphore_mem>>) src(%dma_wait3A_74 : memref<80x16xf32, #tpu.memory_space<vmem>>) dst(%dma_wait3A_80 : memref<80128x16xf32, #tpu.memory_space<vmem_shared>>)
      }
      %scan3A_69 = arith.constant 25 : i32
    }
    %scan3A_28 = arith.constant 10 : i32
    %barrier3A_29 = arith.constant 0 : index
    tpu.barrier barrier_id(%barrier3A_29)
    %mul3A_30 = arith.constant 5000 : i32
    %mul3A_31 = arith.muli %arg1, %mul3A_30 : i32
    %mul3A_32 = arith.constant 5000 : i32
    %mul3A_33 = arith.muli %arg1, %mul3A_32 : i32
    %add3A_34 = arith.addi %mul3A_19, %mul3A_33 : i32
    "tpu.region"() ({
      %run_scoped3A = tpu.sem_alloc : memref<!tpu.dma_semaphore, #tpu.memory_space<semaphore_mem>>
      %dma_start3A = arith.constant 0 : i32
      %dma_start3A_36 = tpu.memref_slice %arg5[%add3A_34, %dma_start3A] : memref<320000x16xf32, #tpu.memory_space<hbm>> -> memref<5000x16xf32, #tpu.memory_space<hbm>>
      %dma_start3A_37 = arith.constant 0 : i32
      %dma_start3A_38 = tpu.memref_slice %arg6[%mul3A_31, %dma_start3A_37] : memref<80128x16xf32, #tpu.memory_space<vmem_shared>> -> memref<5000x16xf32, #tpu.memory_space<vmem_shared>>
      tpu.enqueue_dma source(%dma_start3A_38 : memref<5000x16xf32, #tpu.memory_space<vmem_shared>>) target(%dma_start3A_36 : memref<5000x16xf32, #tpu.memory_space<hbm>>) target_semaphore(%run_scoped3A : memref<!tpu.dma_semaphore, #tpu.memory_space<semaphore_mem>>)
      %dma_wait3A = arith.constant 0 : i32
      %dma_wait3A_39 = tpu.memref_slice %arg5[%add3A_34, %dma_wait3A] : memref<320000x16xf32, #tpu.memory_space<hbm>> -> memref<5000x16xf32, #tpu.memory_space<hbm>>
      %dma_wait3A_40 = arith.constant 0 : i32
      %dma_wait3A_41 = tpu.memref_slice %arg6[%mul3A_31, %dma_wait3A_40] : memref<80128x16xf32, #tpu.memory_space<vmem_shared>> -> memref<5000x16xf32, #tpu.memory_space<vmem_shared>>
      tpu.wait_dma2 semaphore(%run_scoped3A : memref<!tpu.dma_semaphore, #tpu.memory_space<semaphore_mem>>) src(%dma_wait3A_41 : memref<5000x16xf32, #tpu.memory_space<vmem_shared>>) dst(%dma_wait3A_39 : memref<5000x16xf32, #tpu.memory_space<hbm>>)
      tpu.yield
    }) : () -> ()
    %barrier3A_35 = arith.constant 0 : index
    tpu.barrier barrier_id(%barrier3A_35)
    return
  }
}

module attributes {stable_mosaic.version = 14 : i64} {
  func.func @_nodeproj_body(%arg0: memref<10000x128xf32, #tpu.memory_space<vmem>>, %arg1: memref<128x96xf32, #tpu.memory_space<vmem>>, %arg2: memref<10000x32xf32, #tpu.memory_space<vmem>>, %arg3: memref<10000x32xf32, #tpu.memory_space<vmem>>, %arg4: memref<10000x32xf32, #tpu.memory_space<vmem>>) attributes {dimension_semantics = [], scalar_prefetch = 0 : i64, scratch_operands = 0 : i64, tpu.core_type = #tpu.core_type<tc>} {
    %get3A = arith.constant 0 : index
    %get3A_0 = arith.constant 0 : index
    %get3A_1 = vector.load %arg0[%get3A, %get3A_0] : memref<10000x128xf32, #tpu.memory_space<vmem>>, vector<10000x128xf32>
    %get3A_2 = arith.constant 0 : index
    %get3A_3 = arith.constant 0 : index
    %get3A_4 = vector.load %arg1[%get3A_2, %get3A_3] : memref<128x96xf32, #tpu.memory_space<vmem>>, vector<128x96xf32>
    %dot_general3A = arith.constant dense<0.000000e+00> : vector<10000x96xf32>
    %dot_general3A_5 = tpu.matmul %get3A_1, %get3A_4, %dot_general3A {dimension_numbers = #tpu.dot_dimension_numbers<[1], [0], [0], [1], [0, 0, 1, 1], [], []>, transpose_lhs_hint = false} : vector<10000x128xf32>, vector<128x96xf32>, vector<10000x96xf32> -> vector<10000x96xf32>
    %slice3A = vector.extract_strided_slice %dot_general3A_5 {offsets = [0, 0], sizes = [10000, 32], strides = [1, 1]} : vector<10000x96xf32> to vector<10000x32xf32>
    %swap3A = arith.constant 0 : index
    %swap3A_6 = arith.constant 0 : index
    %swap3A_7 = vector.load %arg2[%swap3A, %swap3A_6] : memref<10000x32xf32, #tpu.memory_space<vmem>>, vector<10000x32xf32>
    tpu.vector_store %arg2[%swap3A, %swap3A_6], %slice3A {strides = array<i32>} : memref<10000x32xf32, #tpu.memory_space<vmem>>, vector<10000x32xf32>,
    %slice3A_8 = vector.extract_strided_slice %dot_general3A_5 {offsets = [0, 32], sizes = [10000, 32], strides = [1, 1]} : vector<10000x96xf32> to vector<10000x32xf32>
    %swap3A_9 = arith.constant 0 : index
    %swap3A_10 = arith.constant 0 : index
    %swap3A_11 = vector.load %arg3[%swap3A_9, %swap3A_10] : memref<10000x32xf32, #tpu.memory_space<vmem>>, vector<10000x32xf32>
    tpu.vector_store %arg3[%swap3A_9, %swap3A_10], %slice3A_8 {strides = array<i32>} : memref<10000x32xf32, #tpu.memory_space<vmem>>, vector<10000x32xf32>,
    %slice3A_12 = vector.extract_strided_slice %dot_general3A_5 {offsets = [0, 64], sizes = [10000, 32], strides = [1, 1]} : vector<10000x96xf32> to vector<10000x32xf32>
    %swap3A_13 = arith.constant 0 : index
    %swap3A_14 = arith.constant 0 : index
    %swap3A_15 = vector.load %arg4[%swap3A_13, %swap3A_14] : memref<10000x32xf32, #tpu.memory_space<vmem>>, vector<10000x32xf32>
    tpu.vector_store %arg4[%swap3A_13, %swap3A_14], %slice3A_12 {strides = array<i32>} : memref<10000x32xf32, #tpu.memory_space<vmem>>, vector<10000x32xf32>,
    return
  }
}

module attributes {stable_mosaic.version = 14 : i64} {
  func.func @_edgeproj_body(%arg0: i32, %arg1: memref<8000x16xf32, #tpu.memory_space<vmem>>, %arg2: memref<16x32xf32, #tpu.memory_space<vmem>>, %arg3: memref<16x32xf32, #tpu.memory_space<vmem>>, %arg4: memref<1x32xf32, #tpu.memory_space<vmem>>, %arg5: memref<8000x32xf32, #tpu.memory_space<vmem>>, %arg6: memref<8000x32xf32, #tpu.memory_space<vmem>>) attributes {dimension_semantics = [#tpu.dimension_semantics<arbitrary>], iteration_bounds = array<i64: 40>, scalar_prefetch = 0 : i64, scratch_operands = 0 : i64, tpu.core_type = #tpu.core_type<tc>, window_params = [{transform_indices = @transform_0, window_bounds = array<i64: 8000, 16>}, {pipeline_mode = #tpu.pipeline_mode<synchronous>, transform_indices = @transform_1, window_bounds = array<i64: 16, 32>}, {pipeline_mode = #tpu.pipeline_mode<synchronous>, transform_indices = @transform_2, window_bounds = array<i64: 16, 32>}, {pipeline_mode = #tpu.pipeline_mode<synchronous>, transform_indices = @transform_3, window_bounds = array<i64: 1, 32>}, {transform_indices = @transform_4, window_bounds = array<i64: 8000, 32>}, {transform_indices = @transform_5, window_bounds = array<i64: 8000, 32>}]} {
    %get3A = arith.constant 0 : index
    %get3A_0 = arith.constant 0 : index
    %get3A_1 = vector.load %arg1[%get3A, %get3A_0] : memref<8000x16xf32, #tpu.memory_space<vmem>>, vector<8000x16xf32>
    %get3A_2 = arith.constant 0 : index
    %get3A_3 = arith.constant 0 : index
    %get3A_4 = vector.load %arg2[%get3A_2, %get3A_3] : memref<16x32xf32, #tpu.memory_space<vmem>>, vector<16x32xf32>
    %dot_general3A = arith.constant dense<0.000000e+00> : vector<8000x32xf32>
    %dot_general3A_5 = tpu.matmul %get3A_1, %get3A_4, %dot_general3A {dimension_numbers = #tpu.dot_dimension_numbers<[1], [0], [0], [1], [0, 0, 1, 1], [], []>, transpose_lhs_hint = false} : vector<8000x16xf32>, vector<16x32xf32>, vector<8000x32xf32> -> vector<8000x32xf32>
    %get3A_6 = arith.constant 0 : index
    %get3A_7 = arith.constant 0 : index
    %get3A_8 = vector.load %arg4[%get3A_6, %get3A_7] : memref<1x32xf32, #tpu.memory_space<vmem>>, vector<1x32xf32>
    %add3A = vector.broadcast %get3A_8 : vector<1x32xf32> to vector<8000x32xf32>
    %add3A_9 = arith.addf %dot_general3A_5, %add3A : vector<8000x32xf32>
    %swap3A = arith.constant 0 : index
    %swap3A_10 = arith.constant 0 : index
    %swap3A_11 = vector.load %arg5[%swap3A, %swap3A_10] : memref<8000x32xf32, #tpu.memory_space<vmem>>, vector<8000x32xf32>
    tpu.vector_store %arg5[%swap3A, %swap3A_10], %add3A_9 {strides = array<i32>} : memref<8000x32xf32, #tpu.memory_space<vmem>>, vector<8000x32xf32>,
    %get3A_12 = arith.constant 0 : index
    %get3A_13 = arith.constant 0 : index
    %get3A_14 = vector.load %arg3[%get3A_12, %get3A_13] : memref<16x32xf32, #tpu.memory_space<vmem>>, vector<16x32xf32>
    %dot_general3A_15 = arith.constant dense<0.000000e+00> : vector<8000x32xf32>
    %dot_general3A_16 = tpu.matmul %get3A_1, %get3A_14, %dot_general3A_15 {dimension_numbers = #tpu.dot_dimension_numbers<[1], [0], [0], [1], [0, 0, 1, 1], [], []>, transpose_lhs_hint = false} : vector<8000x16xf32>, vector<16x32xf32>, vector<8000x32xf32> -> vector<8000x32xf32>
    %swap3A_17 = arith.constant 0 : index
    %swap3A_18 = arith.constant 0 : index
    %swap3A_19 = vector.load %arg6[%swap3A_17, %swap3A_18] : memref<8000x32xf32, #tpu.memory_space<vmem>>, vector<8000x32xf32>
    tpu.vector_store %arg6[%swap3A_17, %swap3A_18], %dot_general3A_16 {strides = array<i32>} : memref<8000x32xf32, #tpu.memory_space<vmem>>, vector<8000x32xf32>,
    return
  }
  func.func @transform_0(%arg0: i32) -> (i32, i32) {
    %c0_i32 = arith.constant 0 : i32
    %c0_i32_0 = arith.constant 0 : i32
    return %arg0, %c0_i32 : i32, i32
  }
  func.func @transform_1(%arg0: i32) -> (i32, i32) {
    %c0_i32 = arith.constant 0 : i32
    %c0_i32_0 = arith.constant 0 : i32
    %c0_i32_1 = arith.constant 0 : i32
    return %c0_i32, %c0_i32_0 : i32, i32
  }
  func.func @transform_2(%arg0: i32) -> (i32, i32) {
    %c0_i32 = arith.constant 0 : i32
    %c0_i32_0 = arith.constant 0 : i32
    %c0_i32_1 = arith.constant 0 : i32
    return %c0_i32, %c0_i32_0 : i32, i32
  }
  func.func @transform_3(%arg0: i32) -> (i32, i32) {
    %c0_i32 = arith.constant 0 : i32
    %c0_i32_0 = arith.constant 0 : i32
    %c0_i32_1 = arith.constant 0 : i32
    return %c0_i32, %c0_i32_0 : i32, i32
  }
  func.func @transform_4(%arg0: i32) -> (i32, i32) {
    %c0_i32 = arith.constant 0 : i32
    %c0_i32_0 = arith.constant 0 : i32
    return %arg0, %c0_i32 : i32, i32
  }
  func.func @transform_5(%arg0: i32) -> (i32, i32) {
    %c0_i32 = arith.constant 0 : i32
    %c0_i32_0 = arith.constant 0 : i32
    return %arg0, %c0_i32 : i32, i32
  }
}

module attributes {stable_mosaic.version = 14 : i64} {
  func.func @_stats_body(%arg0: i32, %arg1: memref<8000x32xf32, #tpu.memory_space<vmem>>, %arg2: memref<2x32xf32, #tpu.memory_space<vmem>>, %arg3: memref<2x32xf32, #tpu.memory_space<vmem>>) attributes {dimension_semantics = [#tpu.dimension_semantics<arbitrary>], iteration_bounds = array<i64: 40>, scalar_prefetch = 0 : i64, scratch_operands = 1 : i64, tpu.core_type = #tpu.core_type<tc>, window_params = [{transform_indices = @transform_0, window_bounds = array<i64: 8000, 32>}, {pipeline_mode = #tpu.pipeline_mode<synchronous>, transform_indices = @transform_1, window_bounds = array<i64: 2, 32>}]} {
    %get3A = arith.constant 0 : index
    %get3A_0 = arith.constant 0 : index
    %get3A_1 = vector.load %arg1[%get3A, %get3A_0] : memref<8000x32xf32, #tpu.memory_space<vmem>>, vector<8000x32xf32>
    %eq3A = arith.constant 0 : i32
    %eq3A_2 = arith.cmpi eq, %arg0, %eq3A : i32
    %convert_element_type3A = arith.extui %eq3A_2 : i1 to i32
    %cond3A = arith.constant 0 : i32
    %cond3A_3 = arith.cmpi ne, %convert_element_type3A, %cond3A : i32
    scf.if %cond3A_3 {
      %broadcast_in_dim3A_18 = arith.constant 0.000000e+00 : f32
      %broadcast_in_dim3A_19 = vector.broadcast %broadcast_in_dim3A_18 : f32 to vector<2x32xf32>
      %swap3A_20 = arith.constant 0 : index
      %swap3A_21 = arith.constant 0 : index
      %swap3A_22 = vector.load %arg3[%swap3A_20, %swap3A_21] : memref<2x32xf32, #tpu.memory_space<vmem>>, vector<2x32xf32>
      tpu.vector_store %arg3[%swap3A_20, %swap3A_21], %broadcast_in_dim3A_19 {strides = array<i32>} : memref<2x32xf32, #tpu.memory_space<vmem>>, vector<2x32xf32>,
    } else {
    }
    %reduce_sum3A = arith.constant dense<0.000000e+00> : vector<32xf32>
    %reduce_sum3A_4 = vector.multi_reduction <add>, %get3A_1, %reduce_sum3A [0] : vector<8000x32xf32> to vector<32xf32>
    %broadcast_in_dim3A = vector.shape_cast %reduce_sum3A_4 : vector<32xf32> to vector<1x32xf32>
    %mul3A = arith.mulf %get3A_1, %get3A_1 : vector<8000x32xf32>
    %reduce_sum3A_5 = arith.constant dense<0.000000e+00> : vector<32xf32>
    %reduce_sum3A_6 = vector.multi_reduction <add>, %mul3A, %reduce_sum3A_5 [0] : vector<8000x32xf32> to vector<32xf32>
    %broadcast_in_dim3A_7 = vector.shape_cast %reduce_sum3A_6 : vector<32xf32> to vector<1x32xf32>
    %get3A_8 = arith.constant 0 : index
    %get3A_9 = arith.constant 0 : index
    %get3A_10 = vector.load %arg3[%get3A_8, %get3A_9] : memref<2x32xf32, #tpu.memory_space<vmem>>, vector<2x32xf32>
    %concatenate3A = tpu.concatenate %broadcast_in_dim3A, %broadcast_in_dim3A_7 in 0 : vector<1x32xf32>, vector<1x32xf32> -> vector<2x32xf32>
    %add3A = arith.addf %get3A_10, %concatenate3A : vector<2x32xf32>
    %swap3A = arith.constant 0 : index
    %swap3A_11 = arith.constant 0 : index
    %swap3A_12 = vector.load %arg3[%swap3A, %swap3A_11] : memref<2x32xf32, #tpu.memory_space<vmem>>, vector<2x32xf32>
    tpu.vector_store %arg3[%swap3A, %swap3A_11], %add3A {strides = array<i32>} : memref<2x32xf32, #tpu.memory_space<vmem>>, vector<2x32xf32>,
    %eq3A_13 = arith.constant 39 : i32
    %eq3A_14 = arith.cmpi eq, %arg0, %eq3A_13 : i32
    %convert_element_type3A_15 = arith.extui %eq3A_14 : i1 to i32
    %cond3A_16 = arith.constant 0 : i32
    %cond3A_17 = arith.cmpi ne, %convert_element_type3A_15, %cond3A_16 : i32
    scf.if %cond3A_17 {
      %get3A_18 = arith.constant 0 : index
      %get3A_19 = arith.constant 0 : index
      %get3A_20 = vector.load %arg3[%get3A_18, %get3A_19] : memref<2x32xf32, #tpu.memory_space<vmem>>, vector<2x32xf32>
      %swap3A_21 = arith.constant 0 : index
      %swap3A_22 = arith.constant 0 : index
      %swap3A_23 = vector.load %arg2[%swap3A_21, %swap3A_22] : memref<2x32xf32, #tpu.memory_space<vmem>>, vector<2x32xf32>
      tpu.vector_store %arg2[%swap3A_21, %swap3A_22], %get3A_20 {strides = array<i32>} : memref<2x32xf32, #tpu.memory_space<vmem>>, vector<2x32xf32>,
    } else {
    }
    return
  }
  func.func @transform_0(%arg0: i32) -> (i32, i32) {
    %c0_i32 = arith.constant 0 : i32
    %c0_i32_0 = arith.constant 0 : i32
    return %arg0, %c0_i32 : i32, i32
  }
  func.func @transform_1(%arg0: i32) -> (i32, i32) {
    %c0_i32 = arith.constant 0 : i32
    %c0_i32_0 = arith.constant 0 : i32
    %c0_i32_1 = arith.constant 0 : i32
    return %c0_i32, %c0_i32_0 : i32, i32
  }
}

module attributes {stable_mosaic.version = 14 : i64} {
  func.func @_msg_body(%arg0: i32, %arg1: memref<8000x32xf32, #tpu.memory_space<vmem>>, %arg2: memref<2x32xf32, #tpu.memory_space<vmem>>, %arg3: memref<1x32xf32, #tpu.memory_space<vmem>>, %arg4: memref<1x32xf32, #tpu.memory_space<vmem>>, %arg5: memref<8000x16xf32, #tpu.memory_space<vmem>>) attributes {dimension_semantics = [#tpu.dimension_semantics<arbitrary>], iteration_bounds = array<i64: 40>, scalar_prefetch = 0 : i64, scratch_operands = 0 : i64, tpu.core_type = #tpu.core_type<tc>, window_params = [{transform_indices = @transform_0, window_bounds = array<i64: 8000, 32>}, {pipeline_mode = #tpu.pipeline_mode<synchronous>, transform_indices = @transform_1, window_bounds = array<i64: 2, 32>}, {pipeline_mode = #tpu.pipeline_mode<synchronous>, transform_indices = @transform_2, window_bounds = array<i64: 1, 32>}, {pipeline_mode = #tpu.pipeline_mode<synchronous>, transform_indices = @transform_3, window_bounds = array<i64: 1, 32>}, {transform_indices = @transform_4, window_bounds = array<i64: 8000, 16>}]} {
    %get3A = arith.constant 0 : index
    %get3A_0 = arith.constant 0 : index
    %get3A_1 = vector.load %arg1[%get3A, %get3A_0] : memref<8000x32xf32, #tpu.memory_space<vmem>>, vector<8000x32xf32>
    %get3A_2 = arith.constant 0 : index
    %get3A_3 = arith.constant 0 : index
    %get3A_4 = vector.load %arg2[%get3A_2, %get3A_3] : memref<2x32xf32, #tpu.memory_space<vmem>>, vector<2x32xf32>
    %get3A_5 = arith.constant 0 : index
    %get3A_6 = arith.constant 0 : index
    %get3A_7 = vector.load %arg3[%get3A_5, %get3A_6] : memref<1x32xf32, #tpu.memory_space<vmem>>, vector<1x32xf32>
    %get3A_8 = arith.constant 0 : index
    %get3A_9 = arith.constant 0 : index
    %get3A_10 = vector.load %arg4[%get3A_8, %get3A_9] : memref<1x32xf32, #tpu.memory_space<vmem>>, vector<1x32xf32>
    %slice3A = vector.extract_strided_slice %get3A_4 {offsets = [0, 0], sizes = [1, 32], strides = [1, 1]} : vector<2x32xf32> to vector<1x32xf32>
    %div3A = arith.constant 3.200000e+05 : f32
    %div3A_11 = vector.broadcast %div3A : f32 to vector<1x32xf32>
    %div3A_12 = arith.divf %slice3A, %div3A_11 : vector<1x32xf32>
    %slice3A_13 = vector.extract_strided_slice %get3A_4 {offsets = [1, 0], sizes = [1, 32], strides = [1, 1]} : vector<2x32xf32> to vector<1x32xf32>
    %div3A_14 = arith.constant 3.200000e+05 : f32
    %div3A_15 = vector.broadcast %div3A_14 : f32 to vector<1x32xf32>
    %div3A_16 = arith.divf %slice3A_13, %div3A_15 : vector<1x32xf32>
    %mul3A = arith.mulf %div3A_12, %div3A_12 : vector<1x32xf32>
    %sub3A = arith.subf %div3A_16, %mul3A : vector<1x32xf32>
    %sub3A_17 = vector.broadcast %div3A_12 : vector<1x32xf32> to vector<8000x32xf32>
    %sub3A_18 = arith.subf %get3A_1, %sub3A_17 : vector<8000x32xf32>
    %mul3A_19 = vector.broadcast %get3A_7 : vector<1x32xf32> to vector<8000x32xf32>
    %mul3A_20 = arith.mulf %mul3A_19, %sub3A_18 : vector<8000x32xf32>
    %add3A = arith.constant 9.99999974E-6 : f32
    %add3A_21 = vector.broadcast %add3A : f32 to vector<1x32xf32>
    %add3A_22 = arith.addf %sub3A, %add3A_21 : vector<1x32xf32>
    %rsqrt3A = math.rsqrt %add3A_22 : vector<1x32xf32>
    %mul3A_23 = vector.broadcast %rsqrt3A : vector<1x32xf32> to vector<8000x32xf32>
    %mul3A_24 = arith.mulf %mul3A_20, %mul3A_23 : vector<8000x32xf32>
    %add3A_25 = vector.broadcast %get3A_10 : vector<1x32xf32> to vector<8000x32xf32>
    %add3A_26 = arith.addf %mul3A_24, %add3A_25 : vector<8000x32xf32>
    %slice3A_27 = vector.extract_strided_slice %add3A_26 {offsets = [0, 0], sizes = [8000, 16], strides = [1, 1]} : vector<8000x32xf32> to vector<8000x16xf32>
    %slice3A_28 = vector.extract_strided_slice %add3A_26 {offsets = [0, 16], sizes = [8000, 16], strides = [1, 1]} : vector<8000x32xf32> to vector<8000x16xf32>
    %logistic3A = arith.negf %slice3A_27 : vector<8000x16xf32>
    %logistic3A_29 = math.exp %logistic3A : vector<8000x16xf32>
    %logistic3A_30 = arith.constant 1.000000e+00 : f32
    %logistic3A_31 = vector.broadcast %logistic3A_30 : f32 to vector<8000x16xf32>
    %logistic3A_32 = arith.addf %logistic3A_31, %logistic3A_29 : vector<8000x16xf32>
    %logistic3A_33 = arith.divf %logistic3A_31, %logistic3A_32 : vector<8000x16xf32>
    %tanh3A = math.tanh %slice3A_28 : vector<8000x16xf32>
    %mul3A_34 = arith.mulf %logistic3A_33, %tanh3A : vector<8000x16xf32>
    %swap3A = arith.constant 0 : index
    %swap3A_35 = arith.constant 0 : index
    %swap3A_36 = vector.load %arg5[%swap3A, %swap3A_35] : memref<8000x16xf32, #tpu.memory_space<vmem>>, vector<8000x16xf32>
    tpu.vector_store %arg5[%swap3A, %swap3A_35], %mul3A_34 {strides = array<i32>} : memref<8000x16xf32, #tpu.memory_space<vmem>>, vector<8000x16xf32>,
    return
  }
  func.func @transform_0(%arg0: i32) -> (i32, i32) {
    %c0_i32 = arith.constant 0 : i32
    %c0_i32_0 = arith.constant 0 : i32
    return %arg0, %c0_i32 : i32, i32
  }
  func.func @transform_1(%arg0: i32) -> (i32, i32) {
    %c0_i32 = arith.constant 0 : i32
    %c0_i32_0 = arith.constant 0 : i32
    %c0_i32_1 = arith.constant 0 : i32
    return %c0_i32, %c0_i32_0 : i32, i32
  }
  func.func @transform_2(%arg0: i32) -> (i32, i32) {
    %c0_i32 = arith.constant 0 : i32
    %c0_i32_0 = arith.constant 0 : i32
    %c0_i32_1 = arith.constant 0 : i32
    return %c0_i32, %c0_i32_0 : i32, i32
  }
  func.func @transform_3(%arg0: i32) -> (i32, i32) {
    %c0_i32 = arith.constant 0 : i32
    %c0_i32_0 = arith.constant 0 : i32
    %c0_i32_1 = arith.constant 0 : i32
    return %c0_i32, %c0_i32_0 : i32, i32
  }
  func.func @transform_4(%arg0: i32) -> (i32, i32) {
    %c0_i32 = arith.constant 0 : i32
    %c0_i32_0 = arith.constant 0 : i32
    return %arg0, %c0_i32 : i32, i32
  }
}

module attributes {stable_mosaic.version = 14 : i64} {
  func.func @_x2_body(%arg0: i32, %arg1: memref<8000x128xf32, #tpu.memory_space<vmem>>, %arg2: memref<128x32xf32, #tpu.memory_space<vmem>>, %arg3: memref<1x32xf32, #tpu.memory_space<vmem>>, %arg4: memref<8000x32xf32, #tpu.memory_space<vmem>>, %arg5: memref<2x32xf32, #tpu.memory_space<vmem>>, %arg6: memref<2x32xf32, #tpu.memory_space<vmem>>) attributes {dimension_semantics = [#tpu.dimension_semantics<arbitrary>], iteration_bounds = array<i64: 40>, scalar_prefetch = 0 : i64, scratch_operands = 1 : i64, tpu.core_type = #tpu.core_type<tc>, window_params = [{transform_indices = @transform_0, window_bounds = array<i64: 8000, 128>}, {pipeline_mode = #tpu.pipeline_mode<synchronous>, transform_indices = @transform_1, window_bounds = array<i64: 128, 32>}, {pipeline_mode = #tpu.pipeline_mode<synchronous>, transform_indices = @transform_2, window_bounds = array<i64: 1, 32>}, {transform_indices = @transform_3, window_bounds = array<i64: 8000, 32>}, {pipeline_mode = #tpu.pipeline_mode<synchronous>, transform_indices = @transform_4, window_bounds = array<i64: 2, 32>}]} {
    %get3A = arith.constant 0 : index
    %get3A_0 = arith.constant 0 : index
    %get3A_1 = vector.load %arg1[%get3A, %get3A_0] : memref<8000x128xf32, #tpu.memory_space<vmem>>, vector<8000x128xf32>
    %get3A_2 = arith.constant 0 : index
    %get3A_3 = arith.constant 0 : index
    %get3A_4 = vector.load %arg2[%get3A_2, %get3A_3] : memref<128x32xf32, #tpu.memory_space<vmem>>, vector<128x32xf32>
    %dot_general3A = arith.constant dense<0.000000e+00> : vector<8000x32xf32>
    %dot_general3A_5 = tpu.matmul %get3A_1, %get3A_4, %dot_general3A {dimension_numbers = #tpu.dot_dimension_numbers<[1], [0], [0], [1], [0, 0, 1, 1], [], []>, transpose_lhs_hint = false} : vector<8000x128xf32>, vector<128x32xf32>, vector<8000x32xf32> -> vector<8000x32xf32>
    %get3A_6 = arith.constant 0 : index
    %get3A_7 = arith.constant 0 : index
    %get3A_8 = vector.load %arg3[%get3A_6, %get3A_7] : memref<1x32xf32, #tpu.memory_space<vmem>>, vector<1x32xf32>
    %add3A = vector.broadcast %get3A_8 : vector<1x32xf32> to vector<8000x32xf32>
    %add3A_9 = arith.addf %dot_general3A_5, %add3A : vector<8000x32xf32>
    %swap3A = arith.constant 0 : index
    %swap3A_10 = arith.constant 0 : index
    %swap3A_11 = vector.load %arg4[%swap3A, %swap3A_10] : memref<8000x32xf32, #tpu.memory_space<vmem>>, vector<8000x32xf32>
    tpu.vector_store %arg4[%swap3A, %swap3A_10], %add3A_9 {strides = array<i32>} : memref<8000x32xf32, #tpu.memory_space<vmem>>, vector<8000x32xf32>,
    %eq3A = arith.constant 0 : i32
    %eq3A_12 = arith.cmpi eq, %arg0, %eq3A : i32
    %convert_element_type3A = arith.extui %eq3A_12 : i1 to i32
    %cond3A = arith.constant 0 : i32
    %cond3A_13 = arith.cmpi ne, %convert_element_type3A, %cond3A : i32
    scf.if %cond3A_13 {
      %broadcast_in_dim3A_30 = arith.constant 0.000000e+00 : f32
      %broadcast_in_dim3A_31 = vector.broadcast %broadcast_in_dim3A_30 : f32 to vector<2x32xf32>
      %swap3A_32 = arith.constant 0 : index
      %swap3A_33 = arith.constant 0 : index
      %swap3A_34 = vector.load %arg6[%swap3A_32, %swap3A_33] : memref<2x32xf32, #tpu.memory_space<vmem>>, vector<2x32xf32>
      tpu.vector_store %arg6[%swap3A_32, %swap3A_33], %broadcast_in_dim3A_31 {strides = array<i32>} : memref<2x32xf32, #tpu.memory_space<vmem>>, vector<2x32xf32>,
    } else {
    }
    %reduce_sum3A = arith.constant dense<0.000000e+00> : vector<32xf32>
    %reduce_sum3A_14 = vector.multi_reduction <add>, %add3A_9, %reduce_sum3A [0] : vector<8000x32xf32> to vector<32xf32>
    %broadcast_in_dim3A = vector.shape_cast %reduce_sum3A_14 : vector<32xf32> to vector<1x32xf32>
    %mul3A = arith.mulf %add3A_9, %add3A_9 : vector<8000x32xf32>
    %reduce_sum3A_15 = arith.constant dense<0.000000e+00> : vector<32xf32>
    %reduce_sum3A_16 = vector.multi_reduction <add>, %mul3A, %reduce_sum3A_15 [0] : vector<8000x32xf32> to vector<32xf32>
    %broadcast_in_dim3A_17 = vector.shape_cast %reduce_sum3A_16 : vector<32xf32> to vector<1x32xf32>
    %get3A_18 = arith.constant 0 : index
    %get3A_19 = arith.constant 0 : index
    %get3A_20 = vector.load %arg6[%get3A_18, %get3A_19] : memref<2x32xf32, #tpu.memory_space<vmem>>, vector<2x32xf32>
    %concatenate3A = tpu.concatenate %broadcast_in_dim3A, %broadcast_in_dim3A_17 in 0 : vector<1x32xf32>, vector<1x32xf32> -> vector<2x32xf32>
    %add3A_21 = arith.addf %get3A_20, %concatenate3A : vector<2x32xf32>
    %swap3A_22 = arith.constant 0 : index
    %swap3A_23 = arith.constant 0 : index
    %swap3A_24 = vector.load %arg6[%swap3A_22, %swap3A_23] : memref<2x32xf32, #tpu.memory_space<vmem>>, vector<2x32xf32>
    tpu.vector_store %arg6[%swap3A_22, %swap3A_23], %add3A_21 {strides = array<i32>} : memref<2x32xf32, #tpu.memory_space<vmem>>, vector<2x32xf32>,
    %eq3A_25 = arith.constant 39 : i32
    %eq3A_26 = arith.cmpi eq, %arg0, %eq3A_25 : i32
    %convert_element_type3A_27 = arith.extui %eq3A_26 : i1 to i32
    %cond3A_28 = arith.constant 0 : i32
    %cond3A_29 = arith.cmpi ne, %convert_element_type3A_27, %cond3A_28 : i32
    scf.if %cond3A_29 {
      %get3A_30 = arith.constant 0 : index
      %get3A_31 = arith.constant 0 : index
      %get3A_32 = vector.load %arg6[%get3A_30, %get3A_31] : memref<2x32xf32, #tpu.memory_space<vmem>>, vector<2x32xf32>
      %swap3A_33 = arith.constant 0 : index
      %swap3A_34 = arith.constant 0 : index
      %swap3A_35 = vector.load %arg5[%swap3A_33, %swap3A_34] : memref<2x32xf32, #tpu.memory_space<vmem>>, vector<2x32xf32>
      tpu.vector_store %arg5[%swap3A_33, %swap3A_34], %get3A_32 {strides = array<i32>} : memref<2x32xf32, #tpu.memory_space<vmem>>, vector<2x32xf32>,
    } else {
    }
    return
  }
  func.func @transform_0(%arg0: i32) -> (i32, i32) {
    %c0_i32 = arith.constant 0 : i32
    %c0_i32_0 = arith.constant 0 : i32
    return %arg0, %c0_i32 : i32, i32
  }
  func.func @transform_1(%arg0: i32) -> (i32, i32) {
    %c0_i32 = arith.constant 0 : i32
    %c0_i32_0 = arith.constant 0 : i32
    %c0_i32_1 = arith.constant 0 : i32
    return %c0_i32, %c0_i32_0 : i32, i32
  }
  func.func @transform_2(%arg0: i32) -> (i32, i32) {
    %c0_i32 = arith.constant 0 : i32
    %c0_i32_0 = arith.constant 0 : i32
    %c0_i32_1 = arith.constant 0 : i32
    return %c0_i32, %c0_i32_0 : i32, i32
  }
  func.func @transform_3(%arg0: i32) -> (i32, i32) {
    %c0_i32 = arith.constant 0 : i32
    %c0_i32_0 = arith.constant 0 : i32
    return %arg0, %c0_i32 : i32, i32
  }
  func.func @transform_4(%arg0: i32) -> (i32, i32) {
    %c0_i32 = arith.constant 0 : i32
    %c0_i32_0 = arith.constant 0 : i32
    %c0_i32_1 = arith.constant 0 : i32
    return %c0_i32, %c0_i32_0 : i32, i32
  }
}

module attributes {stable_mosaic.version = 14 : i64} {
  func.func @_act2_body(%arg0: i32, %arg1: memref<8000x32xf32, #tpu.memory_space<vmem>>, %arg2: memref<2x32xf32, #tpu.memory_space<vmem>>, %arg3: memref<1x32xf32, #tpu.memory_space<vmem>>, %arg4: memref<1x32xf32, #tpu.memory_space<vmem>>, %arg5: memref<8000x16xf32, #tpu.memory_space<vmem>>, %arg6: memref<2x16xf32, #tpu.memory_space<vmem>>, %arg7: memref<2x16xf32, #tpu.memory_space<vmem>>) attributes {dimension_semantics = [#tpu.dimension_semantics<arbitrary>], iteration_bounds = array<i64: 40>, scalar_prefetch = 0 : i64, scratch_operands = 1 : i64, tpu.core_type = #tpu.core_type<tc>, window_params = [{transform_indices = @transform_0, window_bounds = array<i64: 8000, 32>}, {pipeline_mode = #tpu.pipeline_mode<synchronous>, transform_indices = @transform_1, window_bounds = array<i64: 2, 32>}, {pipeline_mode = #tpu.pipeline_mode<synchronous>, transform_indices = @transform_2, window_bounds = array<i64: 1, 32>}, {pipeline_mode = #tpu.pipeline_mode<synchronous>, transform_indices = @transform_3, window_bounds = array<i64: 1, 32>}, {transform_indices = @transform_4, window_bounds = array<i64: 8000, 16>}, {pipeline_mode = #tpu.pipeline_mode<synchronous>, transform_indices = @transform_5, window_bounds = array<i64: 2, 16>}]} {
    %get3A = arith.constant 0 : index
    %get3A_0 = arith.constant 0 : index
    %get3A_1 = vector.load %arg1[%get3A, %get3A_0] : memref<8000x32xf32, #tpu.memory_space<vmem>>, vector<8000x32xf32>
    %get3A_2 = arith.constant 0 : index
    %get3A_3 = arith.constant 0 : index
    %get3A_4 = vector.load %arg2[%get3A_2, %get3A_3] : memref<2x32xf32, #tpu.memory_space<vmem>>, vector<2x32xf32>
    %get3A_5 = arith.constant 0 : index
    %get3A_6 = arith.constant 0 : index
    %get3A_7 = vector.load %arg3[%get3A_5, %get3A_6] : memref<1x32xf32, #tpu.memory_space<vmem>>, vector<1x32xf32>
    %get3A_8 = arith.constant 0 : index
    %get3A_9 = arith.constant 0 : index
    %get3A_10 = vector.load %arg4[%get3A_8, %get3A_9] : memref<1x32xf32, #tpu.memory_space<vmem>>, vector<1x32xf32>
    %slice3A = vector.extract_strided_slice %get3A_4 {offsets = [0, 0], sizes = [1, 32], strides = [1, 1]} : vector<2x32xf32> to vector<1x32xf32>
    %div3A = arith.constant 3.200000e+05 : f32
    %div3A_11 = vector.broadcast %div3A : f32 to vector<1x32xf32>
    %div3A_12 = arith.divf %slice3A, %div3A_11 : vector<1x32xf32>
    %slice3A_13 = vector.extract_strided_slice %get3A_4 {offsets = [1, 0], sizes = [1, 32], strides = [1, 1]} : vector<2x32xf32> to vector<1x32xf32>
    %div3A_14 = arith.constant 3.200000e+05 : f32
    %div3A_15 = vector.broadcast %div3A_14 : f32 to vector<1x32xf32>
    %div3A_16 = arith.divf %slice3A_13, %div3A_15 : vector<1x32xf32>
    %mul3A = arith.mulf %div3A_12, %div3A_12 : vector<1x32xf32>
    %sub3A = arith.subf %div3A_16, %mul3A : vector<1x32xf32>
    %sub3A_17 = vector.broadcast %div3A_12 : vector<1x32xf32> to vector<8000x32xf32>
    %sub3A_18 = arith.subf %get3A_1, %sub3A_17 : vector<8000x32xf32>
    %mul3A_19 = vector.broadcast %get3A_7 : vector<1x32xf32> to vector<8000x32xf32>
    %mul3A_20 = arith.mulf %mul3A_19, %sub3A_18 : vector<8000x32xf32>
    %add3A = arith.constant 9.99999974E-6 : f32
    %add3A_21 = vector.broadcast %add3A : f32 to vector<1x32xf32>
    %add3A_22 = arith.addf %sub3A, %add3A_21 : vector<1x32xf32>
    %rsqrt3A = math.rsqrt %add3A_22 : vector<1x32xf32>
    %mul3A_23 = vector.broadcast %rsqrt3A : vector<1x32xf32> to vector<8000x32xf32>
    %mul3A_24 = arith.mulf %mul3A_20, %mul3A_23 : vector<8000x32xf32>
    %add3A_25 = vector.broadcast %get3A_10 : vector<1x32xf32> to vector<8000x32xf32>
    %add3A_26 = arith.addf %mul3A_24, %add3A_25 : vector<8000x32xf32>
    %slice3A_27 = vector.extract_strided_slice %add3A_26 {offsets = [0, 0], sizes = [8000, 16], strides = [1, 1]} : vector<8000x32xf32> to vector<8000x16xf32>
    %slice3A_28 = vector.extract_strided_slice %add3A_26 {offsets = [0, 16], sizes = [8000, 16], strides = [1, 1]} : vector<8000x32xf32> to vector<8000x16xf32>
    %logistic3A = arith.negf %slice3A_27 : vector<8000x16xf32>
    %logistic3A_29 = math.exp %logistic3A : vector<8000x16xf32>
    %logistic3A_30 = arith.constant 1.000000e+00 : f32
    %logistic3A_31 = vector.broadcast %logistic3A_30 : f32 to vector<8000x16xf32>
    %logistic3A_32 = arith.addf %logistic3A_31, %logistic3A_29 : vector<8000x16xf32>
    %logistic3A_33 = arith.divf %logistic3A_31, %logistic3A_32 : vector<8000x16xf32>
    %tanh3A = math.tanh %slice3A_28 : vector<8000x16xf32>
    %mul3A_34 = arith.mulf %logistic3A_33, %tanh3A : vector<8000x16xf32>
    %swap3A = arith.constant 0 : index
    %swap3A_35 = arith.constant 0 : index
    %swap3A_36 = vector.load %arg5[%swap3A, %swap3A_35] : memref<8000x16xf32, #tpu.memory_space<vmem>>, vector<8000x16xf32>
    tpu.vector_store %arg5[%swap3A, %swap3A_35], %mul3A_34 {strides = array<i32>} : memref<8000x16xf32, #tpu.memory_space<vmem>>, vector<8000x16xf32>,
    %eq3A = arith.constant 0 : i32
    %eq3A_37 = arith.cmpi eq, %arg0, %eq3A : i32
    %convert_element_type3A = arith.extui %eq3A_37 : i1 to i32
    %cond3A = arith.constant 0 : i32
    %cond3A_38 = arith.cmpi ne, %convert_element_type3A, %cond3A : i32
    scf.if %cond3A_38 {
      %broadcast_in_dim3A_56 = arith.constant 0.000000e+00 : f32
      %broadcast_in_dim3A_57 = vector.broadcast %broadcast_in_dim3A_56 : f32 to vector<2x16xf32>
      %swap3A_58 = arith.constant 0 : index
      %swap3A_59 = arith.constant 0 : index
      %swap3A_60 = vector.load %arg7[%swap3A_58, %swap3A_59] : memref<2x16xf32, #tpu.memory_space<vmem>>, vector<2x16xf32>
      tpu.vector_store %arg7[%swap3A_58, %swap3A_59], %broadcast_in_dim3A_57 {strides = array<i32>} : memref<2x16xf32, #tpu.memory_space<vmem>>, vector<2x16xf32>,
    } else {
    }
    %reduce_sum3A = arith.constant dense<0.000000e+00> : vector<16xf32>
    %reduce_sum3A_39 = vector.multi_reduction <add>, %mul3A_34, %reduce_sum3A [0] : vector<8000x16xf32> to vector<16xf32>
    %broadcast_in_dim3A = vector.shape_cast %reduce_sum3A_39 : vector<16xf32> to vector<1x16xf32>
    %mul3A_40 = arith.mulf %mul3A_34, %mul3A_34 : vector<8000x16xf32>
    %reduce_sum3A_41 = arith.constant dense<0.000000e+00> : vector<16xf32>
    %reduce_sum3A_42 = vector.multi_reduction <add>, %mul3A_40, %reduce_sum3A_41 [0] : vector<8000x16xf32> to vector<16xf32>
    %broadcast_in_dim3A_43 = vector.shape_cast %reduce_sum3A_42 : vector<16xf32> to vector<1x16xf32>
    %get3A_44 = arith.constant 0 : index
    %get3A_45 = arith.constant 0 : index
    %get3A_46 = vector.load %arg7[%get3A_44, %get3A_45] : memref<2x16xf32, #tpu.memory_space<vmem>>, vector<2x16xf32>
    %concatenate3A = tpu.concatenate %broadcast_in_dim3A, %broadcast_in_dim3A_43 in 0 : vector<1x16xf32>, vector<1x16xf32> -> vector<2x16xf32>
    %add3A_47 = arith.addf %get3A_46, %concatenate3A : vector<2x16xf32>
    %swap3A_48 = arith.constant 0 : index
    %swap3A_49 = arith.constant 0 : index
    %swap3A_50 = vector.load %arg7[%swap3A_48, %swap3A_49] : memref<2x16xf32, #tpu.memory_space<vmem>>, vector<2x16xf32>
    tpu.vector_store %arg7[%swap3A_48, %swap3A_49], %add3A_47 {strides = array<i32>} : memref<2x16xf32, #tpu.memory_space<vmem>>, vector<2x16xf32>,
    %eq3A_51 = arith.constant 39 : i32
    %eq3A_52 = arith.cmpi eq, %arg0, %eq3A_51 : i32
    %convert_element_type3A_53 = arith.extui %eq3A_52 : i1 to i32
    %cond3A_54 = arith.constant 0 : i32
    %cond3A_55 = arith.cmpi ne, %convert_element_type3A_53, %cond3A_54 : i32
    scf.if %cond3A_55 {
      %get3A_56 = arith.constant 0 : index
      %get3A_57 = arith.constant 0 : index
      %get3A_58 = vector.load %arg7[%get3A_56, %get3A_57] : memref<2x16xf32, #tpu.memory_space<vmem>>, vector<2x16xf32>
      %swap3A_59 = arith.constant 0 : index
      %swap3A_60 = arith.constant 0 : index
      %swap3A_61 = vector.load %arg6[%swap3A_59, %swap3A_60] : memref<2x16xf32, #tpu.memory_space<vmem>>, vector<2x16xf32>
      tpu.vector_store %arg6[%swap3A_59, %swap3A_60], %get3A_58 {strides = array<i32>} : memref<2x16xf32, #tpu.memory_space<vmem>>, vector<2x16xf32>,
    } else {
    }
    return
  }
  func.func @transform_0(%arg0: i32) -> (i32, i32) {
    %c0_i32 = arith.constant 0 : i32
    %c0_i32_0 = arith.constant 0 : i32
    return %arg0, %c0_i32 : i32, i32
  }
  func.func @transform_1(%arg0: i32) -> (i32, i32) {
    %c0_i32 = arith.constant 0 : i32
    %c0_i32_0 = arith.constant 0 : i32
    %c0_i32_1 = arith.constant 0 : i32
    return %c0_i32, %c0_i32_0 : i32, i32
  }
  func.func @transform_2(%arg0: i32) -> (i32, i32) {
    %c0_i32 = arith.constant 0 : i32
    %c0_i32_0 = arith.constant 0 : i32
    %c0_i32_1 = arith.constant 0 : i32
    return %c0_i32, %c0_i32_0 : i32, i32
  }
  func.func @transform_3(%arg0: i32) -> (i32, i32) {
    %c0_i32 = arith.constant 0 : i32
    %c0_i32_0 = arith.constant 0 : i32
    %c0_i32_1 = arith.constant 0 : i32
    return %c0_i32, %c0_i32_0 : i32, i32
  }
  func.func @transform_4(%arg0: i32) -> (i32, i32) {
    %c0_i32 = arith.constant 0 : i32
    %c0_i32_0 = arith.constant 0 : i32
    return %arg0, %c0_i32 : i32, i32
  }
  func.func @transform_5(%arg0: i32) -> (i32, i32) {
    %c0_i32 = arith.constant 0 : i32
    %c0_i32_0 = arith.constant 0 : i32
    %c0_i32_1 = arith.constant 0 : i32
    return %c0_i32, %c0_i32_0 : i32, i32
  }
}

module attributes {stable_mosaic.version = 14 : i64} {
  func.func @_stats_body(%arg0: i32, %arg1: memref<8000x16xf32, #tpu.memory_space<vmem>>, %arg2: memref<2x16xf32, #tpu.memory_space<vmem>>, %arg3: memref<2x16xf32, #tpu.memory_space<vmem>>) attributes {dimension_semantics = [#tpu.dimension_semantics<arbitrary>], iteration_bounds = array<i64: 40>, scalar_prefetch = 0 : i64, scratch_operands = 1 : i64, tpu.core_type = #tpu.core_type<tc>, window_params = [{transform_indices = @transform_0, window_bounds = array<i64: 8000, 16>}, {pipeline_mode = #tpu.pipeline_mode<synchronous>, transform_indices = @transform_1, window_bounds = array<i64: 2, 16>}]} {
    %get3A = arith.constant 0 : index
    %get3A_0 = arith.constant 0 : index
    %get3A_1 = vector.load %arg1[%get3A, %get3A_0] : memref<8000x16xf32, #tpu.memory_space<vmem>>, vector<8000x16xf32>
    %eq3A = arith.constant 0 : i32
    %eq3A_2 = arith.cmpi eq, %arg0, %eq3A : i32
    %convert_element_type3A = arith.extui %eq3A_2 : i1 to i32
    %cond3A = arith.constant 0 : i32
    %cond3A_3 = arith.cmpi ne, %convert_element_type3A, %cond3A : i32
    scf.if %cond3A_3 {
      %broadcast_in_dim3A_18 = arith.constant 0.000000e+00 : f32
      %broadcast_in_dim3A_19 = vector.broadcast %broadcast_in_dim3A_18 : f32 to vector<2x16xf32>
      %swap3A_20 = arith.constant 0 : index
      %swap3A_21 = arith.constant 0 : index
      %swap3A_22 = vector.load %arg3[%swap3A_20, %swap3A_21] : memref<2x16xf32, #tpu.memory_space<vmem>>, vector<2x16xf32>
      tpu.vector_store %arg3[%swap3A_20, %swap3A_21], %broadcast_in_dim3A_19 {strides = array<i32>} : memref<2x16xf32, #tpu.memory_space<vmem>>, vector<2x16xf32>,
    } else {
    }
    %reduce_sum3A = arith.constant dense<0.000000e+00> : vector<16xf32>
    %reduce_sum3A_4 = vector.multi_reduction <add>, %get3A_1, %reduce_sum3A [0] : vector<8000x16xf32> to vector<16xf32>
    %broadcast_in_dim3A = vector.shape_cast %reduce_sum3A_4 : vector<16xf32> to vector<1x16xf32>
    %mul3A = arith.mulf %get3A_1, %get3A_1 : vector<8000x16xf32>
    %reduce_sum3A_5 = arith.constant dense<0.000000e+00> : vector<16xf32>
    %reduce_sum3A_6 = vector.multi_reduction <add>, %mul3A, %reduce_sum3A_5 [0] : vector<8000x16xf32> to vector<16xf32>
    %broadcast_in_dim3A_7 = vector.shape_cast %reduce_sum3A_6 : vector<16xf32> to vector<1x16xf32>
    %get3A_8 = arith.constant 0 : index
    %get3A_9 = arith.constant 0 : index
    %get3A_10 = vector.load %arg3[%get3A_8, %get3A_9] : memref<2x16xf32, #tpu.memory_space<vmem>>, vector<2x16xf32>
    %concatenate3A = tpu.concatenate %broadcast_in_dim3A, %broadcast_in_dim3A_7 in 0 : vector<1x16xf32>, vector<1x16xf32> -> vector<2x16xf32>
    %add3A = arith.addf %get3A_10, %concatenate3A : vector<2x16xf32>
    %swap3A = arith.constant 0 : index
    %swap3A_11 = arith.constant 0 : index
    %swap3A_12 = vector.load %arg3[%swap3A, %swap3A_11] : memref<2x16xf32, #tpu.memory_space<vmem>>, vector<2x16xf32>
    tpu.vector_store %arg3[%swap3A, %swap3A_11], %add3A {strides = array<i32>} : memref<2x16xf32, #tpu.memory_space<vmem>>, vector<2x16xf32>,
    %eq3A_13 = arith.constant 39 : i32
    %eq3A_14 = arith.cmpi eq, %arg0, %eq3A_13 : i32
    %convert_element_type3A_15 = arith.extui %eq3A_14 : i1 to i32
    %cond3A_16 = arith.constant 0 : i32
    %cond3A_17 = arith.cmpi ne, %convert_element_type3A_15, %cond3A_16 : i32
    scf.if %cond3A_17 {
      %get3A_18 = arith.constant 0 : index
      %get3A_19 = arith.constant 0 : index
      %get3A_20 = vector.load %arg3[%get3A_18, %get3A_19] : memref<2x16xf32, #tpu.memory_space<vmem>>, vector<2x16xf32>
      %swap3A_21 = arith.constant 0 : index
      %swap3A_22 = arith.constant 0 : index
      %swap3A_23 = vector.load %arg2[%swap3A_21, %swap3A_22] : memref<2x16xf32, #tpu.memory_space<vmem>>, vector<2x16xf32>
      tpu.vector_store %arg2[%swap3A_21, %swap3A_22], %get3A_20 {strides = array<i32>} : memref<2x16xf32, #tpu.memory_space<vmem>>, vector<2x16xf32>,
    } else {
    }
    return
  }
  func.func @transform_0(%arg0: i32) -> (i32, i32) {
    %c0_i32 = arith.constant 0 : i32
    %c0_i32_0 = arith.constant 0 : i32
    return %arg0, %c0_i32 : i32, i32
  }
  func.func @transform_1(%arg0: i32) -> (i32, i32) {
    %c0_i32 = arith.constant 0 : i32
    %c0_i32_0 = arith.constant 0 : i32
    %c0_i32_1 = arith.constant 0 : i32
    return %c0_i32, %c0_i32_0 : i32, i32
  }
}

module attributes {stable_mosaic.version = 14 : i64} {
  func.func @_final_body(%arg0: i32, %arg1: memref<8000x16xf32, #tpu.memory_space<vmem>>, %arg2: memref<8000x16xf32, #tpu.memory_space<vmem>>, %arg3: memref<2x16xf32, #tpu.memory_space<vmem>>, %arg4: memref<8000x16xf32, #tpu.memory_space<vmem>>, %arg5: memref<2x16xf32, #tpu.memory_space<vmem>>, %arg6: memref<1x16xf32, #tpu.memory_space<vmem>>, %arg7: memref<1x16xf32, #tpu.memory_space<vmem>>, %arg8: memref<1x16xf32, #tpu.memory_space<vmem>>, %arg9: memref<1x16xf32, #tpu.memory_space<vmem>>, %arg10: memref<8000x16xf32, #tpu.memory_space<vmem>>) attributes {dimension_semantics = [#tpu.dimension_semantics<arbitrary>], iteration_bounds = array<i64: 40>, scalar_prefetch = 0 : i64, scratch_operands = 0 : i64, tpu.core_type = #tpu.core_type<tc>, window_params = [{transform_indices = @transform_0, window_bounds = array<i64: 8000, 16>}, {transform_indices = @transform_1, window_bounds = array<i64: 8000, 16>}, {pipeline_mode = #tpu.pipeline_mode<synchronous>, transform_indices = @transform_2, window_bounds = array<i64: 2, 16>}, {transform_indices = @transform_3, window_bounds = array<i64: 8000, 16>}, {pipeline_mode = #tpu.pipeline_mode<synchronous>, transform_indices = @transform_4, window_bounds = array<i64: 2, 16>}, {pipeline_mode = #tpu.pipeline_mode<synchronous>, transform_indices = @transform_5, window_bounds = array<i64: 1, 16>}, {pipeline_mode = #tpu.pipeline_mode<synchronous>, transform_indices = @transform_6, window_bounds = array<i64: 1, 16>}, {pipeline_mode = #tpu.pipeline_mode<synchronous>, transform_indices = @transform_7, window_bounds = array<i64: 1, 16>}, {pipeline_mode = #tpu.pipeline_mode<synchronous>, transform_indices = @transform_8, window_bounds = array<i64: 1, 16>}, {transform_indices = @transform_9, window_bounds = array<i64: 8000, 16>}]} {
    %get3A = arith.constant 0 : index
    %get3A_0 = arith.constant 0 : index
    %get3A_1 = vector.load %arg3[%get3A, %get3A_0] : memref<2x16xf32, #tpu.memory_space<vmem>>, vector<2x16xf32>
    %slice3A = vector.extract_strided_slice %get3A_1 {offsets = [0, 0], sizes = [1, 16], strides = [1, 1]} : vector<2x16xf32> to vector<1x16xf32>
    %div3A = arith.constant 3.200000e+05 : f32
    %div3A_2 = vector.broadcast %div3A : f32 to vector<1x16xf32>
    %div3A_3 = arith.divf %slice3A, %div3A_2 : vector<1x16xf32>
    %slice3A_4 = vector.extract_strided_slice %get3A_1 {offsets = [1, 0], sizes = [1, 16], strides = [1, 1]} : vector<2x16xf32> to vector<1x16xf32>
    %div3A_5 = arith.constant 3.200000e+05 : f32
    %div3A_6 = vector.broadcast %div3A_5 : f32 to vector<1x16xf32>
    %div3A_7 = arith.divf %slice3A_4, %div3A_6 : vector<1x16xf32>
    %mul3A = arith.mulf %div3A_3, %div3A_3 : vector<1x16xf32>
    %sub3A = arith.subf %div3A_7, %mul3A : vector<1x16xf32>
    %get3A_8 = arith.constant 0 : index
    %get3A_9 = arith.constant 0 : index
    %get3A_10 = vector.load %arg6[%get3A_8, %get3A_9] : memref<1x16xf32, #tpu.memory_space<vmem>>, vector<1x16xf32>
    %get3A_11 = arith.constant 0 : index
    %get3A_12 = arith.constant 0 : index
    %get3A_13 = vector.load %arg2[%get3A_11, %get3A_12] : memref<8000x16xf32, #tpu.memory_space<vmem>>, vector<8000x16xf32>
    %sub3A_14 = vector.broadcast %div3A_3 : vector<1x16xf32> to vector<8000x16xf32>
    %sub3A_15 = arith.subf %get3A_13, %sub3A_14 : vector<8000x16xf32>
    %mul3A_16 = vector.broadcast %get3A_10 : vector<1x16xf32> to vector<8000x16xf32>
    %mul3A_17 = arith.mulf %mul3A_16, %sub3A_15 : vector<8000x16xf32>
    %add3A = arith.constant 9.99999974E-6 : f32
    %add3A_18 = vector.broadcast %add3A : f32 to vector<1x16xf32>
    %add3A_19 = arith.addf %sub3A, %add3A_18 : vector<1x16xf32>
    %rsqrt3A = math.rsqrt %add3A_19 : vector<1x16xf32>
    %mul3A_20 = vector.broadcast %rsqrt3A : vector<1x16xf32> to vector<8000x16xf32>
    %mul3A_21 = arith.mulf %mul3A_17, %mul3A_20 : vector<8000x16xf32>
    %get3A_22 = arith.constant 0 : index
    %get3A_23 = arith.constant 0 : index
    %get3A_24 = vector.load %arg7[%get3A_22, %get3A_23] : memref<1x16xf32, #tpu.memory_space<vmem>>, vector<1x16xf32>
    %add3A_25 = vector.broadcast %get3A_24 : vector<1x16xf32> to vector<8000x16xf32>
    %add3A_26 = arith.addf %mul3A_21, %add3A_25 : vector<8000x16xf32>
    %get3A_27 = arith.constant 0 : index
    %get3A_28 = arith.constant 0 : index
    %get3A_29 = vector.load %arg5[%get3A_27, %get3A_28] : memref<2x16xf32, #tpu.memory_space<vmem>>, vector<2x16xf32>
    %slice3A_30 = vector.extract_strided_slice %get3A_29 {offsets = [0, 0], sizes = [1, 16], strides = [1, 1]} : vector<2x16xf32> to vector<1x16xf32>
    %div3A_31 = arith.constant 3.200000e+05 : f32
    %div3A_32 = vector.broadcast %div3A_31 : f32 to vector<1x16xf32>
    %div3A_33 = arith.divf %slice3A_30, %div3A_32 : vector<1x16xf32>
    %slice3A_34 = vector.extract_strided_slice %get3A_29 {offsets = [1, 0], sizes = [1, 16], strides = [1, 1]} : vector<2x16xf32> to vector<1x16xf32>
    %div3A_35 = arith.constant 3.200000e+05 : f32
    %div3A_36 = vector.broadcast %div3A_35 : f32 to vector<1x16xf32>
    %div3A_37 = arith.divf %slice3A_34, %div3A_36 : vector<1x16xf32>
    %mul3A_38 = arith.mulf %div3A_33, %div3A_33 : vector<1x16xf32>
    %sub3A_39 = arith.subf %div3A_37, %mul3A_38 : vector<1x16xf32>
    %get3A_40 = arith.constant 0 : index
    %get3A_41 = arith.constant 0 : index
    %get3A_42 = vector.load %arg8[%get3A_40, %get3A_41] : memref<1x16xf32, #tpu.memory_space<vmem>>, vector<1x16xf32>
    %get3A_43 = arith.constant 0 : index
    %get3A_44 = arith.constant 0 : index
    %get3A_45 = vector.load %arg4[%get3A_43, %get3A_44] : memref<8000x16xf32, #tpu.memory_space<vmem>>, vector<8000x16xf32>
    %sub3A_46 = vector.broadcast %div3A_33 : vector<1x16xf32> to vector<8000x16xf32>
    %sub3A_47 = arith.subf %get3A_45, %sub3A_46 : vector<8000x16xf32>
    %mul3A_48 = vector.broadcast %get3A_42 : vector<1x16xf32> to vector<8000x16xf32>
    %mul3A_49 = arith.mulf %mul3A_48, %sub3A_47 : vector<8000x16xf32>
    %add3A_50 = arith.constant 9.99999974E-6 : f32
    %add3A_51 = vector.broadcast %add3A_50 : f32 to vector<1x16xf32>
    %add3A_52 = arith.addf %sub3A_39, %add3A_51 : vector<1x16xf32>
    %rsqrt3A_53 = math.rsqrt %add3A_52 : vector<1x16xf32>
    %mul3A_54 = vector.broadcast %rsqrt3A_53 : vector<1x16xf32> to vector<8000x16xf32>
    %mul3A_55 = arith.mulf %mul3A_49, %mul3A_54 : vector<8000x16xf32>
    %get3A_56 = arith.constant 0 : index
    %get3A_57 = arith.constant 0 : index
    %get3A_58 = vector.load %arg9[%get3A_56, %get3A_57] : memref<1x16xf32, #tpu.memory_space<vmem>>, vector<1x16xf32>
    %add3A_59 = vector.broadcast %get3A_58 : vector<1x16xf32> to vector<8000x16xf32>
    %add3A_60 = arith.addf %mul3A_55, %add3A_59 : vector<8000x16xf32>
    %get3A_61 = arith.constant 0 : index
    %get3A_62 = arith.constant 0 : index
    %get3A_63 = vector.load %arg1[%get3A_61, %get3A_62] : memref<8000x16xf32, #tpu.memory_space<vmem>>, vector<8000x16xf32>
    %add3A_64 = arith.addf %get3A_63, %add3A_26 : vector<8000x16xf32>
    %add3A_65 = arith.addf %add3A_64, %add3A_60 : vector<8000x16xf32>
    %tanh3A = math.tanh %add3A_65 : vector<8000x16xf32>
    %swap3A = arith.constant 0 : index
    %swap3A_66 = arith.constant 0 : index
    %swap3A_67 = vector.load %arg10[%swap3A, %swap3A_66] : memref<8000x16xf32, #tpu.memory_space<vmem>>, vector<8000x16xf32>
    tpu.vector_store %arg10[%swap3A, %swap3A_66], %tanh3A {strides = array<i32>} : memref<8000x16xf32, #tpu.memory_space<vmem>>, vector<8000x16xf32>,
    return
  }
  func.func @transform_0(%arg0: i32) -> (i32, i32) {
    %c0_i32 = arith.constant 0 : i32
    %c0_i32_0 = arith.constant 0 : i32
    return %arg0, %c0_i32 : i32, i32
  }
  func.func @transform_1(%arg0: i32) -> (i32, i32) {
    %c0_i32 = arith.constant 0 : i32
    %c0_i32_0 = arith.constant 0 : i32
    return %arg0, %c0_i32 : i32, i32
  }
  func.func @transform_2(%arg0: i32) -> (i32, i32) {
    %c0_i32 = arith.constant 0 : i32
    %c0_i32_0 = arith.constant 0 : i32
    %c0_i32_1 = arith.constant 0 : i32
    return %c0_i32, %c0_i32_0 : i32, i32
  }
  func.func @transform_3(%arg0: i32) -> (i32, i32) {
    %c0_i32 = arith.constant 0 : i32
    %c0_i32_0 = arith.constant 0 : i32
    return %arg0, %c0_i32 : i32, i32
  }
  func.func @transform_4(%arg0: i32) -> (i32, i32) {
    %c0_i32 = arith.constant 0 : i32
    %c0_i32_0 = arith.constant 0 : i32
    %c0_i32_1 = arith.constant 0 : i32
    return %c0_i32, %c0_i32_0 : i32, i32
  }
  func.func @transform_5(%arg0: i32) -> (i32, i32) {
    %c0_i32 = arith.constant 0 : i32
    %c0_i32_0 = arith.constant 0 : i32
    %c0_i32_1 = arith.constant 0 : i32
    return %c0_i32, %c0_i32_0 : i32, i32
  }
  func.func @transform_6(%arg0: i32) -> (i32, i32) {
    %c0_i32 = arith.constant 0 : i32
    %c0_i32_0 = arith.constant 0 : i32
    %c0_i32_1 = arith.constant 0 : i32
    return %c0_i32, %c0_i32_0 : i32, i32
  }
  func.func @transform_7(%arg0: i32) -> (i32, i32) {
    %c0_i32 = arith.constant 0 : i32
    %c0_i32_0 = arith.constant 0 : i32
    %c0_i32_1 = arith.constant 0 : i32
    return %c0_i32, %c0_i32_0 : i32, i32
  }
  func.func @transform_8(%arg0: i32) -> (i32, i32) {
    %c0_i32 = arith.constant 0 : i32
    %c0_i32_0 = arith.constant 0 : i32
    %c0_i32_1 = arith.constant 0 : i32
    return %c0_i32, %c0_i32_0 : i32, i32
  }
  func.func @transform_9(%arg0: i32) -> (i32, i32) {
    %c0_i32 = arith.constant 0 : i32
    %c0_i32_0 = arith.constant 0 : i32
    return %arg0, %c0_i32 : i32, i32
  }
}

</mosaic_0001>

<sc_bundles>
// kernel: kernel.13.cloned.1.call-start
scs
__scs_entry_jumppad:
0x0: {  	(pc) =	sbr.rel $0x88, $3  }
0x1: {  	(tag) =	ssettag $0x0;
	lr =	simm.s32 $0x1  }
0x2: {  	[smem:$0x3F8C] =	sst lr;
	_ =	strace $0xD0000000  }
0x3: {  	_ = 	snop  }
0x4: {  	_ = 	snop  }
0x5: {  	_ = 	snop  }
0x6: {  	_ = 	snop  }
0x7: {  	_ = 	snop  }
__scs_overlays_trampoline_lowered:
0x8: {  	[smem:$0x3F9B] =	sst s0  }
0x9: {  	[smem:$0x3F9C] =	sst s1  }
0xa: {  	[smem:$0x3F9D] =	sst s2  }
0xb: {  	[smem:$0x3F9E] =	sst s3  }
0xc: {  	[smem:$0x3F9F] =	sst s4  }
0xd: {  	[smem:$0x3FA0] =	sst s5  }
0xe: {  	[smem:$0x3FA1] =	sst s6  }
0xf: {  	[smem:$0x3FA2] =	sst s7  }
0x10: {  	[smem:$0x3FA3] =	sst s8  }
0x11: {  	[smem:$0x3FA4] =	sst s9;
	s0 =	simm.s32 @!p0 $0x0  }
0x12: {  	s1 =	sld [smem:$0x3F8A];
	s0 =	simm.s32 @p0 $0x1  }
0x13: {  	[smem:$0x3FA5] =	sst s0;
	s0 =	simm.s32 @!p1 $0x0  }
0x14: {  	s2 =	sld [smem:$0x3F89];
	s0 =	simm.s32 @p1 $0x1  }
0x15: {  	[smem:$0x3FA6] =	sst s0;
	s0 =	simm.s32 @!p2 $0x0  }
0x16: {  	s3 =	sld [smem:$0x3FDB];
	s0 =	simm.s32 @p2 $0x1  }
0x17: {  	s4 =	simm.s32 $0x1BF5;
	[smem:$0x3FA8] =	sst s0  }
0x18: {  	s0 =	sld [smem:$0x3F8B];
	_ =	swait.ge [sflag:s4], $0x0  }
0x19: {  	s7 =	sld [smem:$0x3F8C]  }
0x1a: {  	s8 =	sadd.s32 $0xFFFFE003, lr  }
0x1b: {  	s9 =	sadd.s32 $0xFFFFFEF7, lr;
	s5 =	simm.s32 $0xFFFFFFFF;
	p2 =	slt.u32 s8, $0xFFFFF086  }
0x1c: {  	p1 =	slt.u32 s9, $0xF7A;
	s5 =	simm.s32 @!p2 $0x0  }
0x1d: {  	s5 =	simm.s32 @p1 $0x1;
	p0 =	seq.s32 s7, s2  }
0x1e: {  	s7 =	smul.u32 @!p0 $0xF7A, s2;
	p2 =	seq.s32 @!p0 s5, $0x0  }
0x1f: {  	s9 =	smul.u32 $0xF7A, s1;
	s8 =	simm.s32 @!p0 $0x1BF5;
	p2 =	por !p2, p0  }
0x20: {  	[sflag:s8] =	ssyncset.s32 @!p0 $0xFFFFF086;
	s6 =	sadd.s32 @!p0 s3, s7;
	s7 =	simm.s32 @!p0 $0x108  }
0x21: {  	s3 =	sadd.s32 s3, s9;
	s6 =	sadd.s32 @!p0 $0x88, s6;
	s7 =	simm.s32 @p2 $0x1082  }
0x22: {  	[simem:s7], [sflag:s8] =	dma.local @!p0 [hbm:s6], $0xF7A  }
0x23: {  	s9 =	sor.u32 $0xD0000000, s2;
	s6 =	simm.s32 $0x108;
	_ =	swait.ge @!p0 [sflag:s8], $0x0  }
0x24: {  	s3 =	sadd.s32 $0x88, s3;
	s6 =	simm.s32 @!p1 $0x1082;
	[sflag:s4] =	ssyncset.s32 $0xFFFFF086  }
0x25: {  	[simem:s6], [sflag:s4] =	dma.local [hbm:s3], $0xF7A  }
0x26: {  	[smem:$0x3F8C] =	sst s1;
	(tag) =	ssettag s2;
	_ =	strace s9  }
0x27: {  	s1 =	sld [smem:$0x3F9C]  }
0x28: {  	s2 =	sld [smem:$0x3F9D]  }
0x29: {  	s4 =	sld [smem:$0x3F9F]  }
0x2a: {  	p0 =	seq.s32 s5, $0x0;
	s5 =	sld [smem:$0x3FA0]  }
0x2b: {  	s6 =	sld [smem:$0x3FA1]  }
0x2c: {  	s7 =	sld [smem:$0x3FA2]  }
0x2d: {  	s3 =	simm.s32 $0x108;
	s8 =	sld [smem:$0x3FA3]  }
0x2e: {  	s3 =	simm.s32 @!p0 $0x1082;
	s9 =	sld [smem:$0x3FA4]  }
0x2f: {  	lr =	sadd.s32 s0, s3;
	s0 =	sld [smem:$0x3F9B]  }
0x30: {  	s3 =	sld [smem:$0x3F9E]  }
0x31: {  	[smem:$0x3FA7] =	sst s10  }
0x32: {  	s10 =	sld [smem:$0x3FA5];
	_ =	sdelay $0x3  }
0x33: {  	p0 =	seq.s32 s10, $0x1;
	s10 =	sld [smem:$0x3FA7];
	_ =	sdelay $0x3  }
0x34: {  	[smem:$0x3FA7] =	sst s10  }
0x35: {  	s10 =	sld [smem:$0x3FA6];
	_ =	sdelay $0x3  }
0x36: {  	p1 =	seq.s32 s10, $0x1;
	s10 =	sld [smem:$0x3FA7];
	_ =	sdelay $0x3  }
0x37: {  	[smem:$0x3FA7] =	sst s10  }
0x38: {  	s10 =	sld [smem:$0x3FA8]  }
0x39: {  	_ = 	snop;
	(pc) =	sbr.ind lr, $3  }
0x3a: {  	_ = 	snop  }
0x3b: {  	_ = 	snop  }
0x3c: {  	p2 =	seq.s32 s10, $0x1;
	s10 =	sld [smem:$0x3FA7]  }
0x3d: {  	_ =	shalt  }
0x3e: {  	_ =	shalt  }
0x3f: {  	_ =	shalt  }
0x40: {  	_ =	shalt  }
0x41: {  	_ =	shalt  }
0x42: {  	_ =	shalt  }
0x43: {  	_ =	shalt  }
0x44: {  	_ =	shalt  }
0x45: {  	_ =	shalt  }
0x46: {  	_ =	shalt  }
0x47: {  	_ =	shalt  }
0x48: {  	_ =	shalt  }
0x49: {  	_ =	shalt  }
0x4a: {  	_ =	shalt  }
0x4b: {  	_ =	shalt  }
0x4c: {  	_ =	shalt  }
0x4d: {  	_ =	shalt  }
0x4e: {  	_ =	shalt  }
0x4f: {  	_ =	shalt  }
0x50: {  	_ =	shalt  }
0x51: {  	_ =	shalt  }
0x52: {  	_ =	shalt  }
0x53: {  	_ =	shalt  }
0x54: {  	_ =	shalt  }
0x55: {  	_ =	shalt  }
0x56: {  	_ =	shalt  }
0x57: {  	_ =	shalt  }
0x58: {  	_ =	shalt  }
0x59: {  	_ =	shalt  }
0x5a: {  	_ =	shalt  }
0x5b: {  	_ =	shalt  }
0x5c: {  	_ =	shalt  }
0x5d: {  	_ =	shalt  }
0x5e: {  	_ =	shalt  }
0x5f: {  	_ =	shalt  }
0x60: {  	_ =	shalt  }
0x61: {  	_ =	shalt  }
0x62: {  	_ =	shalt  }
0x63: {  	_ =	shalt  }
0x64: {  	_ =	shalt  }
0x65: {  	_ =	shalt  }
0x66: {  	_ =	shalt  }
0x67: {  	_ =	shalt  }
0x68: {  	_ =	shalt  }
0x69: {  	_ =	shalt  }
0x6a: {  	_ =	shalt  }
0x6b: {  	_ =	shalt  }
0x6c: {  	_ =	shalt  }
0x6d: {  	_ =	shalt  }
0x6e: {  	_ =	shalt  }
0x6f: {  	_ =	shalt  }
0x70: {  	_ =	shalt  }
0x71: {  	_ =	shalt  }
0x72: {  	_ =	shalt  }
0x73: {  	_ =	shalt  }
0x74: {  	_ =	shalt  }
0x75: {  	_ =	shalt  }
0x76: {  	_ =	shalt  }
0x77: {  	_ =	shalt  }
0x78: {  	_ =	shalt  }
0x79: {  	_ =	shalt  }
0x7a: {  	_ =	shalt  }
0x7b: {  	_ =	shalt  }
0x7c: {  	_ =	shalt  }
0x7d: {  	_ =	shalt  }
0x7e: {  	_ =	shalt  }
0x7f: {  	_ =	shalt  }
0x80: {  	_ =	shalt  }
0x81: {  	_ =	shalt  }
0x82: {  	_ =	shalt  }
0x83: {  	_ =	shalt  }
0x84: {  	_ =	shalt  }
0x85: {  	_ =	shalt  }
0x86: {  	_ =	shalt  }
0x87: {  	_ =	shalt  }
.Lfunc_end0:
.L_simem_size_0:
called_computation_lowered:
.L_overlay_start_0:
0x88: {  	s2 =	sld [smem:$0x3FD9]  }
0x89: {  	s3 =	sld [smem:$0x3FFE];
	_ =	sdelay $0x1  }
0x8a: {  	s1 =	srdreg.scid  }
0x8b: {  	s0 =	sand.u32 $0x1, s1  }
0x8c: {  	s17 =	sshll.u32 s0, $0xA;
	s2 =	sadd.s32 s3, s2  }
0x8d: {  	s2 =	sadd.s32 s2, s17  }
0x8e: {  	[smem:$0x3FB3] =	sst s2  }
0x8f: {  	_ = 	snop  }
0x90: {  	s2 =	sld [smem:$0x3FC5]  }
0x91: {  	s18 =	sld [smem:$0x3FC4]  }
0x92: {  	s4 =	sld [smem:$0x3FC3]  }
0x93: {  	s5 =	sld [smem:$0x3FC2]  }
0x94: {  	s6 =	sld [smem:$0x3FC1]  }
0x95: {  	s7 =	sld [smem:$0x3FD0];
	(tm) =	ssettm $0x1  }
0x96: {  	s8 =	sld [smem:$0x3FFB];
	_ =	sdelay $0x3  }
0x97: {  	_ =	strace s8  }
0x98: {  	s8 =	sld [smem:$0x3FFC];
	_ =	sdelay $0x3  }
0x99: {  	_ =	strace s8  }
0x9a: {  	s8 =	sld [smem:$0x3FFD];
	_ =	sdelay $0x3  }
0x9b: {  	_ =	strace s8  }
0x9c: {  	_ =	strace $0x8FFFFFFF  }
0x9d: {  	s19 =	sld [smem:$0x3FDB];
	_ =	sdelay $0x1  }
0x9e: {  	s9 =	simm.s32 $_scs_section_size  }
0x9f: {  	s10 =	simm.s32 $_size__tile_overlayer_lowered;
	s11 =	simm.s32 $_tile_overlayer_lowered  }
0xa0: {  	s22 =	simm.s32 $0x1BFF;
	s21 =	sshll.u32 s11, $0x1;
	s8 =	sadd.s32 s9, s19  }
0xa1: {  	s12 =	simm.s32 $0x0;
	s20 =	sshll.u32 s10, $0x1;
	s10 =	sadd.s32 s21, s8  }
0xa2: {  	[timem:s12], [sflag:s22] =	dma.local [hbm:s10], s20  }
0xa3: {  	_ =	swait.ge [sflag:s22], s20  }
0xa4: {  	s9 =	ssub.s32 $0x0, s20;
	[sflag:s22] =	ssyncset.done $0x0  }
0xa5: {  	[sflag:s22] =	ssyncadd.s32 s9;
	_ =	sdelay $0x1  }
0xa6: {  	s23 =	simm.s32 $0x1B8B  }
0xa7: {  	_ =	swait.ge [sflag:s23], $0x1  }
0xa8: {  	[sflag:s23] =	ssyncset.done $0x0  }
0xa9: {  	s25 =	simm.s32 $0x1B8E;
	s24 =	sld [smem:$0x3FFE];
	[sflag:s23] =	ssyncadd.s32 $0xFFFFFFFF  }
0xaa: {  	s26 =	simm.s32 $execute0_lowered;
	[smem:$0x3FD2] =	sst s25  }
0xab: {  	s10 =	sshll.u32 s26, $0x1;
	_ =	strace $0x80000046;
	[dreg:$0x1] =	wrdreg $0xFFFFFFFF  }
0xac: {  	s28 =	simm.s32 $_size_execute0_lowered;
	s8 =	sadd.s32 s8, s10;
	[dreg:$0x0] =	wrdreg $0x0  }
0xad: {  	s10 =	sshll.u32 s28, $0x1;
	[dreg:$0x2] =	wrdreg s8  }
0xae: {  	[dreg:$0x3] =	wrdreg s10  }
0xaf: {  	[dreg:$0x4] =	wrdreg $0xC0  }
0xb0: {  	_ =	task [dreg:s12], $0x5FFFF  }
0xb1: {  	[dreg:$0x1] =	wrdreg $0xFFFFFFFF  }
0xb2: {  	[dreg:$0x0] =	wrdreg $0x60  }
0xb3: {  	[dreg:$0x2] =	wrdreg s7  }
0xb4: {  	[dreg:$0x3] =	wrdreg s24  }
0xb5: {  	[dreg:$0x4] =	wrdreg s2  }
0xb6: {  	[dreg:$0x5] =	wrdreg s18  }
0xb7: {  	[dreg:$0x6] =	wrdreg s4  }
0xb8: {  	[dreg:$0x7] =	wrdreg s5  }
0xb9: {  	[dreg:$0x8] =	wrdreg s6  }
0xba: {  	[dreg:$0x9] =	wrdreg $0xA  }
0xbb: {  	_ =	task.clear_ibuf [dreg:s12], $0xAFFFF;
	_ =	strace $0x90000046  }
0xbc: {  	s29 =	simm.s32 $0xA;
	_ =	strace $0x80000048  }
0xbd: {  	_ =	swait.ge [sflag:s29], $0x1  }
0xbe: {  	[sflag:s29] =	ssyncadd.s32 $0xFFFFFFFF  }
0xbf: {  	_ =	strace $0x90000048  }
0xc0: {  	_ =	sfence  }
0xc1: {  	s30 =	sld [smem:$0x0];
	_ =	sdelay $0x2  }
0xc2: {  	s31 =	sshll.u32 s1, $0xD;
	s1 =	sshrl.u32 s1, $0x2  }
0xc3: {  	s3 =	sand.u32 $0x4000, s31;
	s1 =	sadd.s32 s1, s30  }
0xc4: {  	s0 =	sor.u32 s3, s0;
	s1 =	sshll.u32 s1, $0x11  }
0xc5: {  	s0 =	sor.u32 s1, s0  }
0xc6: {  	s0 =	sadd.s32 $0x8F2B, s0  }
0xc7: {  	[sflag:s0] =	ssyncadd.remote.s32 $0x1  }
0xc8: {  	_ =	sfence.sel $0xFFFF  }
0xc9: {  	[dreg:$0x0] =	wrdreg $0xFFFFFFFF;
	(pc) =	sbr.abs _section_cstart, $3  }
0xca: {  	[dreg:$0x1] =	wrdreg $0xFFFFFFFF  }
0xcb: {  	_ =	task.clear_ibuf [dreg:s12], $0x2FFFF;
	_ =	strace $0x9FFFFFFF  }
0xcc: {  	(tm) =	ssettm $0x7FFFFFFF  }
0xcd: {  	_ =	shalt  }
tec
execute0_lowered:
.L_overlay_start_1:
0x0: {  	(tag) =	ssettag $0x1  }
0x1: {  	s1 =	rddreg [dreg:$0x1]  }
0x2: {  	s4 =	rddreg [dreg:$0x2]  }
0x3: {  	s5 =	rddreg [dreg:$0x3]  }
0x4: {  	s6 =	rddreg [dreg:$0x4]  }
0x5: {  	s8 =	rddreg [dreg:$0x5]  }
0x6: {  	s15 =	rddreg [dreg:$0x6];
	s3 =	simm.s32 $0x0;
	s2 =	srdreg.scid  }
0x7: {  	s0 =	stileid.u32;
	s30 =	simm.s32 $0xC8;
	s31 =	simm.s32 $0x190  }
0x8: {  	[smem:$0x7FF] =	sst s3;
	s2 =	sand.u32 $0x1, s2;
	s26 =	sshll.u32 s0, $0x1  }
0x9: {  	s9 =	sadd.s32 $0xCE00, s1;
	s10 =	sadd.s32 $0x3000, s1;
	s3 =	sor.u32 s2, s26  }
0xa: {  	s12 =	sadd.s32 $0x4F8C00, s1;
	s2 =	ssub.s32 $0x2, s2;
	s17 =	smul.u32 $0x2710, s3  }
0xb: {  	s13 =	sadd.s32 $0xEBCC00, s1;
	s14 =	sadd.s32 $0x631400, s1;
	s0 =	sshrl.u32 s2, $0x1  }
0xc: {  	_ =	strace $0x80000047;
	s1 =	ssub.s32 s2, s0;
	s3 =	sshrl.u32 s17, $0x3  }
0xd: {  	s7 =	sadd.s32 $0xC8, s17;
	s26 =	smax.u32 s1, $0x1;
	s28 =	sadd.s32 $0x190, s17  }
0xe: {  	s0 =	smov.u32 s17;
	s29 =	sadd.s32 $0x258, s17;
	[dreg:$0x9] =	wrdreg s7  }
0xf: {  	s1 =	simm.s32 $0x258;
	s2 =	sadd.s32 s4, s3;
	[dreg:$0x13] =	wrdreg s26  }
0x10: {  	s17 =	simm.s32 $0x3;
	s11 =	sadd.s32 s5, s3;
	[dreg:$0x8] =	wrdreg s2  }
0x11: {  	s16 =	sadd.s32 s6, s3;
	s18 =	sshrl.u32 s7, $0x3;
	[dreg:$0xa] =	wrdreg s11  }
0x12: {  	s19 =	sadd.s32 s8, s3;
	s20 =	sadd.s32 s15, s3;
	[dreg:$0xb] =	wrdreg s16  }
0x13: {  	s7 =	smov.u32 s15;
	s26 =	simm.s32 $0x708;
	[dreg:$0xc] =	wrdreg s19  }
0x14: {  	s3 =	simm.s32 $0x0;
	[dreg:$0xd] =	wrdreg s20;
	s21 =	sadd.s32 s4, s18  }
0x15: {  	s22 =	sadd.s32 s5, s18;
	s23 =	sadd.s32 s6, s18;
	s16 =	smov.u32 s8  }
0x16: {  	s24 =	sadd.s32 s8, s18;
	s25 =	sadd.s32 s15, s18;
	[dreg:$0xe] =	wrdreg s21  }
0x17: {  	s6 =	simm.s32 $0x320;
	s15 =	simm.s32 $0x1;
	[dreg:$0xf] =	wrdreg s22  }
0x18: {  	s18 =	simm.s32 $0x2;
	s19 =	simm.s32 $0x101D0;
	[dreg:$0x10] =	wrdreg s23  }
0x19: {  	s20 =	simm.s32 $0x4;
	s11 =	simm.s32 $0x7D0;
	[dreg:$0x11] =	wrdreg s24  }
0x1a: {  	[dreg:$0x12] =	wrdreg s25;
	s22 =	simm.s32 $0x3E8;
	s23 =	simm.s32 $0x4B0  }
0x1b: {  	s24 =	simm.s32 $0x578;
	s25 =	simm.s32 $0x640;
	s21 =	simm.s32 $0x5  }
.LBB2_1:
0x1c: {  	[dreg:$0x14] =	wrdreg s3  }
0x1d: {  	s3 =	simm.s32 $0x0;
	s2 =	rddreg [dreg:$0x8]  }
0x1e: {  	[tilespmem:s3], [sflag:$0x1] =	stream.linear.gather [hbm4b:s2+s3], $0xC8, $0x38;
	[tilespmem:$0x11AD0] =	vst v63  }
0x1f: {  	s5 =	rddreg [dreg:$0xa]  }
0x20: {  	[tilespmem:s30], [sflag:$0x1] =	stream.linear.gather [hbm4b:s5+s3], $0xC8, $0x38;
	[tilespmem:$0x11AD0] =	vst v63  }
0x21: {  	s8 =	rddreg [dreg:$0xb]  }
0x22: {  	[tilespmem:s31], [sflag:$0x1] =	stream.linear.gather [hbm4b:s8+s3], $0xC8, $0x38;
	[tilespmem:$0x11AD0] =	vst v63  }
0x23: {  	s4 =	rddreg [dreg:$0xc]  }
0x24: {  	[tilespmem:s1], [sflag:$0x1] =	stream.linear.gather [hbm4b:s4+s3], $0xC8, $0x38;
	[tilespmem:$0x11AD0] =	vst v63  }
0x25: {  	s5 =	rddreg [dreg:$0xd]  }
0x26: {  	[tilespmem:s6], [sflag:$0x1] =	stream.linear.gather [hbm4b:s5+s3], $0xC8, $0x38;
	[tilespmem:$0x11AD0] =	vst v63  }
0x27: {  	_ =	swait.ge [sflag:s15], $0xC8  }
0x28: {  	[sflag:s15] =	ssyncset.done $0x0  }
0x29: {  	[sflag:s15] =	ssyncadd.s32 $0xFFFFFF38  }
0x2a: {  	_ =	swait.ge [sflag:s15], $0xC8  }
0x2b: {  	[sflag:s15] =	ssyncset.done $0x0  }
0x2c: {  	[sflag:s15] =	ssyncadd.s32 $0xFFFFFF38  }
0x2d: {  	_ =	swait.ge [sflag:s15], $0xC8  }
0x2e: {  	[sflag:s15] =	ssyncset.done $0x0  }
0x2f: {  	[sflag:s15] =	ssyncadd.s32 $0xFFFFFF38  }
0x30: {  	_ =	swait.ge [sflag:s15], $0xC8  }
0x31: {  	[sflag:s15] =	ssyncset.done $0x0  }
0x32: {  	[sflag:s15] =	ssyncadd.s32 $0xFFFFFF38  }
0x33: {  	_ =	swait.ge [sflag:s15], $0xC8  }
0x34: {  	[sflag:s15] =	ssyncset.done $0x0  }
0x35: {  	[sflag:s15] =	ssyncadd.s32 $0xFFFFFF38  }
0x36: {  	s4 =	simm.s32 $0x7D0;
	s8 =	rddreg [dreg:$0x0]  }
0x37: {  	[tilespmem:s4], [sflag:$0x3] =	stream.indirect.gather [hbm4b:s8+s30], $0x20, s3, s30, $0xb8;
	[tilespmem:$0x11AD0] =	vst v63  }
0x38: {  	s4 =	simm.s32 $0x20D0  }
0x39: {  	[tilespmem:s4], [sflag:$0x3] =	stream.indirect.gather [hbm4b:s9+s30], $0x20, s30, s30, $0xb8;
	[tilespmem:$0x11AD0] =	vst v63  }
0x3a: {  	s5 =	simm.s32 $0x39D0  }
0x3b: {  	[tilespmem:s5], [sflag:$0x3] =	stream.indirect.gather [hbm4b:s10+s30], $0x20, s31, s30, $0xb8;
	[tilespmem:$0x11AD0] =	vst v63  }
0x3c: {  	s8 =	simm.s32 $0x52D0  }
0x3d: {  	[tilespmem:s8], [sflag:$0x3] =	stream.indirect.gather [hbm4b:s12+s30], $0x20, s1, s30, $0xb8;
	[tilespmem:$0x11AD0] =	vst v63  }
0x3e: {  	s4 =	simm.s32 $0x6BD0  }
0x3f: {  	[tilespmem:s4], [sflag:$0x3] =	stream.indirect.gather [hbm4b:s13+s30], $0x20, s6, s30, $0xb8;
	[tilespmem:$0x11AD0] =	vst v63  }
0x40: {  	s5 =	rddreg [dreg:$0xe]  }
0x41: {  	[tilespmem:s22], [sflag:$0x2] =	stream.linear.gather [hbm4b:s5+s3], $0xC8, $0x38;
	[tilespmem:$0x11AD0] =	vst v63  }
0x42: {  	s8 =	rddreg [dreg:$0xf]  }
0x43: {  	[tilespmem:s23], [sflag:$0x2] =	stream.linear.gather [hbm4b:s8+s3], $0xC8, $0x38;
	[tilespmem:$0x11AD0] =	vst v63  }
0x44: {  	s4 =	rddreg [dreg:$0x10]  }
0x45: {  	[tilespmem:s24], [sflag:$0x2] =	stream.linear.gather [hbm4b:s4+s3], $0xC8, $0x38;
	[tilespmem:$0x11AD0] =	vst v63  }
0x46: {  	s5 =	rddreg [dreg:$0x11]  }
0x47: {  	[tilespmem:s25], [sflag:$0x2] =	stream.linear.gather [hbm4b:s5+s3], $0xC8, $0x38;
	[tilespmem:$0x11AD0] =	vst v63  }
0x48: {  	s8 =	rddreg [dreg:$0x12]  }
0x49: {  	[tilespmem:s26], [sflag:$0x2] =	stream.linear.gather [hbm4b:s8+s3], $0xC8, $0x38;
	[tilespmem:$0x11AD0] =	vst v63  }
0x4a: {  	s8 =	simm.s32 $0x0  }
.LBB2_2:
0x4b: {  	_ =	swait.ge [sflag:s17], $0x1900  }
0x4c: {  	[sflag:s17] =	ssyncset.done $0x0  }
0x4d: {  	[sflag:s17] =	ssyncadd.s32 $0xFFFFE700  }
0x4e: {  	_ =	swait.ge [sflag:s17], $0x1900  }
0x4f: {  	[sflag:s17] =	ssyncset.done $0x0  }
0x50: {  	[sflag:s17] =	ssyncadd.s32 $0xFFFFE700  }
0x51: {  	_ =	swait.ge [sflag:s17], $0x1900  }
0x52: {  	[sflag:s17] =	ssyncset.done $0x0  }
0x53: {  	[sflag:s17] =	ssyncadd.s32 $0xFFFFE700  }
0x54: {  	_ =	swait.ge [sflag:s17], $0x1900  }
0x55: {  	s2 =	sshll.u32 s8, $0x1;
	[sflag:s17] =	ssyncset.done $0x0  }
0x56: {  	s2 =	smin.u32 s2, $0x2E;
	[sflag:s17] =	ssyncadd.s32 $0xFFFFE700  }
0x57: {  	s2 =	smul.u32 $0xC8, s2;
	_ =	swait.ge [sflag:s17], $0x1900  }
0x58: {  	[sflag:s17] =	ssyncset.done $0x0  }
0x59: {  	s3 =	sadd.s32 s2, s28;
	[sflag:s17] =	ssyncadd.s32 $0xFFFFE700  }
0x5a: {  	s3 =	sshrl.u32 s3, $0x3;
	s4 =	rddreg [dreg:$0x2]  }
0x5b: {  	s5 =	simm.s32 $0x0;
	s4 =	sadd.s32 s4, s3  }
0x5c: {  	[tilespmem:s5], [sflag:$0x1] =	stream.linear.gather [hbm4b:s4+s5], $0xC8, $0x38;
	[tilespmem:$0x11AD0] =	vst v63  }
0x5d: {  	s4 =	rddreg [dreg:$0x3]  }
0x5e: {  	s4 =	sadd.s32 s4, s3  }
0x5f: {  	[tilespmem:s30], [sflag:$0x1] =	stream.linear.gather [hbm4b:s4+s5], $0xC8, $0x38;
	[tilespmem:$0x11AD0] =	vst v63  }
0x60: {  	s4 =	rddreg [dreg:$0x4]  }
0x61: {  	s4 =	sadd.s32 s4, s3  }
0x62: {  	[tilespmem:s31], [sflag:$0x1] =	stream.linear.gather [hbm4b:s4+s5], $0xC8, $0x38;
	[tilespmem:$0x11AD0] =	vst v63  }
0x63: {  	s4 =	sadd.s32 s16, s3  }
0x64: {  	[tilespmem:s1], [sflag:$0x1] =	stream.linear.gather [hbm4b:s4+s5], $0xC8, $0x38;
	[tilespmem:$0x11AD0] =	vst v63  }
0x65: {  	s3 =	sadd.s32 s7, s3  }
0x66: {  	[tilespmem:s6], [sflag:$0x1] =	stream.linear.gather [hbm4b:s3+s5], $0xC8, $0x38;
	[tilespmem:$0x11AD0] =	vst v63  }
0x67: {  	_ =	swait.ge [sflag:s18], $0xC8  }
0x68: {  	[sflag:s18] =	ssyncset.done $0x0  }
0x69: {  	[sflag:s18] =	ssyncadd.s32 $0xFFFFFF38  }
0x6a: {  	_ =	swait.ge [sflag:s18], $0xC8  }
0x6b: {  	[sflag:s18] =	ssyncset.done $0x0  }
0x6c: {  	[sflag:s18] =	ssyncadd.s32 $0xFFFFFF38  }
0x6d: {  	_ =	swait.ge [sflag:s18], $0xC8  }
0x6e: {  	[sflag:s18] =	ssyncset.done $0x0  }
0x6f: {  	[sflag:s18] =	ssyncadd.s32 $0xFFFFFF38  }
0x70: {  	_ =	swait.ge [sflag:s18], $0xC8  }
0x71: {  	[sflag:s18] =	ssyncset.done $0x0  }
0x72: {  	[sflag:s18] =	ssyncadd.s32 $0xFFFFFF38  }
0x73: {  	_ =	swait.ge [sflag:s18], $0xC8  }
0x74: {  	[sflag:s18] =	ssyncset.done $0x0  }
0x75: {  	[sflag:s18] =	ssyncadd.s32 $0xFFFFFF38  }
0x76: {  	s5 =	simm.s32 $0x84D0;
	s4 =	rddreg [dreg:$0x0]  }
0x77: {  	[tilespmem:s5], [sflag:$0x4] =	stream.indirect.gather [hbm4b:s4+s30], $0x20, s22, s30, $0xb8;
	[tilespmem:$0x11AD0] =	vst v63  }
0x78: {  	s4 =	simm.s32 $0x9DD0  }
0x79: {  	[tilespmem:s4], [sflag:$0x4] =	stream.indirect.gather [hbm4b:s9+s30], $0x20, s23, s30, $0xb8;
	[tilespmem:$0x11AD0] =	vst v63  }
0x7a: {  	s5 =	simm.s32 $0xB6D0  }
0x7b: {  	[tilespmem:s5], [sflag:$0x4] =	stream.indirect.gather [hbm4b:s10+s30], $0x20, s24, s30, $0xb8;
	[tilespmem:$0x11AD0] =	vst v63  }
0x7c: {  	s4 =	simm.s32 $0xCFD0  }
0x7d: {  	[tilespmem:s4], [sflag:$0x4] =	stream.indirect.gather [hbm4b:s12+s30], $0x20, s25, s30, $0xb8;
	[tilespmem:$0x11AD0] =	vst v63  }
0x7e: {  	s3 =	simm.s32 $0x0;
	s5 =	simm.s32 $0xE8D0  }
0x7f: {  	[tilespmem:s5], [sflag:$0x4] =	stream.indirect.gather [hbm4b:s13+s30], $0x20, s26, s30, $0xb8;
	[tilespmem:$0x11AD0] =	vst v63  }
0x80: {  	v0 =	vld [tilespmem:s3+$0x7E0]  }
0x81: {  	v1 =	vld [tilespmem:s3+$0x20E0]  }
0x82: {  	v5 =	vld [tilespmem:s3+$0x7D0]  }
0x83: {  	v6 =	vld [tilespmem:s3+$0x39E0]  }
0x84: {  	v7 =	vld [tilespmem:s3+$0x20D0]  }
0x85: {  	v8 =	vld [tilespmem:s3+$0x52E0]  }
0x86: {  	v2 =	vld [tilespmem:s3+$0x39D0];
	v0 =	vadd.f32 v1, v0  }
0x87: {  	v4 =	vld [tilespmem:s3+$0x6BE0]  }
0x88: {  	v3 =	vld [tilespmem:s3+$0x52D0];
	v6 =	vadd.f32 v6, v0  }
0x89: {  	s4 =	simm.s32 $0x20;
	v1 =	vld [tilespmem:s3+$0x6BD0];
	v5 =	vadd.f32 v7, v5  }
0x8a: {  	s5 =	simm.s32 $0x100;
	v0 =	vld [tilespmem:s4+$0x7E0];
	v6 =	vadd.f32 v8, v6  }
.LBB2_3:
0x8b: {  	p0 =	sne.s32 s5, $0x6380;
	v7 =	vld [tilespmem:s4+$0x20E0];
	v2 =	vadd.f32 v2, v5  }
0x8c: {  	v5 =	vld [tilespmem:s4+$0x7D0];
	v4 =	vadd.f32 v4, v6  }
0x8d: {  	v6 =	vld [tilespmem:s4+$0x39E0];
	v2 =	vadd.f32 v3, v2  }
0x8e: {  	v8 =	vld [tilespmem:s4+$0x20D0];
	[tilespmem:s3+$0x101E0] =	vst v4  }
0x8f: {  	v9 =	vld [tilespmem:s4+$0x52E0];
	v1 =	vadd.f32 v1, v2  }
.Ltmp0:
0x90: {  	v2 =	vld [tilespmem:s4+$0x39D0];
	v0 =	vadd.f32 v7, v0;
	(pc) =	sbr.rel @p0 .LBB2_3-.Ltmp0, $4  }
0x91: {  	v4 =	vld [tilespmem:s4+$0x6BE0];
	[tilespmem:s3+$0x101D0] =	vst v1;
	s3 =	smov.u32 s4  }
0x92: {  	v3 =	vld [tilespmem:s3+$0x52D0];
	v6 =	vadd.f32 v6, v0  }
0x93: {  	s4 =	sshra.s32 s5, $0x2;
	v5 =	vadd.f32 v8, v5;
	v1 =	vld [tilespmem:s3+$0x6BD0]  }
0x94: {  	s5 =	sadd.s32 $0x80, s5;
	v0 =	vld [tilespmem:s4+$0x7E0];
	v6 =	vadd.f32 v9, v6  }
0x95: {  	v7 =	vld [tilespmem:s4+$0x20E0];
	v2 =	vadd.f32 v2, v5  }
0x96: {  	v8 =	vld [tilespmem:s4+$0x7D0];
	v4 =	vadd.f32 v4, v6  }
0x97: {  	v5 =	vld [tilespmem:s4+$0x39E0];
	v2 =	vadd.f32 v3, v2  }
0x98: {  	v6 =	vld [tilespmem:s4+$0x20D0];
	[tilespmem:s3+$0x101E0] =	vst v4  }
0x99: {  	v3 =	vld [tilespmem:s4+$0x52E0];
	v1 =	vadd.f32 v1, v2  }
0x9a: {  	v2 =	vld [tilespmem:s4+$0x39D0]  }
0x9b: {  	v4 =	vld [tilespmem:s4+$0x6BE0];
	[tilespmem:s3+$0x101D0] =	vst v1  }
0x9c: {  	v0 =	vadd.f32 v7, v0;
	v1 =	vld [tilespmem:s4+$0x52D0]  }
0x9d: {  	v6 =	vadd.f32 v6, v8  }
0x9e: {  	v0 =	vadd.f32 v5, v0;
	v5 =	vld [tilespmem:s4+$0x6BD0]  }
0x9f: {  	v2 =	vadd.f32 v2, v6  }
0xa0: {  	v0 =	vadd.f32 v3, v0  }
0xa1: {  	s3 =	smul.u32 $0x190, s8;
	v1 =	vadd.f32 v1, v2  }
0xa2: {  	v0 =	vadd.f32 v4, v0  }
0xa3: {  	s5 =	sadd.s32 s0, s3;
	v1 =	vadd.f32 v5, v1  }
0xa4: {  	s5 =	sshll.u32 s5, $0x2;
	[tilespmem:s4+$0x101E0] =	vst v0  }
0xa5: {  	[tilespmem:s4+$0x101D0] =	vst v1;
	s4 =	sadd.s32 s14, s5;
	s5 =	simm.s32 $0x0  }
0xa6: {  	[hbm4b:s4+s5] =	stream.linear.scatter [tilespmem:s19], [sflag:$0x5], $0x1900, $0x38;
	[tilespmem:$0x11AD0] =	vst v63  }
0xa7: {  	_ =	swait.ge [sflag:s21], $0x1900  }
0xa8: {  	[sflag:s21] =	ssyncset.done $0x0  }
0xa9: {  	[sflag:s21] =	ssyncadd.s32 $0xFFFFE700  }
0xaa: {  	_ =	swait.ge [sflag:s15], $0xC8  }
0xab: {  	[sflag:s15] =	ssyncset.done $0x0  }
0xac: {  	[sflag:s15] =	ssyncadd.s32 $0xFFFFFF38  }
0xad: {  	_ =	swait.ge [sflag:s15], $0xC8  }
0xae: {  	[sflag:s15] =	ssyncset.done $0x0  }
0xaf: {  	[sflag:s15] =	ssyncadd.s32 $0xFFFFFF38  }
0xb0: {  	_ =	swait.ge [sflag:s15], $0xC8  }
0xb1: {  	[sflag:s15] =	ssyncset.done $0x0  }
0xb2: {  	[sflag:s15] =	ssyncadd.s32 $0xFFFFFF38  }
0xb3: {  	_ =	swait.ge [sflag:s15], $0xC8  }
0xb4: {  	[sflag:s15] =	ssyncset.done $0x0  }
0xb5: {  	[sflag:s15] =	ssyncadd.s32 $0xFFFFFF38  }
0xb6: {  	_ =	swait.ge [sflag:s15], $0xC8  }
0xb7: {  	[sflag:s15] =	ssyncset.done $0x0  }
0xb8: {  	[sflag:s15] =	ssyncadd.s32 $0xFFFFFF38  }
0xb9: {  	s4 =	rddreg [dreg:$0x0]  }
0xba: {  	[tilespmem:s11], [sflag:$0x3] =	stream.indirect.gather [hbm4b:s4+s30], $0x20, s5, s30, $0xb8;
	[tilespmem:$0x11AD0] =	vst v63  }
0xbb: {  	s4 =	simm.s32 $0x20D0  }
0xbc: {  	[tilespmem:s4], [sflag:$0x3] =	stream.indirect.gather [hbm4b:s9+s30], $0x20, s30, s30, $0xb8;
	[tilespmem:$0x11AD0] =	vst v63  }
0xbd: {  	s4 =	simm.s32 $0x39D0  }
0xbe: {  	[tilespmem:s4], [sflag:$0x3] =	stream.indirect.gather [hbm4b:s10+s30], $0x20, s31, s30, $0xb8;
	[tilespmem:$0x11AD0] =	vst v63  }
0xbf: {  	s4 =	simm.s32 $0x52D0  }
0xc0: {  	[tilespmem:s4], [sflag:$0x3] =	stream.indirect.gather [hbm4b:s12+s30], $0x20, s1, s30, $0xb8;
	[tilespmem:$0x11AD0] =	vst v63  }
0xc1: {  	s4 =	simm.s32 $0x6BD0  }
0xc2: {  	[tilespmem:s4], [sflag:$0x3] =	stream.indirect.gather [hbm4b:s13+s30], $0x20, s6, s30, $0xb8;
	[tilespmem:$0x11AD0] =	vst v63  }
0xc3: {  	_ =	swait.ge [sflag:s20], $0x1900  }
0xc4: {  	[sflag:s20] =	ssyncset.done $0x0  }
0xc5: {  	[sflag:s20] =	ssyncadd.s32 $0xFFFFE700  }
0xc6: {  	_ =	swait.ge [sflag:s20], $0x1900  }
0xc7: {  	[sflag:s20] =	ssyncset.done $0x0  }
0xc8: {  	[sflag:s20] =	ssyncadd.s32 $0xFFFFE700  }
0xc9: {  	_ =	swait.ge [sflag:s20], $0x1900  }
0xca: {  	[sflag:s20] =	ssyncset.done $0x0  }
0xcb: {  	[sflag:s20] =	ssyncadd.s32 $0xFFFFE700  }
0xcc: {  	_ =	swait.ge [sflag:s20], $0x1900  }
0xcd: {  	[sflag:s20] =	ssyncset.done $0x0  }
0xce: {  	[sflag:s20] =	ssyncadd.s32 $0xFFFFE700  }
0xcf: {  	_ =	swait.ge [sflag:s20], $0x1900  }
0xd0: {  	[sflag:s20] =	ssyncset.done $0x0  }
0xd1: {  	s2 =	sadd.s32 s2, s29;
	[sflag:s20] =	ssyncadd.s32 $0xFFFFE700  }
0xd2: {  	s2 =	sshrl.u32 s2, $0x3;
	s4 =	rddreg [dreg:$0x2]  }
0xd3: {  	s4 =	sadd.s32 s4, s2  }
0xd4: {  	[tilespmem:s22], [sflag:$0x2] =	stream.linear.gather [hbm4b:s4+s5], $0xC8, $0x38;
	[tilespmem:$0x11AD0] =	vst v63  }
0xd5: {  	s4 =	rddreg [dreg:$0x3]  }
0xd6: {  	s4 =	sadd.s32 s4, s2  }
0xd7: {  	[tilespmem:s23], [sflag:$0x2] =	stream.linear.gather [hbm4b:s4+s5], $0xC8, $0x38;
	[tilespmem:$0x11AD0] =	vst v63  }
0xd8: {  	s4 =	rddreg [dreg:$0x4]  }
0xd9: {  	s4 =	sadd.s32 s4, s2  }
0xda: {  	[tilespmem:s24], [sflag:$0x2] =	stream.linear.gather [hbm4b:s4+s5], $0xC8, $0x38;
	[tilespmem:$0x11AD0] =	vst v63  }
0xdb: {  	s4 =	sadd.s32 s16, s2  }
0xdc: {  	[tilespmem:s25], [sflag:$0x2] =	stream.linear.gather [hbm4b:s4+s5], $0xC8, $0x38;
	[tilespmem:$0x11AD0] =	vst v63  }
0xdd: {  	s2 =	sadd.s32 s7, s2  }
0xde: {  	[tilespmem:s26], [sflag:$0x2] =	stream.linear.gather [hbm4b:s2+s5], $0xC8, $0x38;
	[tilespmem:$0x11AD0] =	vst v63  }
0xdf: {  	s2 =	simm.s32 $0x0  }
0xe0: {  	v0 =	vld [tilespmem:s2+$0x84E0]  }
0xe1: {  	v1 =	vld [tilespmem:s2+$0x9DE0]  }
0xe2: {  	v5 =	vld [tilespmem:s2+$0x84D0]  }
0xe3: {  	v6 =	vld [tilespmem:s2+$0xB6E0]  }
0xe4: {  	v7 =	vld [tilespmem:s2+$0x9DD0]  }
0xe5: {  	v8 =	vld [tilespmem:s2+$0xCFE0]  }
0xe6: {  	v2 =	vld [tilespmem:s2+$0xB6D0];
	v0 =	vadd.f32 v1, v0  }
0xe7: {  	v4 =	vld [tilespmem:s2+$0xE8E0]  }
0xe8: {  	v3 =	vld [tilespmem:s2+$0xCFD0];
	v6 =	vadd.f32 v6, v0  }
0xe9: {  	s4 =	simm.s32 $0x20;
	v1 =	vld [tilespmem:s2+$0xE8D0];
	v5 =	vadd.f32 v7, v5  }
0xea: {  	s5 =	simm.s32 $0x100;
	v0 =	vld [tilespmem:s4+$0x84E0];
	v6 =	vadd.f32 v8, v6  }
.LBB2_5:
0xeb: {  	p0 =	sne.s32 s5, $0x6380;
	v7 =	vld [tilespmem:s4+$0x9DE0];
	v2 =	vadd.f32 v2, v5  }
0xec: {  	v5 =	vld [tilespmem:s4+$0x84D0];
	v4 =	vadd.f32 v4, v6  }
0xed: {  	v6 =	vld [tilespmem:s4+$0xB6E0];
	v2 =	vadd.f32 v3, v2  }
0xee: {  	v8 =	vld [tilespmem:s4+$0x9DD0];
	[tilespmem:s2+$0x101E0] =	vst v4  }
0xef: {  	v9 =	vld [tilespmem:s4+$0xCFE0];
	v1 =	vadd.f32 v1, v2  }
.Ltmp1:
0xf0: {  	v2 =	vld [tilespmem:s4+$0xB6D0];
	v0 =	vadd.f32 v7, v0;
	(pc) =	sbr.rel @p0 .LBB2_5-.Ltmp1, $4  }
0xf1: {  	v4 =	vld [tilespmem:s4+$0xE8E0];
	[tilespmem:s2+$0x101D0] =	vst v1;
	s2 =	smov.u32 s4  }
0xf2: {  	v3 =	vld [tilespmem:s2+$0xCFD0];
	v6 =	vadd.f32 v6, v0  }
0xf3: {  	s4 =	sshra.s32 s5, $0x2;
	v5 =	vadd.f32 v8, v5;
	v1 =	vld [tilespmem:s2+$0xE8D0]  }
0xf4: {  	s5 =	sadd.s32 $0x80, s5;
	v0 =	vld [tilespmem:s4+$0x84E0];
	v6 =	vadd.f32 v9, v6  }
0xf5: {  	v7 =	vld [tilespmem:s4+$0x9DE0];
	v2 =	vadd.f32 v2, v5  }
0xf6: {  	v8 =	vld [tilespmem:s4+$0x84D0];
	v4 =	vadd.f32 v4, v6  }
0xf7: {  	v59 =	vld [tilespmem:s4+$0xB6E0];
	v2 =	vadd.f32 v3, v2  }
0xf8: {  	v60 =	vld [tilespmem:s4+$0x9DD0];
	[tilespmem:s2+$0x101E0] =	vst v4  }
0xf9: {  	v61 =	vld [tilespmem:s4+$0xCFE0];
	v1 =	vadd.f32 v1, v2  }
0xfa: {  	v62 =	vld [tilespmem:s4+$0xB6D0]  }
0xfb: {  	v4 =	vld [tilespmem:s4+$0xE8E0];
	[tilespmem:s2+$0x101D0] =	vst v1  }
0xfc: {  	v0 =	vadd.f32 v7, v0;
	v1 =	vld [tilespmem:s4+$0xCFD0]  }
0xfd: {  	v6 =	vadd.f32 v60, v8  }
0xfe: {  	v0 =	vadd.f32 v59, v0;
	v63 =	vld [tilespmem:s4+$0xE8D0]  }
0xff: {  	v2 =	vadd.f32 v62, v6  }
0x100: {  	v0 =	vadd.f32 v61, v0  }
0x101: {  	s5 =	rddreg [dreg:$0x9];
	v1 =	vadd.f32 v1, v2  }
0x102: {  	s2 =	sadd.s32 s3, s5;
	v0 =	vadd.f32 v4, v0  }
0x103: {  	s8 =	sadd.s32 $0x1, s8;
	s2 =	sshll.u32 s2, $0x2;
	v1 =	vadd.f32 v63, v1  }
0x104: {  	p0 =	sne.s32 s8, $0x19;
	s2 =	sand.u32 $0x1FFFFFE0, s2;
	[tilespmem:s4+$0x101E0] =	vst v0  }
.Ltmp2:
0x105: {  	s5 =	simm.s32 $0x0;
	s2 =	sadd.s32 s14, s2;
	[tilespmem:s4+$0x101D0] =	vst v1;
	(pc) =	sbr.rel @p0 .LBB2_2-.Ltmp2, $4  }
0x106: {  	[hbm4b:s2+s5] =	stream.linear.scatter [tilespmem:s19], [sflag:$0x5], $0x1900, $0x38;
	[tilespmem:$0x11AD0] =	vst v63  }
0x107: {  	_ =	swait.ge [sflag:s21], $0x1900  }
0x108: {  	[sflag:s21] =	ssyncset.done $0x0  }
0x109: {  	[sflag:s21] =	ssyncadd.s32 $0xFFFFE700  }
0x10a: {  	_ =	swait.ge [sflag:s17], $0x1900  }
0x10b: {  	[sflag:s17] =	ssyncset.done $0x0  }
0x10c: {  	[sflag:s17] =	ssyncadd.s32 $0xFFFFE700  }
0x10d: {  	_ =	swait.ge [sflag:s17], $0x1900  }
0x10e: {  	[sflag:s17] =	ssyncset.done $0x0  }
0x10f: {  	[sflag:s17] =	ssyncadd.s32 $0xFFFFE700  }
0x110: {  	_ =	swait.ge [sflag:s17], $0x1900  }
0x111: {  	[sflag:s17] =	ssyncset.done $0x0  }
0x112: {  	[sflag:s17] =	ssyncadd.s32 $0xFFFFE700  }
0x113: {  	_ =	swait.ge [sflag:s17], $0x1900  }
0x114: {  	[sflag:s17] =	ssyncset.done $0x0  }
0x115: {  	[sflag:s17] =	ssyncadd.s32 $0xFFFFE700  }
0x116: {  	_ =	swait.ge [sflag:s17], $0x1900  }
0x117: {  	[sflag:s17] =	ssyncset.done $0x0  }
0x118: {  	[sflag:s17] =	ssyncadd.s32 $0xFFFFE700  }
0x119: {  	_ =	swait.ge [sflag:s18], $0xC8  }
0x11a: {  	[sflag:s18] =	ssyncset.done $0x0  }
0x11b: {  	[sflag:s18] =	ssyncadd.s32 $0xFFFFFF38  }
0x11c: {  	_ =	swait.ge [sflag:s18], $0xC8  }
0x11d: {  	[sflag:s18] =	ssyncset.done $0x0  }
0x11e: {  	[sflag:s18] =	ssyncadd.s32 $0xFFFFFF38  }
0x11f: {  	_ =	swait.ge [sflag:s18], $0xC8  }
0x120: {  	[sflag:s18] =	ssyncset.done $0x0  }
0x121: {  	[sflag:s18] =	ssyncadd.s32 $0xFFFFFF38  }
0x122: {  	_ =	swait.ge [sflag:s18], $0xC8  }
0x123: {  	[sflag:s18] =	ssyncset.done $0x0  }
0x124: {  	[sflag:s18] =	ssyncadd.s32 $0xFFFFFF38  }
0x125: {  	_ =	swait.ge [sflag:s18], $0xC8  }
0x126: {  	s3 =	rddreg [dreg:$0x14]  }
0x127: {  	s2 =	rddreg [dreg:$0x13];
	s3 =	sadd.s32 $0x1, s3  }
0x128: {  	p0 =	sne.s32 s3, s2  }
.Ltmp3:
0x129: {  	_ = 	snop;
	(pc) =	sbr.rel @p0 .LBB2_1-.Ltmp3, $3  }
0x12a: {  	_ =	sdelay $0x1  }
0x12b: {  	[sflag:s18] =	ssyncset.done $0x0  }
0x12c: {  	[sflag:s18] =	ssyncadd.s32 $0xFFFFFF38  }
0x12d: {  	_ =	sfence.sel $0x180000  }
0x12e: {  	[bflag:$0x0] =	sbarrier.arrive $0xFFFF  }
0x12f: {  	_ =	strace $0x90000047  }
0x130: {  	s0 =	stileid.u32;
	[bflag:$0x2] =	sbarrier.arrive $0xFFFF  }
0x131: {  	p0 =	sne.s32 s0, $0x0;
	s0 =	rddreg [dreg:$0x7]  }
0x132: {  	s0 =	sadd.s32 @!p0 $0x100000, s0  }
0x133: {  	[sflag:s0] =	ssyncadd.tile.s32 @!p0 $0x1;
	_ =	shalt  }
.Lfunc_end2:
_tile_overlayer_lowered:
.L_overlay_start_2:
0x134: {  	(tag) =	ssettag $0x2  }
0x135: {  	s0 =	rddreg [dreg:$0x0];
	s2 =	stileid.u32  }
0x136: {  	s1 =	rddreg [dreg:$0x1];
	p0 =	sne.s32 s2, $0x0  }
0x137: {  	s3 =	rddreg [dreg:$0x2];
	[bflag:$0x3] =	sbarrier.arrive $0xFFFF;
	s2 =	simm.s32 @!p0 $0x1C05  }
0x138: {  	[timem:s3], [sflag:s2] =	dma.local @!p0 [hbm:s0], s1  }
0x139: {  	s0 =	simm.s32 @!p0 $0x5  }
0x13a: {  	_ =	swait.ge @!p0 [sflag:s0], s1  }
0x13b: {  	s1 =	ssub.s32 @!p0 $0x0, s1;
	[sflag:s0] =	ssyncset.done @!p0 $0x0  }
0x13c: {  	[sflag:s0] =	ssyncadd.s32 @!p0 s1  }
0x13d: {  	[bflag:$0x3] =	sbarrier.arrive $0xFFFF  }
0x13e: {  	_ =	shalt  }

// kernel: kernel.16.cloned.1.call-start
scs
__scs_entry_jumppad:
0x0: {  	(pc) =	sbr.rel $0x88, $3  }
0x1: {  	(tag) =	ssettag $0x0;
	lr =	simm.s32 $0x1  }
0x2: {  	[smem:$0x3F8C] =	sst lr;
	_ =	strace $0xD0000000  }
0x3: {  	_ = 	snop  }
0x4: {  	_ = 	snop  }
0x5: {  	_ = 	snop  }
0x6: {  	_ = 	snop  }
0x7: {  	_ = 	snop  }
__scs_overlays_trampoline_lowered:
0x8: {  	[smem:$0x3F9B] =	sst s0  }
0x9: {  	[smem:$0x3F9C] =	sst s1  }
0xa: {  	[smem:$0x3F9D] =	sst s2  }
0xb: {  	[smem:$0x3F9E] =	sst s3  }
0xc: {  	[smem:$0x3F9F] =	sst s4  }
0xd: {  	[smem:$0x3FA0] =	sst s5  }
0xe: {  	[smem:$0x3FA1] =	sst s6  }
0xf: {  	[smem:$0x3FA2] =	sst s7  }
0x10: {  	[smem:$0x3FA3] =	sst s8  }
0x11: {  	[smem:$0x3FA4] =	sst s9;
	s0 =	simm.s32 @!p0 $0x0  }
0x12: {  	s1 =	sld [smem:$0x3F8A];
	s0 =	simm.s32 @p0 $0x1  }
0x13: {  	[smem:$0x3FA5] =	sst s0;
	s0 =	simm.s32 @!p1 $0x0  }
0x14: {  	s2 =	sld [smem:$0x3F89];
	s0 =	simm.s32 @p1 $0x1  }
0x15: {  	[smem:$0x3FA6] =	sst s0;
	s0 =	simm.s32 @!p2 $0x0  }
0x16: {  	s3 =	sld [smem:$0x3FDB];
	s0 =	simm.s32 @p2 $0x1  }
0x17: {  	s4 =	simm.s32 $0x1BF5;
	[smem:$0x3FA8] =	sst s0  }
0x18: {  	s0 =	sld [smem:$0x3F8B];
	_ =	swait.ge [sflag:s4], $0x0  }
0x19: {  	s7 =	sld [smem:$0x3F8C]  }
0x1a: {  	s8 =	sadd.s32 $0xFFFFE003, lr  }
0x1b: {  	s9 =	sadd.s32 $0xFFFFFEF7, lr;
	s5 =	simm.s32 $0xFFFFFFFF;
	p2 =	slt.u32 s8, $0xFFFFF086  }
0x1c: {  	p1 =	slt.u32 s9, $0xF7A;
	s5 =	simm.s32 @!p2 $0x0  }
0x1d: {  	s5 =	simm.s32 @p1 $0x1;
	p0 =	seq.s32 s7, s2  }
0x1e: {  	s7 =	smul.u32 @!p0 $0xF7A, s2;
	p2 =	seq.s32 @!p0 s5, $0x0  }
0x1f: {  	s9 =	smul.u32 $0xF7A, s1;
	s8 =	simm.s32 @!p0 $0x1BF5;
	p2 =	por !p2, p0  }
0x20: {  	[sflag:s8] =	ssyncset.s32 @!p0 $0xFFFFF086;
	s6 =	sadd.s32 @!p0 s3, s7;
	s7 =	simm.s32 @!p0 $0x108  }
0x21: {  	s3 =	sadd.s32 s3, s9;
	s6 =	sadd.s32 @!p0 $0x88, s6;
	s7 =	simm.s32 @p2 $0x1082  }
0x22: {  	[simem:s7], [sflag:s8] =	dma.local @!p0 [hbm:s6], $0xF7A  }
0x23: {  	s9 =	sor.u32 $0xD0000000, s2;
	s6 =	simm.s32 $0x108;
	_ =	swait.ge @!p0 [sflag:s8], $0x0  }
0x24: {  	s3 =	sadd.s32 $0x88, s3;
	s6 =	simm.s32 @!p1 $0x1082;
	[sflag:s4] =	ssyncset.s32 $0xFFFFF086  }
0x25: {  	[simem:s6], [sflag:s4] =	dma.local [hbm:s3], $0xF7A  }
0x26: {  	[smem:$0x3F8C] =	sst s1;
	(tag) =	ssettag s2;
	_ =	strace s9  }
0x27: {  	s1 =	sld [smem:$0x3F9C]  }
0x28: {  	s2 =	sld [smem:$0x3F9D]  }
0x29: {  	s4 =	sld [smem:$0x3F9F]  }
0x2a: {  	p0 =	seq.s32 s5, $0x0;
	s5 =	sld [smem:$0x3FA0]  }
0x2b: {  	s6 =	sld [smem:$0x3FA1]  }
0x2c: {  	s7 =	sld [smem:$0x3FA2]  }
0x2d: {  	s3 =	simm.s32 $0x108;
	s8 =	sld [smem:$0x3FA3]  }
0x2e: {  	s3 =	simm.s32 @!p0 $0x1082;
	s9 =	sld [smem:$0x3FA4]  }
0x2f: {  	lr =	sadd.s32 s0, s3;
	s0 =	sld [smem:$0x3F9B]  }
0x30: {  	s3 =	sld [smem:$0x3F9E]  }
0x31: {  	[smem:$0x3FA7] =	sst s10  }
0x32: {  	s10 =	sld [smem:$0x3FA5];
	_ =	sdelay $0x3  }
0x33: {  	p0 =	seq.s32 s10, $0x1;
	s10 =	sld [smem:$0x3FA7];
	_ =	sdelay $0x3  }
0x34: {  	[smem:$0x3FA7] =	sst s10  }
0x35: {  	s10 =	sld [smem:$0x3FA6];
	_ =	sdelay $0x3  }
0x36: {  	p1 =	seq.s32 s10, $0x1;
	s10 =	sld [smem:$0x3FA7];
	_ =	sdelay $0x3  }
0x37: {  	[smem:$0x3FA7] =	sst s10  }
0x38: {  	s10 =	sld [smem:$0x3FA8]  }
0x39: {  	_ = 	snop;
	(pc) =	sbr.ind lr, $3  }
0x3a: {  	_ = 	snop  }
0x3b: {  	_ = 	snop  }
0x3c: {  	p2 =	seq.s32 s10, $0x1;
	s10 =	sld [smem:$0x3FA7]  }
0x3d: {  	_ =	shalt  }
0x3e: {  	_ =	shalt  }
0x3f: {  	_ =	shalt  }
0x40: {  	_ =	shalt  }
0x41: {  	_ =	shalt  }
0x42: {  	_ =	shalt  }
0x43: {  	_ =	shalt  }
0x44: {  	_ =	shalt  }
0x45: {  	_ =	shalt  }
0x46: {  	_ =	shalt  }
0x47: {  	_ =	shalt  }
0x48: {  	_ =	shalt  }
0x49: {  	_ =	shalt  }
0x4a: {  	_ =	shalt  }
0x4b: {  	_ =	shalt  }
0x4c: {  	_ =	shalt  }
0x4d: {  	_ =	shalt  }
0x4e: {  	_ =	shalt  }
0x4f: {  	_ =	shalt  }
0x50: {  	_ =	shalt  }
0x51: {  	_ =	shalt  }
0x52: {  	_ =	shalt  }
0x53: {  	_ =	shalt  }
0x54: {  	_ =	shalt  }
0x55: {  	_ =	shalt  }
0x56: {  	_ =	shalt  }
0x57: {  	_ =	shalt  }
0x58: {  	_ =	shalt  }
0x59: {  	_ =	shalt  }
0x5a: {  	_ =	shalt  }
0x5b: {  	_ =	shalt  }
0x5c: {  	_ =	shalt  }
0x5d: {  	_ =	shalt  }
0x5e: {  	_ =	shalt  }
0x5f: {  	_ =	shalt  }
0x60: {  	_ =	shalt  }
0x61: {  	_ =	shalt  }
0x62: {  	_ =	shalt  }
0x63: {  	_ =	shalt  }
0x64: {  	_ =	shalt  }
0x65: {  	_ =	shalt  }
0x66: {  	_ =	shalt  }
0x67: {  	_ =	shalt  }
0x68: {  	_ =	shalt  }
0x69: {  	_ =	shalt  }
0x6a: {  	_ =	shalt  }
0x6b: {  	_ =	shalt  }
0x6c: {  	_ =	shalt  }
0x6d: {  	_ =	shalt  }
0x6e: {  	_ =	shalt  }
0x6f: {  	_ =	shalt  }
0x70: {  	_ =	shalt  }
0x71: {  	_ =	shalt  }
0x72: {  	_ =	shalt  }
0x73: {  	_ =	shalt  }
0x74: {  	_ =	shalt  }
0x75: {  	_ =	shalt  }
0x76: {  	_ =	shalt  }
0x77: {  	_ =	shalt  }
0x78: {  	_ =	shalt  }
0x79: {  	_ =	shalt  }
0x7a: {  	_ =	shalt  }
0x7b: {  	_ =	shalt  }
0x7c: {  	_ =	shalt  }
0x7d: {  	_ =	shalt  }
0x7e: {  	_ =	shalt  }
0x7f: {  	_ =	shalt  }
0x80: {  	_ =	shalt  }
0x81: {  	_ =	shalt  }
0x82: {  	_ =	shalt  }
0x83: {  	_ =	shalt  }
0x84: {  	_ =	shalt  }
0x85: {  	_ =	shalt  }
0x86: {  	_ =	shalt  }
0x87: {  	_ =	shalt  }
.Lfunc_end0:
.L_simem_size_0:
called_computation.1_lowered:
.L_overlay_start_0:
0x88: {  	s2 =	sld [smem:$0x3FD9]  }
0x89: {  	s3 =	sld [smem:$0x3FFE];
	_ =	sdelay $0x1  }
0x8a: {  	s1 =	srdreg.scid  }
0x8b: {  	s0 =	sand.u32 $0x1, s1  }
0x8c: {  	s17 =	sshll.u32 s0, $0xA;
	s2 =	sadd.s32 s3, s2  }
0x8d: {  	s2 =	sadd.s32 s2, s17  }
0x8e: {  	[smem:$0x3FB3] =	sst s2  }
0x8f: {  	_ = 	snop  }
0x90: {  	s18 =	sld [smem:$0x3FC9]  }
0x91: {  	s4 =	sld [smem:$0x3FC7]  }
0x92: {  	s5 =	sld [smem:$0x3FC6];
	(tm) =	ssettm $0x1  }
0x93: {  	s19 =	sld [smem:$0x3FFB];
	_ =	sdelay $0x3  }
0x94: {  	_ =	strace s19  }
0x95: {  	s2 =	sld [smem:$0x3FFC];
	_ =	sdelay $0x3  }
0x96: {  	_ =	strace s2  }
0x97: {  	s2 =	sld [smem:$0x3FFD];
	_ =	sdelay $0x3  }
0x98: {  	_ =	strace s2  }
0x99: {  	_ =	strace $0x8FFFFFFF  }
0x9a: {  	s20 =	sld [smem:$0x3FDB];
	_ =	sdelay $0x1  }
0x9b: {  	s6 =	simm.s32 $_scs_section_size  }
0x9c: {  	s7 =	simm.s32 $_size__tile_overlayer_lowered;
	s8 =	simm.s32 $_tile_overlayer_lowered  }
0x9d: {  	s9 =	simm.s32 $0x1BFF;
	s21 =	sshll.u32 s8, $0x1;
	s6 =	sadd.s32 s6, s20  }
0x9e: {  	s22 =	simm.s32 $0x0;
	s7 =	sshll.u32 s7, $0x1;
	s8 =	sadd.s32 s21, s6  }
0x9f: {  	[timem:s22], [sflag:s9] =	dma.local [hbm:s8], s7  }
0xa0: {  	_ =	swait.ge [sflag:s9], s7  }
0xa1: {  	s7 =	ssub.s32 $0x0, s7;
	[sflag:s9] =	ssyncset.done $0x0  }
0xa2: {  	[sflag:s9] =	ssyncadd.s32 s7;
	_ =	sdelay $0x1  }
0xa3: {  	s23 =	simm.s32 $0x1B8B  }
0xa4: {  	_ =	swait.ge [sflag:s23], $0x1  }
0xa5: {  	[sflag:s23] =	ssyncset.done $0x0  }
0xa6: {  	[sflag:s23] =	ssyncadd.s32 $0xFFFFFFFF  }
0xa7: {  	s7 =	sld [smem:$0x0]  }
0xa8: {  	s8 =	sand.u32 $0xFFFFFFFE, s1  }
0xa9: {  	p0 =	sne.s32 s1, s8  }
0xaa: {  	s8 =	sshll.u32 @p0 s8, $0xE  }
0xab: {  	s8 =	sadd.s32 @p0 $0x11B8D, s8;
	s9 =	sshll.u32 @p0 s7, $0x11  }
0xac: {  	s8 =	sor.u32 @p0 s9, s8  }
0xad: {  	[sflag:s8] =	ssyncadd.remote.s32 @p0 $0x1;
	_ =	sdelay $0x1  }
0xae: {  	s8 =	simm.s32 @p0 $0x1B8D  }
0xaf: {  	_ =	swait.eq @p0 [sflag:s8], $0x1  }
0xb0: {  	[sflag:s8] =	ssyncadd.s32 @p0 $0xFFFFFFFF  }
0xb1: {  	s9 =	sshll.u32 @!p0 s1, $0xE  }
0xb2: {  	s9 =	sor.u32 @!p0 $0x4000, s9;
	s8 =	simm.s32 @!p0 $0x1B8D  }
0xb3: {  	s7 =	sshll.u32 @!p0 s7, $0x11;
	s9 =	sadd.s32 @!p0 $0x11B8D, s9;
	_ =	swait.eq @!p0 [sflag:s8], $0x1  }
0xb4: {  	s7 =	sor.u32 @!p0 s7, s9;
	[sflag:s8] =	ssyncadd.s32 @!p0 $0xFFFFFFFF  }
0xb5: {  	s25 =	simm.s32 $0x1B8E;
	s24 =	sld [smem:$0x3FFE];
	[sflag:s7] =	ssyncadd.remote.s32 @!p0 $0x1  }
0xb6: {  	s26 =	simm.s32 $execute0_lowered;
	[smem:$0x3FD2] =	sst s25  }
0xb7: {  	s8 =	sshll.u32 s26, $0x1;
	_ =	strace $0x80000049;
	[dreg:$0x1] =	wrdreg $0xFFFFFFFF  }
0xb8: {  	s28 =	simm.s32 $_size_execute0_lowered;
	s6 =	sadd.s32 s6, s8;
	[dreg:$0x0] =	wrdreg $0x0  }
0xb9: {  	s8 =	sshll.u32 s28, $0x1;
	[dreg:$0x2] =	wrdreg s6  }
0xba: {  	[dreg:$0x3] =	wrdreg s8  }
0xbb: {  	[dreg:$0x4] =	wrdreg $0xC0  }
0xbc: {  	_ =	task [dreg:s22], $0x5FFFF  }
0xbd: {  	[dreg:$0x1] =	wrdreg $0xFFFFFFFF  }
0xbe: {  	[dreg:$0x0] =	wrdreg $0x60  }
0xbf: {  	[dreg:$0x2] =	wrdreg s18  }
0xc0: {  	[dreg:$0x3] =	wrdreg s4  }
0xc1: {  	[dreg:$0x4] =	wrdreg s5  }
0xc2: {  	[dreg:$0x5] =	wrdreg s24  }
0xc3: {  	[dreg:$0x6] =	wrdreg $0x9  }
0xc4: {  	_ =	task.clear_ibuf [dreg:s22], $0x7FFFF;
	_ =	strace $0x90000049  }
0xc5: {  	s29 =	simm.s32 $0x9;
	_ =	strace $0x8000004B  }
0xc6: {  	_ =	swait.ge [sflag:s29], $0x1  }
0xc7: {  	[sflag:s29] =	ssyncadd.s32 $0xFFFFFFFF  }
0xc8: {  	_ =	strace $0x9000004B  }
0xc9: {  	_ =	sfence  }
0xca: {  	s30 =	sld [smem:$0x0];
	_ =	sdelay $0x2  }
0xcb: {  	s31 =	sshll.u32 s1, $0xD;
	s1 =	sshrl.u32 s1, $0x2  }
0xcc: {  	s4 =	sand.u32 $0x4000, s31;
	s1 =	sadd.s32 s1, s30  }
0xcd: {  	s0 =	sor.u32 s4, s0;
	s1 =	sshll.u32 s1, $0x11  }
0xce: {  	s0 =	sor.u32 s1, s0  }
0xcf: {  	s0 =	sadd.s32 $0x8F2B, s0  }
0xd0: {  	[sflag:s0] =	ssyncadd.remote.s32 $0x1  }
0xd1: {  	_ =	sfence.sel $0xFFFF  }
0xd2: {  	[dreg:$0x0] =	wrdreg $0xFFFFFFFF;
	(pc) =	sbr.abs _section_cstart, $3  }
0xd3: {  	[dreg:$0x1] =	wrdreg $0xFFFFFFFF  }
0xd4: {  	_ =	task.clear_ibuf [dreg:s22], $0x2FFFF;
	_ =	strace $0x9FFFFFFF  }
0xd5: {  	(tm) =	ssettm $0x7FFFFFFF  }
tec
execute0_lowered:
.L_overlay_start_1:
0x0: {  	(tag) =	ssettag $0x1  }
0x1: {  	s1 =	rddreg [dreg:$0x0]  }
0x2: {  	s2 =	rddreg [dreg:$0x1]  }
0x3: {  	s4 =	rddreg [dreg:$0x2];
	s0 =	srdreg.scid  }
0x4: {  	s5 =	stileid.u32;
	s3 =	rddreg [dreg:$0x3]  }
0x5: {  	s17 =	simm.s32 $0x50;
	s18 =	simm.s32 $0x1;
	s19 =	simm.s32 $0x140  }
0x6: {  	s20 =	simm.s32 $0x2940;
	s28 =	simm.s32 $0xA140;
	s29 =	simm.s32 $0x5  }
0x7: {  	s30 =	simm.s32 $0x4;
	s0 =	sand.u32 $0x1, s0;
	s6 =	sshll.u32 s5, $0x1  }
0x8: {  	s31 =	simm.s32 $0x0;
	s5 =	simm.s32 $0x0;
	s8 =	sor.u32 s0, s6  }
0x9: {  	s7 =	sadd.s32 $0x769C00, s3;
	s0 =	ssub.s32 $0x2, s0;
	s6 =	smul.u32 $0x2710, s8  }
0xa: {  	[smem:$0x7FF] =	sst s5;
	s21 =	sshrl.u32 s0, $0x1;
	s8 =	smul.u32 $0x138800, s8  }
0xb: {  	_ =	strace $0x8000004A;
	s0 =	ssub.s32 s0, s21;
	s21 =	simm.s32 $0xA0  }
0xc: {  	s10 =	sshrl.u32 s6, $0x3;
	s9 =	sadd.s32 $0x50, s6;
	s8 =	sshrl.u32 s8, $0x3  }
0xd: {  	s13 =	sadd.s32 $0xA0, s6;
	s14 =	sadd.s32 $0xF0, s6;
	s22 =	sadd.s32 s2, s10  }
0xe: {  	s16 =	smax.u32 s0, $0x1;
	s23 =	sadd.s32 s4, s10;
	[dreg:$0x5] =	wrdreg s22  }
0xf: {  	s24 =	sshrl.u32 s9, $0x3;
	s26 =	sadd.s32 s7, s8;
	[dreg:$0x6] =	wrdreg s23  }
0x10: {  	s25 =	sadd.s32 s2, s24;
	s12 =	sadd.s32 s4, s24;
	s15 =	sadd.s32 $0x26C00, s26  }
0x11: {  	s22 =	simm.s32 $0xF0;
	s23 =	simm.s32 $0x3;
	s24 =	simm.s32 $0x2  }
0x12: {  	s26 =	simm.s32 $0x7940;
	[dreg:$0x7] =	wrdreg s25;
	s25 =	simm.s32 $0x5140  }
.LBB2_1:
0x13: {  	s0 =	rddreg [dreg:$0x5]  }
0x14: {  	[tilespmem:s5], [sflag:$0x1] =	stream.linear.gather [hbm4b:s0+s5], $0x50, $0x38;
	[tilespmem:$0xC940] =	vst v63  }
0x15: {  	s10 =	rddreg [dreg:$0x6]  }
0x16: {  	[tilespmem:s17], [sflag:$0x1] =	stream.linear.gather [hbm4b:s10+s5], $0x50, $0x38;
	[tilespmem:$0xC940] =	vst v63  }
0x17: {  	_ =	swait.ge [sflag:s18], $0x50  }
0x18: {  	[sflag:s18] =	ssyncset.done $0x0  }
0x19: {  	[sflag:s18] =	ssyncadd.s32 $0xFFFFFFB0  }
0x1a: {  	_ =	swait.ge [sflag:s18], $0x50  }
0x1b: {  	[sflag:s18] =	ssyncset.done $0x0  }
0x1c: {  	[sflag:s18] =	ssyncadd.s32 $0xFFFFFFB0  }
0x1d: {  	[tilespmem:s19], [sflag:$0x3] =	stream.indirect.gather [hbm4b:s1+s17], $0x80, s5, s17, $0xb8;
	[tilespmem:$0xC940] =	vst v63  }
0x1e: {  	_ = 	snop  }
0x1f: {  	[tilespmem:s20], [sflag:$0x3] =	stream.indirect.gather [hbm4b:s1+s17], $0x80, s17, s17, $0xb8;
	[tilespmem:$0xC940] =	vst v63  }
0x20: {  	s11 =	rddreg [dreg:$0x7]  }
0x21: {  	[tilespmem:s21], [sflag:$0x2] =	stream.linear.gather [hbm4b:s11+s5], $0x50, $0x38;
	[tilespmem:$0xC940] =	vst v63  }
0x22: {  	s3 =	simm.s32 $0x0  }
0x23: {  	[tilespmem:s22], [sflag:$0x2] =	stream.linear.gather [hbm4b:s12+s5], $0x50, $0x38;
	[tilespmem:$0xC940] =	vst v63  }
.LBB2_2:
0x24: {  	_ =	swait.ge [sflag:s23], $0x2800  }
0x25: {  	s0 =	smul.u32 $0xA0, s3;
	[sflag:s23] =	ssyncset.done $0x0  }
0x26: {  	[sflag:s23] =	ssyncadd.s32 $0xFFFFD800  }
0x27: {  	s8 =	sadd.s32 s0, s13;
	_ =	swait.ge [sflag:s23], $0x2800  }
0x28: {  	s8 =	sshrl.u32 s8, $0x3;
	[sflag:s23] =	ssyncset.done $0x0  }
0x29: {  	s11 =	simm.s32 $0x0;
	s10 =	sadd.s32 s2, s8;
	[sflag:s23] =	ssyncadd.s32 $0xFFFFD800  }
0x2a: {  	[tilespmem:s11], [sflag:$0x1] =	stream.linear.gather [hbm4b:s10+s11], $0x50, $0x38;
	[tilespmem:$0xC940] =	vst v63  }
0x2b: {  	s8 =	sadd.s32 s4, s8  }
0x2c: {  	[tilespmem:s17], [sflag:$0x1] =	stream.linear.gather [hbm4b:s8+s11], $0x50, $0x38;
	[tilespmem:$0xC940] =	vst v63  }
0x2d: {  	_ =	swait.ge [sflag:s24], $0x50  }
0x2e: {  	[sflag:s24] =	ssyncset.done $0x0  }
0x2f: {  	[sflag:s24] =	ssyncadd.s32 $0xFFFFFFB0  }
0x30: {  	_ =	swait.ge [sflag:s24], $0x50  }
0x31: {  	[sflag:s24] =	ssyncset.done $0x0  }
0x32: {  	[sflag:s24] =	ssyncadd.s32 $0xFFFFFFB0  }
0x33: {  	[tilespmem:s25], [sflag:$0x4] =	stream.indirect.gather [hbm4b:s1+s17], $0x80, s21, s17, $0xb8;
	[tilespmem:$0xC940] =	vst v63  }
0x34: {  	s8 =	simm.s32 $0x0  }
0x35: {  	[tilespmem:s26], [sflag:$0x4] =	stream.indirect.gather [hbm4b:s1+s17], $0x80, s22, s17, $0xb8;
	[tilespmem:$0xC940] =	vst v63  }
0x36: {  	v0 =	vld [tilespmem:s8+$0x1B0]  }
0x37: {  	v1 =	vld [tilespmem:s8+$0x29B0]  }
0x38: {  	v2 =	vld [tilespmem:s8+$0x140]  }
0x39: {  	v3 =	vld [tilespmem:s8+$0x2940]  }
0x3a: {  	v4 =	vld [tilespmem:s8+$0x150]  }
0x3b: {  	v5 =	vld [tilespmem:s8+$0x2950]  }
0x3c: {  	v6 =	vld [tilespmem:s8+$0x160]  }
0x3d: {  	v7 =	vld [tilespmem:s8+$0x170]  }
0x3e: {  	v0 =	vmul.f32 v1, v0;
	v1 =	vld [tilespmem:s8+$0x2960]  }
0x3f: {  	v8 =	vld [tilespmem:s8+$0x2970]  }
0x40: {  	v9 =	vld [tilespmem:s8+$0x2980];
	v2 =	vmul.f32 v3, v2  }
0x41: {  	[tilespmem:s8+$0xA1B0] =	vst v0;
	v0 =	vmul.f32 v5, v4;
	v5 =	vld [tilespmem:s8+$0x180]  }
0x42: {  	v3 =	vld [tilespmem:s8+$0x2990];
	[tilespmem:s8+$0xA140] =	vst v2  }
0x43: {  	v2 =	vld [tilespmem:s8+$0x190];
	[tilespmem:s8+$0xA150] =	vst v0;
	v0 =	vmul.f32 v1, v6  }
0x44: {  	v4 =	vld [tilespmem:s8+$0x29A0];
	v6 =	vmul.f32 v8, v7  }
0x45: {  	s10 =	simm.s32 $0x80;
	[tilespmem:s8+$0xA160] =	vst v0;
	v0 =	vld [tilespmem:s8+$0x1A0]  }
0x46: {  	s11 =	simm.s32 $0x400;
	v5 =	vmul.f32 v9, v5;
	v1 =	vld [tilespmem:s10+$0x1B0];
	[tilespmem:s8+$0xA170] =	vst v6  }
.LBB2_3:
0x47: {  	p0 =	sne.s32 s11, $0x9E00;
	v6 =	vld [tilespmem:s10+$0x29B0]  }
0x48: {  	v7 =	vld [tilespmem:s10+$0x140];
	[tilespmem:s8+$0xA180] =	vst v5;
	v2 =	vmul.f32 v3, v2  }
0x49: {  	v3 =	vld [tilespmem:s10+$0x2940]  }
0x4a: {  	v5 =	vld [tilespmem:s10+$0x150];
	[tilespmem:s8+$0xA190] =	vst v2;
	v0 =	vmul.f32 v4, v0  }
0x4b: {  	v2 =	vld [tilespmem:s10+$0x2950]  }
0x4c: {  	v4 =	vld [tilespmem:s10+$0x160];
	v1 =	vmul.f32 v6, v1;
	[tilespmem:s8+$0xA1A0] =	vst v0;
	s8 =	smov.u32 s10  }
0x4d: {  	v0 =	vld [tilespmem:s8+$0x2960]  }
0x4e: {  	v3 =	vmul.f32 v3, v7;
	v6 =	vld [tilespmem:s8+$0x170];
	[tilespmem:s8+$0xA1B0] =	vst v1  }
0x4f: {  	v1 =	vld [tilespmem:s8+$0x2970]  }
0x50: {  	[tilespmem:s8+$0xA140] =	vst v3;
	v2 =	vmul.f32 v2, v5;
	v5 =	vld [tilespmem:s8+$0x180]  }
0x51: {  	v7 =	vld [tilespmem:s8+$0x2980]  }
.Ltmp0:
0x52: {  	[tilespmem:s8+$0xA150] =	vst v2;
	v0 =	vmul.f32 v0, v4;
	v2 =	vld [tilespmem:s8+$0x190];
	(pc) =	sbr.rel @p0 .LBB2_3-.Ltmp0, $4  }
0x53: {  	v3 =	vld [tilespmem:s8+$0x2990]  }
0x54: {  	[tilespmem:s8+$0xA160] =	vst v0;
	v6 =	vmul.f32 v1, v6;
	v0 =	vld [tilespmem:s8+$0x1A0]  }
0x55: {  	s10 =	sshra.s32 s11, $0x2;
	v4 =	vld [tilespmem:s8+$0x29A0]  }
0x56: {  	s11 =	sadd.s32 $0x200, s11;
	v1 =	vld [tilespmem:s10+$0x1B0];
	[tilespmem:s8+$0xA170] =	vst v6;
	v5 =	vmul.f32 v7, v5  }
0x57: {  	v6 =	vld [tilespmem:s10+$0x29B0]  }
0x58: {  	v7 =	vld [tilespmem:s10+$0x140];
	[tilespmem:s8+$0xA180] =	vst v5;
	v2 =	vmul.f32 v3, v2  }
0x59: {  	v3 =	vld [tilespmem:s10+$0x2940]  }
0x5a: {  	v5 =	vld [tilespmem:s10+$0x150];
	[tilespmem:s8+$0xA190] =	vst v2;
	v0 =	vmul.f32 v4, v0  }
0x5b: {  	v2 =	vld [tilespmem:s10+$0x2950]  }
0x5c: {  	v4 =	vld [tilespmem:s10+$0x160];
	[tilespmem:s8+$0xA1A0] =	vst v0  }
0x5d: {  	v0 =	vmul.f32 v6, v1;
	v1 =	vld [tilespmem:s10+$0x2960]  }
0x5e: {  	v6 =	vld [tilespmem:s10+$0x170]  }
0x5f: {  	v3 =	vmul.f32 v3, v7;
	[tilespmem:s10+$0xA1B0] =	vst v0;
	v0 =	vld [tilespmem:s10+$0x2970]  }
0x60: {  	v7 =	vld [tilespmem:s10+$0x29A0]  }
0x61: {  	[tilespmem:s10+$0xA140] =	vst v3;
	v2 =	vmul.f32 v2, v5;
	v3 =	vld [tilespmem:s10+$0x180]  }
0x62: {  	v5 =	vld [tilespmem:s10+$0x2980]  }
0x63: {  	[tilespmem:s10+$0xA150] =	vst v2;
	v1 =	vmul.f32 v1, v4;
	v2 =	vld [tilespmem:s10+$0x190]  }
0x64: {  	v4 =	vld [tilespmem:s10+$0x2990]  }
0x65: {  	[tilespmem:s10+$0xA160] =	vst v1;
	v1 =	vld [tilespmem:s10+$0x1A0];
	_ =	sdelay $0x1  }
0x66: {  	v0 =	vmul.f32 v0, v6  }
0x67: {  	v3 =	vmul.f32 v5, v3  }
0x68: {  	[tilespmem:s10+$0xA170] =	vst v0;
	v0 =	vmul.f32 v4, v2  }
0x69: {  	s11 =	sadd.s32 s6, s0;
	[tilespmem:s10+$0xA180] =	vst v3;
	v1 =	vmul.f32 v7, v1  }
0x6a: {  	s8 =	sshll.u32 s11, $0x4;
	[tilespmem:s10+$0xA190] =	vst v0  }
0x6b: {  	s8 =	sadd.s32 s7, s8;
	[tilespmem:s10+$0xA1A0] =	vst v1;
	s10 =	simm.s32 $0x0  }
0x6c: {  	[hbm4b:s8+s10] =	stream.linear.scatter [tilespmem:s28], [sflag:$0x5], $0x2800, $0x38;
	[tilespmem:$0xC940] =	vst v63  }
0x6d: {  	_ =	swait.ge [sflag:s29], $0x2800  }
0x6e: {  	[sflag:s29] =	ssyncset.done $0x0  }
0x6f: {  	[sflag:s29] =	ssyncadd.s32 $0xFFFFD800  }
0x70: {  	_ =	swait.ge [sflag:s18], $0x50  }
0x71: {  	[sflag:s18] =	ssyncset.done $0x0  }
0x72: {  	[sflag:s18] =	ssyncadd.s32 $0xFFFFFFB0  }
0x73: {  	_ =	swait.ge [sflag:s18], $0x50  }
0x74: {  	[sflag:s18] =	ssyncset.done $0x0  }
0x75: {  	[sflag:s18] =	ssyncadd.s32 $0xFFFFFFB0  }
0x76: {  	[tilespmem:s19], [sflag:$0x3] =	stream.indirect.gather [hbm4b:s1+s17], $0x80, s10, s17, $0xb8;
	[tilespmem:$0xC940] =	vst v63  }
0x77: {  	s11 =	sshll.u32 s3, $0x1  }
0x78: {  	[tilespmem:s20], [sflag:$0x3] =	stream.indirect.gather [hbm4b:s1+s17], $0x80, s17, s17, $0xb8;
	[tilespmem:$0xC940] =	vst v63  }
0x79: {  	s8 =	smin.u32 s11, $0x78;
	_ =	swait.ge [sflag:s30], $0x2800  }
0x7a: {  	s8 =	smul.u32 $0x50, s8;
	[sflag:s30] =	ssyncset.done $0x0  }
0x7b: {  	[sflag:s30] =	ssyncadd.s32 $0xFFFFD800  }
0x7c: {  	s8 =	sadd.s32 s8, s14;
	_ =	swait.ge [sflag:s30], $0x2800  }
0x7d: {  	s8 =	sshrl.u32 s8, $0x3;
	[sflag:s30] =	ssyncset.done $0x0  }
0x7e: {  	s11 =	sadd.s32 s2, s8;
	[sflag:s30] =	ssyncadd.s32 $0xFFFFD800  }
0x7f: {  	[tilespmem:s21], [sflag:$0x2] =	stream.linear.gather [hbm4b:s11+s10], $0x50, $0x38;
	[tilespmem:$0xC940] =	vst v63  }
0x80: {  	s8 =	sadd.s32 s4, s8  }
0x81: {  	[tilespmem:s22], [sflag:$0x2] =	stream.linear.gather [hbm4b:s8+s10], $0x50, $0x38;
	[tilespmem:$0xC940] =	vst v63  }
0x82: {  	s8 =	simm.s32 $0x0  }
0x83: {  	v0 =	vld [tilespmem:s8+$0x51B0]  }
0x84: {  	v1 =	vld [tilespmem:s8+$0x79B0]  }
0x85: {  	v2 =	vld [tilespmem:s8+$0x5140]  }
0x86: {  	v3 =	vld [tilespmem:s8+$0x7940]  }
0x87: {  	v4 =	vld [tilespmem:s8+$0x5150]  }
0x88: {  	v5 =	vld [tilespmem:s8+$0x7950]  }
0x89: {  	v6 =	vld [tilespmem:s8+$0x5160]  }
0x8a: {  	v7 =	vld [tilespmem:s8+$0x5170]  }
0x8b: {  	v0 =	vmul.f32 v1, v0;
	v1 =	vld [tilespmem:s8+$0x7960]  }
0x8c: {  	v8 =	vld [tilespmem:s8+$0x7970]  }
0x8d: {  	v9 =	vld [tilespmem:s8+$0x7980];
	v2 =	vmul.f32 v3, v2  }
0x8e: {  	[tilespmem:s8+$0xA1B0] =	vst v0;
	v0 =	vmul.f32 v5, v4;
	v5 =	vld [tilespmem:s8+$0x5180]  }
0x8f: {  	v3 =	vld [tilespmem:s8+$0x7990];
	[tilespmem:s8+$0xA140] =	vst v2  }
0x90: {  	v2 =	vld [tilespmem:s8+$0x5190];
	[tilespmem:s8+$0xA150] =	vst v0;
	v0 =	vmul.f32 v1, v6  }
0x91: {  	v4 =	vld [tilespmem:s8+$0x79A0];
	v6 =	vmul.f32 v8, v7  }
0x92: {  	s10 =	simm.s32 $0x80;
	[tilespmem:s8+$0xA160] =	vst v0;
	v0 =	vld [tilespmem:s8+$0x51A0]  }
0x93: {  	s11 =	simm.s32 $0x400;
	v5 =	vmul.f32 v9, v5;
	v1 =	vld [tilespmem:s10+$0x51B0];
	[tilespmem:s8+$0xA170] =	vst v6  }
.LBB2_5:
0x94: {  	p0 =	sne.s32 s11, $0x9E00;
	v6 =	vld [tilespmem:s10+$0x79B0]  }
0x95: {  	v7 =	vld [tilespmem:s10+$0x5140];
	[tilespmem:s8+$0xA180] =	vst v5;
	v2 =	vmul.f32 v3, v2  }
0x96: {  	v3 =	vld [tilespmem:s10+$0x7940]  }
0x97: {  	v5 =	vld [tilespmem:s10+$0x5150];
	[tilespmem:s8+$0xA190] =	vst v2;
	v0 =	vmul.f32 v4, v0  }
0x98: {  	v2 =	vld [tilespmem:s10+$0x7950]  }
0x99: {  	v4 =	vld [tilespmem:s10+$0x5160];
	v1 =	vmul.f32 v6, v1;
	[tilespmem:s8+$0xA1A0] =	vst v0;
	s8 =	smov.u32 s10  }
0x9a: {  	v0 =	vld [tilespmem:s8+$0x7960]  }
0x9b: {  	v3 =	vmul.f32 v3, v7;
	v6 =	vld [tilespmem:s8+$0x5170];
	[tilespmem:s8+$0xA1B0] =	vst v1  }
0x9c: {  	v1 =	vld [tilespmem:s8+$0x7970]  }
0x9d: {  	[tilespmem:s8+$0xA140] =	vst v3;
	v2 =	vmul.f32 v2, v5;
	v5 =	vld [tilespmem:s8+$0x5180]  }
0x9e: {  	v7 =	vld [tilespmem:s8+$0x7980]  }
.Ltmp1:
0x9f: {  	[tilespmem:s8+$0xA150] =	vst v2;
	v0 =	vmul.f32 v0, v4;
	v2 =	vld [tilespmem:s8+$0x5190];
	(pc) =	sbr.rel @p0 .LBB2_5-.Ltmp1, $4  }
0xa0: {  	v3 =	vld [tilespmem:s8+$0x7990]  }
0xa1: {  	[tilespmem:s8+$0xA160] =	vst v0;
	v6 =	vmul.f32 v1, v6;
	v0 =	vld [tilespmem:s8+$0x51A0]  }
0xa2: {  	s10 =	sshra.s32 s11, $0x2;
	v4 =	vld [tilespmem:s8+$0x79A0]  }
0xa3: {  	s11 =	sadd.s32 $0x200, s11;
	v1 =	vld [tilespmem:s10+$0x51B0];
	[tilespmem:s8+$0xA170] =	vst v6;
	v5 =	vmul.f32 v7, v5  }
0xa4: {  	v6 =	vld [tilespmem:s10+$0x79B0]  }
0xa5: {  	v7 =	vld [tilespmem:s10+$0x5140];
	[tilespmem:s8+$0xA180] =	vst v5;
	v2 =	vmul.f32 v3, v2  }
0xa6: {  	v51 =	vld [tilespmem:s10+$0x7940]  }
0xa7: {  	v5 =	vld [tilespmem:s10+$0x5150];
	[tilespmem:s8+$0xA190] =	vst v2;
	v0 =	vmul.f32 v4, v0  }
0xa8: {  	v2 =	vld [tilespmem:s10+$0x7950]  }
0xa9: {  	v52 =	vld [tilespmem:s10+$0x5160];
	[tilespmem:s8+$0xA1A0] =	vst v0  }
0xaa: {  	v54 =	vld [tilespmem:s10+$0x7960]  }
0xab: {  	v55 =	vld [tilespmem:s10+$0x5170]  }
0xac: {  	v56 =	vld [tilespmem:s10+$0x7970]  }
0xad: {  	v57 =	vld [tilespmem:s10+$0x5180]  }
0xae: {  	v58 =	vld [tilespmem:s10+$0x7980]  }
0xaf: {  	v59 =	vld [tilespmem:s10+$0x5190]  }
0xb0: {  	v53 =	vmul.f32 v6, v1;
	v60 =	vld [tilespmem:s10+$0x7990]  }
0xb1: {  	v61 =	vld [tilespmem:s10+$0x51A0];
	v3 =	vmul.f32 v51, v7  }
0xb2: {  	v62 =	vld [tilespmem:s10+$0x79A0];
	[tilespmem:s10+$0xA1B0] =	vst v53;
	v2 =	vmul.f32 v2, v5  }
0xb3: {  	[tilespmem:s10+$0xA140] =	vst v3;
	v1 =	vmul.f32 v54, v52  }
0xb4: {  	[tilespmem:s10+$0xA150] =	vst v2;
	v0 =	vmul.f32 v56, v55  }
0xb5: {  	v3 =	vmul.f32 v58, v57;
	[tilespmem:s10+$0xA160] =	vst v1  }
0xb6: {  	s0 =	sadd.s32 s0, s9;
	v63 =	vmul.f32 v60, v59;
	[tilespmem:s10+$0xA170] =	vst v0  }
0xb7: {  	s3 =	sadd.s32 $0x1, s3;
	s0 =	sshll.u32 s0, $0x4;
	[tilespmem:s10+$0xA180] =	vst v3;
	v1 =	vmul.f32 v62, v61  }
0xb8: {  	p0 =	sne.s32 s3, $0x3E;
	s0 =	sand.u32 $0x1FFFFF00, s0;
	[tilespmem:s10+$0xA190] =	vst v63  }
.Ltmp2:
0xb9: {  	s0 =	sadd.s32 s7, s0;
	[tilespmem:s10+$0xA1A0] =	vst v1;
	(pc) =	sbr.rel @p0 .LBB2_2-.Ltmp2, $4  }
0xba: {  	[hbm4b:s0+s5] =	stream.linear.scatter [tilespmem:s28], [sflag:$0x5], $0x2800, $0x38;
	[tilespmem:$0xC940] =	vst v63  }
0xbb: {  	_ =	swait.ge [sflag:s29], $0x2800  }
0xbc: {  	[sflag:s29] =	ssyncset.done $0x0  }
0xbd: {  	[sflag:s29] =	ssyncadd.s32 $0xFFFFD800  }
0xbe: {  	_ =	swait.ge [sflag:s24], $0x50  }
0xbf: {  	[sflag:s24] =	ssyncset.done $0x0  }
0xc0: {  	[sflag:s24] =	ssyncadd.s32 $0xFFFFFFB0  }
0xc1: {  	_ =	swait.ge [sflag:s24], $0x50  }
0xc2: {  	[sflag:s24] =	ssyncset.done $0x0  }
0xc3: {  	[sflag:s24] =	ssyncadd.s32 $0xFFFFFFB0  }
0xc4: {  	_ =	swait.ge [sflag:s23], $0x2800  }
0xc5: {  	[sflag:s23] =	ssyncset.done $0x0  }
0xc6: {  	[sflag:s23] =	ssyncadd.s32 $0xFFFFD800  }
0xc7: {  	_ =	swait.ge [sflag:s23], $0x2800  }
0xc8: {  	[sflag:s23] =	ssyncset.done $0x0  }
0xc9: {  	s0 =	simm.s32 $0x0;
	[sflag:s23] =	ssyncadd.s32 $0xFFFFD800  }
0xca: {  	v0 =	vld [tilespmem:s0+$0x1B0]  }
0xcb: {  	v1 =	vld [tilespmem:s0+$0x29B0]  }
0xcc: {  	v2 =	vld [tilespmem:s0+$0x140]  }
0xcd: {  	v3 =	vld [tilespmem:s0+$0x2940]  }
0xce: {  	v4 =	vld [tilespmem:s0+$0x150]  }
0xcf: {  	v5 =	vld [tilespmem:s0+$0x2950]  }
0xd0: {  	v6 =	vld [tilespmem:s0+$0x160]  }
0xd1: {  	v7 =	vld [tilespmem:s0+$0x170]  }
0xd2: {  	v0 =	vmul.f32 v1, v0;
	v1 =	vld [tilespmem:s0+$0x2960]  }
0xd3: {  	v8 =	vld [tilespmem:s0+$0x2970]  }
0xd4: {  	v9 =	vld [tilespmem:s0+$0x2980];
	v2 =	vmul.f32 v3, v2  }
0xd5: {  	[tilespmem:s0+$0xA1B0] =	vst v0;
	v0 =	vmul.f32 v5, v4;
	v5 =	vld [tilespmem:s0+$0x180]  }
0xd6: {  	v3 =	vld [tilespmem:s0+$0x2990];
	[tilespmem:s0+$0xA140] =	vst v2  }
0xd7: {  	v2 =	vld [tilespmem:s0+$0x190];
	[tilespmem:s0+$0xA150] =	vst v0;
	v0 =	vmul.f32 v1, v6  }
0xd8: {  	v4 =	vld [tilespmem:s0+$0x29A0];
	v6 =	vmul.f32 v8, v7  }
0xd9: {  	s3 =	simm.s32 $0x80;
	[tilespmem:s0+$0xA160] =	vst v0;
	v0 =	vld [tilespmem:s0+$0x1A0]  }
0xda: {  	s8 =	simm.s32 $0x400;
	v5 =	vmul.f32 v9, v5;
	v1 =	vld [tilespmem:s3+$0x1B0];
	[tilespmem:s0+$0xA170] =	vst v6  }
.LBB2_8:
0xdb: {  	p0 =	sne.s32 s8, $0x9E00;
	v6 =	vld [tilespmem:s3+$0x29B0]  }
0xdc: {  	v7 =	vld [tilespmem:s3+$0x140];
	[tilespmem:s0+$0xA180] =	vst v5;
	v2 =	vmul.f32 v3, v2  }
0xdd: {  	v3 =	vld [tilespmem:s3+$0x2940]  }
0xde: {  	v5 =	vld [tilespmem:s3+$0x150];
	[tilespmem:s0+$0xA190] =	vst v2;
	v0 =	vmul.f32 v4, v0  }
0xdf: {  	v2 =	vld [tilespmem:s3+$0x2950]  }
0xe0: {  	v4 =	vld [tilespmem:s3+$0x160];
	v1 =	vmul.f32 v6, v1;
	[tilespmem:s0+$0xA1A0] =	vst v0;
	s0 =	smov.u32 s3  }
0xe1: {  	v0 =	vld [tilespmem:s0+$0x2960]  }
0xe2: {  	v3 =	vmul.f32 v3, v7;
	v6 =	vld [tilespmem:s0+$0x170];
	[tilespmem:s0+$0xA1B0] =	vst v1  }
0xe3: {  	v1 =	vld [tilespmem:s0+$0x2970]  }
0xe4: {  	[tilespmem:s0+$0xA140] =	vst v3;
	v2 =	vmul.f32 v2, v5;
	v5 =	vld [tilespmem:s0+$0x180]  }
0xe5: {  	v7 =	vld [tilespmem:s0+$0x2980]  }
.Ltmp3:
0xe6: {  	[tilespmem:s0+$0xA150] =	vst v2;
	v0 =	vmul.f32 v0, v4;
	v2 =	vld [tilespmem:s0+$0x190];
	(pc) =	sbr.rel @p0 .LBB2_8-.Ltmp3, $4  }
0xe7: {  	v3 =	vld [tilespmem:s0+$0x2990]  }
0xe8: {  	[tilespmem:s0+$0xA160] =	vst v0;
	v6 =	vmul.f32 v1, v6;
	v0 =	vld [tilespmem:s0+$0x1A0]  }
0xe9: {  	s3 =	sshra.s32 s8, $0x2;
	v4 =	vld [tilespmem:s0+$0x29A0]  }
0xea: {  	s8 =	sadd.s32 $0x200, s8;
	v1 =	vld [tilespmem:s3+$0x1B0];
	[tilespmem:s0+$0xA170] =	vst v6;
	v5 =	vmul.f32 v7, v5  }
0xeb: {  	v6 =	vld [tilespmem:s3+$0x29B0]  }
0xec: {  	v7 =	vld [tilespmem:s3+$0x140];
	[tilespmem:s0+$0xA180] =	vst v5;
	v2 =	vmul.f32 v3, v2  }
0xed: {  	v51 =	vld [tilespmem:s3+$0x2940]  }
0xee: {  	v5 =	vld [tilespmem:s3+$0x150];
	[tilespmem:s0+$0xA190] =	vst v2;
	v0 =	vmul.f32 v4, v0  }
0xef: {  	v2 =	vld [tilespmem:s3+$0x2950]  }
0xf0: {  	v52 =	vld [tilespmem:s3+$0x160];
	[tilespmem:s0+$0xA1A0] =	vst v0  }
0xf1: {  	v54 =	vld [tilespmem:s3+$0x2960]  }
0xf2: {  	v55 =	vld [tilespmem:s3+$0x170]  }
0xf3: {  	v56 =	vld [tilespmem:s3+$0x2970]  }
0xf4: {  	v57 =	vld [tilespmem:s3+$0x180]  }
0xf5: {  	v58 =	vld [tilespmem:s3+$0x2980]  }
0xf6: {  	v59 =	vld [tilespmem:s3+$0x190]  }
0xf7: {  	v53 =	vmul.f32 v6, v1;
	v60 =	vld [tilespmem:s3+$0x2990]  }
0xf8: {  	v61 =	vld [tilespmem:s3+$0x1A0];
	v3 =	vmul.f32 v51, v7  }
0xf9: {  	v62 =	vld [tilespmem:s3+$0x29A0];
	[tilespmem:s3+$0xA1B0] =	vst v53;
	v2 =	vmul.f32 v2, v5  }
0xfa: {  	[tilespmem:s3+$0xA140] =	vst v3;
	v1 =	vmul.f32 v54, v52  }
0xfb: {  	[tilespmem:s3+$0xA150] =	vst v2;
	v0 =	vmul.f32 v56, v55  }
0xfc: {  	v3 =	vmul.f32 v58, v57;
	[tilespmem:s3+$0xA160] =	vst v1  }
0xfd: {  	v63 =	vmul.f32 v60, v59;
	[tilespmem:s3+$0xA170] =	vst v0  }
0xfe: {  	s31 =	sadd.s32 $0x1, s31;
	[tilespmem:s3+$0xA180] =	vst v3;
	v1 =	vmul.f32 v62, v61  }
0xff: {  	p0 =	sne.s32 s31, s16;
	[tilespmem:s3+$0xA190] =	vst v63  }
.Ltmp4:
0x100: {  	[tilespmem:s3+$0xA1A0] =	vst v1;
	(pc) =	sbr.rel @p0 .LBB2_1-.Ltmp4, $4  }
0x101: {  	[hbm4b:s15+s5] =	stream.linear.scatter [tilespmem:s28], [sflag:$0x5], $0x2800, $0x38;
	[tilespmem:$0xC940] =	vst v63  }
0x102: {  	_ =	swait.ge [sflag:s29], $0x2800  }
0x103: {  	[sflag:s29] =	ssyncset.done $0x0  }
0x104: {  	[sflag:s29] =	ssyncadd.s32 $0xFFFFD800  }
0x105: {  	_ =	sfence.sel $0x180000  }
0x106: {  	[bflag:$0x0] =	sbarrier.arrive $0xFFFF  }
0x107: {  	_ =	strace $0x9000004A  }
0x108: {  	s0 =	stileid.u32;
	[bflag:$0x2] =	sbarrier.arrive $0xFFFF  }
0x109: {  	p0 =	sne.s32 s0, $0x0;
	s0 =	rddreg [dreg:$0x4]  }
0x10a: {  	s0 =	sadd.s32 @!p0 $0x100000, s0  }
0x10b: {  	[sflag:s0] =	ssyncadd.tile.s32 @!p0 $0x1;
	_ =	shalt  }
.Lfunc_end2:
_tile_overlayer_lowered:
.L_overlay_start_2:
0x10c: {  	(tag) =	ssettag $0x2  }
0x10d: {  	s0 =	rddreg [dreg:$0x0];
	s2 =	stileid.u32  }
0x10e: {  	s1 =	rddreg [dreg:$0x1];
	p0 =	sne.s32 s2, $0x0  }
0x10f: {  	s3 =	rddreg [dreg:$0x2];
	[bflag:$0x3] =	sbarrier.arrive $0xFFFF;
	s2 =	simm.s32 @!p0 $0x1C05  }
0x110: {  	[timem:s3], [sflag:s2] =	dma.local @!p0 [hbm:s0], s1  }
0x111: {  	s0 =	simm.s32 @!p0 $0x5  }
0x112: {  	_ =	swait.ge @!p0 [sflag:s0], s1  }
0x113: {  	s1 =	ssub.s32 @!p0 $0x0, s1;
	[sflag:s0] =	ssyncset.done @!p0 $0x0  }
0x114: {  	[sflag:s0] =	ssyncadd.s32 @!p0 s1  }
0x115: {  	[bflag:$0x3] =	sbarrier.arrive $0xFFFF  }
0x116: {  	_ =	shalt  }

// kernel: kernel.19.cloned.1.call-start
scs
__scs_entry_jumppad:
0x0: {  	(pc) =	sbr.rel $0x88, $3  }
0x1: {  	(tag) =	ssettag $0x0;
	lr =	simm.s32 $0x1  }
0x2: {  	[smem:$0x3F8C] =	sst lr;
	_ =	strace $0xD0000000  }
0x3: {  	_ = 	snop  }
0x4: {  	_ = 	snop  }
0x5: {  	_ = 	snop  }
0x6: {  	_ = 	snop  }
0x7: {  	_ = 	snop  }
__scs_overlays_trampoline_lowered:
0x8: {  	[smem:$0x3F9B] =	sst s0  }
0x9: {  	[smem:$0x3F9C] =	sst s1  }
0xa: {  	[smem:$0x3F9D] =	sst s2  }
0xb: {  	[smem:$0x3F9E] =	sst s3  }
0xc: {  	[smem:$0x3F9F] =	sst s4  }
0xd: {  	[smem:$0x3FA0] =	sst s5  }
0xe: {  	[smem:$0x3FA1] =	sst s6  }
0xf: {  	[smem:$0x3FA2] =	sst s7  }
0x10: {  	[smem:$0x3FA3] =	sst s8  }
0x11: {  	[smem:$0x3FA4] =	sst s9;
	s0 =	simm.s32 @!p0 $0x0  }
0x12: {  	s1 =	sld [smem:$0x3F8A];
	s0 =	simm.s32 @p0 $0x1  }
0x13: {  	[smem:$0x3FA5] =	sst s0;
	s0 =	simm.s32 @!p1 $0x0  }
0x14: {  	s2 =	sld [smem:$0x3F89];
	s0 =	simm.s32 @p1 $0x1  }
0x15: {  	[smem:$0x3FA6] =	sst s0;
	s0 =	simm.s32 @!p2 $0x0  }
0x16: {  	s3 =	sld [smem:$0x3FDB];
	s0 =	simm.s32 @p2 $0x1  }
0x17: {  	s4 =	simm.s32 $0x1BF5;
	[smem:$0x3FA8] =	sst s0  }
0x18: {  	s0 =	sld [smem:$0x3F8B];
	_ =	swait.ge [sflag:s4], $0x0  }
0x19: {  	s7 =	sld [smem:$0x3F8C]  }
0x1a: {  	s8 =	sadd.s32 $0xFFFFE003, lr  }
0x1b: {  	s9 =	sadd.s32 $0xFFFFFEF7, lr;
	s5 =	simm.s32 $0xFFFFFFFF;
	p2 =	slt.u32 s8, $0xFFFFF086  }
0x1c: {  	p1 =	slt.u32 s9, $0xF7A;
	s5 =	simm.s32 @!p2 $0x0  }
0x1d: {  	s5 =	simm.s32 @p1 $0x1;
	p0 =	seq.s32 s7, s2  }
0x1e: {  	s7 =	smul.u32 @!p0 $0xF7A, s2;
	p2 =	seq.s32 @!p0 s5, $0x0  }
0x1f: {  	s9 =	smul.u32 $0xF7A, s1;
	s8 =	simm.s32 @!p0 $0x1BF5;
	p2 =	por !p2, p0  }
0x20: {  	[sflag:s8] =	ssyncset.s32 @!p0 $0xFFFFF086;
	s6 =	sadd.s32 @!p0 s3, s7;
	s7 =	simm.s32 @!p0 $0x108  }
0x21: {  	s3 =	sadd.s32 s3, s9;
	s6 =	sadd.s32 @!p0 $0x88, s6;
	s7 =	simm.s32 @p2 $0x1082  }
0x22: {  	[simem:s7], [sflag:s8] =	dma.local @!p0 [hbm:s6], $0xF7A  }
0x23: {  	s9 =	sor.u32 $0xD0000000, s2;
	s6 =	simm.s32 $0x108;
	_ =	swait.ge @!p0 [sflag:s8], $0x0  }
0x24: {  	s3 =	sadd.s32 $0x88, s3;
	s6 =	simm.s32 @!p1 $0x1082;
	[sflag:s4] =	ssyncset.s32 $0xFFFFF086  }
0x25: {  	[simem:s6], [sflag:s4] =	dma.local [hbm:s3], $0xF7A  }
0x26: {  	[smem:$0x3F8C] =	sst s1;
	(tag) =	ssettag s2;
	_ =	strace s9  }
0x27: {  	s1 =	sld [smem:$0x3F9C]  }
0x28: {  	s2 =	sld [smem:$0x3F9D]  }
0x29: {  	s4 =	sld [smem:$0x3F9F]  }
0x2a: {  	p0 =	seq.s32 s5, $0x0;
	s5 =	sld [smem:$0x3FA0]  }
0x2b: {  	s6 =	sld [smem:$0x3FA1]  }
0x2c: {  	s7 =	sld [smem:$0x3FA2]  }
0x2d: {  	s3 =	simm.s32 $0x108;
	s8 =	sld [smem:$0x3FA3]  }
0x2e: {  	s3 =	simm.s32 @!p0 $0x1082;
	s9 =	sld [smem:$0x3FA4]  }
0x2f: {  	lr =	sadd.s32 s0, s3;
	s0 =	sld [smem:$0x3F9B]  }
0x30: {  	s3 =	sld [smem:$0x3F9E]  }
0x31: {  	[smem:$0x3FA7] =	sst s10  }
0x32: {  	s10 =	sld [smem:$0x3FA5];
	_ =	sdelay $0x3  }
0x33: {  	p0 =	seq.s32 s10, $0x1;
	s10 =	sld [smem:$0x3FA7];
	_ =	sdelay $0x3  }
0x34: {  	[smem:$0x3FA7] =	sst s10  }
0x35: {  	s10 =	sld [smem:$0x3FA6];
	_ =	sdelay $0x3  }
0x36: {  	p1 =	seq.s32 s10, $0x1;
	s10 =	sld [smem:$0x3FA7];
	_ =	sdelay $0x3  }
0x37: {  	[smem:$0x3FA7] =	sst s10  }
0x38: {  	s10 =	sld [smem:$0x3FA8]  }
0x39: {  	_ = 	snop;
	(pc) =	sbr.ind lr, $3  }
0x3a: {  	_ = 	snop  }
0x3b: {  	_ = 	snop  }
0x3c: {  	p2 =	seq.s32 s10, $0x1;
	s10 =	sld [smem:$0x3FA7]  }
0x3d: {  	_ =	shalt  }
0x3e: {  	_ =	shalt  }
0x3f: {  	_ =	shalt  }
0x40: {  	_ =	shalt  }
0x41: {  	_ =	shalt  }
0x42: {  	_ =	shalt  }
0x43: {  	_ =	shalt  }
0x44: {  	_ =	shalt  }
0x45: {  	_ =	shalt  }
0x46: {  	_ =	shalt  }
0x47: {  	_ =	shalt  }
0x48: {  	_ =	shalt  }
0x49: {  	_ =	shalt  }
0x4a: {  	_ =	shalt  }
0x4b: {  	_ =	shalt  }
0x4c: {  	_ =	shalt  }
0x4d: {  	_ =	shalt  }
0x4e: {  	_ =	shalt  }
0x4f: {  	_ =	shalt  }
0x50: {  	_ =	shalt  }
0x51: {  	_ =	shalt  }
0x52: {  	_ =	shalt  }
0x53: {  	_ =	shalt  }
0x54: {  	_ =	shalt  }
0x55: {  	_ =	shalt  }
0x56: {  	_ =	shalt  }
0x57: {  	_ =	shalt  }
0x58: {  	_ =	shalt  }
0x59: {  	_ =	shalt  }
0x5a: {  	_ =	shalt  }
0x5b: {  	_ =	shalt  }
0x5c: {  	_ =	shalt  }
0x5d: {  	_ =	shalt  }
0x5e: {  	_ =	shalt  }
0x5f: {  	_ =	shalt  }
0x60: {  	_ =	shalt  }
0x61: {  	_ =	shalt  }
0x62: {  	_ =	shalt  }
0x63: {  	_ =	shalt  }
0x64: {  	_ =	shalt  }
0x65: {  	_ =	shalt  }
0x66: {  	_ =	shalt  }
0x67: {  	_ =	shalt  }
0x68: {  	_ =	shalt  }
0x69: {  	_ =	shalt  }
0x6a: {  	_ =	shalt  }
0x6b: {  	_ =	shalt  }
0x6c: {  	_ =	shalt  }
0x6d: {  	_ =	shalt  }
0x6e: {  	_ =	shalt  }
0x6f: {  	_ =	shalt  }
0x70: {  	_ =	shalt  }
0x71: {  	_ =	shalt  }
0x72: {  	_ =	shalt  }
0x73: {  	_ =	shalt  }
0x74: {  	_ =	shalt  }
0x75: {  	_ =	shalt  }
0x76: {  	_ =	shalt  }
0x77: {  	_ =	shalt  }
0x78: {  	_ =	shalt  }
0x79: {  	_ =	shalt  }
0x7a: {  	_ =	shalt  }
0x7b: {  	_ =	shalt  }
0x7c: {  	_ =	shalt  }
0x7d: {  	_ =	shalt  }
0x7e: {  	_ =	shalt  }
0x7f: {  	_ =	shalt  }
0x80: {  	_ =	shalt  }
0x81: {  	_ =	shalt  }
0x82: {  	_ =	shalt  }
0x83: {  	_ =	shalt  }
0x84: {  	_ =	shalt  }
0x85: {  	_ =	shalt  }
0x86: {  	_ =	shalt  }
0x87: {  	_ =	shalt  }
.Lfunc_end0:
.L_simem_size_0:
called_computation.2_lowered:
.L_overlay_start_0:
0x88: {  	s2 =	sld [smem:$0x3FD9]  }
0x89: {  	s3 =	sld [smem:$0x3FFE];
	_ =	sdelay $0x1  }
0x8a: {  	s1 =	srdreg.scid  }
0x8b: {  	s0 =	sand.u32 $0x1, s1  }
0x8c: {  	s17 =	sshll.u32 s0, $0xA;
	s2 =	sadd.s32 s3, s2  }
0x8d: {  	s2 =	sadd.s32 s2, s17  }
0x8e: {  	[smem:$0x3FB3] =	sst s2  }
0x8f: {  	_ = 	snop  }
0x90: {  	s18 =	sld [smem:$0x3FC2]  }
0x91: {  	s4 =	sld [smem:$0x3FD0];
	(tm) =	ssettm $0x1  }
0x92: {  	s19 =	sld [smem:$0x3FFB];
	_ =	sdelay $0x3  }
0x93: {  	_ =	strace s19  }
0x94: {  	s2 =	sld [smem:$0x3FFC];
	_ =	sdelay $0x3  }
0x95: {  	_ =	strace s2  }
0x96: {  	s2 =	sld [smem:$0x3FFD];
	_ =	sdelay $0x3  }
0x97: {  	_ =	strace s2  }
0x98: {  	_ =	strace $0x8FFFFFFF  }
0x99: {  	s20 =	sld [smem:$0x3FDB];
	_ =	sdelay $0x1  }
0x9a: {  	s5 =	simm.s32 $_scs_section_size  }
0x9b: {  	s6 =	simm.s32 $_size__tile_overlayer_lowered;
	s7 =	simm.s32 $_tile_overlayer_lowered  }
0x9c: {  	s8 =	simm.s32 $0x1BFF;
	s21 =	sshll.u32 s7, $0x1;
	s5 =	sadd.s32 s5, s20  }
0x9d: {  	s22 =	simm.s32 $0x0;
	s6 =	sshll.u32 s6, $0x1;
	s7 =	sadd.s32 s21, s5  }
0x9e: {  	[timem:s22], [sflag:s8] =	dma.local [hbm:s7], s6  }
0x9f: {  	_ =	swait.ge [sflag:s8], s6  }
0xa0: {  	s6 =	ssub.s32 $0x0, s6;
	[sflag:s8] =	ssyncset.done $0x0  }
0xa1: {  	[sflag:s8] =	ssyncadd.s32 s6;
	_ =	sdelay $0x1  }
0xa2: {  	s23 =	simm.s32 $0x1B8B  }
0xa3: {  	_ =	swait.ge [sflag:s23], $0x1  }
0xa4: {  	[sflag:s23] =	ssyncset.done $0x0  }
0xa5: {  	[sflag:s23] =	ssyncadd.s32 $0xFFFFFFFF  }
0xa6: {  	s6 =	sld [smem:$0x0]  }
0xa7: {  	s7 =	sand.u32 $0xFFFFFFFE, s1  }
0xa8: {  	p0 =	sne.s32 s1, s7  }
0xa9: {  	s7 =	sshll.u32 @p0 s7, $0xE  }
0xaa: {  	s7 =	sadd.s32 @p0 $0x11B8D, s7;
	s8 =	sshll.u32 @p0 s6, $0x11  }
0xab: {  	s7 =	sor.u32 @p0 s8, s7  }
0xac: {  	[sflag:s7] =	ssyncadd.remote.s32 @p0 $0x1;
	_ =	sdelay $0x1  }
0xad: {  	s7 =	simm.s32 @p0 $0x1B8D  }
0xae: {  	_ =	swait.eq @p0 [sflag:s7], $0x1  }
0xaf: {  	[sflag:s7] =	ssyncadd.s32 @p0 $0xFFFFFFFF  }
0xb0: {  	s8 =	sshll.u32 @!p0 s1, $0xE  }
0xb1: {  	s8 =	sor.u32 @!p0 $0x4000, s8;
	s7 =	simm.s32 @!p0 $0x1B8D  }
0xb2: {  	s6 =	sshll.u32 @!p0 s6, $0x11;
	s8 =	sadd.s32 @!p0 $0x11B8D, s8;
	_ =	swait.eq @!p0 [sflag:s7], $0x1  }
0xb3: {  	s6 =	sor.u32 @!p0 s6, s8;
	[sflag:s7] =	ssyncadd.s32 @!p0 $0xFFFFFFFF  }
0xb4: {  	s25 =	simm.s32 $0x1B8E;
	s24 =	sld [smem:$0x3FFE];
	[sflag:s6] =	ssyncadd.remote.s32 @!p0 $0x1  }
0xb5: {  	s26 =	simm.s32 $execute0_lowered;
	[smem:$0x3FD2] =	sst s25  }
0xb6: {  	s7 =	sshll.u32 s26, $0x1;
	_ =	strace $0x8000004C;
	[dreg:$0x1] =	wrdreg $0xFFFFFFFF  }
0xb7: {  	s28 =	simm.s32 $_size_execute0_lowered;
	s5 =	sadd.s32 s5, s7;
	[dreg:$0x0] =	wrdreg $0x0  }
0xb8: {  	s7 =	sshll.u32 s28, $0x1;
	[dreg:$0x2] =	wrdreg s5  }
0xb9: {  	[dreg:$0x3] =	wrdreg s7  }
0xba: {  	[dreg:$0x4] =	wrdreg $0xC0  }
0xbb: {  	_ =	task [dreg:s22], $0x5FFFF  }
0xbc: {  	[dreg:$0x1] =	wrdreg $0xFFFFFFFF  }
0xbd: {  	[dreg:$0x0] =	wrdreg $0x60  }
0xbe: {  	[dreg:$0x2] =	wrdreg s4  }
0xbf: {  	[dreg:$0x3] =	wrdreg s18  }
0xc0: {  	[dreg:$0x4] =	wrdreg s24  }
0xc1: {  	[dreg:$0x5] =	wrdreg $0x0  }
0xc2: {  	[dreg:$0x6] =	wrdreg $0xA  }
0xc3: {  	_ =	task.clear_ibuf [dreg:s22], $0x7FFFF;
	_ =	strace $0x9000004C  }
0xc4: {  	s29 =	simm.s32 $0xA;
	_ =	strace $0x8000004E  }
0xc5: {  	_ =	swait.ge [sflag:s29], $0x1  }
0xc6: {  	[sflag:s29] =	ssyncadd.s32 $0xFFFFFFFF  }
0xc7: {  	_ =	strace $0x9000004E  }
0xc8: {  	_ =	sfence  }
0xc9: {  	s30 =	sld [smem:$0x0];
	_ =	sdelay $0x2  }
0xca: {  	s31 =	sshll.u32 s1, $0xD;
	s1 =	sshrl.u32 s1, $0x2  }
0xcb: {  	s4 =	sand.u32 $0x4000, s31;
	s1 =	sadd.s32 s1, s30  }
0xcc: {  	s0 =	sor.u32 s4, s0;
	s1 =	sshll.u32 s1, $0x11  }
0xcd: {  	s0 =	sor.u32 s1, s0  }
0xce: {  	s0 =	sadd.s32 $0x8F2B, s0  }
0xcf: {  	[sflag:s0] =	ssyncadd.remote.s32 $0x1  }
0xd0: {  	_ =	sfence.sel $0xFFFF  }
0xd1: {  	[dreg:$0x0] =	wrdreg $0xFFFFFFFF;
	(pc) =	sbr.abs _section_cstart, $3  }
0xd2: {  	[dreg:$0x1] =	wrdreg $0xFFFFFFFF  }
0xd3: {  	_ =	task.clear_ibuf [dreg:s22], $0x2FFFF;
	_ =	strace $0x9FFFFFFF  }
0xd4: {  	(tm) =	ssettm $0x7FFFFFFF  }
0xd5: {  	_ =	shalt  }
tec
execute0_lowered:
.L_overlay_start_1:
0x0: {  	(tag) =	ssettag $0x1  }
0x1: {  	s20 =	rddreg [dreg:$0x0]  }
0x2: {  	s21 =	rddreg [dreg:$0x1]  }
0x3: {  	s0 =	rddreg [dreg:$0x2]  }
0x4: {  	s3 =	rddreg [dreg:$0x3]  }
0x5: {  	s15 =	simm.s32 $0x0;
	s1 =	srdreg.scid;
	s9 =	stileid.u32  }
0x6: {  	s16 =	simm.s32 $0x148A0;
	s28 =	simm.s32 $0x19DA0;
	s29 =	simm.s32 $0x14670  }
0x7: {  	s30 =	simm.s32 $0x1A2A0;
	s31 =	simm.s32 $0x146C0;
	s11 =	simm.s32 $0x1B1A0  }
0x8: {  	s12 =	simm.s32 $0x147B0;
	s13 =	simm.s32 $0x14800;
	s4 =	smul.u32 $0x4E400, s9  }
0x9: {  	[smem:$0x7FF] =	sst s15;
	s1 =	sand.u32 $0x1, s1;
	s18 =	smul.u32 $0x1388, s9  }
0xa: {  	s22 =	sadd.s32 $0x3000, s0;
	s0 =	sadd.s32 $0x4F8C00, s0;
	s7 =	smul.u32 $0x4E20, s9  }
0xb: {  	s23 =	sshll.u32 s9, $0x6;
	s9 =	smul.u32 $0x4E200, s9;
	_ =	strace $0x8000004D  }
0xc: {  	s2 =	ssub.s32 $0x2, s1;
	s1 =	smul.u32 $0x13880, s1;
	s19 =	sor.u32 $0x1C02, s23  }
0xd: {  	s23 =	simm.s32 $0x193A0;
	[dreg:$0x6] =	wrdreg s22;
	s5 =	sshrl.u32 s2, $0x1  }
0xe: {  	s17 =	sshrl.u32 s4, $0x2;
	s9 =	sshrl.u32 s9, $0x2;
	[dreg:$0x7] =	wrdreg s19  }
0xf: {  	s6 =	ssub.s32 s2, s5;
	s8 =	sadd.s32 s17, s3;
	s24 =	sadd.s32 s18, s1  }
0x10: {  	s2 =	sadd.s32 $0x13880, s1;
	s5 =	sadd.s32 $0x27100, s1;
	s9 =	sadd.s32 s9, s3  }
0x11: {  	s14 =	sadd.s32 $0x3A980, s1;
	s17 =	simm.s32 $0x1;
	s10 =	sshll.u32 s24, $0x1  }
0x12: {  	s4 =	sadd.s32 s18, s5;
	[dreg:$0x9] =	wrdreg s9;
	s25 =	smax.u32 s6, $0x1  }
0x13: {  	s26 =	sshrl.u32 s8, $0x3;
	s18 =	simm.s32 $0x50;
	s24 =	simm.s32 $0x145D0  }
0x14: {  	s9 =	simm.s32 $0x1ACA0;
	s6 =	simm.s32 $0x1B6A0;
	v1 =	vmov s2;
	s2 =	simm.s32 $0x2  }
0x15: {  	v2 =	vmov s5;
	v3 =	vmov s14;
	s8 =	simm.s32 $0x1BBA0;
	s14 =	simm.s32 $0x14850;
	s5 =	simm.s32 $0x1C0A0  }
0x16: {  	s10 =	sadd.s32 s0, s10;
	s4 =	sshll.u32 s4, $0x1;
	[dreg:$0xb] =	wrdreg s25  }
0x17: {  	[dreg:$0xc] =	wrdreg s26;
	s25 =	simm.s32 $0x198A0;
	s26 =	simm.s32 $0x14620  }
0x18: {  	[dreg:$0x8] =	wrdreg s10;
	s0 =	sadd.s32 s0, s4;
	s4 =	simm.s32 $0x14710  }
0x19: {  	v0 =	vmov s1;
	s10 =	simm.s32 $0x14760;
	[dreg:$0xa] =	wrdreg s0;
	s0 =	simm.s32 $0x1A7A0  }
.LBB2_1:
0x1a: {  	[dreg:$0x5] =	wrdreg s15  }
0x1b: {  	s1 =	rddreg [dreg:$0xc]  }
0x1c: {  	[spmem:s1], [sflag:s19] =	dma.local [hbm:s22], $0x2720  }
0x1d: {  	_ =	swait.ge [sflag:s2], $0x2720  }
0x1e: {  	[sflag:s2] =	ssyncset.done $0x0  }
0x1f: {  	[sflag:s2] =	ssyncadd.s32 $0xFFFFD8E0  }
0x20: {  	s1 =	simm.s32 $0x0;
	[bflag:$0x0] =	sbarrier.arrive $0xFFFF  }
.LBB2_2:
0x21: {  	s2 =	smul.u32 $0x7D0, s1;
	_ =	sdelay $0x1  }
0x22: {  	s2 =	sadd.s32 s7, s2  }
0x23: {  	s19 =	simm.s32 $0x0;
	s15 =	sshrl.u32 s2, $0x3  }
0x24: {  	s22 =	simm.s32 $0x13900;
	s2 =	sshll.u32 s2, $0x1;
	s15 =	sadd.s32 s21, s15  }
0x25: {  	[tilespmem:s22], [sflag:$0x1] =	stream.linear.gather [hbm4b:s15+s19], $0x7D0, $0x38;
	[tilespmem:$0x1C5A0] =	vst v63  }
0x26: {  	s2 =	sadd.s32 s20, s2  }
0x27: {  	[tilespmem:s16], [sflag:$0x1] =	stream.linear.gather [hbm4b:s2+s19], $0x7D00, $0x38;
	[tilespmem:$0x1C5A0] =	vst v63  }
0x28: {  	_ =	swait.ge [sflag:s17], $0x7D0  }
0x29: {  	[sflag:s17] =	ssyncset.done $0x0  }
0x2a: {  	[sflag:s17] =	ssyncadd.s32 $0xFFFFF830  }
0x2b: {  	_ =	swait.ge [sflag:s17], $0x7D00  }
0x2c: {  	[sflag:s17] =	ssyncset.done $0x0  }
0x2d: {  	s2 =	simm.s32 $0x0;
	[sflag:s17] =	ssyncadd.s32 $0xFFFF8300  }
0x2e: {  	v8 =	vld [tilespmem:s2+$0x13940]  }
0x2f: {  	v7 =	vld [tilespmem:s2+$0x13900]  }
0x30: {  	v5 =	vld [tilespmem:s2+$0x13910]  }
0x31: {  	v6 =	vld [tilespmem:s2+$0x13920]  }
0x32: {  	v4 =	vld [tilespmem:s2+$0x13930];
	_ =	sdelay $0x1  }
0x33: {  	vm0 =	vge.s32 v8, v0;
	vm1 =	vlt.s32 v8, v1;
	v9 =	vand.u32 $0x7F, v8  }
0x34: {  	v8 =	vsub.s32 v8, v0;
	vm7 =	vge.s32 v7, v0;
	vm8 =	vlt.s32 v7, v1  }
0x35: {  	v11 =	vand.u32 $0x7F, v7;
	vm2 =	vlt.s32 v5, v1;
	vm3 =	vge.s32 v6, v0  }
0x36: {  	vm5 =	vlt.s32 v6, v1;
	v10 =	vand.u32 $0x7F, v6;
	vm4 =	vge.s32 v4, v0  }
0x37: {  	vm6 =	vlt.s32 v4, v1;
	vm0 =	vmand vm0, vm1;
	v9 =	vor.u32 $0x13880, v9  }
0x38: {  	vm1 =	vge.s32 v5, v0;
	v8 =	vsel vm0, v8, v9;
	v9 =	vand.u32 $0x7F, v5  }
0x39: {  	s15 =	simm.s32 $0x50;
	s19 =	simm.s32 $0x280;
	vm0 =	vmand vm7, vm8;
	[tilespmem:s2+$0x14110] =	vst v8;
	v8 =	vor.u32 $0x13880, v11;
	v11 =	vand.u32 $0x7F, v4  }
.LBB2_3:
0x3a: {  	p0 =	sne.s32 s19, $0x1E00;
	v12 =	vld [tilespmem:s15+$0x13940];
	vm1 =	vmand vm1, vm2;
	v9 =	vor.u32 $0x13880, v9;
	vm2 =	vmand vm3, vm5  }
0x3b: {  	v10 =	vor.u32 $0x13880, v10;
	vm3 =	vmand vm4, vm6;
	v11 =	vor.u32 $0x13880, v11;
	v13 =	vld [tilespmem:s15+$0x13900]  }
0x3c: {  	v7 =	vsub.s32 v7, v0;
	v14 =	vsub.s32 v5, v0;
	v15 =	vsub.s32 v6, v0;
	v5 =	vld [tilespmem:s15+$0x13910]  }
0x3d: {  	v7 =	vsel vm0, v7, v8;
	v8 =	vsel vm1, v14, v9;
	v9 =	vsub.s32 v4, v0;
	v6 =	vld [tilespmem:s15+$0x13920]  }
0x3e: {  	v14 =	vsel vm2, v15, v10;
	v9 =	vsel vm3, v9, v11;
	v4 =	vld [tilespmem:s15+$0x13930];
	[tilespmem:s2+$0x140D0] =	vst v7  }
0x3f: {  	vm0 =	vge.s32 v12, v0;
	vm1 =	vlt.s32 v12, v1;
	v10 =	vand.u32 $0x7F, v12;
	[tilespmem:s2+$0x140E0] =	vst v8  }
0x40: {  	vm0 =	vmand vm0, vm1;
	v8 =	vor.u32 $0x13880, v10;
	v10 =	vsub.s32 v12, v0;
	[tilespmem:s2+$0x140F0] =	vst v14;
	v7 =	vmovc v13  }
.Ltmp0:
0x41: {  	vm7 =	vge.s32 v7, v0;
	vm8 =	vlt.s32 v7, v1;
	v8 =	vsel vm0, v10, v8;
	[tilespmem:s2+$0x14100] =	vst v9;
	s2 =	smov.u32 s15;
	(pc) =	sbr.rel @p0 .LBB2_3-.Ltmp0, $4  }
0x42: {  	v11 =	vand.u32 $0x7F, v7;
	vm1 =	vge.s32 v5, v0;
	vm2 =	vlt.s32 v5, v1;
	[tilespmem:s2+$0x14110] =	vst v8  }
0x43: {  	v9 =	vand.u32 $0x7F, v5;
	vm3 =	vge.s32 v6, v0;
	vm5 =	vlt.s32 v6, v1  }
0x44: {  	v10 =	vand.u32 $0x7F, v6;
	vm4 =	vge.s32 v4, v0;
	vm6 =	vlt.s32 v4, v1  }
0x45: {  	s15 =	sshra.s32 s19, $0x2;
	s19 =	sadd.s32 $0x140, s19;
	vm0 =	vmand vm7, vm8;
	v8 =	vor.u32 $0x13880, v11;
	v11 =	vand.u32 $0x7F, v4  }
0x46: {  	v12 =	vld [tilespmem:s15+$0x13940]  }
0x47: {  	vm1 =	vmand vm1, vm2;
	v9 =	vor.u32 $0x13880, v9;
	vm9 =	vmand vm3, vm5;
	v13 =	vld [tilespmem:s15+$0x13900]  }
0x48: {  	v10 =	vor.u32 $0x13880, v10;
	vm10 =	vmand vm4, vm6;
	v11 =	vor.u32 $0x13880, v11;
	v14 =	vld [tilespmem:s15+$0x13910]  }
0x49: {  	v7 =	vsub.s32 v7, v0;
	v5 =	vsub.s32 v5, v0;
	v6 =	vsub.s32 v6, v0;
	v53 =	vld [tilespmem:s15+$0x13920]  }
0x4a: {  	v4 =	vsub.s32 v4, v0;
	v54 =	vld [tilespmem:s15+$0x13930];
	v7 =	vsel vm0, v7, v8;
	v5 =	vsel vm1, v5, v9  }
0x4b: {  	v6 =	vsel vm9, v6, v10;
	v4 =	vsel vm10, v4, v11;
	vm11 =	vge.s32 v12, v0  }
0x4c: {  	vm12 =	vlt.s32 v12, v1;
	v55 =	vand.u32 $0x7F, v12;
	v56 =	vsub.s32 v12, v0  }
0x4d: {  	vm13 =	vge.s32 v13, v0;
	vm14 =	vlt.s32 v13, v1;
	v57 =	vand.u32 $0x7F, v13  }
0x4e: {  	vm15 =	vge.s32 v14, v0;
	vm9 =	vlt.s32 v14, v1;
	v58 =	vand.u32 $0x7F, v14  }
0x4f: {  	vm10 =	vge.s32 v53, v0;
	v59 =	vand.u32 $0x7F, v53;
	v60 =	vand.u32 $0x7F, v54  }
0x50: {  	[tilespmem:s2+$0x140D0] =	vst v7;
	v61 =	vsub.s32 v13, v0;
	v62 =	vsub.s32 v14, v0;
	v8 =	vsub.s32 v53, v0  }
0x51: {  	[tilespmem:s2+$0x140E0] =	vst v5;
	v63 =	vsub.s32 v54, v0;
	vm0 =	vmand vm11, vm12;
	v10 =	vor.u32 $0x13880, v55  }
0x52: {  	[tilespmem:s2+$0x140F0] =	vst v6;
	vm11 =	vlt.s32 v53, v1;
	vm12 =	vge.s32 v54, v0;
	vm1 =	vmand vm13, vm14  }
0x53: {  	[tilespmem:s2+$0x14100] =	vst v4;
	vm13 =	vlt.s32 v54, v1;
	v5 =	vor.u32 $0x13880, v57;
	v10 =	vsel vm0, v56, v10  }
0x54: {  	v4 =	vor.u32 $0x13880, v58;
	vm0 =	vmand vm15, vm9;
	v5 =	vsel vm1, v61, v5;
	[tilespmem:s15+$0x14110] =	vst v10  }
0x55: {  	v7 =	vor.u32 $0x13880, v59;
	vm14 =	vmand vm10, vm11;
	v4 =	vsel vm0, v62, v4;
	[tilespmem:s15+$0x140D0] =	vst v5  }
0x56: {  	vm15 =	vmand vm12, vm13;
	v5 =	vor.u32 $0x13880, v60;
	v7 =	vsel vm14, v8, v7;
	[tilespmem:s15+$0x140E0] =	vst v4  }
0x57: {  	v4 =	vsel vm15, v63, v5;
	[tilespmem:s15+$0x140F0] =	vst v7  }
0x58: {  	[tilespmem:s15+$0x14100] =	vst v4;
	s15 =	simm.s32 $0x140D0  }
0x59: {  	[spmem:s3] =	stream.indirect.scatter.add.f32 [tilespmem:s16], [sflag:$0x1], $0x10, s15, s18, $0xb8;
	[tilespmem:$0x1C5A0] =	vst v63  }
0x5a: {  	s19 =	simm.s32 $0x14120;
	s22 =	simm.s32 $0x14DA0  }
0x5b: {  	[spmem:s3] =	stream.indirect.scatter.add.f32 [tilespmem:s22], [sflag:$0x1], $0x10, s19, s18, $0xb8;
	[tilespmem:$0x1C5A0] =	vst v63  }
0x5c: {  	s19 =	simm.s32 $0x14170;
	s22 =	simm.s32 $0x152A0  }
0x5d: {  	[spmem:s3] =	stream.indirect.scatter.add.f32 [tilespmem:s22], [sflag:$0x1], $0x10, s19, s18, $0xb8;
	[tilespmem:$0x1C5A0] =	vst v63  }
0x5e: {  	s19 =	simm.s32 $0x141C0;
	s22 =	simm.s32 $0x157A0  }
0x5f: {  	[spmem:s3] =	stream.indirect.scatter.add.f32 [tilespmem:s22], [sflag:$0x1], $0x10, s19, s18, $0xb8;
	[tilespmem:$0x1C5A0] =	vst v63  }
0x60: {  	s19 =	simm.s32 $0x14210;
	s22 =	simm.s32 $0x15CA0  }
0x61: {  	[spmem:s3] =	stream.indirect.scatter.add.f32 [tilespmem:s22], [sflag:$0x1], $0x10, s19, s18, $0xb8;
	[tilespmem:$0x1C5A0] =	vst v63  }
0x62: {  	s19 =	simm.s32 $0x14260;
	s22 =	simm.s32 $0x161A0  }
0x63: {  	[spmem:s3] =	stream.indirect.scatter.add.f32 [tilespmem:s22], [sflag:$0x1], $0x10, s19, s18, $0xb8;
	[tilespmem:$0x1C5A0] =	vst v63  }
0x64: {  	s19 =	simm.s32 $0x142B0;
	s22 =	simm.s32 $0x166A0  }
0x65: {  	[spmem:s3] =	stream.indirect.scatter.add.f32 [tilespmem:s22], [sflag:$0x1], $0x10, s19, s18, $0xb8;
	[tilespmem:$0x1C5A0] =	vst v63  }
0x66: {  	s19 =	simm.s32 $0x14300;
	s22 =	simm.s32 $0x16BA0  }
0x67: {  	[spmem:s3] =	stream.indirect.scatter.add.f32 [tilespmem:s22], [sflag:$0x1], $0x10, s19, s18, $0xb8;
	[tilespmem:$0x1C5A0] =	vst v63  }
0x68: {  	s19 =	simm.s32 $0x14350;
	s22 =	simm.s32 $0x170A0  }
0x69: {  	[spmem:s3] =	stream.indirect.scatter.add.f32 [tilespmem:s22], [sflag:$0x1], $0x10, s19, s18, $0xb8;
	[tilespmem:$0x1C5A0] =	vst v63  }
0x6a: {  	s19 =	simm.s32 $0x143A0;
	s22 =	simm.s32 $0x175A0  }
0x6b: {  	[spmem:s3] =	stream.indirect.scatter.add.f32 [tilespmem:s22], [sflag:$0x1], $0x10, s19, s18, $0xb8;
	[tilespmem:$0x1C5A0] =	vst v63  }
0x6c: {  	s19 =	simm.s32 $0x143F0;
	s22 =	simm.s32 $0x17AA0  }
0x6d: {  	[spmem:s3] =	stream.indirect.scatter.add.f32 [tilespmem:s22], [sflag:$0x1], $0x10, s19, s18, $0xb8;
	[tilespmem:$0x1C5A0] =	vst v63  }
0x6e: {  	s19 =	simm.s32 $0x14440;
	s22 =	simm.s32 $0x17FA0  }
0x6f: {  	[spmem:s3] =	stream.indirect.scatter.add.f32 [tilespmem:s22], [sflag:$0x1], $0x10, s19, s18, $0xb8;
	[tilespmem:$0x1C5A0] =	vst v63  }
0x70: {  	s19 =	simm.s32 $0x14490;
	s22 =	simm.s32 $0x184A0  }
0x71: {  	[spmem:s3] =	stream.indirect.scatter.add.f32 [tilespmem:s22], [sflag:$0x1], $0x10, s19, s18, $0xb8;
	[tilespmem:$0x1C5A0] =	vst v63  }
0x72: {  	s19 =	simm.s32 $0x144E0;
	s22 =	simm.s32 $0x189A0  }
0x73: {  	[spmem:s3] =	stream.indirect.scatter.add.f32 [tilespmem:s22], [sflag:$0x1], $0x10, s19, s18, $0xb8;
	[tilespmem:$0x1C5A0] =	vst v63  }
0x74: {  	s15 =	simm.s32 $0x14530;
	s19 =	simm.s32 $0x18EA0  }
0x75: {  	[spmem:s3] =	stream.indirect.scatter.add.f32 [tilespmem:s19], [sflag:$0x1], $0x10, s15, s18, $0xb8;
	[tilespmem:$0x1C5A0] =	vst v63  }
0x76: {  	s22 =	simm.s32 $0x14580  }
0x77: {  	[spmem:s3] =	stream.indirect.scatter.add.f32 [tilespmem:s23], [sflag:$0x1], $0x10, s22, s18, $0xb8;
	[tilespmem:$0x1C5A0] =	vst v63  }
0x78: {  	_ = 	snop  }
0x79: {  	[spmem:s3] =	stream.indirect.scatter.add.f32 [tilespmem:s25], [sflag:$0x1], $0x10, s24, s18, $0xb8;
	[tilespmem:$0x1C5A0] =	vst v63  }
0x7a: {  	_ = 	snop  }
0x7b: {  	[spmem:s3] =	stream.indirect.scatter.add.f32 [tilespmem:s28], [sflag:$0x1], $0x10, s26, s18, $0xb8;
	[tilespmem:$0x1C5A0] =	vst v63  }
0x7c: {  	_ = 	snop  }
0x7d: {  	[spmem:s3] =	stream.indirect.scatter.add.f32 [tilespmem:s30], [sflag:$0x1], $0x10, s29, s18, $0xb8;
	[tilespmem:$0x1C5A0] =	vst v63  }
0x7e: {  	_ = 	snop  }
0x7f: {  	[spmem:s3] =	stream.indirect.scatter.add.f32 [tilespmem:s0], [sflag:$0x1], $0x10, s31, s18, $0xb8;
	[tilespmem:$0x1C5A0] =	vst v63  }
0x80: {  	_ = 	snop  }
0x81: {  	[spmem:s3] =	stream.indirect.scatter.add.f32 [tilespmem:s9], [sflag:$0x1], $0x10, s4, s18, $0xb8;
	[tilespmem:$0x1C5A0] =	vst v63  }
0x82: {  	_ = 	snop  }
0x83: {  	[spmem:s3] =	stream.indirect.scatter.add.f32 [tilespmem:s11], [sflag:$0x1], $0x10, s10, s18, $0xb8;
	[tilespmem:$0x1C5A0] =	vst v63  }
0x84: {  	_ = 	snop  }
0x85: {  	[spmem:s3] =	stream.indirect.scatter.add.f32 [tilespmem:s6], [sflag:$0x1], $0x10, s12, s18, $0xb8;
	[tilespmem:$0x1C5A0] =	vst v63  }
0x86: {  	_ = 	snop  }
0x87: {  	[spmem:s3] =	stream.indirect.scatter.add.f32 [tilespmem:s8], [sflag:$0x1], $0x10, s13, s18, $0xb8;
	[tilespmem:$0x1C5A0] =	vst v63  }
0x88: {  	_ = 	snop  }
0x89: {  	[spmem:s3] =	stream.indirect.scatter.add.f32 [tilespmem:s5], [sflag:$0x1], $0x10, s14, s18, $0xb8;
	[tilespmem:$0x1C5A0] =	vst v63  }
0x8a: {  	_ =	swait.ge [sflag:s17], $0x500  }
0x8b: {  	[sflag:s17] =	ssyncset.done $0x0  }
0x8c: {  	[sflag:s17] =	ssyncadd.s32 $0xFFFFFB00  }
0x8d: {  	_ =	swait.ge [sflag:s17], $0x500  }
0x8e: {  	[sflag:s17] =	ssyncset.done $0x0  }
0x8f: {  	[sflag:s17] =	ssyncadd.s32 $0xFFFFFB00  }
0x90: {  	_ =	swait.ge [sflag:s17], $0x500  }
0x91: {  	[sflag:s17] =	ssyncset.done $0x0  }
0x92: {  	[sflag:s17] =	ssyncadd.s32 $0xFFFFFB00  }
0x93: {  	_ =	swait.ge [sflag:s17], $0x500  }
0x94: {  	[sflag:s17] =	ssyncset.done $0x0  }
0x95: {  	[sflag:s17] =	ssyncadd.s32 $0xFFFFFB00  }
0x96: {  	_ =	swait.ge [sflag:s17], $0x500  }
0x97: {  	[sflag:s17] =	ssyncset.done $0x0  }
0x98: {  	[sflag:s17] =	ssyncadd.s32 $0xFFFFFB00  }
0x99: {  	_ =	swait.ge [sflag:s17], $0x500  }
0x9a: {  	[sflag:s17] =	ssyncset.done $0x0  }
0x9b: {  	[sflag:s17] =	ssyncadd.s32 $0xFFFFFB00  }
0x9c: {  	_ =	swait.ge [sflag:s17], $0x500  }
0x9d: {  	[sflag:s17] =	ssyncset.done $0x0  }
0x9e: {  	[sflag:s17] =	ssyncadd.s32 $0xFFFFFB00  }
0x9f: {  	_ =	swait.ge [sflag:s17], $0x500  }
0xa0: {  	[sflag:s17] =	ssyncset.done $0x0  }
0xa1: {  	[sflag:s17] =	ssyncadd.s32 $0xFFFFFB00  }
0xa2: {  	_ =	swait.ge [sflag:s17], $0x500  }
0xa3: {  	[sflag:s17] =	ssyncset.done $0x0  }
0xa4: {  	[sflag:s17] =	ssyncadd.s32 $0xFFFFFB00  }
0xa5: {  	_ =	swait.ge [sflag:s17], $0x500  }
0xa6: {  	[sflag:s17] =	ssyncset.done $0x0  }
0xa7: {  	[sflag:s17] =	ssyncadd.s32 $0xFFFFFB00  }
0xa8: {  	_ =	swait.ge [sflag:s17], $0x500  }
0xa9: {  	[sflag:s17] =	ssyncset.done $0x0  }
0xaa: {  	[sflag:s17] =	ssyncadd.s32 $0xFFFFFB00  }
0xab: {  	_ =	swait.ge [sflag:s17], $0x500  }
0xac: {  	[sflag:s17] =	ssyncset.done $0x0  }
0xad: {  	[sflag:s17] =	ssyncadd.s32 $0xFFFFFB00  }
0xae: {  	_ =	swait.ge [sflag:s17], $0x500  }
0xaf: {  	[sflag:s17] =	ssyncset.done $0x0  }
0xb0: {  	[sflag:s17] =	ssyncadd.s32 $0xFFFFFB00  }
0xb1: {  	_ =	swait.ge [sflag:s17], $0x500  }
0xb2: {  	[sflag:s17] =	ssyncset.done $0x0  }
0xb3: {  	[sflag:s17] =	ssyncadd.s32 $0xFFFFFB00  }
0xb4: {  	_ =	swait.ge [sflag:s17], $0x500  }
0xb5: {  	[sflag:s17] =	ssyncset.done $0x0  }
0xb6: {  	[sflag:s17] =	ssyncadd.s32 $0xFFFFFB00  }
0xb7: {  	_ =	swait.ge [sflag:s17], $0x500  }
0xb8: {  	[sflag:s17] =	ssyncset.done $0x0  }
0xb9: {  	[sflag:s17] =	ssyncadd.s32 $0xFFFFFB00  }
0xba: {  	_ =	swait.ge [sflag:s17], $0x500  }
0xbb: {  	[sflag:s17] =	ssyncset.done $0x0  }
0xbc: {  	[sflag:s17] =	ssyncadd.s32 $0xFFFFFB00  }
0xbd: {  	_ =	swait.ge [sflag:s17], $0x500  }
0xbe: {  	[sflag:s17] =	ssyncset.done $0x0  }
0xbf: {  	[sflag:s17] =	ssyncadd.s32 $0xFFFFFB00  }
0xc0: {  	_ =	swait.ge [sflag:s17], $0x500  }
0xc1: {  	[sflag:s17] =	ssyncset.done $0x0  }
0xc2: {  	[sflag:s17] =	ssyncadd.s32 $0xFFFFFB00  }
0xc3: {  	_ =	swait.ge [sflag:s17], $0x500  }
0xc4: {  	[sflag:s17] =	ssyncset.done $0x0  }
0xc5: {  	[sflag:s17] =	ssyncadd.s32 $0xFFFFFB00  }
0xc6: {  	_ =	swait.ge [sflag:s17], $0x500  }
0xc7: {  	[sflag:s17] =	ssyncset.done $0x0  }
0xc8: {  	[sflag:s17] =	ssyncadd.s32 $0xFFFFFB00  }
0xc9: {  	_ =	swait.ge [sflag:s17], $0x500  }
0xca: {  	[sflag:s17] =	ssyncset.done $0x0  }
0xcb: {  	[sflag:s17] =	ssyncadd.s32 $0xFFFFFB00  }
0xcc: {  	_ =	swait.ge [sflag:s17], $0x500  }
0xcd: {  	[sflag:s17] =	ssyncset.done $0x0  }
0xce: {  	s1 =	sadd.s32 $0x1, s1;
	[sflag:s17] =	ssyncadd.s32 $0xFFFFFB00  }
0xcf: {  	p0 =	sne.s32 s1, $0xA;
	_ =	swait.ge [sflag:s17], $0x500  }
.Ltmp1:
0xd0: {  	[sflag:s17] =	ssyncset.done $0x0;
	(pc) =	sbr.rel @p0 .LBB2_2-.Ltmp1, $4  }
0xd1: {  	[sflag:s17] =	ssyncadd.s32 $0xFFFFFB00  }
0xd2: {  	_ =	swait.ge [sflag:s17], $0x500  }
0xd3: {  	[sflag:s17] =	ssyncset.done $0x0  }
0xd4: {  	[sflag:s17] =	ssyncadd.s32 $0xFFFFFB00  }
0xd5: {  	[bflag:$0x0] =	sbarrier.arrive $0xFFFF  }
0xd6: {  	s1 =	rddreg [dreg:$0x9]  }
0xd7: {  	s2 =	rddreg [dreg:$0x8]  }
0xd8: {  	s15 =	sshrl.u32 s1, $0x3;
	s1 =	rddreg [dreg:$0x7]  }
0xd9: {  	[dreg:$0xd] =	wrdreg s15  }
0xda: {  	[hbm:s2], [sflag:s1] =	dma.local [spmem:s15], $0x2710  }
0xdb: {  	s15 =	simm.s32 $0x2  }
0xdc: {  	_ =	swait.ge [sflag:s15], $0x2710  }
0xdd: {  	[sflag:s15] =	ssyncset.done $0x0  }
0xde: {  	[sflag:s15] =	ssyncadd.s32 $0xFFFFD8F0  }
0xdf: {  	[bflag:$0x0] =	sbarrier.arrive $0xFFFF  }
0xe0: {  	s19 =	rddreg [dreg:$0x6]  }
0xe1: {  	s22 =	rddreg [dreg:$0xc]  }
0xe2: {  	[spmem:s22], [sflag:s1] =	dma.local [hbm:s19], $0x2720  }
0xe3: {  	_ =	swait.ge [sflag:s15], $0x2720  }
0xe4: {  	[sflag:s15] =	ssyncset.done $0x0  }
0xe5: {  	[sflag:s15] =	ssyncadd.s32 $0xFFFFD8E0  }
0xe6: {  	s2 =	simm.s32 $0x0;
	s1 =	simm.s32 $0x0;
	[bflag:$0x0] =	sbarrier.arrive $0xFFFF  }
.LBB2_6:
0xe7: {  	s15 =	smul.u32 $0x7D0, s2;
	_ =	sdelay $0x1  }
0xe8: {  	s15 =	sadd.s32 s7, s15  }
0xe9: {  	s22 =	smov.u32 s21;
	s19 =	sshrl.u32 s15, $0x3  }
0xea: {  	s15 =	sshll.u32 s15, $0x1;
	s19 =	sadd.s32 s21, s19;
	s21 =	simm.s32 $0x13900  }
0xeb: {  	[tilespmem:s21], [sflag:$0x1] =	stream.linear.gather [hbm4b:s19+s1], $0x7D0, $0x38;
	[tilespmem:$0x1C5A0] =	vst v63  }
0xec: {  	s15 =	sadd.s32 s20, s15  }
0xed: {  	[tilespmem:s16], [sflag:$0x1] =	stream.linear.gather [hbm4b:s15+s1], $0x7D00, $0x38;
	[tilespmem:$0x1C5A0] =	vst v63  }
0xee: {  	_ =	swait.ge [sflag:s17], $0x7D0  }
0xef: {  	[sflag:s17] =	ssyncset.done $0x0  }
0xf0: {  	[sflag:s17] =	ssyncadd.s32 $0xFFFFF830  }
0xf1: {  	_ =	swait.ge [sflag:s17], $0x7D00  }
0xf2: {  	[sflag:s17] =	ssyncset.done $0x0  }
0xf3: {  	s15 =	simm.s32 $0x0;
	[sflag:s17] =	ssyncadd.s32 $0xFFFF8300  }
0xf4: {  	v8 =	vld [tilespmem:s15+$0x13940]  }
0xf5: {  	v7 =	vld [tilespmem:s15+$0x13900]  }
0xf6: {  	v5 =	vld [tilespmem:s15+$0x13910]  }
0xf7: {  	v6 =	vld [tilespmem:s15+$0x13920]  }
0xf8: {  	v4 =	vld [tilespmem:s15+$0x13930];
	_ =	sdelay $0x1  }
0xf9: {  	vm0 =	vge.s32 v8, v2;
	vm1 =	vlt.s32 v8, v3;
	v9 =	vand.u32 $0x7F, v8  }
0xfa: {  	v8 =	vsub.s32 v8, v2;
	vm7 =	vge.s32 v7, v2;
	vm8 =	vlt.s32 v7, v3  }
0xfb: {  	v11 =	vand.u32 $0x7F, v7;
	vm2 =	vlt.s32 v5, v3;
	vm3 =	vge.s32 v6, v2  }
0xfc: {  	vm5 =	vlt.s32 v6, v3;
	v10 =	vand.u32 $0x7F, v6;
	vm4 =	vge.s32 v4, v2  }
0xfd: {  	vm6 =	vlt.s32 v4, v3;
	vm0 =	vmand vm0, vm1;
	v9 =	vor.u32 $0x13880, v9  }
0xfe: {  	vm1 =	vge.s32 v5, v2;
	v8 =	vsel vm0, v8, v9;
	v9 =	vand.u32 $0x7F, v5  }
0xff: {  	s21 =	smov.u32 s20;
	s19 =	simm.s32 $0x50;
	s20 =	simm.s32 $0x280;
	vm0 =	vmand vm7, vm8;
	[tilespmem:s15+$0x14110] =	vst v8;
	v8 =	vor.u32 $0x13880, v11;
	v11 =	vand.u32 $0x7F, v4  }
.LBB2_7:
0x100: {  	p0 =	sne.s32 s20, $0x1E00;
	v12 =	vld [tilespmem:s19+$0x13940];
	vm1 =	vmand vm1, vm2;
	v9 =	vor.u32 $0x13880, v9;
	vm2 =	vmand vm3, vm5  }
0x101: {  	v10 =	vor.u32 $0x13880, v10;
	vm3 =	vmand vm4, vm6;
	v11 =	vor.u32 $0x13880, v11;
	v13 =	vld [tilespmem:s19+$0x13900]  }
0x102: {  	v7 =	vsub.s32 v7, v2;
	v14 =	vsub.s32 v5, v2;
	v15 =	vsub.s32 v6, v2;
	v5 =	vld [tilespmem:s19+$0x13910]  }
0x103: {  	v7 =	vsel vm0, v7, v8;
	v8 =	vsel vm1, v14, v9;
	v9 =	vsub.s32 v4, v2;
	v6 =	vld [tilespmem:s19+$0x13920]  }
0x104: {  	v14 =	vsel vm2, v15, v10;
	v9 =	vsel vm3, v9, v11;
	v4 =	vld [tilespmem:s19+$0x13930];
	[tilespmem:s15+$0x140D0] =	vst v7  }
0x105: {  	vm0 =	vge.s32 v12, v2;
	vm1 =	vlt.s32 v12, v3;
	v10 =	vand.u32 $0x7F, v12;
	[tilespmem:s15+$0x140E0] =	vst v8  }
0x106: {  	vm0 =	vmand vm0, vm1;
	v8 =	vor.u32 $0x13880, v10;
	v10 =	vsub.s32 v12, v2;
	[tilespmem:s15+$0x140F0] =	vst v14;
	v7 =	vmovc v13  }
.Ltmp2:
0x107: {  	vm7 =	vge.s32 v7, v2;
	vm8 =	vlt.s32 v7, v3;
	v8 =	vsel vm0, v10, v8;
	[tilespmem:s15+$0x14100] =	vst v9;
	s15 =	smov.u32 s19;
	(pc) =	sbr.rel @p0 .LBB2_7-.Ltmp2, $4  }
0x108: {  	v11 =	vand.u32 $0x7F, v7;
	vm1 =	vge.s32 v5, v2;
	vm2 =	vlt.s32 v5, v3;
	[tilespmem:s15+$0x14110] =	vst v8  }
0x109: {  	v9 =	vand.u32 $0x7F, v5;
	vm3 =	vge.s32 v6, v2;
	vm5 =	vlt.s32 v6, v3  }
0x10a: {  	v10 =	vand.u32 $0x7F, v6;
	vm4 =	vge.s32 v4, v2;
	vm6 =	vlt.s32 v4, v3  }
0x10b: {  	s19 =	sshra.s32 s20, $0x2;
	s20 =	sadd.s32 $0x140, s20;
	vm0 =	vmand vm7, vm8;
	v8 =	vor.u32 $0x13880, v11;
	v11 =	vand.u32 $0x7F, v4  }
0x10c: {  	v12 =	vld [tilespmem:s19+$0x13940]  }
0x10d: {  	vm1 =	vmand vm1, vm2;
	v9 =	vor.u32 $0x13880, v9;
	vm9 =	vmand vm3, vm5;
	v13 =	vld [tilespmem:s19+$0x13900]  }
0x10e: {  	v10 =	vor.u32 $0x13880, v10;
	vm10 =	vmand vm4, vm6;
	v11 =	vor.u32 $0x13880, v11;
	v14 =	vld [tilespmem:s19+$0x13910]  }
0x10f: {  	v7 =	vsub.s32 v7, v2;
	v5 =	vsub.s32 v5, v2;
	v6 =	vsub.s32 v6, v2;
	v53 =	vld [tilespmem:s19+$0x13920]  }
0x110: {  	v4 =	vsub.s32 v4, v2;
	v54 =	vld [tilespmem:s19+$0x13930];
	v7 =	vsel vm0, v7, v8;
	v5 =	vsel vm1, v5, v9  }
0x111: {  	v6 =	vsel vm9, v6, v10;
	v4 =	vsel vm10, v4, v11;
	vm11 =	vge.s32 v12, v2  }
0x112: {  	vm12 =	vlt.s32 v12, v3;
	v55 =	vand.u32 $0x7F, v12;
	v56 =	vsub.s32 v12, v2  }
0x113: {  	vm13 =	vge.s32 v13, v2;
	vm14 =	vlt.s32 v13, v3;
	v57 =	vand.u32 $0x7F, v13  }
0x114: {  	vm15 =	vge.s32 v14, v2;
	vm9 =	vlt.s32 v14, v3;
	v58 =	vand.u32 $0x7F, v14  }
0x115: {  	vm10 =	vge.s32 v53, v2;
	v59 =	vand.u32 $0x7F, v53;
	v60 =	vand.u32 $0x7F, v54  }
0x116: {  	[tilespmem:s15+$0x140D0] =	vst v7;
	v61 =	vsub.s32 v13, v2;
	v62 =	vsub.s32 v14, v2;
	v8 =	vsub.s32 v53, v2  }
0x117: {  	[tilespmem:s15+$0x140E0] =	vst v5;
	v63 =	vsub.s32 v54, v2;
	vm0 =	vmand vm11, vm12;
	v10 =	vor.u32 $0x13880, v55  }
0x118: {  	[tilespmem:s15+$0x140F0] =	vst v6;
	vm11 =	vlt.s32 v53, v3;
	vm12 =	vge.s32 v54, v2;
	vm1 =	vmand vm13, vm14  }
0x119: {  	[tilespmem:s15+$0x14100] =	vst v4;
	vm13 =	vlt.s32 v54, v3;
	v5 =	vor.u32 $0x13880, v57;
	v10 =	vsel vm0, v56, v10  }
0x11a: {  	v4 =	vor.u32 $0x13880, v58;
	vm0 =	vmand vm15, vm9;
	v5 =	vsel vm1, v61, v5;
	[tilespmem:s19+$0x14110] =	vst v10  }
0x11b: {  	v7 =	vor.u32 $0x13880, v59;
	vm14 =	vmand vm10, vm11;
	v4 =	vsel vm0, v62, v4;
	[tilespmem:s19+$0x140D0] =	vst v5  }
0x11c: {  	vm15 =	vmand vm12, vm13;
	v5 =	vor.u32 $0x13880, v60;
	v7 =	vsel vm14, v8, v7;
	[tilespmem:s19+$0x140E0] =	vst v4  }
0x11d: {  	v4 =	vsel vm15, v63, v5;
	[tilespmem:s19+$0x140F0] =	vst v7  }
0x11e: {  	s20 =	simm.s32 $0x140D0;
	[tilespmem:s19+$0x14100] =	vst v4  }
0x11f: {  	[spmem:s3] =	stream.indirect.scatter.add.f32 [tilespmem:s16], [sflag:$0x1], $0x10, s20, s18, $0xb8;
	[tilespmem:$0x1C5A0] =	vst v63  }
0x120: {  	s19 =	simm.s32 $0x14120;
	s20 =	simm.s32 $0x14DA0  }
0x121: {  	[spmem:s3] =	stream.indirect.scatter.add.f32 [tilespmem:s20], [sflag:$0x1], $0x10, s19, s18, $0xb8;
	[tilespmem:$0x1C5A0] =	vst v63  }
0x122: {  	s19 =	simm.s32 $0x14170;
	s20 =	simm.s32 $0x152A0  }
0x123: {  	[spmem:s3] =	stream.indirect.scatter.add.f32 [tilespmem:s20], [sflag:$0x1], $0x10, s19, s18, $0xb8;
	[tilespmem:$0x1C5A0] =	vst v63  }
0x124: {  	s19 =	simm.s32 $0x141C0;
	s20 =	simm.s32 $0x157A0  }
0x125: {  	[spmem:s3] =	stream.indirect.scatter.add.f32 [tilespmem:s20], [sflag:$0x1], $0x10, s19, s18, $0xb8;
	[tilespmem:$0x1C5A0] =	vst v63  }
0x126: {  	s19 =	simm.s32 $0x14210;
	s20 =	simm.s32 $0x15CA0  }
0x127: {  	[spmem:s3] =	stream.indirect.scatter.add.f32 [tilespmem:s20], [sflag:$0x1], $0x10, s19, s18, $0xb8;
	[tilespmem:$0x1C5A0] =	vst v63  }
0x128: {  	s19 =	simm.s32 $0x14260;
	s20 =	simm.s32 $0x161A0  }
0x129: {  	[spmem:s3] =	stream.indirect.scatter.add.f32 [tilespmem:s20], [sflag:$0x1], $0x10, s19, s18, $0xb8;
	[tilespmem:$0x1C5A0] =	vst v63  }
0x12a: {  	s19 =	simm.s32 $0x142B0;
	s20 =	simm.s32 $0x166A0  }
0x12b: {  	[spmem:s3] =	stream.indirect.scatter.add.f32 [tilespmem:s20], [sflag:$0x1], $0x10, s19, s18, $0xb8;
	[tilespmem:$0x1C5A0] =	vst v63  }
0x12c: {  	s19 =	simm.s32 $0x14300;
	s20 =	simm.s32 $0x16BA0  }
0x12d: {  	[spmem:s3] =	stream.indirect.scatter.add.f32 [tilespmem:s20], [sflag:$0x1], $0x10, s19, s18, $0xb8;
	[tilespmem:$0x1C5A0] =	vst v63  }
0x12e: {  	s19 =	simm.s32 $0x14350;
	s20 =	simm.s32 $0x170A0  }
0x12f: {  	[spmem:s3] =	stream.indirect.scatter.add.f32 [tilespmem:s20], [sflag:$0x1], $0x10, s19, s18, $0xb8;
	[tilespmem:$0x1C5A0] =	vst v63  }
0x130: {  	s19 =	simm.s32 $0x143A0;
	s20 =	simm.s32 $0x175A0  }
0x131: {  	[spmem:s3] =	stream.indirect.scatter.add.f32 [tilespmem:s20], [sflag:$0x1], $0x10, s19, s18, $0xb8;
	[tilespmem:$0x1C5A0] =	vst v63  }
0x132: {  	s19 =	simm.s32 $0x143F0;
	s20 =	simm.s32 $0x17AA0  }
0x133: {  	[spmem:s3] =	stream.indirect.scatter.add.f32 [tilespmem:s20], [sflag:$0x1], $0x10, s19, s18, $0xb8;
	[tilespmem:$0x1C5A0] =	vst v63  }
0x134: {  	s19 =	simm.s32 $0x14440;
	s20 =	simm.s32 $0x17FA0  }
0x135: {  	[spmem:s3] =	stream.indirect.scatter.add.f32 [tilespmem:s20], [sflag:$0x1], $0x10, s19, s18, $0xb8;
	[tilespmem:$0x1C5A0] =	vst v63  }
0x136: {  	s19 =	simm.s32 $0x14490;
	s20 =	simm.s32 $0x184A0  }
0x137: {  	[spmem:s3] =	stream.indirect.scatter.add.f32 [tilespmem:s20], [sflag:$0x1], $0x10, s19, s18, $0xb8;
	[tilespmem:$0x1C5A0] =	vst v63  }
0x138: {  	s19 =	simm.s32 $0x144E0;
	s20 =	simm.s32 $0x189A0  }
0x139: {  	[spmem:s3] =	stream.indirect.scatter.add.f32 [tilespmem:s20], [sflag:$0x1], $0x10, s19, s18, $0xb8;
	[tilespmem:$0x1C5A0] =	vst v63  }
0x13a: {  	s19 =	simm.s32 $0x14530;
	s20 =	simm.s32 $0x18EA0  }
0x13b: {  	[spmem:s3] =	stream.indirect.scatter.add.f32 [tilespmem:s20], [sflag:$0x1], $0x10, s19, s18, $0xb8;
	[tilespmem:$0x1C5A0] =	vst v63  }
0x13c: {  	s20 =	simm.s32 $0x14580  }
0x13d: {  	[spmem:s3] =	stream.indirect.scatter.add.f32 [tilespmem:s23], [sflag:$0x1], $0x10, s20, s18, $0xb8;
	[tilespmem:$0x1C5A0] =	vst v63  }
0x13e: {  	_ = 	snop  }
0x13f: {  	[spmem:s3] =	stream.indirect.scatter.add.f32 [tilespmem:s25], [sflag:$0x1], $0x10, s24, s18, $0xb8;
	[tilespmem:$0x1C5A0] =	vst v63  }
0x140: {  	_ = 	snop  }
0x141: {  	[spmem:s3] =	stream.indirect.scatter.add.f32 [tilespmem:s28], [sflag:$0x1], $0x10, s26, s18, $0xb8;
	[tilespmem:$0x1C5A0] =	vst v63  }
0x142: {  	_ = 	snop  }
0x143: {  	[spmem:s3] =	stream.indirect.scatter.add.f32 [tilespmem:s30], [sflag:$0x1], $0x10, s29, s18, $0xb8;
	[tilespmem:$0x1C5A0] =	vst v63  }
0x144: {  	_ = 	snop  }
0x145: {  	[spmem:s3] =	stream.indirect.scatter.add.f32 [tilespmem:s0], [sflag:$0x1], $0x10, s31, s18, $0xb8;
	[tilespmem:$0x1C5A0] =	vst v63  }
0x146: {  	_ = 	snop  }
0x147: {  	[spmem:s3] =	stream.indirect.scatter.add.f32 [tilespmem:s9], [sflag:$0x1], $0x10, s4, s18, $0xb8;
	[tilespmem:$0x1C5A0] =	vst v63  }
0x148: {  	_ = 	snop  }
0x149: {  	[spmem:s3] =	stream.indirect.scatter.add.f32 [tilespmem:s11], [sflag:$0x1], $0x10, s10, s18, $0xb8;
	[tilespmem:$0x1C5A0] =	vst v63  }
0x14a: {  	_ = 	snop  }
0x14b: {  	[spmem:s3] =	stream.indirect.scatter.add.f32 [tilespmem:s6], [sflag:$0x1], $0x10, s12, s18, $0xb8;
	[tilespmem:$0x1C5A0] =	vst v63  }
0x14c: {  	_ = 	snop  }
0x14d: {  	[spmem:s3] =	stream.indirect.scatter.add.f32 [tilespmem:s8], [sflag:$0x1], $0x10, s13, s18, $0xb8;
	[tilespmem:$0x1C5A0] =	vst v63  }
0x14e: {  	_ = 	snop  }
0x14f: {  	[spmem:s3] =	stream.indirect.scatter.add.f32 [tilespmem:s5], [sflag:$0x1], $0x10, s14, s18, $0xb8;
	[tilespmem:$0x1C5A0] =	vst v63  }
0x150: {  	_ =	swait.ge [sflag:s17], $0x500  }
0x151: {  	[sflag:s17] =	ssyncset.done $0x0  }
0x152: {  	[sflag:s17] =	ssyncadd.s32 $0xFFFFFB00  }
0x153: {  	_ =	swait.ge [sflag:s17], $0x500  }
0x154: {  	[sflag:s17] =	ssyncset.done $0x0  }
0x155: {  	[sflag:s17] =	ssyncadd.s32 $0xFFFFFB00  }
0x156: {  	_ =	swait.ge [sflag:s17], $0x500  }
0x157: {  	[sflag:s17] =	ssyncset.done $0x0  }
0x158: {  	[sflag:s17] =	ssyncadd.s32 $0xFFFFFB00  }
0x159: {  	_ =	swait.ge [sflag:s17], $0x500  }
0x15a: {  	[sflag:s17] =	ssyncset.done $0x0  }
0x15b: {  	[sflag:s17] =	ssyncadd.s32 $0xFFFFFB00  }
0x15c: {  	_ =	swait.ge [sflag:s17], $0x500  }
0x15d: {  	[sflag:s17] =	ssyncset.done $0x0  }
0x15e: {  	[sflag:s17] =	ssyncadd.s32 $0xFFFFFB00  }
0x15f: {  	_ =	swait.ge [sflag:s17], $0x500  }
0x160: {  	[sflag:s17] =	ssyncset.done $0x0  }
0x161: {  	[sflag:s17] =	ssyncadd.s32 $0xFFFFFB00  }
0x162: {  	_ =	swait.ge [sflag:s17], $0x500  }
0x163: {  	[sflag:s17] =	ssyncset.done $0x0  }
0x164: {  	[sflag:s17] =	ssyncadd.s32 $0xFFFFFB00  }
0x165: {  	_ =	swait.ge [sflag:s17], $0x500  }
0x166: {  	[sflag:s17] =	ssyncset.done $0x0  }
0x167: {  	[sflag:s17] =	ssyncadd.s32 $0xFFFFFB00  }
0x168: {  	_ =	swait.ge [sflag:s17], $0x500  }
0x169: {  	[sflag:s17] =	ssyncset.done $0x0  }
0x16a: {  	[sflag:s17] =	ssyncadd.s32 $0xFFFFFB00  }
0x16b: {  	_ =	swait.ge [sflag:s17], $0x500  }
0x16c: {  	[sflag:s17] =	ssyncset.done $0x0  }
0x16d: {  	[sflag:s17] =	ssyncadd.s32 $0xFFFFFB00  }
0x16e: {  	_ =	swait.ge [sflag:s17], $0x500  }
0x16f: {  	[sflag:s17] =	ssyncset.done $0x0  }
0x170: {  	[sflag:s17] =	ssyncadd.s32 $0xFFFFFB00  }
0x171: {  	_ =	swait.ge [sflag:s17], $0x500  }
0x172: {  	[sflag:s17] =	ssyncset.done $0x0  }
0x173: {  	[sflag:s17] =	ssyncadd.s32 $0xFFFFFB00  }
0x174: {  	_ =	swait.ge [sflag:s17], $0x500  }
0x175: {  	[sflag:s17] =	ssyncset.done $0x0  }
0x176: {  	[sflag:s17] =	ssyncadd.s32 $0xFFFFFB00  }
0x177: {  	_ =	swait.ge [sflag:s17], $0x500  }
0x178: {  	[sflag:s17] =	ssyncset.done $0x0  }
0x179: {  	[sflag:s17] =	ssyncadd.s32 $0xFFFFFB00  }
0x17a: {  	_ =	swait.ge [sflag:s17], $0x500  }
0x17b: {  	[sflag:s17] =	ssyncset.done $0x0  }
0x17c: {  	[sflag:s17] =	ssyncadd.s32 $0xFFFFFB00  }
0x17d: {  	_ =	swait.ge [sflag:s17], $0x500  }
0x17e: {  	[sflag:s17] =	ssyncset.done $0x0  }
0x17f: {  	[sflag:s17] =	ssyncadd.s32 $0xFFFFFB00  }
0x180: {  	_ =	swait.ge [sflag:s17], $0x500  }
0x181: {  	[sflag:s17] =	ssyncset.done $0x0  }
0x182: {  	[sflag:s17] =	ssyncadd.s32 $0xFFFFFB00  }
0x183: {  	_ =	swait.ge [sflag:s17], $0x500  }
0x184: {  	[sflag:s17] =	ssyncset.done $0x0  }
0x185: {  	[sflag:s17] =	ssyncadd.s32 $0xFFFFFB00  }
0x186: {  	_ =	swait.ge [sflag:s17], $0x500  }
0x187: {  	[sflag:s17] =	ssyncset.done $0x0  }
0x188: {  	[sflag:s17] =	ssyncadd.s32 $0xFFFFFB00  }
0x189: {  	_ =	swait.ge [sflag:s17], $0x500  }
0x18a: {  	[sflag:s17] =	ssyncset.done $0x0  }
0x18b: {  	[sflag:s17] =	ssyncadd.s32 $0xFFFFFB00  }
0x18c: {  	_ =	swait.ge [sflag:s17], $0x500  }
0x18d: {  	[sflag:s17] =	ssyncset.done $0x0  }
0x18e: {  	[sflag:s17] =	ssyncadd.s32 $0xFFFFFB00  }
0x18f: {  	_ =	swait.ge [sflag:s17], $0x500  }
0x190: {  	[sflag:s17] =	ssyncset.done $0x0  }
0x191: {  	[sflag:s17] =	ssyncadd.s32 $0xFFFFFB00  }
0x192: {  	_ =	swait.ge [sflag:s17], $0x500  }
0x193: {  	[sflag:s17] =	ssyncset.done $0x0  }
0x194: {  	s2 =	sadd.s32 $0x1, s2;
	[sflag:s17] =	ssyncadd.s32 $0xFFFFFB00  }
0x195: {  	p0 =	sne.s32 s2, $0xA;
	_ =	swait.ge [sflag:s17], $0x500  }
.Ltmp3:
0x196: {  	[sflag:s17] =	ssyncset.done $0x0;
	(pc) =	sbr.rel @p0 .LBB2_6-.Ltmp3, $4  }
0x197: {  	[sflag:s17] =	ssyncadd.s32 $0xFFFFFB00  }
0x198: {  	_ =	swait.ge [sflag:s17], $0x500  }
0x199: {  	[sflag:s17] =	ssyncset.done $0x0  }
0x19a: {  	s20 =	smov.u32 s21;
	s21 =	smov.u32 s22;
	[sflag:s17] =	ssyncadd.s32 $0xFFFFFB00  }
0x19b: {  	[bflag:$0x0] =	sbarrier.arrive $0xFFFF  }
0x19c: {  	s19 =	rddreg [dreg:$0x7]  }
0x19d: {  	s1 =	rddreg [dreg:$0xa]  }
0x19e: {  	s2 =	rddreg [dreg:$0xd]  }
0x19f: {  	[hbm:s1], [sflag:s19] =	dma.local [spmem:s2], $0x2710  }
0x1a0: {  	s2 =	simm.s32 $0x2  }
0x1a1: {  	_ =	swait.ge [sflag:s2], $0x2710  }
0x1a2: {  	s15 =	rddreg [dreg:$0x5]  }
0x1a3: {  	s22 =	rddreg [dreg:$0xb];
	s15 =	sadd.s32 $0x1, s15  }
0x1a4: {  	p0 =	sne.s32 s15, s22  }
.Ltmp4:
0x1a5: {  	_ = 	snop;
	(pc) =	sbr.rel @p0 .LBB2_1-.Ltmp4, $4  }
0x1a6: {  	[sflag:s2] =	ssyncset.done $0x0  }
0x1a7: {  	[sflag:s2] =	ssyncadd.s32 $0xFFFFD8F0  }
0x1a8: {  	[bflag:$0x0] =	sbarrier.arrive $0xFFFF  }
0x1a9: {  	s22 =	rddreg [dreg:$0x6]  }
0x1aa: {  	_ =	sfence.sel $0x180000  }
0x1ab: {  	[bflag:$0x0] =	sbarrier.arrive $0xFFFF  }
0x1ac: {  	_ =	strace $0x9000004D  }
0x1ad: {  	s0 =	stileid.u32;
	[bflag:$0x2] =	sbarrier.arrive $0xFFFF  }
0x1ae: {  	p0 =	sne.s32 s0, $0x0;
	s0 =	rddreg [dreg:$0x4]  }
0x1af: {  	s0 =	sadd.s32 @!p0 $0x100000, s0  }
0x1b0: {  	[sflag:s0] =	ssyncadd.tile.s32 @!p0 $0x1;
	_ =	shalt  }
.Lfunc_end2:
_tile_overlayer_lowered:
.L_overlay_start_2:
0x1b1: {  	(tag) =	ssettag $0x2  }
0x1b2: {  	s0 =	rddreg [dreg:$0x0];
	s2 =	stileid.u32  }
0x1b3: {  	s1 =	rddreg [dreg:$0x1];
	p0 =	sne.s32 s2, $0x0  }
0x1b4: {  	s3 =	rddreg [dreg:$0x2];
	[bflag:$0x3] =	sbarrier.arrive $0xFFFF;
	s2 =	simm.s32 @!p0 $0x1C02  }
0x1b5: {  	[timem:s3], [sflag:s2] =	dma.local @!p0 [hbm:s0], s1  }
0x1b6: {  	s0 =	simm.s32 @!p0 $0x2  }
0x1b7: {  	_ =	swait.ge @!p0 [sflag:s0], s1  }
0x1b8: {  	s1 =	ssub.s32 @!p0 $0x0, s1;
	[sflag:s0] =	ssyncset.done @!p0 $0x0  }
0x1b9: {  	[sflag:s0] =	ssyncadd.s32 @!p0 s1  }
0x1ba: {  	[bflag:$0x3] =	sbarrier.arrive $0xFFFF  }
0x1bb: {  	_ =	shalt  }

</sc_bundles>
